<compile_context>
chip_gen: v7x
topology: tpu7x:2x2x1
jax: 0.10.2.dev20260603
libtpu: 0.0.44.dev20260713+nightly
codegen_flags: <defaults>
</compile_context>

<pallas_src>
import jax
import jax.numpy as jnp
from jax import lax
from jax.experimental import pallas as pl
from jax.experimental.pallas import tpu as pltpu
from jax.experimental.pallas import tpu_sc as plsc

V = 10000
E = 320000
G = 128
D = 128
DE = 16
NL = 4

NC = 2
NS = 16
NW = NC * NS
EPW = E // NW
C = 80
NCHUNK = EPW // C
SR = 624
TAIL = V - NS * SR

_f32 = jnp.float32
_bf16 = jnp.bfloat16


def _bdot(a, b):
    return lax.dot(a.astype(_bf16), b.astype(_bf16),
                   preferred_element_type=_f32)


def _xdot(a, b):
    return lax.dot(a, b, preferred_element_type=_f32,
                   precision=jax.lax.Precision.HIGHEST)



def _embed_body(xu_ref, zc_ref, wx_ref, wz_ref, b_ref, n2g_ref, out_ref):
    gids = lax.broadcasted_iota(jnp.int32, (1, G), 1)
    oh = (n2g_ref[...] == gids).astype(_f32)
    g = _xdot(oh, zc_ref[...])
    acc = _bdot(xu_ref[...], wx_ref[...]) + _bdot(g, wz_ref[...]) + b_ref[...]
    out_ref[...] = jnp.maximum(acc, 0.0)


def _edgefeat_body(attr_ref, w_ref, b_ref, out_ref):
    out_ref[...] = jnp.maximum(
        _bdot(attr_ref[...], w_ref[...]) + b_ref[...], 0.0)


def _update_body(h_ref, agg_ref, wt_ref, wb_ref, b_ref, out_ref):
    a = agg_ref[0] + agg_ref[1]
    acc = _bdot(h_ref[...], wt_ref[...]) + _bdot(a, wb_ref[...]) + b_ref[...]
    out_ref[...] = h_ref[...] + jnp.maximum(acc, 0.0)


def _head_body(h_ref, xi_ref, w1h_ref, w1x_ref, b1_ref, w2_ref, b2_ref,
               n2g_ref, out_ref):
    hid = jnp.maximum(
        _bdot(h_ref[...], w1h_ref[...]) + _bdot(xi_ref[...], w1x_ref[...])
        + b1_ref[...], 0.0)
    logit = _bdot(hid, w2_ref[...]) + b2_ref[...]
    gids = lax.broadcasted_iota(jnp.int32, (1, G), 1)
    oh = (n2g_ref[...] == gids).astype(_f32)
    masked = jnp.where(oh > 0.0, logit, -1e30)
    mx = jnp.max(masked, axis=0, keepdims=True)
    mxv = jnp.sum(oh * mx, axis=1, keepdims=True)
    ex = jnp.exp(logit - mxv)
    den = jnp.sum(oh * ex, axis=0, keepdims=True)
    denv = jnp.sum(oh * den, axis=1, keepdims=True)
    out_ref[...] = ex / denv



def _sc_edge_body(h_hbm, e_hbm, src_hbm, dst_hbm, out_hbm,
                  sidx, didx, ebuf, hbuf, agg_sh, sem_e, sem_h):
    cid = lax.axis_index("c")
    sid = lax.axis_index("s")
    wid = sid * NC + cid

    def zrow(r, carry):
        for k in range(D // 16):
            ebuf[r, pl.ds(k * 16, 16)] = jnp.zeros((16,), _f32)
        return carry
    lax.fori_loop(0, C, zrow, 0)
    row0 = sid * SR
    nfull = SR // C
    for q in range(nfull):
        pltpu.sync_copy(ebuf, agg_sh.at[pl.ds(row0 + q * C, C)])
    rem = SR - nfull * C
    if rem:
        pltpu.sync_copy(ebuf.at[pl.ds(0, rem)],
                        agg_sh.at[pl.ds(row0 + nfull * C, rem)])

    @pl.when(sid == NS - 1)
    def _zero_tail():
        pltpu.sync_copy(ebuf.at[pl.ds(0, TAIL)],
                        agg_sh.at[pl.ds(NS * SR, TAIL)])
    plsc.subcore_barrier()

    def chunk(j, carry):
        base = wid * EPW + j * C
        pltpu.sync_copy(src_hbm.at[pl.ds(base, C)], sidx)
        pltpu.sync_copy(dst_hbm.at[pl.ds(base, C)], didx)
        cpe = pltpu.async_copy(e_hbm.at[pl.ds(base, C)], ebuf, sem_e)
        cph = pltpu.async_copy(h_hbm.at[sidx], hbuf, sem_h)
        cpe.wait()
        cph.wait()

        def row(r, c2):
            for k in range(D // 16):
                sl = pl.ds(k * 16, 16)
                hbuf[r, sl] = jnp.maximum(hbuf[r, sl] + ebuf[r, sl], 0.0)
            return c2
        lax.fori_loop(0, C, row, 0)
        pltpu.sync_copy(hbuf, agg_sh.at[didx], add=True)
        return carry
    lax.fori_loop(0, NCHUNK, chunk, 0)

    plsc.subcore_barrier()
    pltpu.sync_copy(agg_sh.at[pl.ds(row0, SR)],
                    out_hbm.at[cid, pl.ds(row0, SR)])

    @pl.when(sid == NS - 1)
    def _write_tail():
        pltpu.sync_copy(agg_sh.at[pl.ds(NS * SR, TAIL)],
                        out_hbm.at[cid, pl.ds(NS * SR, TAIL)])


def _make_sc_edge():
    return pl.kernel(
        _sc_edge_body,
        out_type=jax.ShapeDtypeStruct((NC, V, D), _f32),
        mesh=plsc.VectorSubcoreMesh(core_axis_name="c", subcore_axis_name="s",
                                    num_cores=NC, num_subcores=NS),
        scratch_types=[
            pltpu.VMEM((C,), jnp.int32),
            pltpu.VMEM((C,), jnp.int32),
            pltpu.VMEM((C, D), _f32),
            pltpu.VMEM((C, D), _f32),
            pltpu.VMEM_SHARED((V, D), _f32),
            pltpu.SemaphoreType.DMA,
            pltpu.SemaphoreType.DMA,
        ],
    )



def kernel(x_inp_core, edge_index_core, edge_attr_core, x_upd_core, Z_core,
           Z_block, node2graph_core, W_embed, b_embed, W_edge, b_edge, W_msg,
           b_msg, W1, b1, W2, b2):
    src = edge_index_core[0]
    dst = edge_index_core[1]
    Zcat = jnp.concatenate([Z_core, Z_block], axis=-1)
    n2g2 = node2graph_core.reshape(V, 1)

    h = pl.pallas_call(
        _embed_body,
        out_shape=jax.ShapeDtypeStruct((V, D), _f32),
    )(x_upd_core, Zcat, W_embed[:D], W_embed[D:], b_embed.reshape(1, D), n2g2)

    BE = 4000
    e = pl.pallas_call(
        _edgefeat_body,
        grid=(E // BE,),
        in_specs=[pl.BlockSpec((BE, DE), lambda i: (i, 0)),
                  pl.BlockSpec((DE, D), lambda i: (0, 0)),
                  pl.BlockSpec((1, D), lambda i: (0, 0))],
        out_specs=pl.BlockSpec((BE, D), lambda i: (i, 0)),
        out_shape=jax.ShapeDtypeStruct((E, D), _f32),
    )(edge_attr_core, W_edge, b_edge.reshape(1, D))

    sc_edge = _make_sc_edge()
    for l in range(NL):
        agg = sc_edge(h, e, src, dst)
        h = pl.pallas_call(
            _update_body,
            out_shape=jax.ShapeDtypeStruct((V, D), _f32),
        )(h, agg, W_msg[l, :D], W_msg[l, D:], b_msg[l].reshape(1, D))

    P = pl.pallas_call(
        _head_body,
        out_shape=jax.ShapeDtypeStruct((V, 1), _f32),
    )(h, x_inp_core, W1[:D], W1[D:], b1.reshape(1, D), W2, b2.reshape(1, 1),
      n2g2)
    return P.reshape(V)

# --- scband reference (transcript-rebuilt; emitter-appended) ---
"""Pipeline reference for scband-atom-selection-model-11819749998809 (READ-ONLY COPY).

The authoritative reference and input builder live on the scoring server;
editing this copy changes nothing except your own understanding.
"""

import jax, jax.numpy as jnp
import numpy as np

V = 10000
E = 320000
G = 128
D = 128
DE = 16
L = 4


def setup_inputs(seed: int = 0):
    key = jax.random.key(seed)
    ks = jax.random.split(key, 18)
    s = 0.05
    inp = {}
    inp['x_inp_core'] = jax.random.normal(ks[0], (V, D), jnp.float32)
    inp['edge_index_core'] = jax.random.randint(ks[1], (2, E), 0, V, jnp.int32)
    inp['edge_attr_core'] = jax.random.normal(ks[2], (E, DE), jnp.float32)
    inp['x_upd_core'] = jax.random.normal(ks[3], (V, D), jnp.float32)
    inp['Z_core'] = jax.random.normal(ks[4], (G, D), jnp.float32)
    inp['Z_block'] = jax.random.normal(ks[5], (G, D), jnp.float32)
    inp['node2graph_core'] = jnp.sort(jax.random.randint(ks[6], (V,), 0, G, jnp.int32))
    inp['W_embed'] = jax.random.normal(ks[7], (D + 2 * D, D), jnp.float32) * s
    inp['b_embed'] = jnp.zeros((D,), jnp.float32)
    inp['W_edge'] = jax.random.normal(ks[8], (DE, D), jnp.float32) * s
    inp['b_edge'] = jnp.zeros((D,), jnp.float32)
    inp['W_msg'] = jax.random.normal(ks[9], (L, 2 * D, D), jnp.float32) * s
    inp['b_msg'] = jnp.zeros((L, D), jnp.float32)
    inp['W1'] = jax.random.normal(ks[10], (2 * D, D), jnp.float32) * s
    inp['b1'] = jnp.zeros((D,), jnp.float32)
    inp['W2'] = jax.random.normal(ks[11], (D, 1), jnp.float32) * s
    inp['b2'] = jnp.zeros((1,), jnp.float32)
    return inp


def reference(x_inp_core, edge_index_core, edge_attr_core, x_upd_core, Z_core, Z_block, node2graph_core, W_embed, b_embed, W_edge, b_edge, W_msg, b_msg, W1, b1, W2, b2):
    src = edge_index_core[0]
    dst = edge_index_core[1]
    # GraphEmbeddingModel: condition nodes on global latent Z_cat, then n_layer message passing
    Z_cat = jnp.concatenate([Z_core, Z_block], axis=-1)
    g = Z_cat[node2graph_core]
    h = jax.nn.relu(jnp.concatenate([x_upd_core, g], axis=-1) @ W_embed + b_embed)
    e = jax.nn.relu(edge_attr_core @ W_edge + b_edge)
    for l in range(L):
        m = jax.nn.relu(h[src] + e)
        agg = jax.ops.segment_sum(m, dst, num_segments=V)
        h = h + jax.nn.relu(jnp.concatenate([h, agg], axis=-1) @ W_msg[l] + b_msg[l])
    # MLP head on [x_upd2_core ; x_inp_core]
    xc = jnp.concatenate([h, x_inp_core], axis=-1)
    hid = jax.nn.relu(xc @ W1 + b1)
    logit = (hid @ W2 + b2)[:, 0]
    # scatter_softmax over node2graph
    mx = jax.lax.stop_gradient(jax.ops.segment_max(logit, node2graph_core, num_segments=G))
    ex = jnp.exp(logit - mx[node2graph_core])
    den = jax.ops.segment_sum(ex, node2graph_core, num_segments=G)
    P = ex / den[node2graph_core]
    return P

if __name__ == "__main__":
    import jax
    _d = setup_inputs()
    print(jax.jit(kernel)(*tuple(_d.values())))

</pallas_src>

<mosaic_0001>
#map = affine_map<(d0, d1) -> (0, 0)>
#map1 = affine_map<(d0, d1) -> (0)>
#map2 = affine_map<(d0, d1) -> (0, 0, 0)>
module attributes {stable_mosaic.version = 14 : i64} {
  func.func @_sc_edge_body(%arg0: i32, %arg1: i32, %arg2: memref<10000x128xf32, #tpu.memory_space<hbm>>, %arg3: memref<320000x128xf32, #tpu.memory_space<hbm>>, %arg4: memref<320000xi32, #tpu.memory_space<hbm>>, %arg5: memref<320000xi32, #tpu.memory_space<hbm>>, %arg6: memref<2x10000x128xf32, #tpu.memory_space<hbm>>, %arg7: memref<80xi32, #tpu.memory_space<vmem>>, %arg8: memref<80xi32, #tpu.memory_space<vmem>>, %arg9: memref<80x128xf32, #tpu.memory_space<vmem>>, %arg10: memref<80x128xf32, #tpu.memory_space<vmem>>, %arg11: memref<10000x128xf32, #tpu.memory_space<vmem_shared>>, %arg12: memref<!tpu.dma_semaphore, #tpu.memory_space<semaphore_mem>>, %arg13: memref<!tpu.dma_semaphore, #tpu.memory_space<semaphore_mem>>) attributes {dimension_semantics = [#tpu.dimension_semantics<core_parallel>, #tpu.dimension_semantics<subcore_parallel>], iteration_bounds = array<i64: 2, 16>, scalar_prefetch = 0 : i64, scratch_operands = 7 : i64, tpu.core_type = #tpu.core_type<sc_vector_subcore>, window_params = [{transform_indices = #map}, {transform_indices = #map}, {transform_indices = #map1}, {transform_indices = #map1}, {transform_indices = #map2}]} {
    %mul3A = arith.constant 2 : i32
    %mul3A_0 = arith.muli %arg1, %mul3A : i32
    %add3A = arith.addi %mul3A_0, %arg0 : i32
    %scan3A = arith.constant 0 : i32
    %scan3A_1 = arith.constant 0 : i32
    %scan3A_2 = arith.constant 80 : i32
    %scan3A_3 = arith.addi %scan3A_1, %scan3A_2 : i32
    %scan3A_4 = arith.constant 1 : i32
    scf.for %scan3A_38 = %scan3A_1 to %scan3A_3 step %scan3A_4  : i32 {
      %broadcast_in_dim3A = arith.constant 0.000000e+00 : f32
      %broadcast_in_dim3A_39 = vector.broadcast %broadcast_in_dim3A : f32 to vector<16xf32>
      %swap3A = arith.index_cast %scan3A_38 : i32 to index
      %swap3A_40 = arith.constant 0 : index
      %swap3A_41 = tpu.vector_load %arg9[%swap3A, %swap3A_40] {strides = array<i32>} : memref<80x128xf32, #tpu.memory_space<vmem>>, vector<1x16xf32>,
      %swap3A_42 = vector.shape_cast %swap3A_41 : vector<1x16xf32> to vector<16xf32>
      %swap3A_43 = vector.shape_cast %broadcast_in_dim3A_39 : vector<16xf32> to vector<1x16xf32>
      tpu.vector_store %arg9[%swap3A, %swap3A_40], %swap3A_43 {strides = array<i32>} : memref<80x128xf32, #tpu.memory_space<vmem>>, vector<1x16xf32>,
      %broadcast_in_dim3A_44 = arith.constant 0.000000e+00 : f32
      %broadcast_in_dim3A_45 = vector.broadcast %broadcast_in_dim3A_44 : f32 to vector<16xf32>
      %swap3A_46 = arith.index_cast %scan3A_38 : i32 to index
      %swap3A_47 = arith.constant 16 : index
      %swap3A_48 = tpu.vector_load %arg9[%swap3A_46, %swap3A_47] {strides = array<i32>} : memref<80x128xf32, #tpu.memory_space<vmem>>, vector<1x16xf32>,
      %swap3A_49 = vector.shape_cast %swap3A_48 : vector<1x16xf32> to vector<16xf32>
      %swap3A_50 = vector.shape_cast %broadcast_in_dim3A_45 : vector<16xf32> to vector<1x16xf32>
      tpu.vector_store %arg9[%swap3A_46, %swap3A_47], %swap3A_50 {strides = array<i32>} : memref<80x128xf32, #tpu.memory_space<vmem>>, vector<1x16xf32>,
      %broadcast_in_dim3A_51 = arith.constant 0.000000e+00 : f32
      %broadcast_in_dim3A_52 = vector.broadcast %broadcast_in_dim3A_51 : f32 to vector<16xf32>
      %swap3A_53 = arith.index_cast %scan3A_38 : i32 to index
      %swap3A_54 = arith.constant 32 : index
      %swap3A_55 = tpu.vector_load %arg9[%swap3A_53, %swap3A_54] {strides = array<i32>} : memref<80x128xf32, #tpu.memory_space<vmem>>, vector<1x16xf32>,
      %swap3A_56 = vector.shape_cast %swap3A_55 : vector<1x16xf32> to vector<16xf32>
      %swap3A_57 = vector.shape_cast %broadcast_in_dim3A_52 : vector<16xf32> to vector<1x16xf32>
      tpu.vector_store %arg9[%swap3A_53, %swap3A_54], %swap3A_57 {strides = array<i32>} : memref<80x128xf32, #tpu.memory_space<vmem>>, vector<1x16xf32>,
      %broadcast_in_dim3A_58 = arith.constant 0.000000e+00 : f32
      %broadcast_in_dim3A_59 = vector.broadcast %broadcast_in_dim3A_58 : f32 to vector<16xf32>
      %swap3A_60 = arith.index_cast %scan3A_38 : i32 to index
      %swap3A_61 = arith.constant 48 : index
      %swap3A_62 = tpu.vector_load %arg9[%swap3A_60, %swap3A_61] {strides = array<i32>} : memref<80x128xf32, #tpu.memory_space<vmem>>, vector<1x16xf32>,
      %swap3A_63 = vector.shape_cast %swap3A_62 : vector<1x16xf32> to vector<16xf32>
      %swap3A_64 = vector.shape_cast %broadcast_in_dim3A_59 : vector<16xf32> to vector<1x16xf32>
      tpu.vector_store %arg9[%swap3A_60, %swap3A_61], %swap3A_64 {strides = array<i32>} : memref<80x128xf32, #tpu.memory_space<vmem>>, vector<1x16xf32>,
      %broadcast_in_dim3A_65 = arith.constant 0.000000e+00 : f32
      %broadcast_in_dim3A_66 = vector.broadcast %broadcast_in_dim3A_65 : f32 to vector<16xf32>
      %swap3A_67 = arith.index_cast %scan3A_38 : i32 to index
      %swap3A_68 = arith.constant 64 : index
      %swap3A_69 = tpu.vector_load %arg9[%swap3A_67, %swap3A_68] {strides = array<i32>} : memref<80x128xf32, #tpu.memory_space<vmem>>, vector<1x16xf32>,
      %swap3A_70 = vector.shape_cast %swap3A_69 : vector<1x16xf32> to vector<16xf32>
      %swap3A_71 = vector.shape_cast %broadcast_in_dim3A_66 : vector<16xf32> to vector<1x16xf32>
      tpu.vector_store %arg9[%swap3A_67, %swap3A_68], %swap3A_71 {strides = array<i32>} : memref<80x128xf32, #tpu.memory_space<vmem>>, vector<1x16xf32>,
      %broadcast_in_dim3A_72 = arith.constant 0.000000e+00 : f32
      %broadcast_in_dim3A_73 = vector.broadcast %broadcast_in_dim3A_72 : f32 to vector<16xf32>
      %swap3A_74 = arith.index_cast %scan3A_38 : i32 to index
      %swap3A_75 = arith.constant 80 : index
      %swap3A_76 = tpu.vector_load %arg9[%swap3A_74, %swap3A_75] {strides = array<i32>} : memref<80x128xf32, #tpu.memory_space<vmem>>, vector<1x16xf32>,
      %swap3A_77 = vector.shape_cast %swap3A_76 : vector<1x16xf32> to vector<16xf32>
      %swap3A_78 = vector.shape_cast %broadcast_in_dim3A_73 : vector<16xf32> to vector<1x16xf32>
      tpu.vector_store %arg9[%swap3A_74, %swap3A_75], %swap3A_78 {strides = array<i32>} : memref<80x128xf32, #tpu.memory_space<vmem>>, vector<1x16xf32>,
      %broadcast_in_dim3A_79 = arith.constant 0.000000e+00 : f32
      %broadcast_in_dim3A_80 = vector.broadcast %broadcast_in_dim3A_79 : f32 to vector<16xf32>
      %swap3A_81 = arith.index_cast %scan3A_38 : i32 to index
      %swap3A_82 = arith.constant 96 : index
      %swap3A_83 = tpu.vector_load %arg9[%swap3A_81, %swap3A_82] {strides = array<i32>} : memref<80x128xf32, #tpu.memory_space<vmem>>, vector<1x16xf32>,
      %swap3A_84 = vector.shape_cast %swap3A_83 : vector<1x16xf32> to vector<16xf32>
      %swap3A_85 = vector.shape_cast %broadcast_in_dim3A_80 : vector<16xf32> to vector<1x16xf32>
      tpu.vector_store %arg9[%swap3A_81, %swap3A_82], %swap3A_85 {strides = array<i32>} : memref<80x128xf32, #tpu.memory_space<vmem>>, vector<1x16xf32>,
      %broadcast_in_dim3A_86 = arith.constant 0.000000e+00 : f32
      %broadcast_in_dim3A_87 = vector.broadcast %broadcast_in_dim3A_86 : f32 to vector<16xf32>
      %swap3A_88 = arith.index_cast %scan3A_38 : i32 to index
      %swap3A_89 = arith.constant 112 : index
      %swap3A_90 = tpu.vector_load %arg9[%swap3A_88, %swap3A_89] {strides = array<i32>} : memref<80x128xf32, #tpu.memory_space<vmem>>, vector<1x16xf32>,
      %swap3A_91 = vector.shape_cast %swap3A_90 : vector<1x16xf32> to vector<16xf32>
      %swap3A_92 = vector.shape_cast %broadcast_in_dim3A_87 : vector<16xf32> to vector<1x16xf32>
      tpu.vector_store %arg9[%swap3A_88, %swap3A_89], %swap3A_92 {strides = array<i32>} : memref<80x128xf32, #tpu.memory_space<vmem>>, vector<1x16xf32>,
    }
    %scan3A_5 = arith.constant 80 : i32
    %mul3A_6 = arith.constant 624 : i32
    %mul3A_7 = arith.muli %arg1, %mul3A_6 : i32
    %add3A_8 = arith.constant 0 : i32
    %add3A_9 = arith.addi %mul3A_7, %add3A_8 : i32
    "tpu.region"() ({
      %run_scoped3A = tpu.sem_alloc : memref<!tpu.dma_semaphore, #tpu.memory_space<semaphore_mem>>
      %dma_start3A = arith.constant 0 : i32
      %dma_start3A_38 = tpu.memref_slice %arg11[%add3A_9, %dma_start3A] : memref<10000x128xf32, #tpu.memory_space<vmem_shared>> -> memref<80x128xf32, #tpu.memory_space<vmem_shared>>
      %dma_start3A_39 = arith.constant 0 : i32
      %dma_start3A_40 = tpu.memref_slice %arg11[%add3A_9, %dma_start3A_39] : memref<10000x128xf32, #tpu.memory_space<vmem_shared>> -> memref<80x128xf32, #tpu.memory_space<vmem_shared>>
      tpu.enqueue_dma source(%arg9 : memref<80x128xf32, #tpu.memory_space<vmem>>) target(%dma_start3A_40 : memref<80x128xf32, #tpu.memory_space<vmem_shared>>) target_semaphore(%run_scoped3A : memref<!tpu.dma_semaphore, #tpu.memory_space<semaphore_mem>>)
      %dma_wait3A = arith.constant 0 : i32
      %dma_wait3A_41 = tpu.memref_slice %arg11[%add3A_9, %dma_wait3A] : memref<10000x128xf32, #tpu.memory_space<vmem_shared>> -> memref<80x128xf32, #tpu.memory_space<vmem_shared>>
      %dma_wait3A_42 = arith.constant 0 : i32
      %dma_wait3A_43 = tpu.memref_slice %arg11[%add3A_9, %dma_wait3A_42] : memref<10000x128xf32, #tpu.memory_space<vmem_shared>> -> memref<80x128xf32, #tpu.memory_space<vmem_shared>>
      tpu.wait_dma2 semaphore(%run_scoped3A : memref<!tpu.dma_semaphore, #tpu.memory_space<semaphore_mem>>) src(%arg9 : memref<80x128xf32, #tpu.memory_space<vmem>>) dst(%dma_wait3A_43 : memref<80x128xf32, #tpu.memory_space<vmem_shared>>)
      tpu.yield
    }) : () -> ()
    %add3A_10 = arith.constant 80 : i32
    %add3A_11 = arith.addi %mul3A_7, %add3A_10 : i32
    "tpu.region"() ({
      %run_scoped3A = tpu.sem_alloc : memref<!tpu.dma_semaphore, #tpu.memory_space<semaphore_mem>>
      %dma_start3A = arith.constant 0 : i32
      %dma_start3A_38 = tpu.memref_slice %arg11[%add3A_11, %dma_start3A] : memref<10000x128xf32, #tpu.memory_space<vmem_shared>> -> memref<80x128xf32, #tpu.memory_space<vmem_shared>>
      %dma_start3A_39 = arith.constant 0 : i32
      %dma_start3A_40 = tpu.memref_slice %arg11[%add3A_11, %dma_start3A_39] : memref<10000x128xf32, #tpu.memory_space<vmem_shared>> -> memref<80x128xf32, #tpu.memory_space<vmem_shared>>
      tpu.enqueue_dma source(%arg9 : memref<80x128xf32, #tpu.memory_space<vmem>>) target(%dma_start3A_40 : memref<80x128xf32, #tpu.memory_space<vmem_shared>>) target_semaphore(%run_scoped3A : memref<!tpu.dma_semaphore, #tpu.memory_space<semaphore_mem>>)
      %dma_wait3A = arith.constant 0 : i32
      %dma_wait3A_41 = tpu.memref_slice %arg11[%add3A_11, %dma_wait3A] : memref<10000x128xf32, #tpu.memory_space<vmem_shared>> -> memref<80x128xf32, #tpu.memory_space<vmem_shared>>
      %dma_wait3A_42 = arith.constant 0 : i32
      %dma_wait3A_43 = tpu.memref_slice %arg11[%add3A_11, %dma_wait3A_42] : memref<10000x128xf32, #tpu.memory_space<vmem_shared>> -> memref<80x128xf32, #tpu.memory_space<vmem_shared>>
      tpu.wait_dma2 semaphore(%run_scoped3A : memref<!tpu.dma_semaphore, #tpu.memory_space<semaphore_mem>>) src(%arg9 : memref<80x128xf32, #tpu.memory_space<vmem>>) dst(%dma_wait3A_43 : memref<80x128xf32, #tpu.memory_space<vmem_shared>>)
      tpu.yield
    }) : () -> ()
    %add3A_12 = arith.constant 160 : i32
    %add3A_13 = arith.addi %mul3A_7, %add3A_12 : i32
    "tpu.region"() ({
      %run_scoped3A = tpu.sem_alloc : memref<!tpu.dma_semaphore, #tpu.memory_space<semaphore_mem>>
      %dma_start3A = arith.constant 0 : i32
      %dma_start3A_38 = tpu.memref_slice %arg11[%add3A_13, %dma_start3A] : memref<10000x128xf32, #tpu.memory_space<vmem_shared>> -> memref<80x128xf32, #tpu.memory_space<vmem_shared>>
      %dma_start3A_39 = arith.constant 0 : i32
      %dma_start3A_40 = tpu.memref_slice %arg11[%add3A_13, %dma_start3A_39] : memref<10000x128xf32, #tpu.memory_space<vmem_shared>> -> memref<80x128xf32, #tpu.memory_space<vmem_shared>>
      tpu.enqueue_dma source(%arg9 : memref<80x128xf32, #tpu.memory_space<vmem>>) target(%dma_start3A_40 : memref<80x128xf32, #tpu.memory_space<vmem_shared>>) target_semaphore(%run_scoped3A : memref<!tpu.dma_semaphore, #tpu.memory_space<semaphore_mem>>)
      %dma_wait3A = arith.constant 0 : i32
      %dma_wait3A_41 = tpu.memref_slice %arg11[%add3A_13, %dma_wait3A] : memref<10000x128xf32, #tpu.memory_space<vmem_shared>> -> memref<80x128xf32, #tpu.memory_space<vmem_shared>>
      %dma_wait3A_42 = arith.constant 0 : i32
      %dma_wait3A_43 = tpu.memref_slice %arg11[%add3A_13, %dma_wait3A_42] : memref<10000x128xf32, #tpu.memory_space<vmem_shared>> -> memref<80x128xf32, #tpu.memory_space<vmem_shared>>
      tpu.wait_dma2 semaphore(%run_scoped3A : memref<!tpu.dma_semaphore, #tpu.memory_space<semaphore_mem>>) src(%arg9 : memref<80x128xf32, #tpu.memory_space<vmem>>) dst(%dma_wait3A_43 : memref<80x128xf32, #tpu.memory_space<vmem_shared>>)
      tpu.yield
    }) : () -> ()
    %add3A_14 = arith.constant 240 : i32
    %add3A_15 = arith.addi %mul3A_7, %add3A_14 : i32
    "tpu.region"() ({
      %run_scoped3A = tpu.sem_alloc : memref<!tpu.dma_semaphore, #tpu.memory_space<semaphore_mem>>
      %dma_start3A = arith.constant 0 : i32
      %dma_start3A_38 = tpu.memref_slice %arg11[%add3A_15, %dma_start3A] : memref<10000x128xf32, #tpu.memory_space<vmem_shared>> -> memref<80x128xf32, #tpu.memory_space<vmem_shared>>
      %dma_start3A_39 = arith.constant 0 : i32
      %dma_start3A_40 = tpu.memref_slice %arg11[%add3A_15, %dma_start3A_39] : memref<10000x128xf32, #tpu.memory_space<vmem_shared>> -> memref<80x128xf32, #tpu.memory_space<vmem_shared>>
      tpu.enqueue_dma source(%arg9 : memref<80x128xf32, #tpu.memory_space<vmem>>) target(%dma_start3A_40 : memref<80x128xf32, #tpu.memory_space<vmem_shared>>) target_semaphore(%run_scoped3A : memref<!tpu.dma_semaphore, #tpu.memory_space<semaphore_mem>>)
      %dma_wait3A = arith.constant 0 : i32
      %dma_wait3A_41 = tpu.memref_slice %arg11[%add3A_15, %dma_wait3A] : memref<10000x128xf32, #tpu.memory_space<vmem_shared>> -> memref<80x128xf32, #tpu.memory_space<vmem_shared>>
      %dma_wait3A_42 = arith.constant 0 : i32
      %dma_wait3A_43 = tpu.memref_slice %arg11[%add3A_15, %dma_wait3A_42] : memref<10000x128xf32, #tpu.memory_space<vmem_shared>> -> memref<80x128xf32, #tpu.memory_space<vmem_shared>>
      tpu.wait_dma2 semaphore(%run_scoped3A : memref<!tpu.dma_semaphore, #tpu.memory_space<semaphore_mem>>) src(%arg9 : memref<80x128xf32, #tpu.memory_space<vmem>>) dst(%dma_wait3A_43 : memref<80x128xf32, #tpu.memory_space<vmem_shared>>)
      tpu.yield
    }) : () -> ()
    %add3A_16 = arith.constant 320 : i32
    %add3A_17 = arith.addi %mul3A_7, %add3A_16 : i32
    "tpu.region"() ({
      %run_scoped3A = tpu.sem_alloc : memref<!tpu.dma_semaphore, #tpu.memory_space<semaphore_mem>>
      %dma_start3A = arith.constant 0 : i32
      %dma_start3A_38 = tpu.memref_slice %arg11[%add3A_17, %dma_start3A] : memref<10000x128xf32, #tpu.memory_space<vmem_shared>> -> memref<80x128xf32, #tpu.memory_space<vmem_shared>>
      %dma_start3A_39 = arith.constant 0 : i32
      %dma_start3A_40 = tpu.memref_slice %arg11[%add3A_17, %dma_start3A_39] : memref<10000x128xf32, #tpu.memory_space<vmem_shared>> -> memref<80x128xf32, #tpu.memory_space<vmem_shared>>
      tpu.enqueue_dma source(%arg9 : memref<80x128xf32, #tpu.memory_space<vmem>>) target(%dma_start3A_40 : memref<80x128xf32, #tpu.memory_space<vmem_shared>>) target_semaphore(%run_scoped3A : memref<!tpu.dma_semaphore, #tpu.memory_space<semaphore_mem>>)
      %dma_wait3A = arith.constant 0 : i32
      %dma_wait3A_41 = tpu.memref_slice %arg11[%add3A_17, %dma_wait3A] : memref<10000x128xf32, #tpu.memory_space<vmem_shared>> -> memref<80x128xf32, #tpu.memory_space<vmem_shared>>
      %dma_wait3A_42 = arith.constant 0 : i32
      %dma_wait3A_43 = tpu.memref_slice %arg11[%add3A_17, %dma_wait3A_42] : memref<10000x128xf32, #tpu.memory_space<vmem_shared>> -> memref<80x128xf32, #tpu.memory_space<vmem_shared>>
      tpu.wait_dma2 semaphore(%run_scoped3A : memref<!tpu.dma_semaphore, #tpu.memory_space<semaphore_mem>>) src(%arg9 : memref<80x128xf32, #tpu.memory_space<vmem>>) dst(%dma_wait3A_43 : memref<80x128xf32, #tpu.memory_space<vmem_shared>>)
      tpu.yield
    }) : () -> ()
    %add3A_18 = arith.constant 400 : i32
    %add3A_19 = arith.addi %mul3A_7, %add3A_18 : i32
    "tpu.region"() ({
      %run_scoped3A = tpu.sem_alloc : memref<!tpu.dma_semaphore, #tpu.memory_space<semaphore_mem>>
      %dma_start3A = arith.constant 0 : i32
      %dma_start3A_38 = tpu.memref_slice %arg11[%add3A_19, %dma_start3A] : memref<10000x128xf32, #tpu.memory_space<vmem_shared>> -> memref<80x128xf32, #tpu.memory_space<vmem_shared>>
      %dma_start3A_39 = arith.constant 0 : i32
      %dma_start3A_40 = tpu.memref_slice %arg11[%add3A_19, %dma_start3A_39] : memref<10000x128xf32, #tpu.memory_space<vmem_shared>> -> memref<80x128xf32, #tpu.memory_space<vmem_shared>>
      tpu.enqueue_dma source(%arg9 : memref<80x128xf32, #tpu.memory_space<vmem>>) target(%dma_start3A_40 : memref<80x128xf32, #tpu.memory_space<vmem_shared>>) target_semaphore(%run_scoped3A : memref<!tpu.dma_semaphore, #tpu.memory_space<semaphore_mem>>)
      %dma_wait3A = arith.constant 0 : i32
      %dma_wait3A_41 = tpu.memref_slice %arg11[%add3A_19, %dma_wait3A] : memref<10000x128xf32, #tpu.memory_space<vmem_shared>> -> memref<80x128xf32, #tpu.memory_space<vmem_shared>>
      %dma_wait3A_42 = arith.constant 0 : i32
      %dma_wait3A_43 = tpu.memref_slice %arg11[%add3A_19, %dma_wait3A_42] : memref<10000x128xf32, #tpu.memory_space<vmem_shared>> -> memref<80x128xf32, #tpu.memory_space<vmem_shared>>
      tpu.wait_dma2 semaphore(%run_scoped3A : memref<!tpu.dma_semaphore, #tpu.memory_space<semaphore_mem>>) src(%arg9 : memref<80x128xf32, #tpu.memory_space<vmem>>) dst(%dma_wait3A_43 : memref<80x128xf32, #tpu.memory_space<vmem_shared>>)
      tpu.yield
    }) : () -> ()
    %add3A_20 = arith.constant 480 : i32
    %add3A_21 = arith.addi %mul3A_7, %add3A_20 : i32
    "tpu.region"() ({
      %run_scoped3A = tpu.sem_alloc : memref<!tpu.dma_semaphore, #tpu.memory_space<semaphore_mem>>
      %dma_start3A = arith.constant 0 : i32
      %dma_start3A_38 = tpu.memref_slice %arg11[%add3A_21, %dma_start3A] : memref<10000x128xf32, #tpu.memory_space<vmem_shared>> -> memref<80x128xf32, #tpu.memory_space<vmem_shared>>
      %dma_start3A_39 = arith.constant 0 : i32
      %dma_start3A_40 = tpu.memref_slice %arg11[%add3A_21, %dma_start3A_39] : memref<10000x128xf32, #tpu.memory_space<vmem_shared>> -> memref<80x128xf32, #tpu.memory_space<vmem_shared>>
      tpu.enqueue_dma source(%arg9 : memref<80x128xf32, #tpu.memory_space<vmem>>) target(%dma_start3A_40 : memref<80x128xf32, #tpu.memory_space<vmem_shared>>) target_semaphore(%run_scoped3A : memref<!tpu.dma_semaphore, #tpu.memory_space<semaphore_mem>>)
      %dma_wait3A = arith.constant 0 : i32
      %dma_wait3A_41 = tpu.memref_slice %arg11[%add3A_21, %dma_wait3A] : memref<10000x128xf32, #tpu.memory_space<vmem_shared>> -> memref<80x128xf32, #tpu.memory_space<vmem_shared>>
      %dma_wait3A_42 = arith.constant 0 : i32
      %dma_wait3A_43 = tpu.memref_slice %arg11[%add3A_21, %dma_wait3A_42] : memref<10000x128xf32, #tpu.memory_space<vmem_shared>> -> memref<80x128xf32, #tpu.memory_space<vmem_shared>>
      tpu.wait_dma2 semaphore(%run_scoped3A : memref<!tpu.dma_semaphore, #tpu.memory_space<semaphore_mem>>) src(%arg9 : memref<80x128xf32, #tpu.memory_space<vmem>>) dst(%dma_wait3A_43 : memref<80x128xf32, #tpu.memory_space<vmem_shared>>)
      tpu.yield
    }) : () -> ()
    %add3A_22 = arith.constant 560 : i32
    %add3A_23 = arith.addi %mul3A_7, %add3A_22 : i32
    "tpu.region"() ({
      %run_scoped3A = tpu.sem_alloc : memref<!tpu.dma_semaphore, #tpu.memory_space<semaphore_mem>>
      %dma_start3A = arith.constant 0 : i32
      %dma_start3A_38 = arith.constant 0 : i32
      %dma_start3A_39 = tpu.memref_slice %arg9[%dma_start3A, %dma_start3A_38] : memref<80x128xf32, #tpu.memory_space<vmem>> -> memref<64x128xf32, #tpu.memory_space<vmem>>
      %dma_start3A_40 = arith.constant 0 : i32
      %dma_start3A_41 = tpu.memref_slice %arg11[%add3A_23, %dma_start3A_40] : memref<10000x128xf32, #tpu.memory_space<vmem_shared>> -> memref<64x128xf32, #tpu.memory_space<vmem_shared>>
      %dma_start3A_42 = arith.constant 0 : i32
      %dma_start3A_43 = tpu.memref_slice %arg11[%add3A_23, %dma_start3A_42] : memref<10000x128xf32, #tpu.memory_space<vmem_shared>> -> memref<64x128xf32, #tpu.memory_space<vmem_shared>>
      %dma_start3A_44 = arith.constant 0 : i32
      %dma_start3A_45 = arith.constant 0 : i32
      %dma_start3A_46 = tpu.memref_slice %arg9[%dma_start3A_44, %dma_start3A_45] : memref<80x128xf32, #tpu.memory_space<vmem>> -> memref<64x128xf32, #tpu.memory_space<vmem>>
      tpu.enqueue_dma source(%dma_start3A_46 : memref<64x128xf32, #tpu.memory_space<vmem>>) target(%dma_start3A_43 : memref<64x128xf32, #tpu.memory_space<vmem_shared>>) target_semaphore(%run_scoped3A : memref<!tpu.dma_semaphore, #tpu.memory_space<semaphore_mem>>)
      %dma_wait3A = arith.constant 0 : i32
      %dma_wait3A_47 = arith.constant 0 : i32
      %dma_wait3A_48 = tpu.memref_slice %arg9[%dma_wait3A, %dma_wait3A_47] : memref<80x128xf32, #tpu.memory_space<vmem>> -> memref<64x128xf32, #tpu.memory_space<vmem>>
      %dma_wait3A_49 = arith.constant 0 : i32
      %dma_wait3A_50 = tpu.memref_slice %arg11[%add3A_23, %dma_wait3A_49] : memref<10000x128xf32, #tpu.memory_space<vmem_shared>> -> memref<64x128xf32, #tpu.memory_space<vmem_shared>>
      %dma_wait3A_51 = arith.constant 0 : i32
      %dma_wait3A_52 = tpu.memref_slice %arg11[%add3A_23, %dma_wait3A_51] : memref<10000x128xf32, #tpu.memory_space<vmem_shared>> -> memref<64x128xf32, #tpu.memory_space<vmem_shared>>
      %dma_wait3A_53 = arith.constant 0 : i32
      %dma_wait3A_54 = arith.constant 0 : i32
      %dma_wait3A_55 = tpu.memref_slice %arg9[%dma_wait3A_53, %dma_wait3A_54] : memref<80x128xf32, #tpu.memory_space<vmem>> -> memref<64x128xf32, #tpu.memory_space<vmem>>
      tpu.wait_dma2 semaphore(%run_scoped3A : memref<!tpu.dma_semaphore, #tpu.memory_space<semaphore_mem>>) src(%dma_wait3A_55 : memref<64x128xf32, #tpu.memory_space<vmem>>) dst(%dma_wait3A_52 : memref<64x128xf32, #tpu.memory_space<vmem_shared>>)
      tpu.yield
    }) : () -> ()
    %eq3A = arith.constant 15 : i32
    %eq3A_24 = arith.cmpi eq, %arg1, %eq3A : i32
    %convert_element_type3A = arith.extui %eq3A_24 : i1 to i32
    %cond3A = arith.constant 0 : i32
    %cond3A_25 = arith.cmpi ne, %convert_element_type3A, %cond3A : i32
    scf.if %cond3A_25 {
      "tpu.region"() ({
        %run_scoped3A = tpu.sem_alloc : memref<!tpu.dma_semaphore, #tpu.memory_space<semaphore_mem>>
        %dma_start3A = arith.constant 0 : i32
        %dma_start3A_38 = arith.constant 0 : i32
        %dma_start3A_39 = tpu.memref_slice %arg9[%dma_start3A, %dma_start3A_38] : memref<80x128xf32, #tpu.memory_space<vmem>> -> memref<16x128xf32, #tpu.memory_space<vmem>>
        %dma_start3A_40 = arith.constant 9984 : i32
        %dma_start3A_41 = arith.constant 0 : i32
        %dma_start3A_42 = tpu.memref_slice %arg11[%dma_start3A_40, %dma_start3A_41] : memref<10000x128xf32, #tpu.memory_space<vmem_shared>> -> memref<16x128xf32, #tpu.memory_space<vmem_shared>>
        %dma_start3A_43 = arith.constant 9984 : i32
        %dma_start3A_44 = arith.constant 0 : i32
        %dma_start3A_45 = tpu.memref_slice %arg11[%dma_start3A_43, %dma_start3A_44] : memref<10000x128xf32, #tpu.memory_space<vmem_shared>> -> memref<16x128xf32, #tpu.memory_space<vmem_shared>>
        %dma_start3A_46 = arith.constant 0 : i32
        %dma_start3A_47 = arith.constant 0 : i32
        %dma_start3A_48 = tpu.memref_slice %arg9[%dma_start3A_46, %dma_start3A_47] : memref<80x128xf32, #tpu.memory_space<vmem>> -> memref<16x128xf32, #tpu.memory_space<vmem>>
        tpu.enqueue_dma source(%dma_start3A_48 : memref<16x128xf32, #tpu.memory_space<vmem>>) target(%dma_start3A_45 : memref<16x128xf32, #tpu.memory_space<vmem_shared>>) target_semaphore(%run_scoped3A : memref<!tpu.dma_semaphore, #tpu.memory_space<semaphore_mem>>)
        %dma_wait3A = arith.constant 0 : i32
        %dma_wait3A_49 = arith.constant 0 : i32
        %dma_wait3A_50 = tpu.memref_slice %arg9[%dma_wait3A, %dma_wait3A_49] : memref<80x128xf32, #tpu.memory_space<vmem>> -> memref<16x128xf32, #tpu.memory_space<vmem>>
        %dma_wait3A_51 = arith.constant 9984 : i32
        %dma_wait3A_52 = arith.constant 0 : i32
        %dma_wait3A_53 = tpu.memref_slice %arg11[%dma_wait3A_51, %dma_wait3A_52] : memref<10000x128xf32, #tpu.memory_space<vmem_shared>> -> memref<16x128xf32, #tpu.memory_space<vmem_shared>>
        %dma_wait3A_54 = arith.constant 9984 : i32
        %dma_wait3A_55 = arith.constant 0 : i32
        %dma_wait3A_56 = tpu.memref_slice %arg11[%dma_wait3A_54, %dma_wait3A_55] : memref<10000x128xf32, #tpu.memory_space<vmem_shared>> -> memref<16x128xf32, #tpu.memory_space<vmem_shared>>
        %dma_wait3A_57 = arith.constant 0 : i32
        %dma_wait3A_58 = arith.constant 0 : i32
        %dma_wait3A_59 = tpu.memref_slice %arg9[%dma_wait3A_57, %dma_wait3A_58] : memref<80x128xf32, #tpu.memory_space<vmem>> -> memref<16x128xf32, #tpu.memory_space<vmem>>
        tpu.wait_dma2 semaphore(%run_scoped3A : memref<!tpu.dma_semaphore, #tpu.memory_space<semaphore_mem>>) src(%dma_wait3A_59 : memref<16x128xf32, #tpu.memory_space<vmem>>) dst(%dma_wait3A_56 : memref<16x128xf32, #tpu.memory_space<vmem_shared>>)
        tpu.yield
      }) : () -> ()
    } else {
    }
    %barrier3A = arith.constant 0 : index
    tpu.barrier barrier_id(%barrier3A)
    %scan3A_26 = arith.constant 0 : i32
    %scan3A_27 = arith.constant 0 : i32
    %scan3A_28 = arith.constant 125 : i32
    %scan3A_29 = arith.addi %scan3A_27, %scan3A_28 : i32
    %scan3A_30 = arith.constant 1 : i32
    scf.for %scan3A_38 = %scan3A_27 to %scan3A_29 step %scan3A_30  : i32 {
      %mul3A_39 = arith.constant 10000 : i32
      %mul3A_40 = arith.muli %add3A, %mul3A_39 : i32
      %mul3A_41 = arith.constant 80 : i32
      %mul3A_42 = arith.muli %scan3A_38, %mul3A_41 : i32
      %add3A_43 = arith.addi %mul3A_40, %mul3A_42 : i32
      "tpu.region"() ({
        %run_scoped3A = tpu.sem_alloc : memref<!tpu.dma_semaphore, #tpu.memory_space<semaphore_mem>>
        %dma_start3A_62 = tpu.memref_slice %arg4[%add3A_43] : memref<320000xi32, #tpu.memory_space<hbm>> -> memref<80xi32, #tpu.memory_space<hbm>>
        %dma_start3A_63 = tpu.memref_slice %arg4[%add3A_43] : memref<320000xi32, #tpu.memory_space<hbm>> -> memref<80xi32, #tpu.memory_space<hbm>>
        tpu.enqueue_dma source(%dma_start3A_63 : memref<80xi32, #tpu.memory_space<hbm>>) target(%arg7 : memref<80xi32, #tpu.memory_space<vmem>>) target_semaphore(%run_scoped3A : memref<!tpu.dma_semaphore, #tpu.memory_space<semaphore_mem>>)
        %dma_wait3A_64 = tpu.memref_slice %arg4[%add3A_43] : memref<320000xi32, #tpu.memory_space<hbm>> -> memref<80xi32, #tpu.memory_space<hbm>>
        %dma_wait3A_65 = tpu.memref_slice %arg4[%add3A_43] : memref<320000xi32, #tpu.memory_space<hbm>> -> memref<80xi32, #tpu.memory_space<hbm>>
        tpu.wait_dma2 semaphore(%run_scoped3A : memref<!tpu.dma_semaphore, #tpu.memory_space<semaphore_mem>>) src(%dma_wait3A_65 : memref<80xi32, #tpu.memory_space<hbm>>) dst(%arg7 : memref<80xi32, #tpu.memory_space<vmem>>)
        tpu.yield
      }) : () -> ()
      "tpu.region"() ({
        %run_scoped3A = tpu.sem_alloc : memref<!tpu.dma_semaphore, #tpu.memory_space<semaphore_mem>>
        %dma_start3A_62 = tpu.memref_slice %arg5[%add3A_43] : memref<320000xi32, #tpu.memory_space<hbm>> -> memref<80xi32, #tpu.memory_space<hbm>>
        %dma_start3A_63 = tpu.memref_slice %arg5[%add3A_43] : memref<320000xi32, #tpu.memory_space<hbm>> -> memref<80xi32, #tpu.memory_space<hbm>>
        tpu.enqueue_dma source(%dma_start3A_63 : memref<80xi32, #tpu.memory_space<hbm>>) target(%arg8 : memref<80xi32, #tpu.memory_space<vmem>>) target_semaphore(%run_scoped3A : memref<!tpu.dma_semaphore, #tpu.memory_space<semaphore_mem>>)
        %dma_wait3A_64 = tpu.memref_slice %arg5[%add3A_43] : memref<320000xi32, #tpu.memory_space<hbm>> -> memref<80xi32, #tpu.memory_space<hbm>>
        %dma_wait3A_65 = tpu.memref_slice %arg5[%add3A_43] : memref<320000xi32, #tpu.memory_space<hbm>> -> memref<80xi32, #tpu.memory_space<hbm>>
        tpu.wait_dma2 semaphore(%run_scoped3A : memref<!tpu.dma_semaphore, #tpu.memory_space<semaphore_mem>>) src(%dma_wait3A_65 : memref<80xi32, #tpu.memory_space<hbm>>) dst(%arg8 : memref<80xi32, #tpu.memory_space<vmem>>)
        tpu.yield
      }) : () -> ()
      %dma_start3A = arith.constant 0 : i32
      %dma_start3A_44 = tpu.memref_slice %arg3[%add3A_43, %dma_start3A] : memref<320000x128xf32, #tpu.memory_space<hbm>> -> memref<80x128xf32, #tpu.memory_space<hbm>>
      %dma_start3A_45 = arith.constant 0 : i32
      %dma_start3A_46 = tpu.memref_slice %arg3[%add3A_43, %dma_start3A_45] : memref<320000x128xf32, #tpu.memory_space<hbm>> -> memref<80x128xf32, #tpu.memory_space<hbm>>
      tpu.enqueue_dma source(%dma_start3A_46 : memref<80x128xf32, #tpu.memory_space<hbm>>) target(%arg9 : memref<80x128xf32, #tpu.memory_space<vmem>>) target_semaphore(%arg12 : memref<!tpu.dma_semaphore, #tpu.memory_space<semaphore_mem>>)
      %dma_start3A_47 = arith.constant 0 : i32
      %dma_start3A_48 = arith.constant 0 : i32
      %dma_start3A_49 = tpu.memref_slice %arg2[%dma_start3A_47, %dma_start3A_48] : memref<10000x128xf32, #tpu.memory_space<hbm>> -> memref<10000x128xf32, #tpu.memory_space<hbm>>
      tpu.enqueue_indirect_dma source(%dma_start3A_49 : memref<10000x128xf32, #tpu.memory_space<hbm>>) target(%arg10 : memref<80x128xf32, #tpu.memory_space<vmem>>) offsets(%arg7 : memref<80xi32, #tpu.memory_space<vmem>>) semaphore(%arg13 : memref<!tpu.dma_semaphore, #tpu.memory_space<semaphore_mem>>)
      %dma_wait3A = arith.constant 0 : i32
      %dma_wait3A_50 = tpu.memref_slice %arg3[%add3A_43, %dma_wait3A] : memref<320000x128xf32, #tpu.memory_space<hbm>> -> memref<80x128xf32, #tpu.memory_space<hbm>>
      %dma_wait3A_51 = arith.constant 0 : i32
      %dma_wait3A_52 = tpu.memref_slice %arg3[%add3A_43, %dma_wait3A_51] : memref<320000x128xf32, #tpu.memory_space<hbm>> -> memref<80x128xf32, #tpu.memory_space<hbm>>
      tpu.wait_dma2 semaphore(%arg12 : memref<!tpu.dma_semaphore, #tpu.memory_space<semaphore_mem>>) src(%dma_wait3A_52 : memref<80x128xf32, #tpu.memory_space<hbm>>) dst(%arg9 : memref<80x128xf32, #tpu.memory_space<vmem>>)
      %dma_wait3A_53 = arith.constant 0 : i32
      %dma_wait3A_54 = arith.constant 0 : i32
      %dma_wait3A_55 = tpu.memref_slice %arg2[%dma_wait3A_53, %dma_wait3A_54] : memref<10000x128xf32, #tpu.memory_space<hbm>> -> memref<10000x128xf32, #tpu.memory_space<hbm>>
      tpu.wait_indirect_dma semaphore(%arg13 : memref<!tpu.dma_semaphore, #tpu.memory_space<semaphore_mem>>) src(%dma_wait3A_55 : memref<10000x128xf32, #tpu.memory_space<hbm>>) dst(%arg10 : memref<80x128xf32, #tpu.memory_space<vmem>>)
      %scan3A_56 = arith.constant 0 : i32
      %scan3A_57 = arith.constant 0 : i32
      %scan3A_58 = arith.constant 80 : i32
      %scan3A_59 = arith.addi %scan3A_57, %scan3A_58 : i32
      %scan3A_60 = arith.constant 1 : i32
      scf.for %scan3A_62 = %scan3A_57 to %scan3A_59 step %scan3A_60  : i32 {
        %get3A = arith.index_cast %scan3A_62 : i32 to index
        %get3A_63 = arith.constant 0 : index
        %get3A_64 = tpu.vector_load %arg10[%get3A, %get3A_63] {strides = array<i32>} : memref<80x128xf32, #tpu.memory_space<vmem>>, vector<1x16xf32>,
        %get3A_65 = vector.shape_cast %get3A_64 : vector<1x16xf32> to vector<16xf32>
        %get3A_66 = arith.index_cast %scan3A_62 : i32 to index
        %get3A_67 = arith.constant 0 : index
        %get3A_68 = tpu.vector_load %arg9[%get3A_66, %get3A_67] {strides = array<i32>} : memref<80x128xf32, #tpu.memory_space<vmem>>, vector<1x16xf32>,
        %get3A_69 = vector.shape_cast %get3A_68 : vector<1x16xf32> to vector<16xf32>
        %add3A_70 = arith.addf %get3A_65, %get3A_69 : vector<16xf32>
        %max3A = arith.constant 0.000000e+00 : f32
        %max3A_71 = vector.broadcast %max3A : f32 to vector<16xf32>
        %max3A_72 = arith.maximumf %add3A_70, %max3A_71 : vector<16xf32>
        %swap3A = arith.index_cast %scan3A_62 : i32 to index
        %swap3A_73 = arith.constant 0 : index
        %swap3A_74 = tpu.vector_load %arg10[%swap3A, %swap3A_73] {strides = array<i32>} : memref<80x128xf32, #tpu.memory_space<vmem>>, vector<1x16xf32>,
        %swap3A_75 = vector.shape_cast %swap3A_74 : vector<1x16xf32> to vector<16xf32>
        %swap3A_76 = vector.shape_cast %max3A_72 : vector<16xf32> to vector<1x16xf32>
        tpu.vector_store %arg10[%swap3A, %swap3A_73], %swap3A_76 {strides = array<i32>} : memref<80x128xf32, #tpu.memory_space<vmem>>, vector<1x16xf32>,
        %get3A_77 = arith.index_cast %scan3A_62 : i32 to index
        %get3A_78 = arith.constant 16 : index
        %get3A_79 = tpu.vector_load %arg10[%get3A_77, %get3A_78] {strides = array<i32>} : memref<80x128xf32, #tpu.memory_space<vmem>>, vector<1x16xf32>,
        %get3A_80 = vector.shape_cast %get3A_79 : vector<1x16xf32> to vector<16xf32>
        %get3A_81 = arith.index_cast %scan3A_62 : i32 to index
        %get3A_82 = arith.constant 16 : index
        %get3A_83 = tpu.vector_load %arg9[%get3A_81, %get3A_82] {strides = array<i32>} : memref<80x128xf32, #tpu.memory_space<vmem>>, vector<1x16xf32>,
        %get3A_84 = vector.shape_cast %get3A_83 : vector<1x16xf32> to vector<16xf32>
        %add3A_85 = arith.addf %get3A_80, %get3A_84 : vector<16xf32>
        %max3A_86 = arith.constant 0.000000e+00 : f32
        %max3A_87 = vector.broadcast %max3A_86 : f32 to vector<16xf32>
        %max3A_88 = arith.maximumf %add3A_85, %max3A_87 : vector<16xf32>
        %swap3A_89 = arith.index_cast %scan3A_62 : i32 to index
        %swap3A_90 = arith.constant 16 : index
        %swap3A_91 = tpu.vector_load %arg10[%swap3A_89, %swap3A_90] {strides = array<i32>} : memref<80x128xf32, #tpu.memory_space<vmem>>, vector<1x16xf32>,
        %swap3A_92 = vector.shape_cast %swap3A_91 : vector<1x16xf32> to vector<16xf32>
        %swap3A_93 = vector.shape_cast %max3A_88 : vector<16xf32> to vector<1x16xf32>
        tpu.vector_store %arg10[%swap3A_89, %swap3A_90], %swap3A_93 {strides = array<i32>} : memref<80x128xf32, #tpu.memory_space<vmem>>, vector<1x16xf32>,
        %get3A_94 = arith.index_cast %scan3A_62 : i32 to index
        %get3A_95 = arith.constant 32 : index
        %get3A_96 = tpu.vector_load %arg10[%get3A_94, %get3A_95] {strides = array<i32>} : memref<80x128xf32, #tpu.memory_space<vmem>>, vector<1x16xf32>,
        %get3A_97 = vector.shape_cast %get3A_96 : vector<1x16xf32> to vector<16xf32>
        %get3A_98 = arith.index_cast %scan3A_62 : i32 to index
        %get3A_99 = arith.constant 32 : index
        %get3A_100 = tpu.vector_load %arg9[%get3A_98, %get3A_99] {strides = array<i32>} : memref<80x128xf32, #tpu.memory_space<vmem>>, vector<1x16xf32>,
        %get3A_101 = vector.shape_cast %get3A_100 : vector<1x16xf32> to vector<16xf32>
        %add3A_102 = arith.addf %get3A_97, %get3A_101 : vector<16xf32>
        %max3A_103 = arith.constant 0.000000e+00 : f32
        %max3A_104 = vector.broadcast %max3A_103 : f32 to vector<16xf32>
        %max3A_105 = arith.maximumf %add3A_102, %max3A_104 : vector<16xf32>
        %swap3A_106 = arith.index_cast %scan3A_62 : i32 to index
        %swap3A_107 = arith.constant 32 : index
        %swap3A_108 = tpu.vector_load %arg10[%swap3A_106, %swap3A_107] {strides = array<i32>} : memref<80x128xf32, #tpu.memory_space<vmem>>, vector<1x16xf32>,
        %swap3A_109 = vector.shape_cast %swap3A_108 : vector<1x16xf32> to vector<16xf32>
        %swap3A_110 = vector.shape_cast %max3A_105 : vector<16xf32> to vector<1x16xf32>
        tpu.vector_store %arg10[%swap3A_106, %swap3A_107], %swap3A_110 {strides = array<i32>} : memref<80x128xf32, #tpu.memory_space<vmem>>, vector<1x16xf32>,
        %get3A_111 = arith.index_cast %scan3A_62 : i32 to index
        %get3A_112 = arith.constant 48 : index
        %get3A_113 = tpu.vector_load %arg10[%get3A_111, %get3A_112] {strides = array<i32>} : memref<80x128xf32, #tpu.memory_space<vmem>>, vector<1x16xf32>,
        %get3A_114 = vector.shape_cast %get3A_113 : vector<1x16xf32> to vector<16xf32>
        %get3A_115 = arith.index_cast %scan3A_62 : i32 to index
        %get3A_116 = arith.constant 48 : index
        %get3A_117 = tpu.vector_load %arg9[%get3A_115, %get3A_116] {strides = array<i32>} : memref<80x128xf32, #tpu.memory_space<vmem>>, vector<1x16xf32>,
        %get3A_118 = vector.shape_cast %get3A_117 : vector<1x16xf32> to vector<16xf32>
        %add3A_119 = arith.addf %get3A_114, %get3A_118 : vector<16xf32>
        %max3A_120 = arith.constant 0.000000e+00 : f32
        %max3A_121 = vector.broadcast %max3A_120 : f32 to vector<16xf32>
        %max3A_122 = arith.maximumf %add3A_119, %max3A_121 : vector<16xf32>
        %swap3A_123 = arith.index_cast %scan3A_62 : i32 to index
        %swap3A_124 = arith.constant 48 : index
        %swap3A_125 = tpu.vector_load %arg10[%swap3A_123, %swap3A_124] {strides = array<i32>} : memref<80x128xf32, #tpu.memory_space<vmem>>, vector<1x16xf32>,
        %swap3A_126 = vector.shape_cast %swap3A_125 : vector<1x16xf32> to vector<16xf32>
        %swap3A_127 = vector.shape_cast %max3A_122 : vector<16xf32> to vector<1x16xf32>
        tpu.vector_store %arg10[%swap3A_123, %swap3A_124], %swap3A_127 {strides = array<i32>} : memref<80x128xf32, #tpu.memory_space<vmem>>, vector<1x16xf32>,
        %get3A_128 = arith.index_cast %scan3A_62 : i32 to index
        %get3A_129 = arith.constant 64 : index
        %get3A_130 = tpu.vector_load %arg10[%get3A_128, %get3A_129] {strides = array<i32>} : memref<80x128xf32, #tpu.memory_space<vmem>>, vector<1x16xf32>,
        %get3A_131 = vector.shape_cast %get3A_130 : vector<1x16xf32> to vector<16xf32>
        %get3A_132 = arith.index_cast %scan3A_62 : i32 to index
        %get3A_133 = arith.constant 64 : index
        %get3A_134 = tpu.vector_load %arg9[%get3A_132, %get3A_133] {strides = array<i32>} : memref<80x128xf32, #tpu.memory_space<vmem>>, vector<1x16xf32>,
        %get3A_135 = vector.shape_cast %get3A_134 : vector<1x16xf32> to vector<16xf32>
        %add3A_136 = arith.addf %get3A_131, %get3A_135 : vector<16xf32>
        %max3A_137 = arith.constant 0.000000e+00 : f32
        %max3A_138 = vector.broadcast %max3A_137 : f32 to vector<16xf32>
        %max3A_139 = arith.maximumf %add3A_136, %max3A_138 : vector<16xf32>
        %swap3A_140 = arith.index_cast %scan3A_62 : i32 to index
        %swap3A_141 = arith.constant 64 : index
        %swap3A_142 = tpu.vector_load %arg10[%swap3A_140, %swap3A_141] {strides = array<i32>} : memref<80x128xf32, #tpu.memory_space<vmem>>, vector<1x16xf32>,
        %swap3A_143 = vector.shape_cast %swap3A_142 : vector<1x16xf32> to vector<16xf32>
        %swap3A_144 = vector.shape_cast %max3A_139 : vector<16xf32> to vector<1x16xf32>
        tpu.vector_store %arg10[%swap3A_140, %swap3A_141], %swap3A_144 {strides = array<i32>} : memref<80x128xf32, #tpu.memory_space<vmem>>, vector<1x16xf32>,
        %get3A_145 = arith.index_cast %scan3A_62 : i32 to index
        %get3A_146 = arith.constant 80 : index
        %get3A_147 = tpu.vector_load %arg10[%get3A_145, %get3A_146] {strides = array<i32>} : memref<80x128xf32, #tpu.memory_space<vmem>>, vector<1x16xf32>,
        %get3A_148 = vector.shape_cast %get3A_147 : vector<1x16xf32> to vector<16xf32>
        %get3A_149 = arith.index_cast %scan3A_62 : i32 to index
        %get3A_150 = arith.constant 80 : index
        %get3A_151 = tpu.vector_load %arg9[%get3A_149, %get3A_150] {strides = array<i32>} : memref<80x128xf32, #tpu.memory_space<vmem>>, vector<1x16xf32>,
        %get3A_152 = vector.shape_cast %get3A_151 : vector<1x16xf32> to vector<16xf32>
        %add3A_153 = arith.addf %get3A_148, %get3A_152 : vector<16xf32>
        %max3A_154 = arith.constant 0.000000e+00 : f32
        %max3A_155 = vector.broadcast %max3A_154 : f32 to vector<16xf32>
        %max3A_156 = arith.maximumf %add3A_153, %max3A_155 : vector<16xf32>
        %swap3A_157 = arith.index_cast %scan3A_62 : i32 to index
        %swap3A_158 = arith.constant 80 : index
        %swap3A_159 = tpu.vector_load %arg10[%swap3A_157, %swap3A_158] {strides = array<i32>} : memref<80x128xf32, #tpu.memory_space<vmem>>, vector<1x16xf32>,
        %swap3A_160 = vector.shape_cast %swap3A_159 : vector<1x16xf32> to vector<16xf32>
        %swap3A_161 = vector.shape_cast %max3A_156 : vector<16xf32> to vector<1x16xf32>
        tpu.vector_store %arg10[%swap3A_157, %swap3A_158], %swap3A_161 {strides = array<i32>} : memref<80x128xf32, #tpu.memory_space<vmem>>, vector<1x16xf32>,
        %get3A_162 = arith.index_cast %scan3A_62 : i32 to index
        %get3A_163 = arith.constant 96 : index
        %get3A_164 = tpu.vector_load %arg10[%get3A_162, %get3A_163] {strides = array<i32>} : memref<80x128xf32, #tpu.memory_space<vmem>>, vector<1x16xf32>,
        %get3A_165 = vector.shape_cast %get3A_164 : vector<1x16xf32> to vector<16xf32>
        %get3A_166 = arith.index_cast %scan3A_62 : i32 to index
        %get3A_167 = arith.constant 96 : index
        %get3A_168 = tpu.vector_load %arg9[%get3A_166, %get3A_167] {strides = array<i32>} : memref<80x128xf32, #tpu.memory_space<vmem>>, vector<1x16xf32>,
        %get3A_169 = vector.shape_cast %get3A_168 : vector<1x16xf32> to vector<16xf32>
        %add3A_170 = arith.addf %get3A_165, %get3A_169 : vector<16xf32>
        %max3A_171 = arith.constant 0.000000e+00 : f32
        %max3A_172 = vector.broadcast %max3A_171 : f32 to vector<16xf32>
        %max3A_173 = arith.maximumf %add3A_170, %max3A_172 : vector<16xf32>
        %swap3A_174 = arith.index_cast %scan3A_62 : i32 to index
        %swap3A_175 = arith.constant 96 : index
        %swap3A_176 = tpu.vector_load %arg10[%swap3A_174, %swap3A_175] {strides = array<i32>} : memref<80x128xf32, #tpu.memory_space<vmem>>, vector<1x16xf32>,
        %swap3A_177 = vector.shape_cast %swap3A_176 : vector<1x16xf32> to vector<16xf32>
        %swap3A_178 = vector.shape_cast %max3A_173 : vector<16xf32> to vector<1x16xf32>
        tpu.vector_store %arg10[%swap3A_174, %swap3A_175], %swap3A_178 {strides = array<i32>} : memref<80x128xf32, #tpu.memory_space<vmem>>, vector<1x16xf32>,
        %get3A_179 = arith.index_cast %scan3A_62 : i32 to index
        %get3A_180 = arith.constant 112 : index
        %get3A_181 = tpu.vector_load %arg10[%get3A_179, %get3A_180] {strides = array<i32>} : memref<80x128xf32, #tpu.memory_space<vmem>>, vector<1x16xf32>,
        %get3A_182 = vector.shape_cast %get3A_181 : vector<1x16xf32> to vector<16xf32>
        %get3A_183 = arith.index_cast %scan3A_62 : i32 to index
        %get3A_184 = arith.constant 112 : index
        %get3A_185 = tpu.vector_load %arg9[%get3A_183, %get3A_184] {strides = array<i32>} : memref<80x128xf32, #tpu.memory_space<vmem>>, vector<1x16xf32>,
        %get3A_186 = vector.shape_cast %get3A_185 : vector<1x16xf32> to vector<16xf32>
        %add3A_187 = arith.addf %get3A_182, %get3A_186 : vector<16xf32>
        %max3A_188 = arith.constant 0.000000e+00 : f32
        %max3A_189 = vector.broadcast %max3A_188 : f32 to vector<16xf32>
        %max3A_190 = arith.maximumf %add3A_187, %max3A_189 : vector<16xf32>
        %swap3A_191 = arith.index_cast %scan3A_62 : i32 to index
        %swap3A_192 = arith.constant 112 : index
        %swap3A_193 = tpu.vector_load %arg10[%swap3A_191, %swap3A_192] {strides = array<i32>} : memref<80x128xf32, #tpu.memory_space<vmem>>, vector<1x16xf32>,
        %swap3A_194 = vector.shape_cast %swap3A_193 : vector<1x16xf32> to vector<16xf32>
        %swap3A_195 = vector.shape_cast %max3A_190 : vector<16xf32> to vector<1x16xf32>
        tpu.vector_store %arg10[%swap3A_191, %swap3A_192], %swap3A_195 {strides = array<i32>} : memref<80x128xf32, #tpu.memory_space<vmem>>, vector<1x16xf32>,
      }
      %scan3A_61 = arith.constant 80 : i32
      "tpu.region"() ({
        %run_scoped3A = tpu.sem_alloc : memref<!tpu.dma_semaphore, #tpu.memory_space<semaphore_mem>>
        %dma_start3A_62 = arith.constant 0 : i32
        %dma_start3A_63 = arith.constant 0 : i32
        %dma_start3A_64 = tpu.memref_slice %arg11[%dma_start3A_62, %dma_start3A_63] : memref<10000x128xf32, #tpu.memory_space<vmem_shared>> -> memref<10000x128xf32, #tpu.memory_space<vmem_shared>>
        tpu.enqueue_indirect_dma source(%arg10 : memref<80x128xf32, #tpu.memory_space<vmem>>) target(%dma_start3A_64 : memref<10000x128xf32, #tpu.memory_space<vmem_shared>>) offsets(%arg8 : memref<80xi32, #tpu.memory_space<vmem>>) semaphore(%run_scoped3A : memref<!tpu.dma_semaphore, #tpu.memory_space<semaphore_mem>>) {add = true}
        %dma_wait3A_65 = arith.constant 0 : i32
        %dma_wait3A_66 = arith.constant 0 : i32
        %dma_wait3A_67 = tpu.memref_slice %arg11[%dma_wait3A_65, %dma_wait3A_66] : memref<10000x128xf32, #tpu.memory_space<vmem_shared>> -> memref<10000x128xf32, #tpu.memory_space<vmem_shared>>
        tpu.wait_indirect_dma semaphore(%run_scoped3A : memref<!tpu.dma_semaphore, #tpu.memory_space<semaphore_mem>>) src(%arg10 : memref<80x128xf32, #tpu.memory_space<vmem>>) dst(%dma_wait3A_67 : memref<10000x128xf32, #tpu.memory_space<vmem_shared>>)
        tpu.yield
      }) : () -> ()
    }
    %scan3A_31 = arith.constant 125 : i32
    %barrier3A_32 = arith.constant 0 : index
    tpu.barrier barrier_id(%barrier3A_32)
    "tpu.region"() ({
      %run_scoped3A = tpu.sem_alloc : memref<!tpu.dma_semaphore, #tpu.memory_space<semaphore_mem>>
      %dma_start3A = arith.constant 0 : i32
      %dma_start3A_38 = tpu.memref_slice %arg6[%arg0, %mul3A_7, %dma_start3A] : memref<2x10000x128xf32, #tpu.memory_space<hbm>> -> memref<1x624x128xf32, #tpu.memory_space<hbm>>
      %dma_start3A_39 = tpu.memref_squeeze %dma_start3A_38 : memref<1x624x128xf32, #tpu.memory_space<hbm>> -> memref<624x128xf32, #tpu.memory_space<hbm>>
      %dma_start3A_40 = arith.constant 0 : i32
      %dma_start3A_41 = tpu.memref_slice %arg11[%mul3A_7, %dma_start3A_40] : memref<10000x128xf32, #tpu.memory_space<vmem_shared>> -> memref<624x128xf32, #tpu.memory_space<vmem_shared>>
      tpu.enqueue_dma source(%dma_start3A_41 : memref<624x128xf32, #tpu.memory_space<vmem_shared>>) target(%dma_start3A_39 : memref<624x128xf32, #tpu.memory_space<hbm>>) target_semaphore(%run_scoped3A : memref<!tpu.dma_semaphore, #tpu.memory_space<semaphore_mem>>)
      %dma_wait3A = arith.constant 0 : i32
      %dma_wait3A_42 = tpu.memref_slice %arg6[%arg0, %mul3A_7, %dma_wait3A] : memref<2x10000x128xf32, #tpu.memory_space<hbm>> -> memref<1x624x128xf32, #tpu.memory_space<hbm>>
      %dma_wait3A_43 = tpu.memref_squeeze %dma_wait3A_42 : memref<1x624x128xf32, #tpu.memory_space<hbm>> -> memref<624x128xf32, #tpu.memory_space<hbm>>
      %dma_wait3A_44 = arith.constant 0 : i32
      %dma_wait3A_45 = tpu.memref_slice %arg11[%mul3A_7, %dma_wait3A_44] : memref<10000x128xf32, #tpu.memory_space<vmem_shared>> -> memref<624x128xf32, #tpu.memory_space<vmem_shared>>
      tpu.wait_dma2 semaphore(%run_scoped3A : memref<!tpu.dma_semaphore, #tpu.memory_space<semaphore_mem>>) src(%dma_wait3A_45 : memref<624x128xf32, #tpu.memory_space<vmem_shared>>) dst(%dma_wait3A_43 : memref<624x128xf32, #tpu.memory_space<hbm>>)
      tpu.yield
    }) : () -> ()
    %eq3A_33 = arith.constant 15 : i32
    %eq3A_34 = arith.cmpi eq, %arg1, %eq3A_33 : i32
    %convert_element_type3A_35 = arith.extui %eq3A_34 : i1 to i32
    %cond3A_36 = arith.constant 0 : i32
    %cond3A_37 = arith.cmpi ne, %convert_element_type3A_35, %cond3A_36 : i32
    scf.if %cond3A_37 {
      "tpu.region"() ({
        %run_scoped3A = tpu.sem_alloc : memref<!tpu.dma_semaphore, #tpu.memory_space<semaphore_mem>>
        %dma_start3A = arith.constant 9984 : i32
        %dma_start3A_38 = arith.constant 0 : i32
        %dma_start3A_39 = tpu.memref_slice %arg6[%arg0, %dma_start3A, %dma_start3A_38] : memref<2x10000x128xf32, #tpu.memory_space<hbm>> -> memref<1x16x128xf32, #tpu.memory_space<hbm>>
        %dma_start3A_40 = tpu.memref_squeeze %dma_start3A_39 : memref<1x16x128xf32, #tpu.memory_space<hbm>> -> memref<16x128xf32, #tpu.memory_space<hbm>>
        %dma_start3A_41 = arith.constant 9984 : i32
        %dma_start3A_42 = arith.constant 0 : i32
        %dma_start3A_43 = tpu.memref_slice %arg11[%dma_start3A_41, %dma_start3A_42] : memref<10000x128xf32, #tpu.memory_space<vmem_shared>> -> memref<16x128xf32, #tpu.memory_space<vmem_shared>>
        tpu.enqueue_dma source(%dma_start3A_43 : memref<16x128xf32, #tpu.memory_space<vmem_shared>>) target(%dma_start3A_40 : memref<16x128xf32, #tpu.memory_space<hbm>>) target_semaphore(%run_scoped3A : memref<!tpu.dma_semaphore, #tpu.memory_space<semaphore_mem>>)
        %dma_wait3A = arith.constant 9984 : i32
        %dma_wait3A_44 = arith.constant 0 : i32
        %dma_wait3A_45 = tpu.memref_slice %arg6[%arg0, %dma_wait3A, %dma_wait3A_44] : memref<2x10000x128xf32, #tpu.memory_space<hbm>> -> memref<1x16x128xf32, #tpu.memory_space<hbm>>
        %dma_wait3A_46 = tpu.memref_squeeze %dma_wait3A_45 : memref<1x16x128xf32, #tpu.memory_space<hbm>> -> memref<16x128xf32, #tpu.memory_space<hbm>>
        %dma_wait3A_47 = arith.constant 9984 : i32
        %dma_wait3A_48 = arith.constant 0 : i32
        %dma_wait3A_49 = tpu.memref_slice %arg11[%dma_wait3A_47, %dma_wait3A_48] : memref<10000x128xf32, #tpu.memory_space<vmem_shared>> -> memref<16x128xf32, #tpu.memory_space<vmem_shared>>
        tpu.wait_dma2 semaphore(%run_scoped3A : memref<!tpu.dma_semaphore, #tpu.memory_space<semaphore_mem>>) src(%dma_wait3A_49 : memref<16x128xf32, #tpu.memory_space<vmem_shared>>) dst(%dma_wait3A_46 : memref<16x128xf32, #tpu.memory_space<hbm>>)
        tpu.yield
      }) : () -> ()
    } else {
    }
    return
  }
}

#map = affine_map<(d0, d1) -> (0, 0)>
#map1 = affine_map<(d0, d1) -> (0)>
#map2 = affine_map<(d0, d1) -> (0, 0, 0)>
module attributes {stable_mosaic.version = 14 : i64} {
  func.func @_sc_edge_body(%arg0: i32, %arg1: i32, %arg2: memref<10000x128xf32, #tpu.memory_space<hbm>>, %arg3: memref<320000x128xf32, #tpu.memory_space<hbm>>, %arg4: memref<320000xi32, #tpu.memory_space<hbm>>, %arg5: memref<320000xi32, #tpu.memory_space<hbm>>, %arg6: memref<2x10000x128xf32, #tpu.memory_space<hbm>>, %arg7: memref<80xi32, #tpu.memory_space<vmem>>, %arg8: memref<80xi32, #tpu.memory_space<vmem>>, %arg9: memref<80x128xf32, #tpu.memory_space<vmem>>, %arg10: memref<80x128xf32, #tpu.memory_space<vmem>>, %arg11: memref<10000x128xf32, #tpu.memory_space<vmem_shared>>, %arg12: memref<!tpu.dma_semaphore, #tpu.memory_space<semaphore_mem>>, %arg13: memref<!tpu.dma_semaphore, #tpu.memory_space<semaphore_mem>>) attributes {dimension_semantics = [#tpu.dimension_semantics<core_parallel>, #tpu.dimension_semantics<subcore_parallel>], iteration_bounds = array<i64: 2, 16>, scalar_prefetch = 0 : i64, scratch_operands = 7 : i64, tpu.core_type = #tpu.core_type<sc_vector_subcore>, window_params = [{transform_indices = #map}, {transform_indices = #map}, {transform_indices = #map1}, {transform_indices = #map1}, {transform_indices = #map2}]} {
    %mul3A = arith.constant 2 : i32
    %mul3A_0 = arith.muli %arg1, %mul3A : i32
    %add3A = arith.addi %mul3A_0, %arg0 : i32
    %scan3A = arith.constant 0 : i32
    %scan3A_1 = arith.constant 0 : i32
    %scan3A_2 = arith.constant 80 : i32
    %scan3A_3 = arith.addi %scan3A_1, %scan3A_2 : i32
    %scan3A_4 = arith.constant 1 : i32
    scf.for %scan3A_38 = %scan3A_1 to %scan3A_3 step %scan3A_4  : i32 {
      %broadcast_in_dim3A = arith.constant 0.000000e+00 : f32
      %broadcast_in_dim3A_39 = vector.broadcast %broadcast_in_dim3A : f32 to vector<16xf32>
      %swap3A = arith.index_cast %scan3A_38 : i32 to index
      %swap3A_40 = arith.constant 0 : index
      %swap3A_41 = tpu.vector_load %arg9[%swap3A, %swap3A_40] {strides = array<i32>} : memref<80x128xf32, #tpu.memory_space<vmem>>, vector<1x16xf32>,
      %swap3A_42 = vector.shape_cast %swap3A_41 : vector<1x16xf32> to vector<16xf32>
      %swap3A_43 = vector.shape_cast %broadcast_in_dim3A_39 : vector<16xf32> to vector<1x16xf32>
      tpu.vector_store %arg9[%swap3A, %swap3A_40], %swap3A_43 {strides = array<i32>} : memref<80x128xf32, #tpu.memory_space<vmem>>, vector<1x16xf32>,
      %broadcast_in_dim3A_44 = arith.constant 0.000000e+00 : f32
      %broadcast_in_dim3A_45 = vector.broadcast %broadcast_in_dim3A_44 : f32 to vector<16xf32>
      %swap3A_46 = arith.index_cast %scan3A_38 : i32 to index
      %swap3A_47 = arith.constant 16 : index
      %swap3A_48 = tpu.vector_load %arg9[%swap3A_46, %swap3A_47] {strides = array<i32>} : memref<80x128xf32, #tpu.memory_space<vmem>>, vector<1x16xf32>,
      %swap3A_49 = vector.shape_cast %swap3A_48 : vector<1x16xf32> to vector<16xf32>
      %swap3A_50 = vector.shape_cast %broadcast_in_dim3A_45 : vector<16xf32> to vector<1x16xf32>
      tpu.vector_store %arg9[%swap3A_46, %swap3A_47], %swap3A_50 {strides = array<i32>} : memref<80x128xf32, #tpu.memory_space<vmem>>, vector<1x16xf32>,
      %broadcast_in_dim3A_51 = arith.constant 0.000000e+00 : f32
      %broadcast_in_dim3A_52 = vector.broadcast %broadcast_in_dim3A_51 : f32 to vector<16xf32>
      %swap3A_53 = arith.index_cast %scan3A_38 : i32 to index
      %swap3A_54 = arith.constant 32 : index
      %swap3A_55 = tpu.vector_load %arg9[%swap3A_53, %swap3A_54] {strides = array<i32>} : memref<80x128xf32, #tpu.memory_space<vmem>>, vector<1x16xf32>,
      %swap3A_56 = vector.shape_cast %swap3A_55 : vector<1x16xf32> to vector<16xf32>
      %swap3A_57 = vector.shape_cast %broadcast_in_dim3A_52 : vector<16xf32> to vector<1x16xf32>
      tpu.vector_store %arg9[%swap3A_53, %swap3A_54], %swap3A_57 {strides = array<i32>} : memref<80x128xf32, #tpu.memory_space<vmem>>, vector<1x16xf32>,
      %broadcast_in_dim3A_58 = arith.constant 0.000000e+00 : f32
      %broadcast_in_dim3A_59 = vector.broadcast %broadcast_in_dim3A_58 : f32 to vector<16xf32>
      %swap3A_60 = arith.index_cast %scan3A_38 : i32 to index
      %swap3A_61 = arith.constant 48 : index
      %swap3A_62 = tpu.vector_load %arg9[%swap3A_60, %swap3A_61] {strides = array<i32>} : memref<80x128xf32, #tpu.memory_space<vmem>>, vector<1x16xf32>,
      %swap3A_63 = vector.shape_cast %swap3A_62 : vector<1x16xf32> to vector<16xf32>
      %swap3A_64 = vector.shape_cast %broadcast_in_dim3A_59 : vector<16xf32> to vector<1x16xf32>
      tpu.vector_store %arg9[%swap3A_60, %swap3A_61], %swap3A_64 {strides = array<i32>} : memref<80x128xf32, #tpu.memory_space<vmem>>, vector<1x16xf32>,
      %broadcast_in_dim3A_65 = arith.constant 0.000000e+00 : f32
      %broadcast_in_dim3A_66 = vector.broadcast %broadcast_in_dim3A_65 : f32 to vector<16xf32>
      %swap3A_67 = arith.index_cast %scan3A_38 : i32 to index
      %swap3A_68 = arith.constant 64 : index
      %swap3A_69 = tpu.vector_load %arg9[%swap3A_67, %swap3A_68] {strides = array<i32>} : memref<80x128xf32, #tpu.memory_space<vmem>>, vector<1x16xf32>,
      %swap3A_70 = vector.shape_cast %swap3A_69 : vector<1x16xf32> to vector<16xf32>
      %swap3A_71 = vector.shape_cast %broadcast_in_dim3A_66 : vector<16xf32> to vector<1x16xf32>
      tpu.vector_store %arg9[%swap3A_67, %swap3A_68], %swap3A_71 {strides = array<i32>} : memref<80x128xf32, #tpu.memory_space<vmem>>, vector<1x16xf32>,
      %broadcast_in_dim3A_72 = arith.constant 0.000000e+00 : f32
      %broadcast_in_dim3A_73 = vector.broadcast %broadcast_in_dim3A_72 : f32 to vector<16xf32>
      %swap3A_74 = arith.index_cast %scan3A_38 : i32 to index
      %swap3A_75 = arith.constant 80 : index
      %swap3A_76 = tpu.vector_load %arg9[%swap3A_74, %swap3A_75] {strides = array<i32>} : memref<80x128xf32, #tpu.memory_space<vmem>>, vector<1x16xf32>,
      %swap3A_77 = vector.shape_cast %swap3A_76 : vector<1x16xf32> to vector<16xf32>
      %swap3A_78 = vector.shape_cast %broadcast_in_dim3A_73 : vector<16xf32> to vector<1x16xf32>
      tpu.vector_store %arg9[%swap3A_74, %swap3A_75], %swap3A_78 {strides = array<i32>} : memref<80x128xf32, #tpu.memory_space<vmem>>, vector<1x16xf32>,
      %broadcast_in_dim3A_79 = arith.constant 0.000000e+00 : f32
      %broadcast_in_dim3A_80 = vector.broadcast %broadcast_in_dim3A_79 : f32 to vector<16xf32>
      %swap3A_81 = arith.index_cast %scan3A_38 : i32 to index
      %swap3A_82 = arith.constant 96 : index
      %swap3A_83 = tpu.vector_load %arg9[%swap3A_81, %swap3A_82] {strides = array<i32>} : memref<80x128xf32, #tpu.memory_space<vmem>>, vector<1x16xf32>,
      %swap3A_84 = vector.shape_cast %swap3A_83 : vector<1x16xf32> to vector<16xf32>
      %swap3A_85 = vector.shape_cast %broadcast_in_dim3A_80 : vector<16xf32> to vector<1x16xf32>
      tpu.vector_store %arg9[%swap3A_81, %swap3A_82], %swap3A_85 {strides = array<i32>} : memref<80x128xf32, #tpu.memory_space<vmem>>, vector<1x16xf32>,
      %broadcast_in_dim3A_86 = arith.constant 0.000000e+00 : f32
      %broadcast_in_dim3A_87 = vector.broadcast %broadcast_in_dim3A_86 : f32 to vector<16xf32>
      %swap3A_88 = arith.index_cast %scan3A_38 : i32 to index
      %swap3A_89 = arith.constant 112 : index
      %swap3A_90 = tpu.vector_load %arg9[%swap3A_88, %swap3A_89] {strides = array<i32>} : memref<80x128xf32, #tpu.memory_space<vmem>>, vector<1x16xf32>,
      %swap3A_91 = vector.shape_cast %swap3A_90 : vector<1x16xf32> to vector<16xf32>
      %swap3A_92 = vector.shape_cast %broadcast_in_dim3A_87 : vector<16xf32> to vector<1x16xf32>
      tpu.vector_store %arg9[%swap3A_88, %swap3A_89], %swap3A_92 {strides = array<i32>} : memref<80x128xf32, #tpu.memory_space<vmem>>, vector<1x16xf32>,
    }
    %scan3A_5 = arith.constant 80 : i32
    %mul3A_6 = arith.constant 624 : i32
    %mul3A_7 = arith.muli %arg1, %mul3A_6 : i32
    %add3A_8 = arith.constant 0 : i32
    %add3A_9 = arith.addi %mul3A_7, %add3A_8 : i32
    "tpu.region"() ({
      %run_scoped3A = tpu.sem_alloc : memref<!tpu.dma_semaphore, #tpu.memory_space<semaphore_mem>>
      %dma_start3A = arith.constant 0 : i32
      %dma_start3A_38 = tpu.memref_slice %arg11[%add3A_9, %dma_start3A] : memref<10000x128xf32, #tpu.memory_space<vmem_shared>> -> memref<80x128xf32, #tpu.memory_space<vmem_shared>>
      %dma_start3A_39 = arith.constant 0 : i32
      %dma_start3A_40 = tpu.memref_slice %arg11[%add3A_9, %dma_start3A_39] : memref<10000x128xf32, #tpu.memory_space<vmem_shared>> -> memref<80x128xf32, #tpu.memory_space<vmem_shared>>
      tpu.enqueue_dma source(%arg9 : memref<80x128xf32, #tpu.memory_space<vmem>>) target(%dma_start3A_40 : memref<80x128xf32, #tpu.memory_space<vmem_shared>>) target_semaphore(%run_scoped3A : memref<!tpu.dma_semaphore, #tpu.memory_space<semaphore_mem>>)
      %dma_wait3A = arith.constant 0 : i32
      %dma_wait3A_41 = tpu.memref_slice %arg11[%add3A_9, %dma_wait3A] : memref<10000x128xf32, #tpu.memory_space<vmem_shared>> -> memref<80x128xf32, #tpu.memory_space<vmem_shared>>
      %dma_wait3A_42 = arith.constant 0 : i32
      %dma_wait3A_43 = tpu.memref_slice %arg11[%add3A_9, %dma_wait3A_42] : memref<10000x128xf32, #tpu.memory_space<vmem_shared>> -> memref<80x128xf32, #tpu.memory_space<vmem_shared>>
      tpu.wait_dma2 semaphore(%run_scoped3A : memref<!tpu.dma_semaphore, #tpu.memory_space<semaphore_mem>>) src(%arg9 : memref<80x128xf32, #tpu.memory_space<vmem>>) dst(%dma_wait3A_43 : memref<80x128xf32, #tpu.memory_space<vmem_shared>>)
      tpu.yield
    }) : () -> ()
    %add3A_10 = arith.constant 80 : i32
    %add3A_11 = arith.addi %mul3A_7, %add3A_10 : i32
    "tpu.region"() ({
      %run_scoped3A = tpu.sem_alloc : memref<!tpu.dma_semaphore, #tpu.memory_space<semaphore_mem>>
      %dma_start3A = arith.constant 0 : i32
      %dma_start3A_38 = tpu.memref_slice %arg11[%add3A_11, %dma_start3A] : memref<10000x128xf32, #tpu.memory_space<vmem_shared>> -> memref<80x128xf32, #tpu.memory_space<vmem_shared>>
      %dma_start3A_39 = arith.constant 0 : i32
      %dma_start3A_40 = tpu.memref_slice %arg11[%add3A_11, %dma_start3A_39] : memref<10000x128xf32, #tpu.memory_space<vmem_shared>> -> memref<80x128xf32, #tpu.memory_space<vmem_shared>>
      tpu.enqueue_dma source(%arg9 : memref<80x128xf32, #tpu.memory_space<vmem>>) target(%dma_start3A_40 : memref<80x128xf32, #tpu.memory_space<vmem_shared>>) target_semaphore(%run_scoped3A : memref<!tpu.dma_semaphore, #tpu.memory_space<semaphore_mem>>)
      %dma_wait3A = arith.constant 0 : i32
      %dma_wait3A_41 = tpu.memref_slice %arg11[%add3A_11, %dma_wait3A] : memref<10000x128xf32, #tpu.memory_space<vmem_shared>> -> memref<80x128xf32, #tpu.memory_space<vmem_shared>>
      %dma_wait3A_42 = arith.constant 0 : i32
      %dma_wait3A_43 = tpu.memref_slice %arg11[%add3A_11, %dma_wait3A_42] : memref<10000x128xf32, #tpu.memory_space<vmem_shared>> -> memref<80x128xf32, #tpu.memory_space<vmem_shared>>
      tpu.wait_dma2 semaphore(%run_scoped3A : memref<!tpu.dma_semaphore, #tpu.memory_space<semaphore_mem>>) src(%arg9 : memref<80x128xf32, #tpu.memory_space<vmem>>) dst(%dma_wait3A_43 : memref<80x128xf32, #tpu.memory_space<vmem_shared>>)
      tpu.yield
    }) : () -> ()
    %add3A_12 = arith.constant 160 : i32
    %add3A_13 = arith.addi %mul3A_7, %add3A_12 : i32
    "tpu.region"() ({
      %run_scoped3A = tpu.sem_alloc : memref<!tpu.dma_semaphore, #tpu.memory_space<semaphore_mem>>
      %dma_start3A = arith.constant 0 : i32
      %dma_start3A_38 = tpu.memref_slice %arg11[%add3A_13, %dma_start3A] : memref<10000x128xf32, #tpu.memory_space<vmem_shared>> -> memref<80x128xf32, #tpu.memory_space<vmem_shared>>
      %dma_start3A_39 = arith.constant 0 : i32
      %dma_start3A_40 = tpu.memref_slice %arg11[%add3A_13, %dma_start3A_39] : memref<10000x128xf32, #tpu.memory_space<vmem_shared>> -> memref<80x128xf32, #tpu.memory_space<vmem_shared>>
      tpu.enqueue_dma source(%arg9 : memref<80x128xf32, #tpu.memory_space<vmem>>) target(%dma_start3A_40 : memref<80x128xf32, #tpu.memory_space<vmem_shared>>) target_semaphore(%run_scoped3A : memref<!tpu.dma_semaphore, #tpu.memory_space<semaphore_mem>>)
      %dma_wait3A = arith.constant 0 : i32
      %dma_wait3A_41 = tpu.memref_slice %arg11[%add3A_13, %dma_wait3A] : memref<10000x128xf32, #tpu.memory_space<vmem_shared>> -> memref<80x128xf32, #tpu.memory_space<vmem_shared>>
      %dma_wait3A_42 = arith.constant 0 : i32
      %dma_wait3A_43 = tpu.memref_slice %arg11[%add3A_13, %dma_wait3A_42] : memref<10000x128xf32, #tpu.memory_space<vmem_shared>> -> memref<80x128xf32, #tpu.memory_space<vmem_shared>>
      tpu.wait_dma2 semaphore(%run_scoped3A : memref<!tpu.dma_semaphore, #tpu.memory_space<semaphore_mem>>) src(%arg9 : memref<80x128xf32, #tpu.memory_space<vmem>>) dst(%dma_wait3A_43 : memref<80x128xf32, #tpu.memory_space<vmem_shared>>)
      tpu.yield
    }) : () -> ()
    %add3A_14 = arith.constant 240 : i32
    %add3A_15 = arith.addi %mul3A_7, %add3A_14 : i32
    "tpu.region"() ({
      %run_scoped3A = tpu.sem_alloc : memref<!tpu.dma_semaphore, #tpu.memory_space<semaphore_mem>>
      %dma_start3A = arith.constant 0 : i32
      %dma_start3A_38 = tpu.memref_slice %arg11[%add3A_15, %dma_start3A] : memref<10000x128xf32, #tpu.memory_space<vmem_shared>> -> memref<80x128xf32, #tpu.memory_space<vmem_shared>>
      %dma_start3A_39 = arith.constant 0 : i32
      %dma_start3A_40 = tpu.memref_slice %arg11[%add3A_15, %dma_start3A_39] : memref<10000x128xf32, #tpu.memory_space<vmem_shared>> -> memref<80x128xf32, #tpu.memory_space<vmem_shared>>
      tpu.enqueue_dma source(%arg9 : memref<80x128xf32, #tpu.memory_space<vmem>>) target(%dma_start3A_40 : memref<80x128xf32, #tpu.memory_space<vmem_shared>>) target_semaphore(%run_scoped3A : memref<!tpu.dma_semaphore, #tpu.memory_space<semaphore_mem>>)
      %dma_wait3A = arith.constant 0 : i32
      %dma_wait3A_41 = tpu.memref_slice %arg11[%add3A_15, %dma_wait3A] : memref<10000x128xf32, #tpu.memory_space<vmem_shared>> -> memref<80x128xf32, #tpu.memory_space<vmem_shared>>
      %dma_wait3A_42 = arith.constant 0 : i32
      %dma_wait3A_43 = tpu.memref_slice %arg11[%add3A_15, %dma_wait3A_42] : memref<10000x128xf32, #tpu.memory_space<vmem_shared>> -> memref<80x128xf32, #tpu.memory_space<vmem_shared>>
      tpu.wait_dma2 semaphore(%run_scoped3A : memref<!tpu.dma_semaphore, #tpu.memory_space<semaphore_mem>>) src(%arg9 : memref<80x128xf32, #tpu.memory_space<vmem>>) dst(%dma_wait3A_43 : memref<80x128xf32, #tpu.memory_space<vmem_shared>>)
      tpu.yield
    }) : () -> ()
    %add3A_16 = arith.constant 320 : i32
    %add3A_17 = arith.addi %mul3A_7, %add3A_16 : i32
    "tpu.region"() ({
      %run_scoped3A = tpu.sem_alloc : memref<!tpu.dma_semaphore, #tpu.memory_space<semaphore_mem>>
      %dma_start3A = arith.constant 0 : i32
      %dma_start3A_38 = tpu.memref_slice %arg11[%add3A_17, %dma_start3A] : memref<10000x128xf32, #tpu.memory_space<vmem_shared>> -> memref<80x128xf32, #tpu.memory_space<vmem_shared>>
      %dma_start3A_39 = arith.constant 0 : i32
      %dma_start3A_40 = tpu.memref_slice %arg11[%add3A_17, %dma_start3A_39] : memref<10000x128xf32, #tpu.memory_space<vmem_shared>> -> memref<80x128xf32, #tpu.memory_space<vmem_shared>>
      tpu.enqueue_dma source(%arg9 : memref<80x128xf32, #tpu.memory_space<vmem>>) target(%dma_start3A_40 : memref<80x128xf32, #tpu.memory_space<vmem_shared>>) target_semaphore(%run_scoped3A : memref<!tpu.dma_semaphore, #tpu.memory_space<semaphore_mem>>)
      %dma_wait3A = arith.constant 0 : i32
      %dma_wait3A_41 = tpu.memref_slice %arg11[%add3A_17, %dma_wait3A] : memref<10000x128xf32, #tpu.memory_space<vmem_shared>> -> memref<80x128xf32, #tpu.memory_space<vmem_shared>>
      %dma_wait3A_42 = arith.constant 0 : i32
      %dma_wait3A_43 = tpu.memref_slice %arg11[%add3A_17, %dma_wait3A_42] : memref<10000x128xf32, #tpu.memory_space<vmem_shared>> -> memref<80x128xf32, #tpu.memory_space<vmem_shared>>
      tpu.wait_dma2 semaphore(%run_scoped3A : memref<!tpu.dma_semaphore, #tpu.memory_space<semaphore_mem>>) src(%arg9 : memref<80x128xf32, #tpu.memory_space<vmem>>) dst(%dma_wait3A_43 : memref<80x128xf32, #tpu.memory_space<vmem_shared>>)
      tpu.yield
    }) : () -> ()
    %add3A_18 = arith.constant 400 : i32
    %add3A_19 = arith.addi %mul3A_7, %add3A_18 : i32
    "tpu.region"() ({
      %run_scoped3A = tpu.sem_alloc : memref<!tpu.dma_semaphore, #tpu.memory_space<semaphore_mem>>
      %dma_start3A = arith.constant 0 : i32
      %dma_start3A_38 = tpu.memref_slice %arg11[%add3A_19, %dma_start3A] : memref<10000x128xf32, #tpu.memory_space<vmem_shared>> -> memref<80x128xf32, #tpu.memory_space<vmem_shared>>
      %dma_start3A_39 = arith.constant 0 : i32
      %dma_start3A_40 = tpu.memref_slice %arg11[%add3A_19, %dma_start3A_39] : memref<10000x128xf32, #tpu.memory_space<vmem_shared>> -> memref<80x128xf32, #tpu.memory_space<vmem_shared>>
      tpu.enqueue_dma source(%arg9 : memref<80x128xf32, #tpu.memory_space<vmem>>) target(%dma_start3A_40 : memref<80x128xf32, #tpu.memory_space<vmem_shared>>) target_semaphore(%run_scoped3A : memref<!tpu.dma_semaphore, #tpu.memory_space<semaphore_mem>>)
      %dma_wait3A = arith.constant 0 : i32
      %dma_wait3A_41 = tpu.memref_slice %arg11[%add3A_19, %dma_wait3A] : memref<10000x128xf32, #tpu.memory_space<vmem_shared>> -> memref<80x128xf32, #tpu.memory_space<vmem_shared>>
      %dma_wait3A_42 = arith.constant 0 : i32
      %dma_wait3A_43 = tpu.memref_slice %arg11[%add3A_19, %dma_wait3A_42] : memref<10000x128xf32, #tpu.memory_space<vmem_shared>> -> memref<80x128xf32, #tpu.memory_space<vmem_shared>>
      tpu.wait_dma2 semaphore(%run_scoped3A : memref<!tpu.dma_semaphore, #tpu.memory_space<semaphore_mem>>) src(%arg9 : memref<80x128xf32, #tpu.memory_space<vmem>>) dst(%dma_wait3A_43 : memref<80x128xf32, #tpu.memory_space<vmem_shared>>)
      tpu.yield
    }) : () -> ()
    %add3A_20 = arith.constant 480 : i32
    %add3A_21 = arith.addi %mul3A_7, %add3A_20 : i32
    "tpu.region"() ({
      %run_scoped3A = tpu.sem_alloc : memref<!tpu.dma_semaphore, #tpu.memory_space<semaphore_mem>>
      %dma_start3A = arith.constant 0 : i32
      %dma_start3A_38 = tpu.memref_slice %arg11[%add3A_21, %dma_start3A] : memref<10000x128xf32, #tpu.memory_space<vmem_shared>> -> memref<80x128xf32, #tpu.memory_space<vmem_shared>>
      %dma_start3A_39 = arith.constant 0 : i32
      %dma_start3A_40 = tpu.memref_slice %arg11[%add3A_21, %dma_start3A_39] : memref<10000x128xf32, #tpu.memory_space<vmem_shared>> -> memref<80x128xf32, #tpu.memory_space<vmem_shared>>
      tpu.enqueue_dma source(%arg9 : memref<80x128xf32, #tpu.memory_space<vmem>>) target(%dma_start3A_40 : memref<80x128xf32, #tpu.memory_space<vmem_shared>>) target_semaphore(%run_scoped3A : memref<!tpu.dma_semaphore, #tpu.memory_space<semaphore_mem>>)
      %dma_wait3A = arith.constant 0 : i32
      %dma_wait3A_41 = tpu.memref_slice %arg11[%add3A_21, %dma_wait3A] : memref<10000x128xf32, #tpu.memory_space<vmem_shared>> -> memref<80x128xf32, #tpu.memory_space<vmem_shared>>
      %dma_wait3A_42 = arith.constant 0 : i32
      %dma_wait3A_43 = tpu.memref_slice %arg11[%add3A_21, %dma_wait3A_42] : memref<10000x128xf32, #tpu.memory_space<vmem_shared>> -> memref<80x128xf32, #tpu.memory_space<vmem_shared>>
      tpu.wait_dma2 semaphore(%run_scoped3A : memref<!tpu.dma_semaphore, #tpu.memory_space<semaphore_mem>>) src(%arg9 : memref<80x128xf32, #tpu.memory_space<vmem>>) dst(%dma_wait3A_43 : memref<80x128xf32, #tpu.memory_space<vmem_shared>>)
      tpu.yield
    }) : () -> ()
    %add3A_22 = arith.constant 560 : i32
    %add3A_23 = arith.addi %mul3A_7, %add3A_22 : i32
    "tpu.region"() ({
      %run_scoped3A = tpu.sem_alloc : memref<!tpu.dma_semaphore, #tpu.memory_space<semaphore_mem>>
      %dma_start3A = arith.constant 0 : i32
      %dma_start3A_38 = arith.constant 0 : i32
      %dma_start3A_39 = tpu.memref_slice %arg9[%dma_start3A, %dma_start3A_38] : memref<80x128xf32, #tpu.memory_space<vmem>> -> memref<64x128xf32, #tpu.memory_space<vmem>>
      %dma_start3A_40 = arith.constant 0 : i32
      %dma_start3A_41 = tpu.memref_slice %arg11[%add3A_23, %dma_start3A_40] : memref<10000x128xf32, #tpu.memory_space<vmem_shared>> -> memref<64x128xf32, #tpu.memory_space<vmem_shared>>
      %dma_start3A_42 = arith.constant 0 : i32
      %dma_start3A_43 = tpu.memref_slice %arg11[%add3A_23, %dma_start3A_42] : memref<10000x128xf32, #tpu.memory_space<vmem_shared>> -> memref<64x128xf32, #tpu.memory_space<vmem_shared>>
      %dma_start3A_44 = arith.constant 0 : i32
      %dma_start3A_45 = arith.constant 0 : i32
      %dma_start3A_46 = tpu.memref_slice %arg9[%dma_start3A_44, %dma_start3A_45] : memref<80x128xf32, #tpu.memory_space<vmem>> -> memref<64x128xf32, #tpu.memory_space<vmem>>
      tpu.enqueue_dma source(%dma_start3A_46 : memref<64x128xf32, #tpu.memory_space<vmem>>) target(%dma_start3A_43 : memref<64x128xf32, #tpu.memory_space<vmem_shared>>) target_semaphore(%run_scoped3A : memref<!tpu.dma_semaphore, #tpu.memory_space<semaphore_mem>>)
      %dma_wait3A = arith.constant 0 : i32
      %dma_wait3A_47 = arith.constant 0 : i32
      %dma_wait3A_48 = tpu.memref_slice %arg9[%dma_wait3A, %dma_wait3A_47] : memref<80x128xf32, #tpu.memory_space<vmem>> -> memref<64x128xf32, #tpu.memory_space<vmem>>
      %dma_wait3A_49 = arith.constant 0 : i32
      %dma_wait3A_50 = tpu.memref_slice %arg11[%add3A_23, %dma_wait3A_49] : memref<10000x128xf32, #tpu.memory_space<vmem_shared>> -> memref<64x128xf32, #tpu.memory_space<vmem_shared>>
      %dma_wait3A_51 = arith.constant 0 : i32
      %dma_wait3A_52 = tpu.memref_slice %arg11[%add3A_23, %dma_wait3A_51] : memref<10000x128xf32, #tpu.memory_space<vmem_shared>> -> memref<64x128xf32, #tpu.memory_space<vmem_shared>>
      %dma_wait3A_53 = arith.constant 0 : i32
      %dma_wait3A_54 = arith.constant 0 : i32
      %dma_wait3A_55 = tpu.memref_slice %arg9[%dma_wait3A_53, %dma_wait3A_54] : memref<80x128xf32, #tpu.memory_space<vmem>> -> memref<64x128xf32, #tpu.memory_space<vmem>>
      tpu.wait_dma2 semaphore(%run_scoped3A : memref<!tpu.dma_semaphore, #tpu.memory_space<semaphore_mem>>) src(%dma_wait3A_55 : memref<64x128xf32, #tpu.memory_space<vmem>>) dst(%dma_wait3A_52 : memref<64x128xf32, #tpu.memory_space<vmem_shared>>)
      tpu.yield
    }) : () -> ()
    %eq3A = arith.constant 15 : i32
    %eq3A_24 = arith.cmpi eq, %arg1, %eq3A : i32
    %convert_element_type3A = arith.extui %eq3A_24 : i1 to i32
    %cond3A = arith.constant 0 : i32
    %cond3A_25 = arith.cmpi ne, %convert_element_type3A, %cond3A : i32
    scf.if %cond3A_25 {
      "tpu.region"() ({
        %run_scoped3A = tpu.sem_alloc : memref<!tpu.dma_semaphore, #tpu.memory_space<semaphore_mem>>
        %dma_start3A = arith.constant 0 : i32
        %dma_start3A_38 = arith.constant 0 : i32
        %dma_start3A_39 = tpu.memref_slice %arg9[%dma_start3A, %dma_start3A_38] : memref<80x128xf32, #tpu.memory_space<vmem>> -> memref<16x128xf32, #tpu.memory_space<vmem>>
        %dma_start3A_40 = arith.constant 9984 : i32
        %dma_start3A_41 = arith.constant 0 : i32
        %dma_start3A_42 = tpu.memref_slice %arg11[%dma_start3A_40, %dma_start3A_41] : memref<10000x128xf32, #tpu.memory_space<vmem_shared>> -> memref<16x128xf32, #tpu.memory_space<vmem_shared>>
        %dma_start3A_43 = arith.constant 9984 : i32
        %dma_start3A_44 = arith.constant 0 : i32
        %dma_start3A_45 = tpu.memref_slice %arg11[%dma_start3A_43, %dma_start3A_44] : memref<10000x128xf32, #tpu.memory_space<vmem_shared>> -> memref<16x128xf32, #tpu.memory_space<vmem_shared>>
        %dma_start3A_46 = arith.constant 0 : i32
        %dma_start3A_47 = arith.constant 0 : i32
        %dma_start3A_48 = tpu.memref_slice %arg9[%dma_start3A_46, %dma_start3A_47] : memref<80x128xf32, #tpu.memory_space<vmem>> -> memref<16x128xf32, #tpu.memory_space<vmem>>
        tpu.enqueue_dma source(%dma_start3A_48 : memref<16x128xf32, #tpu.memory_space<vmem>>) target(%dma_start3A_45 : memref<16x128xf32, #tpu.memory_space<vmem_shared>>) target_semaphore(%run_scoped3A : memref<!tpu.dma_semaphore, #tpu.memory_space<semaphore_mem>>)
        %dma_wait3A = arith.constant 0 : i32
        %dma_wait3A_49 = arith.constant 0 : i32
        %dma_wait3A_50 = tpu.memref_slice %arg9[%dma_wait3A, %dma_wait3A_49] : memref<80x128xf32, #tpu.memory_space<vmem>> -> memref<16x128xf32, #tpu.memory_space<vmem>>
        %dma_wait3A_51 = arith.constant 9984 : i32
        %dma_wait3A_52 = arith.constant 0 : i32
        %dma_wait3A_53 = tpu.memref_slice %arg11[%dma_wait3A_51, %dma_wait3A_52] : memref<10000x128xf32, #tpu.memory_space<vmem_shared>> -> memref<16x128xf32, #tpu.memory_space<vmem_shared>>
        %dma_wait3A_54 = arith.constant 9984 : i32
        %dma_wait3A_55 = arith.constant 0 : i32
        %dma_wait3A_56 = tpu.memref_slice %arg11[%dma_wait3A_54, %dma_wait3A_55] : memref<10000x128xf32, #tpu.memory_space<vmem_shared>> -> memref<16x128xf32, #tpu.memory_space<vmem_shared>>
        %dma_wait3A_57 = arith.constant 0 : i32
        %dma_wait3A_58 = arith.constant 0 : i32
        %dma_wait3A_59 = tpu.memref_slice %arg9[%dma_wait3A_57, %dma_wait3A_58] : memref<80x128xf32, #tpu.memory_space<vmem>> -> memref<16x128xf32, #tpu.memory_space<vmem>>
        tpu.wait_dma2 semaphore(%run_scoped3A : memref<!tpu.dma_semaphore, #tpu.memory_space<semaphore_mem>>) src(%dma_wait3A_59 : memref<16x128xf32, #tpu.memory_space<vmem>>) dst(%dma_wait3A_56 : memref<16x128xf32, #tpu.memory_space<vmem_shared>>)
        tpu.yield
      }) : () -> ()
    } else {
    }
    %barrier3A = arith.constant 0 : index
    tpu.barrier barrier_id(%barrier3A)
    %scan3A_26 = arith.constant 0 : i32
    %scan3A_27 = arith.constant 0 : i32
    %scan3A_28 = arith.constant 125 : i32
    %scan3A_29 = arith.addi %scan3A_27, %scan3A_28 : i32
    %scan3A_30 = arith.constant 1 : i32
    scf.for %scan3A_38 = %scan3A_27 to %scan3A_29 step %scan3A_30  : i32 {
      %mul3A_39 = arith.constant 10000 : i32
      %mul3A_40 = arith.muli %add3A, %mul3A_39 : i32
      %mul3A_41 = arith.constant 80 : i32
      %mul3A_42 = arith.muli %scan3A_38, %mul3A_41 : i32
      %add3A_43 = arith.addi %mul3A_40, %mul3A_42 : i32
      "tpu.region"() ({
        %run_scoped3A = tpu.sem_alloc : memref<!tpu.dma_semaphore, #tpu.memory_space<semaphore_mem>>
        %dma_start3A_62 = tpu.memref_slice %arg4[%add3A_43] : memref<320000xi32, #tpu.memory_space<hbm>> -> memref<80xi32, #tpu.memory_space<hbm>>
        %dma_start3A_63 = tpu.memref_slice %arg4[%add3A_43] : memref<320000xi32, #tpu.memory_space<hbm>> -> memref<80xi32, #tpu.memory_space<hbm>>
        tpu.enqueue_dma source(%dma_start3A_63 : memref<80xi32, #tpu.memory_space<hbm>>) target(%arg7 : memref<80xi32, #tpu.memory_space<vmem>>) target_semaphore(%run_scoped3A : memref<!tpu.dma_semaphore, #tpu.memory_space<semaphore_mem>>)
        %dma_wait3A_64 = tpu.memref_slice %arg4[%add3A_43] : memref<320000xi32, #tpu.memory_space<hbm>> -> memref<80xi32, #tpu.memory_space<hbm>>
        %dma_wait3A_65 = tpu.memref_slice %arg4[%add3A_43] : memref<320000xi32, #tpu.memory_space<hbm>> -> memref<80xi32, #tpu.memory_space<hbm>>
        tpu.wait_dma2 semaphore(%run_scoped3A : memref<!tpu.dma_semaphore, #tpu.memory_space<semaphore_mem>>) src(%dma_wait3A_65 : memref<80xi32, #tpu.memory_space<hbm>>) dst(%arg7 : memref<80xi32, #tpu.memory_space<vmem>>)
        tpu.yield
      }) : () -> ()
      "tpu.region"() ({
        %run_scoped3A = tpu.sem_alloc : memref<!tpu.dma_semaphore, #tpu.memory_space<semaphore_mem>>
        %dma_start3A_62 = tpu.memref_slice %arg5[%add3A_43] : memref<320000xi32, #tpu.memory_space<hbm>> -> memref<80xi32, #tpu.memory_space<hbm>>
        %dma_start3A_63 = tpu.memref_slice %arg5[%add3A_43] : memref<320000xi32, #tpu.memory_space<hbm>> -> memref<80xi32, #tpu.memory_space<hbm>>
        tpu.enqueue_dma source(%dma_start3A_63 : memref<80xi32, #tpu.memory_space<hbm>>) target(%arg8 : memref<80xi32, #tpu.memory_space<vmem>>) target_semaphore(%run_scoped3A : memref<!tpu.dma_semaphore, #tpu.memory_space<semaphore_mem>>)
        %dma_wait3A_64 = tpu.memref_slice %arg5[%add3A_43] : memref<320000xi32, #tpu.memory_space<hbm>> -> memref<80xi32, #tpu.memory_space<hbm>>
        %dma_wait3A_65 = tpu.memref_slice %arg5[%add3A_43] : memref<320000xi32, #tpu.memory_space<hbm>> -> memref<80xi32, #tpu.memory_space<hbm>>
        tpu.wait_dma2 semaphore(%run_scoped3A : memref<!tpu.dma_semaphore, #tpu.memory_space<semaphore_mem>>) src(%dma_wait3A_65 : memref<80xi32, #tpu.memory_space<hbm>>) dst(%arg8 : memref<80xi32, #tpu.memory_space<vmem>>)
        tpu.yield
      }) : () -> ()
      %dma_start3A = arith.constant 0 : i32
      %dma_start3A_44 = tpu.memref_slice %arg3[%add3A_43, %dma_start3A] : memref<320000x128xf32, #tpu.memory_space<hbm>> -> memref<80x128xf32, #tpu.memory_space<hbm>>
      %dma_start3A_45 = arith.constant 0 : i32
      %dma_start3A_46 = tpu.memref_slice %arg3[%add3A_43, %dma_start3A_45] : memref<320000x128xf32, #tpu.memory_space<hbm>> -> memref<80x128xf32, #tpu.memory_space<hbm>>
      tpu.enqueue_dma source(%dma_start3A_46 : memref<80x128xf32, #tpu.memory_space<hbm>>) target(%arg9 : memref<80x128xf32, #tpu.memory_space<vmem>>) target_semaphore(%arg12 : memref<!tpu.dma_semaphore, #tpu.memory_space<semaphore_mem>>)
      %dma_start3A_47 = arith.constant 0 : i32
      %dma_start3A_48 = arith.constant 0 : i32
      %dma_start3A_49 = tpu.memref_slice %arg2[%dma_start3A_47, %dma_start3A_48] : memref<10000x128xf32, #tpu.memory_space<hbm>> -> memref<10000x128xf32, #tpu.memory_space<hbm>>
      tpu.enqueue_indirect_dma source(%dma_start3A_49 : memref<10000x128xf32, #tpu.memory_space<hbm>>) target(%arg10 : memref<80x128xf32, #tpu.memory_space<vmem>>) offsets(%arg7 : memref<80xi32, #tpu.memory_space<vmem>>) semaphore(%arg13 : memref<!tpu.dma_semaphore, #tpu.memory_space<semaphore_mem>>)
      %dma_wait3A = arith.constant 0 : i32
      %dma_wait3A_50 = tpu.memref_slice %arg3[%add3A_43, %dma_wait3A] : memref<320000x128xf32, #tpu.memory_space<hbm>> -> memref<80x128xf32, #tpu.memory_space<hbm>>
      %dma_wait3A_51 = arith.constant 0 : i32
      %dma_wait3A_52 = tpu.memref_slice %arg3[%add3A_43, %dma_wait3A_51] : memref<320000x128xf32, #tpu.memory_space<hbm>> -> memref<80x128xf32, #tpu.memory_space<hbm>>
      tpu.wait_dma2 semaphore(%arg12 : memref<!tpu.dma_semaphore, #tpu.memory_space<semaphore_mem>>) src(%dma_wait3A_52 : memref<80x128xf32, #tpu.memory_space<hbm>>) dst(%arg9 : memref<80x128xf32, #tpu.memory_space<vmem>>)
      %dma_wait3A_53 = arith.constant 0 : i32
      %dma_wait3A_54 = arith.constant 0 : i32
      %dma_wait3A_55 = tpu.memref_slice %arg2[%dma_wait3A_53, %dma_wait3A_54] : memref<10000x128xf32, #tpu.memory_space<hbm>> -> memref<10000x128xf32, #tpu.memory_space<hbm>>
      tpu.wait_indirect_dma semaphore(%arg13 : memref<!tpu.dma_semaphore, #tpu.memory_space<semaphore_mem>>) src(%dma_wait3A_55 : memref<10000x128xf32, #tpu.memory_space<hbm>>) dst(%arg10 : memref<80x128xf32, #tpu.memory_space<vmem>>)
      %scan3A_56 = arith.constant 0 : i32
      %scan3A_57 = arith.constant 0 : i32
      %scan3A_58 = arith.constant 80 : i32
      %scan3A_59 = arith.addi %scan3A_57, %scan3A_58 : i32
      %scan3A_60 = arith.constant 1 : i32
      scf.for %scan3A_62 = %scan3A_57 to %scan3A_59 step %scan3A_60  : i32 {
        %get3A = arith.index_cast %scan3A_62 : i32 to index
        %get3A_63 = arith.constant 0 : index
        %get3A_64 = tpu.vector_load %arg10[%get3A, %get3A_63] {strides = array<i32>} : memref<80x128xf32, #tpu.memory_space<vmem>>, vector<1x16xf32>,
        %get3A_65 = vector.shape_cast %get3A_64 : vector<1x16xf32> to vector<16xf32>
        %get3A_66 = arith.index_cast %scan3A_62 : i32 to index
        %get3A_67 = arith.constant 0 : index
        %get3A_68 = tpu.vector_load %arg9[%get3A_66, %get3A_67] {strides = array<i32>} : memref<80x128xf32, #tpu.memory_space<vmem>>, vector<1x16xf32>,
        %get3A_69 = vector.shape_cast %get3A_68 : vector<1x16xf32> to vector<16xf32>
        %add3A_70 = arith.addf %get3A_65, %get3A_69 : vector<16xf32>
        %max3A = arith.constant 0.000000e+00 : f32
        %max3A_71 = vector.broadcast %max3A : f32 to vector<16xf32>
        %max3A_72 = arith.maximumf %add3A_70, %max3A_71 : vector<16xf32>
        %swap3A = arith.index_cast %scan3A_62 : i32 to index
        %swap3A_73 = arith.constant 0 : index
        %swap3A_74 = tpu.vector_load %arg10[%swap3A, %swap3A_73] {strides = array<i32>} : memref<80x128xf32, #tpu.memory_space<vmem>>, vector<1x16xf32>,
        %swap3A_75 = vector.shape_cast %swap3A_74 : vector<1x16xf32> to vector<16xf32>
        %swap3A_76 = vector.shape_cast %max3A_72 : vector<16xf32> to vector<1x16xf32>
        tpu.vector_store %arg10[%swap3A, %swap3A_73], %swap3A_76 {strides = array<i32>} : memref<80x128xf32, #tpu.memory_space<vmem>>, vector<1x16xf32>,
        %get3A_77 = arith.index_cast %scan3A_62 : i32 to index
        %get3A_78 = arith.constant 16 : index
        %get3A_79 = tpu.vector_load %arg10[%get3A_77, %get3A_78] {strides = array<i32>} : memref<80x128xf32, #tpu.memory_space<vmem>>, vector<1x16xf32>,
        %get3A_80 = vector.shape_cast %get3A_79 : vector<1x16xf32> to vector<16xf32>
        %get3A_81 = arith.index_cast %scan3A_62 : i32 to index
        %get3A_82 = arith.constant 16 : index
        %get3A_83 = tpu.vector_load %arg9[%get3A_81, %get3A_82] {strides = array<i32>} : memref<80x128xf32, #tpu.memory_space<vmem>>, vector<1x16xf32>,
        %get3A_84 = vector.shape_cast %get3A_83 : vector<1x16xf32> to vector<16xf32>
        %add3A_85 = arith.addf %get3A_80, %get3A_84 : vector<16xf32>
        %max3A_86 = arith.constant 0.000000e+00 : f32
        %max3A_87 = vector.broadcast %max3A_86 : f32 to vector<16xf32>
        %max3A_88 = arith.maximumf %add3A_85, %max3A_87 : vector<16xf32>
        %swap3A_89 = arith.index_cast %scan3A_62 : i32 to index
        %swap3A_90 = arith.constant 16 : index
        %swap3A_91 = tpu.vector_load %arg10[%swap3A_89, %swap3A_90] {strides = array<i32>} : memref<80x128xf32, #tpu.memory_space<vmem>>, vector<1x16xf32>,
        %swap3A_92 = vector.shape_cast %swap3A_91 : vector<1x16xf32> to vector<16xf32>
        %swap3A_93 = vector.shape_cast %max3A_88 : vector<16xf32> to vector<1x16xf32>
        tpu.vector_store %arg10[%swap3A_89, %swap3A_90], %swap3A_93 {strides = array<i32>} : memref<80x128xf32, #tpu.memory_space<vmem>>, vector<1x16xf32>,
        %get3A_94 = arith.index_cast %scan3A_62 : i32 to index
        %get3A_95 = arith.constant 32 : index
        %get3A_96 = tpu.vector_load %arg10[%get3A_94, %get3A_95] {strides = array<i32>} : memref<80x128xf32, #tpu.memory_space<vmem>>, vector<1x16xf32>,
        %get3A_97 = vector.shape_cast %get3A_96 : vector<1x16xf32> to vector<16xf32>
        %get3A_98 = arith.index_cast %scan3A_62 : i32 to index
        %get3A_99 = arith.constant 32 : index
        %get3A_100 = tpu.vector_load %arg9[%get3A_98, %get3A_99] {strides = array<i32>} : memref<80x128xf32, #tpu.memory_space<vmem>>, vector<1x16xf32>,
        %get3A_101 = vector.shape_cast %get3A_100 : vector<1x16xf32> to vector<16xf32>
        %add3A_102 = arith.addf %get3A_97, %get3A_101 : vector<16xf32>
        %max3A_103 = arith.constant 0.000000e+00 : f32
        %max3A_104 = vector.broadcast %max3A_103 : f32 to vector<16xf32>
        %max3A_105 = arith.maximumf %add3A_102, %max3A_104 : vector<16xf32>
        %swap3A_106 = arith.index_cast %scan3A_62 : i32 to index
        %swap3A_107 = arith.constant 32 : index
        %swap3A_108 = tpu.vector_load %arg10[%swap3A_106, %swap3A_107] {strides = array<i32>} : memref<80x128xf32, #tpu.memory_space<vmem>>, vector<1x16xf32>,
        %swap3A_109 = vector.shape_cast %swap3A_108 : vector<1x16xf32> to vector<16xf32>
        %swap3A_110 = vector.shape_cast %max3A_105 : vector<16xf32> to vector<1x16xf32>
        tpu.vector_store %arg10[%swap3A_106, %swap3A_107], %swap3A_110 {strides = array<i32>} : memref<80x128xf32, #tpu.memory_space<vmem>>, vector<1x16xf32>,
        %get3A_111 = arith.index_cast %scan3A_62 : i32 to index
        %get3A_112 = arith.constant 48 : index
        %get3A_113 = tpu.vector_load %arg10[%get3A_111, %get3A_112] {strides = array<i32>} : memref<80x128xf32, #tpu.memory_space<vmem>>, vector<1x16xf32>,
        %get3A_114 = vector.shape_cast %get3A_113 : vector<1x16xf32> to vector<16xf32>
        %get3A_115 = arith.index_cast %scan3A_62 : i32 to index
        %get3A_116 = arith.constant 48 : index
        %get3A_117 = tpu.vector_load %arg9[%get3A_115, %get3A_116] {strides = array<i32>} : memref<80x128xf32, #tpu.memory_space<vmem>>, vector<1x16xf32>,
        %get3A_118 = vector.shape_cast %get3A_117 : vector<1x16xf32> to vector<16xf32>
        %add3A_119 = arith.addf %get3A_114, %get3A_118 : vector<16xf32>
        %max3A_120 = arith.constant 0.000000e+00 : f32
        %max3A_121 = vector.broadcast %max3A_120 : f32 to vector<16xf32>
        %max3A_122 = arith.maximumf %add3A_119, %max3A_121 : vector<16xf32>
        %swap3A_123 = arith.index_cast %scan3A_62 : i32 to index
        %swap3A_124 = arith.constant 48 : index
        %swap3A_125 = tpu.vector_load %arg10[%swap3A_123, %swap3A_124] {strides = array<i32>} : memref<80x128xf32, #tpu.memory_space<vmem>>, vector<1x16xf32>,
        %swap3A_126 = vector.shape_cast %swap3A_125 : vector<1x16xf32> to vector<16xf32>
        %swap3A_127 = vector.shape_cast %max3A_122 : vector<16xf32> to vector<1x16xf32>
        tpu.vector_store %arg10[%swap3A_123, %swap3A_124], %swap3A_127 {strides = array<i32>} : memref<80x128xf32, #tpu.memory_space<vmem>>, vector<1x16xf32>,
        %get3A_128 = arith.index_cast %scan3A_62 : i32 to index
        %get3A_129 = arith.constant 64 : index
        %get3A_130 = tpu.vector_load %arg10[%get3A_128, %get3A_129] {strides = array<i32>} : memref<80x128xf32, #tpu.memory_space<vmem>>, vector<1x16xf32>,
        %get3A_131 = vector.shape_cast %get3A_130 : vector<1x16xf32> to vector<16xf32>
        %get3A_132 = arith.index_cast %scan3A_62 : i32 to index
        %get3A_133 = arith.constant 64 : index
        %get3A_134 = tpu.vector_load %arg9[%get3A_132, %get3A_133] {strides = array<i32>} : memref<80x128xf32, #tpu.memory_space<vmem>>, vector<1x16xf32>,
        %get3A_135 = vector.shape_cast %get3A_134 : vector<1x16xf32> to vector<16xf32>
        %add3A_136 = arith.addf %get3A_131, %get3A_135 : vector<16xf32>
        %max3A_137 = arith.constant 0.000000e+00 : f32
        %max3A_138 = vector.broadcast %max3A_137 : f32 to vector<16xf32>
        %max3A_139 = arith.maximumf %add3A_136, %max3A_138 : vector<16xf32>
        %swap3A_140 = arith.index_cast %scan3A_62 : i32 to index
        %swap3A_141 = arith.constant 64 : index
        %swap3A_142 = tpu.vector_load %arg10[%swap3A_140, %swap3A_141] {strides = array<i32>} : memref<80x128xf32, #tpu.memory_space<vmem>>, vector<1x16xf32>,
        %swap3A_143 = vector.shape_cast %swap3A_142 : vector<1x16xf32> to vector<16xf32>
        %swap3A_144 = vector.shape_cast %max3A_139 : vector<16xf32> to vector<1x16xf32>
        tpu.vector_store %arg10[%swap3A_140, %swap3A_141], %swap3A_144 {strides = array<i32>} : memref<80x128xf32, #tpu.memory_space<vmem>>, vector<1x16xf32>,
        %get3A_145 = arith.index_cast %scan3A_62 : i32 to index
        %get3A_146 = arith.constant 80 : index
        %get3A_147 = tpu.vector_load %arg10[%get3A_145, %get3A_146] {strides = array<i32>} : memref<80x128xf32, #tpu.memory_space<vmem>>, vector<1x16xf32>,
        %get3A_148 = vector.shape_cast %get3A_147 : vector<1x16xf32> to vector<16xf32>
        %get3A_149 = arith.index_cast %scan3A_62 : i32 to index
        %get3A_150 = arith.constant 80 : index
        %get3A_151 = tpu.vector_load %arg9[%get3A_149, %get3A_150] {strides = array<i32>} : memref<80x128xf32, #tpu.memory_space<vmem>>, vector<1x16xf32>,
        %get3A_152 = vector.shape_cast %get3A_151 : vector<1x16xf32> to vector<16xf32>
        %add3A_153 = arith.addf %get3A_148, %get3A_152 : vector<16xf32>
        %max3A_154 = arith.constant 0.000000e+00 : f32
        %max3A_155 = vector.broadcast %max3A_154 : f32 to vector<16xf32>
        %max3A_156 = arith.maximumf %add3A_153, %max3A_155 : vector<16xf32>
        %swap3A_157 = arith.index_cast %scan3A_62 : i32 to index
        %swap3A_158 = arith.constant 80 : index
        %swap3A_159 = tpu.vector_load %arg10[%swap3A_157, %swap3A_158] {strides = array<i32>} : memref<80x128xf32, #tpu.memory_space<vmem>>, vector<1x16xf32>,
        %swap3A_160 = vector.shape_cast %swap3A_159 : vector<1x16xf32> to vector<16xf32>
        %swap3A_161 = vector.shape_cast %max3A_156 : vector<16xf32> to vector<1x16xf32>
        tpu.vector_store %arg10[%swap3A_157, %swap3A_158], %swap3A_161 {strides = array<i32>} : memref<80x128xf32, #tpu.memory_space<vmem>>, vector<1x16xf32>,
        %get3A_162 = arith.index_cast %scan3A_62 : i32 to index
        %get3A_163 = arith.constant 96 : index
        %get3A_164 = tpu.vector_load %arg10[%get3A_162, %get3A_163] {strides = array<i32>} : memref<80x128xf32, #tpu.memory_space<vmem>>, vector<1x16xf32>,
        %get3A_165 = vector.shape_cast %get3A_164 : vector<1x16xf32> to vector<16xf32>
        %get3A_166 = arith.index_cast %scan3A_62 : i32 to index
        %get3A_167 = arith.constant 96 : index
        %get3A_168 = tpu.vector_load %arg9[%get3A_166, %get3A_167] {strides = array<i32>} : memref<80x128xf32, #tpu.memory_space<vmem>>, vector<1x16xf32>,
        %get3A_169 = vector.shape_cast %get3A_168 : vector<1x16xf32> to vector<16xf32>
        %add3A_170 = arith.addf %get3A_165, %get3A_169 : vector<16xf32>
        %max3A_171 = arith.constant 0.000000e+00 : f32
        %max3A_172 = vector.broadcast %max3A_171 : f32 to vector<16xf32>
        %max3A_173 = arith.maximumf %add3A_170, %max3A_172 : vector<16xf32>
        %swap3A_174 = arith.index_cast %scan3A_62 : i32 to index
        %swap3A_175 = arith.constant 96 : index
        %swap3A_176 = tpu.vector_load %arg10[%swap3A_174, %swap3A_175] {strides = array<i32>} : memref<80x128xf32, #tpu.memory_space<vmem>>, vector<1x16xf32>,
        %swap3A_177 = vector.shape_cast %swap3A_176 : vector<1x16xf32> to vector<16xf32>
        %swap3A_178 = vector.shape_cast %max3A_173 : vector<16xf32> to vector<1x16xf32>
        tpu.vector_store %arg10[%swap3A_174, %swap3A_175], %swap3A_178 {strides = array<i32>} : memref<80x128xf32, #tpu.memory_space<vmem>>, vector<1x16xf32>,
        %get3A_179 = arith.index_cast %scan3A_62 : i32 to index
        %get3A_180 = arith.constant 112 : index
        %get3A_181 = tpu.vector_load %arg10[%get3A_179, %get3A_180] {strides = array<i32>} : memref<80x128xf32, #tpu.memory_space<vmem>>, vector<1x16xf32>,
        %get3A_182 = vector.shape_cast %get3A_181 : vector<1x16xf32> to vector<16xf32>
        %get3A_183 = arith.index_cast %scan3A_62 : i32 to index
        %get3A_184 = arith.constant 112 : index
        %get3A_185 = tpu.vector_load %arg9[%get3A_183, %get3A_184] {strides = array<i32>} : memref<80x128xf32, #tpu.memory_space<vmem>>, vector<1x16xf32>,
        %get3A_186 = vector.shape_cast %get3A_185 : vector<1x16xf32> to vector<16xf32>
        %add3A_187 = arith.addf %get3A_182, %get3A_186 : vector<16xf32>
        %max3A_188 = arith.constant 0.000000e+00 : f32
        %max3A_189 = vector.broadcast %max3A_188 : f32 to vector<16xf32>
        %max3A_190 = arith.maximumf %add3A_187, %max3A_189 : vector<16xf32>
        %swap3A_191 = arith.index_cast %scan3A_62 : i32 to index
        %swap3A_192 = arith.constant 112 : index
        %swap3A_193 = tpu.vector_load %arg10[%swap3A_191, %swap3A_192] {strides = array<i32>} : memref<80x128xf32, #tpu.memory_space<vmem>>, vector<1x16xf32>,
        %swap3A_194 = vector.shape_cast %swap3A_193 : vector<1x16xf32> to vector<16xf32>
        %swap3A_195 = vector.shape_cast %max3A_190 : vector<16xf32> to vector<1x16xf32>
        tpu.vector_store %arg10[%swap3A_191, %swap3A_192], %swap3A_195 {strides = array<i32>} : memref<80x128xf32, #tpu.memory_space<vmem>>, vector<1x16xf32>,
      }
      %scan3A_61 = arith.constant 80 : i32
      "tpu.region"() ({
        %run_scoped3A = tpu.sem_alloc : memref<!tpu.dma_semaphore, #tpu.memory_space<semaphore_mem>>
        %dma_start3A_62 = arith.constant 0 : i32
        %dma_start3A_63 = arith.constant 0 : i32
        %dma_start3A_64 = tpu.memref_slice %arg11[%dma_start3A_62, %dma_start3A_63] : memref<10000x128xf32, #tpu.memory_space<vmem_shared>> -> memref<10000x128xf32, #tpu.memory_space<vmem_shared>>
        tpu.enqueue_indirect_dma source(%arg10 : memref<80x128xf32, #tpu.memory_space<vmem>>) target(%dma_start3A_64 : memref<10000x128xf32, #tpu.memory_space<vmem_shared>>) offsets(%arg8 : memref<80xi32, #tpu.memory_space<vmem>>) semaphore(%run_scoped3A : memref<!tpu.dma_semaphore, #tpu.memory_space<semaphore_mem>>) {add = true}
        %dma_wait3A_65 = arith.constant 0 : i32
        %dma_wait3A_66 = arith.constant 0 : i32
        %dma_wait3A_67 = tpu.memref_slice %arg11[%dma_wait3A_65, %dma_wait3A_66] : memref<10000x128xf32, #tpu.memory_space<vmem_shared>> -> memref<10000x128xf32, #tpu.memory_space<vmem_shared>>
        tpu.wait_indirect_dma semaphore(%run_scoped3A : memref<!tpu.dma_semaphore, #tpu.memory_space<semaphore_mem>>) src(%arg10 : memref<80x128xf32, #tpu.memory_space<vmem>>) dst(%dma_wait3A_67 : memref<10000x128xf32, #tpu.memory_space<vmem_shared>>)
        tpu.yield
      }) : () -> ()
    }
    %scan3A_31 = arith.constant 125 : i32
    %barrier3A_32 = arith.constant 0 : index
    tpu.barrier barrier_id(%barrier3A_32)
    "tpu.region"() ({
      %run_scoped3A = tpu.sem_alloc : memref<!tpu.dma_semaphore, #tpu.memory_space<semaphore_mem>>
      %dma_start3A = arith.constant 0 : i32
      %dma_start3A_38 = tpu.memref_slice %arg6[%arg0, %mul3A_7, %dma_start3A] : memref<2x10000x128xf32, #tpu.memory_space<hbm>> -> memref<1x624x128xf32, #tpu.memory_space<hbm>>
      %dma_start3A_39 = tpu.memref_squeeze %dma_start3A_38 : memref<1x624x128xf32, #tpu.memory_space<hbm>> -> memref<624x128xf32, #tpu.memory_space<hbm>>
      %dma_start3A_40 = arith.constant 0 : i32
      %dma_start3A_41 = tpu.memref_slice %arg11[%mul3A_7, %dma_start3A_40] : memref<10000x128xf32, #tpu.memory_space<vmem_shared>> -> memref<624x128xf32, #tpu.memory_space<vmem_shared>>
      tpu.enqueue_dma source(%dma_start3A_41 : memref<624x128xf32, #tpu.memory_space<vmem_shared>>) target(%dma_start3A_39 : memref<624x128xf32, #tpu.memory_space<hbm>>) target_semaphore(%run_scoped3A : memref<!tpu.dma_semaphore, #tpu.memory_space<semaphore_mem>>)
      %dma_wait3A = arith.constant 0 : i32
      %dma_wait3A_42 = tpu.memref_slice %arg6[%arg0, %mul3A_7, %dma_wait3A] : memref<2x10000x128xf32, #tpu.memory_space<hbm>> -> memref<1x624x128xf32, #tpu.memory_space<hbm>>
      %dma_wait3A_43 = tpu.memref_squeeze %dma_wait3A_42 : memref<1x624x128xf32, #tpu.memory_space<hbm>> -> memref<624x128xf32, #tpu.memory_space<hbm>>
      %dma_wait3A_44 = arith.constant 0 : i32
      %dma_wait3A_45 = tpu.memref_slice %arg11[%mul3A_7, %dma_wait3A_44] : memref<10000x128xf32, #tpu.memory_space<vmem_shared>> -> memref<624x128xf32, #tpu.memory_space<vmem_shared>>
      tpu.wait_dma2 semaphore(%run_scoped3A : memref<!tpu.dma_semaphore, #tpu.memory_space<semaphore_mem>>) src(%dma_wait3A_45 : memref<624x128xf32, #tpu.memory_space<vmem_shared>>) dst(%dma_wait3A_43 : memref<624x128xf32, #tpu.memory_space<hbm>>)
      tpu.yield
    }) : () -> ()
    %eq3A_33 = arith.constant 15 : i32
    %eq3A_34 = arith.cmpi eq, %arg1, %eq3A_33 : i32
    %convert_element_type3A_35 = arith.extui %eq3A_34 : i1 to i32
    %cond3A_36 = arith.constant 0 : i32
    %cond3A_37 = arith.cmpi ne, %convert_element_type3A_35, %cond3A_36 : i32
    scf.if %cond3A_37 {
      "tpu.region"() ({
        %run_scoped3A = tpu.sem_alloc : memref<!tpu.dma_semaphore, #tpu.memory_space<semaphore_mem>>
        %dma_start3A = arith.constant 9984 : i32
        %dma_start3A_38 = arith.constant 0 : i32
        %dma_start3A_39 = tpu.memref_slice %arg6[%arg0, %dma_start3A, %dma_start3A_38] : memref<2x10000x128xf32, #tpu.memory_space<hbm>> -> memref<1x16x128xf32, #tpu.memory_space<hbm>>
        %dma_start3A_40 = tpu.memref_squeeze %dma_start3A_39 : memref<1x16x128xf32, #tpu.memory_space<hbm>> -> memref<16x128xf32, #tpu.memory_space<hbm>>
        %dma_start3A_41 = arith.constant 9984 : i32
        %dma_start3A_42 = arith.constant 0 : i32
        %dma_start3A_43 = tpu.memref_slice %arg11[%dma_start3A_41, %dma_start3A_42] : memref<10000x128xf32, #tpu.memory_space<vmem_shared>> -> memref<16x128xf32, #tpu.memory_space<vmem_shared>>
        tpu.enqueue_dma source(%dma_start3A_43 : memref<16x128xf32, #tpu.memory_space<vmem_shared>>) target(%dma_start3A_40 : memref<16x128xf32, #tpu.memory_space<hbm>>) target_semaphore(%run_scoped3A : memref<!tpu.dma_semaphore, #tpu.memory_space<semaphore_mem>>)
        %dma_wait3A = arith.constant 9984 : i32
        %dma_wait3A_44 = arith.constant 0 : i32
        %dma_wait3A_45 = tpu.memref_slice %arg6[%arg0, %dma_wait3A, %dma_wait3A_44] : memref<2x10000x128xf32, #tpu.memory_space<hbm>> -> memref<1x16x128xf32, #tpu.memory_space<hbm>>
        %dma_wait3A_46 = tpu.memref_squeeze %dma_wait3A_45 : memref<1x16x128xf32, #tpu.memory_space<hbm>> -> memref<16x128xf32, #tpu.memory_space<hbm>>
        %dma_wait3A_47 = arith.constant 9984 : i32
        %dma_wait3A_48 = arith.constant 0 : i32
        %dma_wait3A_49 = tpu.memref_slice %arg11[%dma_wait3A_47, %dma_wait3A_48] : memref<10000x128xf32, #tpu.memory_space<vmem_shared>> -> memref<16x128xf32, #tpu.memory_space<vmem_shared>>
        tpu.wait_dma2 semaphore(%run_scoped3A : memref<!tpu.dma_semaphore, #tpu.memory_space<semaphore_mem>>) src(%dma_wait3A_49 : memref<16x128xf32, #tpu.memory_space<vmem_shared>>) dst(%dma_wait3A_46 : memref<16x128xf32, #tpu.memory_space<hbm>>)
        tpu.yield
      }) : () -> ()
    } else {
    }
    return
  }
}

#map = affine_map<(d0, d1) -> (0, 0)>
#map1 = affine_map<(d0, d1) -> (0)>
#map2 = affine_map<(d0, d1) -> (0, 0, 0)>
module attributes {stable_mosaic.version = 14 : i64} {
  func.func @_sc_edge_body(%arg0: i32, %arg1: i32, %arg2: memref<10000x128xf32, #tpu.memory_space<hbm>>, %arg3: memref<320000x128xf32, #tpu.memory_space<hbm>>, %arg4: memref<320000xi32, #tpu.memory_space<hbm>>, %arg5: memref<320000xi32, #tpu.memory_space<hbm>>, %arg6: memref<2x10000x128xf32, #tpu.memory_space<hbm>>, %arg7: memref<80xi32, #tpu.memory_space<vmem>>, %arg8: memref<80xi32, #tpu.memory_space<vmem>>, %arg9: memref<80x128xf32, #tpu.memory_space<vmem>>, %arg10: memref<80x128xf32, #tpu.memory_space<vmem>>, %arg11: memref<10000x128xf32, #tpu.memory_space<vmem_shared>>, %arg12: memref<!tpu.dma_semaphore, #tpu.memory_space<semaphore_mem>>, %arg13: memref<!tpu.dma_semaphore, #tpu.memory_space<semaphore_mem>>) attributes {dimension_semantics = [#tpu.dimension_semantics<core_parallel>, #tpu.dimension_semantics<subcore_parallel>], iteration_bounds = array<i64: 2, 16>, scalar_prefetch = 0 : i64, scratch_operands = 7 : i64, tpu.core_type = #tpu.core_type<sc_vector_subcore>, window_params = [{transform_indices = #map}, {transform_indices = #map}, {transform_indices = #map1}, {transform_indices = #map1}, {transform_indices = #map2}]} {
    %mul3A = arith.constant 2 : i32
    %mul3A_0 = arith.muli %arg1, %mul3A : i32
    %add3A = arith.addi %mul3A_0, %arg0 : i32
    %scan3A = arith.constant 0 : i32
    %scan3A_1 = arith.constant 0 : i32
    %scan3A_2 = arith.constant 80 : i32
    %scan3A_3 = arith.addi %scan3A_1, %scan3A_2 : i32
    %scan3A_4 = arith.constant 1 : i32
    scf.for %scan3A_38 = %scan3A_1 to %scan3A_3 step %scan3A_4  : i32 {
      %broadcast_in_dim3A = arith.constant 0.000000e+00 : f32
      %broadcast_in_dim3A_39 = vector.broadcast %broadcast_in_dim3A : f32 to vector<16xf32>
      %swap3A = arith.index_cast %scan3A_38 : i32 to index
      %swap3A_40 = arith.constant 0 : index
      %swap3A_41 = tpu.vector_load %arg9[%swap3A, %swap3A_40] {strides = array<i32>} : memref<80x128xf32, #tpu.memory_space<vmem>>, vector<1x16xf32>,
      %swap3A_42 = vector.shape_cast %swap3A_41 : vector<1x16xf32> to vector<16xf32>
      %swap3A_43 = vector.shape_cast %broadcast_in_dim3A_39 : vector<16xf32> to vector<1x16xf32>
      tpu.vector_store %arg9[%swap3A, %swap3A_40], %swap3A_43 {strides = array<i32>} : memref<80x128xf32, #tpu.memory_space<vmem>>, vector<1x16xf32>,
      %broadcast_in_dim3A_44 = arith.constant 0.000000e+00 : f32
      %broadcast_in_dim3A_45 = vector.broadcast %broadcast_in_dim3A_44 : f32 to vector<16xf32>
      %swap3A_46 = arith.index_cast %scan3A_38 : i32 to index
      %swap3A_47 = arith.constant 16 : index
      %swap3A_48 = tpu.vector_load %arg9[%swap3A_46, %swap3A_47] {strides = array<i32>} : memref<80x128xf32, #tpu.memory_space<vmem>>, vector<1x16xf32>,
      %swap3A_49 = vector.shape_cast %swap3A_48 : vector<1x16xf32> to vector<16xf32>
      %swap3A_50 = vector.shape_cast %broadcast_in_dim3A_45 : vector<16xf32> to vector<1x16xf32>
      tpu.vector_store %arg9[%swap3A_46, %swap3A_47], %swap3A_50 {strides = array<i32>} : memref<80x128xf32, #tpu.memory_space<vmem>>, vector<1x16xf32>,
      %broadcast_in_dim3A_51 = arith.constant 0.000000e+00 : f32
      %broadcast_in_dim3A_52 = vector.broadcast %broadcast_in_dim3A_51 : f32 to vector<16xf32>
      %swap3A_53 = arith.index_cast %scan3A_38 : i32 to index
      %swap3A_54 = arith.constant 32 : index
      %swap3A_55 = tpu.vector_load %arg9[%swap3A_53, %swap3A_54] {strides = array<i32>} : memref<80x128xf32, #tpu.memory_space<vmem>>, vector<1x16xf32>,
      %swap3A_56 = vector.shape_cast %swap3A_55 : vector<1x16xf32> to vector<16xf32>
      %swap3A_57 = vector.shape_cast %broadcast_in_dim3A_52 : vector<16xf32> to vector<1x16xf32>
      tpu.vector_store %arg9[%swap3A_53, %swap3A_54], %swap3A_57 {strides = array<i32>} : memref<80x128xf32, #tpu.memory_space<vmem>>, vector<1x16xf32>,
      %broadcast_in_dim3A_58 = arith.constant 0.000000e+00 : f32
      %broadcast_in_dim3A_59 = vector.broadcast %broadcast_in_dim3A_58 : f32 to vector<16xf32>
      %swap3A_60 = arith.index_cast %scan3A_38 : i32 to index
      %swap3A_61 = arith.constant 48 : index
      %swap3A_62 = tpu.vector_load %arg9[%swap3A_60, %swap3A_61] {strides = array<i32>} : memref<80x128xf32, #tpu.memory_space<vmem>>, vector<1x16xf32>,
      %swap3A_63 = vector.shape_cast %swap3A_62 : vector<1x16xf32> to vector<16xf32>
      %swap3A_64 = vector.shape_cast %broadcast_in_dim3A_59 : vector<16xf32> to vector<1x16xf32>
      tpu.vector_store %arg9[%swap3A_60, %swap3A_61], %swap3A_64 {strides = array<i32>} : memref<80x128xf32, #tpu.memory_space<vmem>>, vector<1x16xf32>,
      %broadcast_in_dim3A_65 = arith.constant 0.000000e+00 : f32
      %broadcast_in_dim3A_66 = vector.broadcast %broadcast_in_dim3A_65 : f32 to vector<16xf32>
      %swap3A_67 = arith.index_cast %scan3A_38 : i32 to index
      %swap3A_68 = arith.constant 64 : index
      %swap3A_69 = tpu.vector_load %arg9[%swap3A_67, %swap3A_68] {strides = array<i32>} : memref<80x128xf32, #tpu.memory_space<vmem>>, vector<1x16xf32>,
      %swap3A_70 = vector.shape_cast %swap3A_69 : vector<1x16xf32> to vector<16xf32>
      %swap3A_71 = vector.shape_cast %broadcast_in_dim3A_66 : vector<16xf32> to vector<1x16xf32>
      tpu.vector_store %arg9[%swap3A_67, %swap3A_68], %swap3A_71 {strides = array<i32>} : memref<80x128xf32, #tpu.memory_space<vmem>>, vector<1x16xf32>,
      %broadcast_in_dim3A_72 = arith.constant 0.000000e+00 : f32
      %broadcast_in_dim3A_73 = vector.broadcast %broadcast_in_dim3A_72 : f32 to vector<16xf32>
      %swap3A_74 = arith.index_cast %scan3A_38 : i32 to index
      %swap3A_75 = arith.constant 80 : index
      %swap3A_76 = tpu.vector_load %arg9[%swap3A_74, %swap3A_75] {strides = array<i32>} : memref<80x128xf32, #tpu.memory_space<vmem>>, vector<1x16xf32>,
      %swap3A_77 = vector.shape_cast %swap3A_76 : vector<1x16xf32> to vector<16xf32>
      %swap3A_78 = vector.shape_cast %broadcast_in_dim3A_73 : vector<16xf32> to vector<1x16xf32>
      tpu.vector_store %arg9[%swap3A_74, %swap3A_75], %swap3A_78 {strides = array<i32>} : memref<80x128xf32, #tpu.memory_space<vmem>>, vector<1x16xf32>,
      %broadcast_in_dim3A_79 = arith.constant 0.000000e+00 : f32
      %broadcast_in_dim3A_80 = vector.broadcast %broadcast_in_dim3A_79 : f32 to vector<16xf32>
      %swap3A_81 = arith.index_cast %scan3A_38 : i32 to index
      %swap3A_82 = arith.constant 96 : index
      %swap3A_83 = tpu.vector_load %arg9[%swap3A_81, %swap3A_82] {strides = array<i32>} : memref<80x128xf32, #tpu.memory_space<vmem>>, vector<1x16xf32>,
      %swap3A_84 = vector.shape_cast %swap3A_83 : vector<1x16xf32> to vector<16xf32>
      %swap3A_85 = vector.shape_cast %broadcast_in_dim3A_80 : vector<16xf32> to vector<1x16xf32>
      tpu.vector_store %arg9[%swap3A_81, %swap3A_82], %swap3A_85 {strides = array<i32>} : memref<80x128xf32, #tpu.memory_space<vmem>>, vector<1x16xf32>,
      %broadcast_in_dim3A_86 = arith.constant 0.000000e+00 : f32
      %broadcast_in_dim3A_87 = vector.broadcast %broadcast_in_dim3A_86 : f32 to vector<16xf32>
      %swap3A_88 = arith.index_cast %scan3A_38 : i32 to index
      %swap3A_89 = arith.constant 112 : index
      %swap3A_90 = tpu.vector_load %arg9[%swap3A_88, %swap3A_89] {strides = array<i32>} : memref<80x128xf32, #tpu.memory_space<vmem>>, vector<1x16xf32>,
      %swap3A_91 = vector.shape_cast %swap3A_90 : vector<1x16xf32> to vector<16xf32>
      %swap3A_92 = vector.shape_cast %broadcast_in_dim3A_87 : vector<16xf32> to vector<1x16xf32>
      tpu.vector_store %arg9[%swap3A_88, %swap3A_89], %swap3A_92 {strides = array<i32>} : memref<80x128xf32, #tpu.memory_space<vmem>>, vector<1x16xf32>,
    }
    %scan3A_5 = arith.constant 80 : i32
    %mul3A_6 = arith.constant 624 : i32
    %mul3A_7 = arith.muli %arg1, %mul3A_6 : i32
    %add3A_8 = arith.constant 0 : i32
    %add3A_9 = arith.addi %mul3A_7, %add3A_8 : i32
    "tpu.region"() ({
      %run_scoped3A = tpu.sem_alloc : memref<!tpu.dma_semaphore, #tpu.memory_space<semaphore_mem>>
      %dma_start3A = arith.constant 0 : i32
      %dma_start3A_38 = tpu.memref_slice %arg11[%add3A_9, %dma_start3A] : memref<10000x128xf32, #tpu.memory_space<vmem_shared>> -> memref<80x128xf32, #tpu.memory_space<vmem_shared>>
      %dma_start3A_39 = arith.constant 0 : i32
      %dma_start3A_40 = tpu.memref_slice %arg11[%add3A_9, %dma_start3A_39] : memref<10000x128xf32, #tpu.memory_space<vmem_shared>> -> memref<80x128xf32, #tpu.memory_space<vmem_shared>>
      tpu.enqueue_dma source(%arg9 : memref<80x128xf32, #tpu.memory_space<vmem>>) target(%dma_start3A_40 : memref<80x128xf32, #tpu.memory_space<vmem_shared>>) target_semaphore(%run_scoped3A : memref<!tpu.dma_semaphore, #tpu.memory_space<semaphore_mem>>)
      %dma_wait3A = arith.constant 0 : i32
      %dma_wait3A_41 = tpu.memref_slice %arg11[%add3A_9, %dma_wait3A] : memref<10000x128xf32, #tpu.memory_space<vmem_shared>> -> memref<80x128xf32, #tpu.memory_space<vmem_shared>>
      %dma_wait3A_42 = arith.constant 0 : i32
      %dma_wait3A_43 = tpu.memref_slice %arg11[%add3A_9, %dma_wait3A_42] : memref<10000x128xf32, #tpu.memory_space<vmem_shared>> -> memref<80x128xf32, #tpu.memory_space<vmem_shared>>
      tpu.wait_dma2 semaphore(%run_scoped3A : memref<!tpu.dma_semaphore, #tpu.memory_space<semaphore_mem>>) src(%arg9 : memref<80x128xf32, #tpu.memory_space<vmem>>) dst(%dma_wait3A_43 : memref<80x128xf32, #tpu.memory_space<vmem_shared>>)
      tpu.yield
    }) : () -> ()
    %add3A_10 = arith.constant 80 : i32
    %add3A_11 = arith.addi %mul3A_7, %add3A_10 : i32
    "tpu.region"() ({
      %run_scoped3A = tpu.sem_alloc : memref<!tpu.dma_semaphore, #tpu.memory_space<semaphore_mem>>
      %dma_start3A = arith.constant 0 : i32
      %dma_start3A_38 = tpu.memref_slice %arg11[%add3A_11, %dma_start3A] : memref<10000x128xf32, #tpu.memory_space<vmem_shared>> -> memref<80x128xf32, #tpu.memory_space<vmem_shared>>
      %dma_start3A_39 = arith.constant 0 : i32
      %dma_start3A_40 = tpu.memref_slice %arg11[%add3A_11, %dma_start3A_39] : memref<10000x128xf32, #tpu.memory_space<vmem_shared>> -> memref<80x128xf32, #tpu.memory_space<vmem_shared>>
      tpu.enqueue_dma source(%arg9 : memref<80x128xf32, #tpu.memory_space<vmem>>) target(%dma_start3A_40 : memref<80x128xf32, #tpu.memory_space<vmem_shared>>) target_semaphore(%run_scoped3A : memref<!tpu.dma_semaphore, #tpu.memory_space<semaphore_mem>>)
      %dma_wait3A = arith.constant 0 : i32
      %dma_wait3A_41 = tpu.memref_slice %arg11[%add3A_11, %dma_wait3A] : memref<10000x128xf32, #tpu.memory_space<vmem_shared>> -> memref<80x128xf32, #tpu.memory_space<vmem_shared>>
      %dma_wait3A_42 = arith.constant 0 : i32
      %dma_wait3A_43 = tpu.memref_slice %arg11[%add3A_11, %dma_wait3A_42] : memref<10000x128xf32, #tpu.memory_space<vmem_shared>> -> memref<80x128xf32, #tpu.memory_space<vmem_shared>>
      tpu.wait_dma2 semaphore(%run_scoped3A : memref<!tpu.dma_semaphore, #tpu.memory_space<semaphore_mem>>) src(%arg9 : memref<80x128xf32, #tpu.memory_space<vmem>>) dst(%dma_wait3A_43 : memref<80x128xf32, #tpu.memory_space<vmem_shared>>)
      tpu.yield
    }) : () -> ()
    %add3A_12 = arith.constant 160 : i32
    %add3A_13 = arith.addi %mul3A_7, %add3A_12 : i32
    "tpu.region"() ({
      %run_scoped3A = tpu.sem_alloc : memref<!tpu.dma_semaphore, #tpu.memory_space<semaphore_mem>>
      %dma_start3A = arith.constant 0 : i32
      %dma_start3A_38 = tpu.memref_slice %arg11[%add3A_13, %dma_start3A] : memref<10000x128xf32, #tpu.memory_space<vmem_shared>> -> memref<80x128xf32, #tpu.memory_space<vmem_shared>>
      %dma_start3A_39 = arith.constant 0 : i32
      %dma_start3A_40 = tpu.memref_slice %arg11[%add3A_13, %dma_start3A_39] : memref<10000x128xf32, #tpu.memory_space<vmem_shared>> -> memref<80x128xf32, #tpu.memory_space<vmem_shared>>
      tpu.enqueue_dma source(%arg9 : memref<80x128xf32, #tpu.memory_space<vmem>>) target(%dma_start3A_40 : memref<80x128xf32, #tpu.memory_space<vmem_shared>>) target_semaphore(%run_scoped3A : memref<!tpu.dma_semaphore, #tpu.memory_space<semaphore_mem>>)
      %dma_wait3A = arith.constant 0 : i32
      %dma_wait3A_41 = tpu.memref_slice %arg11[%add3A_13, %dma_wait3A] : memref<10000x128xf32, #tpu.memory_space<vmem_shared>> -> memref<80x128xf32, #tpu.memory_space<vmem_shared>>
      %dma_wait3A_42 = arith.constant 0 : i32
      %dma_wait3A_43 = tpu.memref_slice %arg11[%add3A_13, %dma_wait3A_42] : memref<10000x128xf32, #tpu.memory_space<vmem_shared>> -> memref<80x128xf32, #tpu.memory_space<vmem_shared>>
      tpu.wait_dma2 semaphore(%run_scoped3A : memref<!tpu.dma_semaphore, #tpu.memory_space<semaphore_mem>>) src(%arg9 : memref<80x128xf32, #tpu.memory_space<vmem>>) dst(%dma_wait3A_43 : memref<80x128xf32, #tpu.memory_space<vmem_shared>>)
      tpu.yield
    }) : () -> ()
    %add3A_14 = arith.constant 240 : i32
    %add3A_15 = arith.addi %mul3A_7, %add3A_14 : i32
    "tpu.region"() ({
      %run_scoped3A = tpu.sem_alloc : memref<!tpu.dma_semaphore, #tpu.memory_space<semaphore_mem>>
      %dma_start3A = arith.constant 0 : i32
      %dma_start3A_38 = tpu.memref_slice %arg11[%add3A_15, %dma_start3A] : memref<10000x128xf32, #tpu.memory_space<vmem_shared>> -> memref<80x128xf32, #tpu.memory_space<vmem_shared>>
      %dma_start3A_39 = arith.constant 0 : i32
      %dma_start3A_40 = tpu.memref_slice %arg11[%add3A_15, %dma_start3A_39] : memref<10000x128xf32, #tpu.memory_space<vmem_shared>> -> memref<80x128xf32, #tpu.memory_space<vmem_shared>>
      tpu.enqueue_dma source(%arg9 : memref<80x128xf32, #tpu.memory_space<vmem>>) target(%dma_start3A_40 : memref<80x128xf32, #tpu.memory_space<vmem_shared>>) target_semaphore(%run_scoped3A : memref<!tpu.dma_semaphore, #tpu.memory_space<semaphore_mem>>)
      %dma_wait3A = arith.constant 0 : i32
      %dma_wait3A_41 = tpu.memref_slice %arg11[%add3A_15, %dma_wait3A] : memref<10000x128xf32, #tpu.memory_space<vmem_shared>> -> memref<80x128xf32, #tpu.memory_space<vmem_shared>>
      %dma_wait3A_42 = arith.constant 0 : i32
      %dma_wait3A_43 = tpu.memref_slice %arg11[%add3A_15, %dma_wait3A_42] : memref<10000x128xf32, #tpu.memory_space<vmem_shared>> -> memref<80x128xf32, #tpu.memory_space<vmem_shared>>
      tpu.wait_dma2 semaphore(%run_scoped3A : memref<!tpu.dma_semaphore, #tpu.memory_space<semaphore_mem>>) src(%arg9 : memref<80x128xf32, #tpu.memory_space<vmem>>) dst(%dma_wait3A_43 : memref<80x128xf32, #tpu.memory_space<vmem_shared>>)
      tpu.yield
    }) : () -> ()
    %add3A_16 = arith.constant 320 : i32
    %add3A_17 = arith.addi %mul3A_7, %add3A_16 : i32
    "tpu.region"() ({
      %run_scoped3A = tpu.sem_alloc : memref<!tpu.dma_semaphore, #tpu.memory_space<semaphore_mem>>
      %dma_start3A = arith.constant 0 : i32
      %dma_start3A_38 = tpu.memref_slice %arg11[%add3A_17, %dma_start3A] : memref<10000x128xf32, #tpu.memory_space<vmem_shared>> -> memref<80x128xf32, #tpu.memory_space<vmem_shared>>
      %dma_start3A_39 = arith.constant 0 : i32
      %dma_start3A_40 = tpu.memref_slice %arg11[%add3A_17, %dma_start3A_39] : memref<10000x128xf32, #tpu.memory_space<vmem_shared>> -> memref<80x128xf32, #tpu.memory_space<vmem_shared>>
      tpu.enqueue_dma source(%arg9 : memref<80x128xf32, #tpu.memory_space<vmem>>) target(%dma_start3A_40 : memref<80x128xf32, #tpu.memory_space<vmem_shared>>) target_semaphore(%run_scoped3A : memref<!tpu.dma_semaphore, #tpu.memory_space<semaphore_mem>>)
      %dma_wait3A = arith.constant 0 : i32
      %dma_wait3A_41 = tpu.memref_slice %arg11[%add3A_17, %dma_wait3A] : memref<10000x128xf32, #tpu.memory_space<vmem_shared>> -> memref<80x128xf32, #tpu.memory_space<vmem_shared>>
      %dma_wait3A_42 = arith.constant 0 : i32
      %dma_wait3A_43 = tpu.memref_slice %arg11[%add3A_17, %dma_wait3A_42] : memref<10000x128xf32, #tpu.memory_space<vmem_shared>> -> memref<80x128xf32, #tpu.memory_space<vmem_shared>>
      tpu.wait_dma2 semaphore(%run_scoped3A : memref<!tpu.dma_semaphore, #tpu.memory_space<semaphore_mem>>) src(%arg9 : memref<80x128xf32, #tpu.memory_space<vmem>>) dst(%dma_wait3A_43 : memref<80x128xf32, #tpu.memory_space<vmem_shared>>)
      tpu.yield
    }) : () -> ()
    %add3A_18 = arith.constant 400 : i32
    %add3A_19 = arith.addi %mul3A_7, %add3A_18 : i32
    "tpu.region"() ({
      %run_scoped3A = tpu.sem_alloc : memref<!tpu.dma_semaphore, #tpu.memory_space<semaphore_mem>>
      %dma_start3A = arith.constant 0 : i32
      %dma_start3A_38 = tpu.memref_slice %arg11[%add3A_19, %dma_start3A] : memref<10000x128xf32, #tpu.memory_space<vmem_shared>> -> memref<80x128xf32, #tpu.memory_space<vmem_shared>>
      %dma_start3A_39 = arith.constant 0 : i32
      %dma_start3A_40 = tpu.memref_slice %arg11[%add3A_19, %dma_start3A_39] : memref<10000x128xf32, #tpu.memory_space<vmem_shared>> -> memref<80x128xf32, #tpu.memory_space<vmem_shared>>
      tpu.enqueue_dma source(%arg9 : memref<80x128xf32, #tpu.memory_space<vmem>>) target(%dma_start3A_40 : memref<80x128xf32, #tpu.memory_space<vmem_shared>>) target_semaphore(%run_scoped3A : memref<!tpu.dma_semaphore, #tpu.memory_space<semaphore_mem>>)
      %dma_wait3A = arith.constant 0 : i32
      %dma_wait3A_41 = tpu.memref_slice %arg11[%add3A_19, %dma_wait3A] : memref<10000x128xf32, #tpu.memory_space<vmem_shared>> -> memref<80x128xf32, #tpu.memory_space<vmem_shared>>
      %dma_wait3A_42 = arith.constant 0 : i32
      %dma_wait3A_43 = tpu.memref_slice %arg11[%add3A_19, %dma_wait3A_42] : memref<10000x128xf32, #tpu.memory_space<vmem_shared>> -> memref<80x128xf32, #tpu.memory_space<vmem_shared>>
      tpu.wait_dma2 semaphore(%run_scoped3A : memref<!tpu.dma_semaphore, #tpu.memory_space<semaphore_mem>>) src(%arg9 : memref<80x128xf32, #tpu.memory_space<vmem>>) dst(%dma_wait3A_43 : memref<80x128xf32, #tpu.memory_space<vmem_shared>>)
      tpu.yield
    }) : () -> ()
    %add3A_20 = arith.constant 480 : i32
    %add3A_21 = arith.addi %mul3A_7, %add3A_20 : i32
    "tpu.region"() ({
      %run_scoped3A = tpu.sem_alloc : memref<!tpu.dma_semaphore, #tpu.memory_space<semaphore_mem>>
      %dma_start3A = arith.constant 0 : i32
      %dma_start3A_38 = tpu.memref_slice %arg11[%add3A_21, %dma_start3A] : memref<10000x128xf32, #tpu.memory_space<vmem_shared>> -> memref<80x128xf32, #tpu.memory_space<vmem_shared>>
      %dma_start3A_39 = arith.constant 0 : i32
      %dma_start3A_40 = tpu.memref_slice %arg11[%add3A_21, %dma_start3A_39] : memref<10000x128xf32, #tpu.memory_space<vmem_shared>> -> memref<80x128xf32, #tpu.memory_space<vmem_shared>>
      tpu.enqueue_dma source(%arg9 : memref<80x128xf32, #tpu.memory_space<vmem>>) target(%dma_start3A_40 : memref<80x128xf32, #tpu.memory_space<vmem_shared>>) target_semaphore(%run_scoped3A : memref<!tpu.dma_semaphore, #tpu.memory_space<semaphore_mem>>)
      %dma_wait3A = arith.constant 0 : i32
      %dma_wait3A_41 = tpu.memref_slice %arg11[%add3A_21, %dma_wait3A] : memref<10000x128xf32, #tpu.memory_space<vmem_shared>> -> memref<80x128xf32, #tpu.memory_space<vmem_shared>>
      %dma_wait3A_42 = arith.constant 0 : i32
      %dma_wait3A_43 = tpu.memref_slice %arg11[%add3A_21, %dma_wait3A_42] : memref<10000x128xf32, #tpu.memory_space<vmem_shared>> -> memref<80x128xf32, #tpu.memory_space<vmem_shared>>
      tpu.wait_dma2 semaphore(%run_scoped3A : memref<!tpu.dma_semaphore, #tpu.memory_space<semaphore_mem>>) src(%arg9 : memref<80x128xf32, #tpu.memory_space<vmem>>) dst(%dma_wait3A_43 : memref<80x128xf32, #tpu.memory_space<vmem_shared>>)
      tpu.yield
    }) : () -> ()
    %add3A_22 = arith.constant 560 : i32
    %add3A_23 = arith.addi %mul3A_7, %add3A_22 : i32
    "tpu.region"() ({
      %run_scoped3A = tpu.sem_alloc : memref<!tpu.dma_semaphore, #tpu.memory_space<semaphore_mem>>
      %dma_start3A = arith.constant 0 : i32
      %dma_start3A_38 = arith.constant 0 : i32
      %dma_start3A_39 = tpu.memref_slice %arg9[%dma_start3A, %dma_start3A_38] : memref<80x128xf32, #tpu.memory_space<vmem>> -> memref<64x128xf32, #tpu.memory_space<vmem>>
      %dma_start3A_40 = arith.constant 0 : i32
      %dma_start3A_41 = tpu.memref_slice %arg11[%add3A_23, %dma_start3A_40] : memref<10000x128xf32, #tpu.memory_space<vmem_shared>> -> memref<64x128xf32, #tpu.memory_space<vmem_shared>>
      %dma_start3A_42 = arith.constant 0 : i32
      %dma_start3A_43 = tpu.memref_slice %arg11[%add3A_23, %dma_start3A_42] : memref<10000x128xf32, #tpu.memory_space<vmem_shared>> -> memref<64x128xf32, #tpu.memory_space<vmem_shared>>
      %dma_start3A_44 = arith.constant 0 : i32
      %dma_start3A_45 = arith.constant 0 : i32
      %dma_start3A_46 = tpu.memref_slice %arg9[%dma_start3A_44, %dma_start3A_45] : memref<80x128xf32, #tpu.memory_space<vmem>> -> memref<64x128xf32, #tpu.memory_space<vmem>>
      tpu.enqueue_dma source(%dma_start3A_46 : memref<64x128xf32, #tpu.memory_space<vmem>>) target(%dma_start3A_43 : memref<64x128xf32, #tpu.memory_space<vmem_shared>>) target_semaphore(%run_scoped3A : memref<!tpu.dma_semaphore, #tpu.memory_space<semaphore_mem>>)
      %dma_wait3A = arith.constant 0 : i32
      %dma_wait3A_47 = arith.constant 0 : i32
      %dma_wait3A_48 = tpu.memref_slice %arg9[%dma_wait3A, %dma_wait3A_47] : memref<80x128xf32, #tpu.memory_space<vmem>> -> memref<64x128xf32, #tpu.memory_space<vmem>>
      %dma_wait3A_49 = arith.constant 0 : i32
      %dma_wait3A_50 = tpu.memref_slice %arg11[%add3A_23, %dma_wait3A_49] : memref<10000x128xf32, #tpu.memory_space<vmem_shared>> -> memref<64x128xf32, #tpu.memory_space<vmem_shared>>
      %dma_wait3A_51 = arith.constant 0 : i32
      %dma_wait3A_52 = tpu.memref_slice %arg11[%add3A_23, %dma_wait3A_51] : memref<10000x128xf32, #tpu.memory_space<vmem_shared>> -> memref<64x128xf32, #tpu.memory_space<vmem_shared>>
      %dma_wait3A_53 = arith.constant 0 : i32
      %dma_wait3A_54 = arith.constant 0 : i32
      %dma_wait3A_55 = tpu.memref_slice %arg9[%dma_wait3A_53, %dma_wait3A_54] : memref<80x128xf32, #tpu.memory_space<vmem>> -> memref<64x128xf32, #tpu.memory_space<vmem>>
      tpu.wait_dma2 semaphore(%run_scoped3A : memref<!tpu.dma_semaphore, #tpu.memory_space<semaphore_mem>>) src(%dma_wait3A_55 : memref<64x128xf32, #tpu.memory_space<vmem>>) dst(%dma_wait3A_52 : memref<64x128xf32, #tpu.memory_space<vmem_shared>>)
      tpu.yield
    }) : () -> ()
    %eq3A = arith.constant 15 : i32
    %eq3A_24 = arith.cmpi eq, %arg1, %eq3A : i32
    %convert_element_type3A = arith.extui %eq3A_24 : i1 to i32
    %cond3A = arith.constant 0 : i32
    %cond3A_25 = arith.cmpi ne, %convert_element_type3A, %cond3A : i32
    scf.if %cond3A_25 {
      "tpu.region"() ({
        %run_scoped3A = tpu.sem_alloc : memref<!tpu.dma_semaphore, #tpu.memory_space<semaphore_mem>>
        %dma_start3A = arith.constant 0 : i32
        %dma_start3A_38 = arith.constant 0 : i32
        %dma_start3A_39 = tpu.memref_slice %arg9[%dma_start3A, %dma_start3A_38] : memref<80x128xf32, #tpu.memory_space<vmem>> -> memref<16x128xf32, #tpu.memory_space<vmem>>
        %dma_start3A_40 = arith.constant 9984 : i32
        %dma_start3A_41 = arith.constant 0 : i32
        %dma_start3A_42 = tpu.memref_slice %arg11[%dma_start3A_40, %dma_start3A_41] : memref<10000x128xf32, #tpu.memory_space<vmem_shared>> -> memref<16x128xf32, #tpu.memory_space<vmem_shared>>
        %dma_start3A_43 = arith.constant 9984 : i32
        %dma_start3A_44 = arith.constant 0 : i32
        %dma_start3A_45 = tpu.memref_slice %arg11[%dma_start3A_43, %dma_start3A_44] : memref<10000x128xf32, #tpu.memory_space<vmem_shared>> -> memref<16x128xf32, #tpu.memory_space<vmem_shared>>
        %dma_start3A_46 = arith.constant 0 : i32
        %dma_start3A_47 = arith.constant 0 : i32
        %dma_start3A_48 = tpu.memref_slice %arg9[%dma_start3A_46, %dma_start3A_47] : memref<80x128xf32, #tpu.memory_space<vmem>> -> memref<16x128xf32, #tpu.memory_space<vmem>>
        tpu.enqueue_dma source(%dma_start3A_48 : memref<16x128xf32, #tpu.memory_space<vmem>>) target(%dma_start3A_45 : memref<16x128xf32, #tpu.memory_space<vmem_shared>>) target_semaphore(%run_scoped3A : memref<!tpu.dma_semaphore, #tpu.memory_space<semaphore_mem>>)
        %dma_wait3A = arith.constant 0 : i32
        %dma_wait3A_49 = arith.constant 0 : i32
        %dma_wait3A_50 = tpu.memref_slice %arg9[%dma_wait3A, %dma_wait3A_49] : memref<80x128xf32, #tpu.memory_space<vmem>> -> memref<16x128xf32, #tpu.memory_space<vmem>>
        %dma_wait3A_51 = arith.constant 9984 : i32
        %dma_wait3A_52 = arith.constant 0 : i32
        %dma_wait3A_53 = tpu.memref_slice %arg11[%dma_wait3A_51, %dma_wait3A_52] : memref<10000x128xf32, #tpu.memory_space<vmem_shared>> -> memref<16x128xf32, #tpu.memory_space<vmem_shared>>
        %dma_wait3A_54 = arith.constant 9984 : i32
        %dma_wait3A_55 = arith.constant 0 : i32
        %dma_wait3A_56 = tpu.memref_slice %arg11[%dma_wait3A_54, %dma_wait3A_55] : memref<10000x128xf32, #tpu.memory_space<vmem_shared>> -> memref<16x128xf32, #tpu.memory_space<vmem_shared>>
        %dma_wait3A_57 = arith.constant 0 : i32
        %dma_wait3A_58 = arith.constant 0 : i32
        %dma_wait3A_59 = tpu.memref_slice %arg9[%dma_wait3A_57, %dma_wait3A_58] : memref<80x128xf32, #tpu.memory_space<vmem>> -> memref<16x128xf32, #tpu.memory_space<vmem>>
        tpu.wait_dma2 semaphore(%run_scoped3A : memref<!tpu.dma_semaphore, #tpu.memory_space<semaphore_mem>>) src(%dma_wait3A_59 : memref<16x128xf32, #tpu.memory_space<vmem>>) dst(%dma_wait3A_56 : memref<16x128xf32, #tpu.memory_space<vmem_shared>>)
        tpu.yield
      }) : () -> ()
    } else {
    }
    %barrier3A = arith.constant 0 : index
    tpu.barrier barrier_id(%barrier3A)
    %scan3A_26 = arith.constant 0 : i32
    %scan3A_27 = arith.constant 0 : i32
    %scan3A_28 = arith.constant 125 : i32
    %scan3A_29 = arith.addi %scan3A_27, %scan3A_28 : i32
    %scan3A_30 = arith.constant 1 : i32
    scf.for %scan3A_38 = %scan3A_27 to %scan3A_29 step %scan3A_30  : i32 {
      %mul3A_39 = arith.constant 10000 : i32
      %mul3A_40 = arith.muli %add3A, %mul3A_39 : i32
      %mul3A_41 = arith.constant 80 : i32
      %mul3A_42 = arith.muli %scan3A_38, %mul3A_41 : i32
      %add3A_43 = arith.addi %mul3A_40, %mul3A_42 : i32
      "tpu.region"() ({
        %run_scoped3A = tpu.sem_alloc : memref<!tpu.dma_semaphore, #tpu.memory_space<semaphore_mem>>
        %dma_start3A_62 = tpu.memref_slice %arg4[%add3A_43] : memref<320000xi32, #tpu.memory_space<hbm>> -> memref<80xi32, #tpu.memory_space<hbm>>
        %dma_start3A_63 = tpu.memref_slice %arg4[%add3A_43] : memref<320000xi32, #tpu.memory_space<hbm>> -> memref<80xi32, #tpu.memory_space<hbm>>
        tpu.enqueue_dma source(%dma_start3A_63 : memref<80xi32, #tpu.memory_space<hbm>>) target(%arg7 : memref<80xi32, #tpu.memory_space<vmem>>) target_semaphore(%run_scoped3A : memref<!tpu.dma_semaphore, #tpu.memory_space<semaphore_mem>>)
        %dma_wait3A_64 = tpu.memref_slice %arg4[%add3A_43] : memref<320000xi32, #tpu.memory_space<hbm>> -> memref<80xi32, #tpu.memory_space<hbm>>
        %dma_wait3A_65 = tpu.memref_slice %arg4[%add3A_43] : memref<320000xi32, #tpu.memory_space<hbm>> -> memref<80xi32, #tpu.memory_space<hbm>>
        tpu.wait_dma2 semaphore(%run_scoped3A : memref<!tpu.dma_semaphore, #tpu.memory_space<semaphore_mem>>) src(%dma_wait3A_65 : memref<80xi32, #tpu.memory_space<hbm>>) dst(%arg7 : memref<80xi32, #tpu.memory_space<vmem>>)
        tpu.yield
      }) : () -> ()
      "tpu.region"() ({
        %run_scoped3A = tpu.sem_alloc : memref<!tpu.dma_semaphore, #tpu.memory_space<semaphore_mem>>
        %dma_start3A_62 = tpu.memref_slice %arg5[%add3A_43] : memref<320000xi32, #tpu.memory_space<hbm>> -> memref<80xi32, #tpu.memory_space<hbm>>
        %dma_start3A_63 = tpu.memref_slice %arg5[%add3A_43] : memref<320000xi32, #tpu.memory_space<hbm>> -> memref<80xi32, #tpu.memory_space<hbm>>
        tpu.enqueue_dma source(%dma_start3A_63 : memref<80xi32, #tpu.memory_space<hbm>>) target(%arg8 : memref<80xi32, #tpu.memory_space<vmem>>) target_semaphore(%run_scoped3A : memref<!tpu.dma_semaphore, #tpu.memory_space<semaphore_mem>>)
        %dma_wait3A_64 = tpu.memref_slice %arg5[%add3A_43] : memref<320000xi32, #tpu.memory_space<hbm>> -> memref<80xi32, #tpu.memory_space<hbm>>
        %dma_wait3A_65 = tpu.memref_slice %arg5[%add3A_43] : memref<320000xi32, #tpu.memory_space<hbm>> -> memref<80xi32, #tpu.memory_space<hbm>>
        tpu.wait_dma2 semaphore(%run_scoped3A : memref<!tpu.dma_semaphore, #tpu.memory_space<semaphore_mem>>) src(%dma_wait3A_65 : memref<80xi32, #tpu.memory_space<hbm>>) dst(%arg8 : memref<80xi32, #tpu.memory_space<vmem>>)
        tpu.yield
      }) : () -> ()
      %dma_start3A = arith.constant 0 : i32
      %dma_start3A_44 = tpu.memref_slice %arg3[%add3A_43, %dma_start3A] : memref<320000x128xf32, #tpu.memory_space<hbm>> -> memref<80x128xf32, #tpu.memory_space<hbm>>
      %dma_start3A_45 = arith.constant 0 : i32
      %dma_start3A_46 = tpu.memref_slice %arg3[%add3A_43, %dma_start3A_45] : memref<320000x128xf32, #tpu.memory_space<hbm>> -> memref<80x128xf32, #tpu.memory_space<hbm>>
      tpu.enqueue_dma source(%dma_start3A_46 : memref<80x128xf32, #tpu.memory_space<hbm>>) target(%arg9 : memref<80x128xf32, #tpu.memory_space<vmem>>) target_semaphore(%arg12 : memref<!tpu.dma_semaphore, #tpu.memory_space<semaphore_mem>>)
      %dma_start3A_47 = arith.constant 0 : i32
      %dma_start3A_48 = arith.constant 0 : i32
      %dma_start3A_49 = tpu.memref_slice %arg2[%dma_start3A_47, %dma_start3A_48] : memref<10000x128xf32, #tpu.memory_space<hbm>> -> memref<10000x128xf32, #tpu.memory_space<hbm>>
      tpu.enqueue_indirect_dma source(%dma_start3A_49 : memref<10000x128xf32, #tpu.memory_space<hbm>>) target(%arg10 : memref<80x128xf32, #tpu.memory_space<vmem>>) offsets(%arg7 : memref<80xi32, #tpu.memory_space<vmem>>) semaphore(%arg13 : memref<!tpu.dma_semaphore, #tpu.memory_space<semaphore_mem>>)
      %dma_wait3A = arith.constant 0 : i32
      %dma_wait3A_50 = tpu.memref_slice %arg3[%add3A_43, %dma_wait3A] : memref<320000x128xf32, #tpu.memory_space<hbm>> -> memref<80x128xf32, #tpu.memory_space<hbm>>
      %dma_wait3A_51 = arith.constant 0 : i32
      %dma_wait3A_52 = tpu.memref_slice %arg3[%add3A_43, %dma_wait3A_51] : memref<320000x128xf32, #tpu.memory_space<hbm>> -> memref<80x128xf32, #tpu.memory_space<hbm>>
      tpu.wait_dma2 semaphore(%arg12 : memref<!tpu.dma_semaphore, #tpu.memory_space<semaphore_mem>>) src(%dma_wait3A_52 : memref<80x128xf32, #tpu.memory_space<hbm>>) dst(%arg9 : memref<80x128xf32, #tpu.memory_space<vmem>>)
      %dma_wait3A_53 = arith.constant 0 : i32
      %dma_wait3A_54 = arith.constant 0 : i32
      %dma_wait3A_55 = tpu.memref_slice %arg2[%dma_wait3A_53, %dma_wait3A_54] : memref<10000x128xf32, #tpu.memory_space<hbm>> -> memref<10000x128xf32, #tpu.memory_space<hbm>>
      tpu.wait_indirect_dma semaphore(%arg13 : memref<!tpu.dma_semaphore, #tpu.memory_space<semaphore_mem>>) src(%dma_wait3A_55 : memref<10000x128xf32, #tpu.memory_space<hbm>>) dst(%arg10 : memref<80x128xf32, #tpu.memory_space<vmem>>)
      %scan3A_56 = arith.constant 0 : i32
      %scan3A_57 = arith.constant 0 : i32
      %scan3A_58 = arith.constant 80 : i32
      %scan3A_59 = arith.addi %scan3A_57, %scan3A_58 : i32
      %scan3A_60 = arith.constant 1 : i32
      scf.for %scan3A_62 = %scan3A_57 to %scan3A_59 step %scan3A_60  : i32 {
        %get3A = arith.index_cast %scan3A_62 : i32 to index
        %get3A_63 = arith.constant 0 : index
        %get3A_64 = tpu.vector_load %arg10[%get3A, %get3A_63] {strides = array<i32>} : memref<80x128xf32, #tpu.memory_space<vmem>>, vector<1x16xf32>,
        %get3A_65 = vector.shape_cast %get3A_64 : vector<1x16xf32> to vector<16xf32>
        %get3A_66 = arith.index_cast %scan3A_62 : i32 to index
        %get3A_67 = arith.constant 0 : index
        %get3A_68 = tpu.vector_load %arg9[%get3A_66, %get3A_67] {strides = array<i32>} : memref<80x128xf32, #tpu.memory_space<vmem>>, vector<1x16xf32>,
        %get3A_69 = vector.shape_cast %get3A_68 : vector<1x16xf32> to vector<16xf32>
        %add3A_70 = arith.addf %get3A_65, %get3A_69 : vector<16xf32>
        %max3A = arith.constant 0.000000e+00 : f32
        %max3A_71 = vector.broadcast %max3A : f32 to vector<16xf32>
        %max3A_72 = arith.maximumf %add3A_70, %max3A_71 : vector<16xf32>
        %swap3A = arith.index_cast %scan3A_62 : i32 to index
        %swap3A_73 = arith.constant 0 : index
        %swap3A_74 = tpu.vector_load %arg10[%swap3A, %swap3A_73] {strides = array<i32>} : memref<80x128xf32, #tpu.memory_space<vmem>>, vector<1x16xf32>,
        %swap3A_75 = vector.shape_cast %swap3A_74 : vector<1x16xf32> to vector<16xf32>
        %swap3A_76 = vector.shape_cast %max3A_72 : vector<16xf32> to vector<1x16xf32>
        tpu.vector_store %arg10[%swap3A, %swap3A_73], %swap3A_76 {strides = array<i32>} : memref<80x128xf32, #tpu.memory_space<vmem>>, vector<1x16xf32>,
        %get3A_77 = arith.index_cast %scan3A_62 : i32 to index
        %get3A_78 = arith.constant 16 : index
        %get3A_79 = tpu.vector_load %arg10[%get3A_77, %get3A_78] {strides = array<i32>} : memref<80x128xf32, #tpu.memory_space<vmem>>, vector<1x16xf32>,
        %get3A_80 = vector.shape_cast %get3A_79 : vector<1x16xf32> to vector<16xf32>
        %get3A_81 = arith.index_cast %scan3A_62 : i32 to index
        %get3A_82 = arith.constant 16 : index
        %get3A_83 = tpu.vector_load %arg9[%get3A_81, %get3A_82] {strides = array<i32>} : memref<80x128xf32, #tpu.memory_space<vmem>>, vector<1x16xf32>,
        %get3A_84 = vector.shape_cast %get3A_83 : vector<1x16xf32> to vector<16xf32>
        %add3A_85 = arith.addf %get3A_80, %get3A_84 : vector<16xf32>
        %max3A_86 = arith.constant 0.000000e+00 : f32
        %max3A_87 = vector.broadcast %max3A_86 : f32 to vector<16xf32>
        %max3A_88 = arith.maximumf %add3A_85, %max3A_87 : vector<16xf32>
        %swap3A_89 = arith.index_cast %scan3A_62 : i32 to index
        %swap3A_90 = arith.constant 16 : index
        %swap3A_91 = tpu.vector_load %arg10[%swap3A_89, %swap3A_90] {strides = array<i32>} : memref<80x128xf32, #tpu.memory_space<vmem>>, vector<1x16xf32>,
        %swap3A_92 = vector.shape_cast %swap3A_91 : vector<1x16xf32> to vector<16xf32>
        %swap3A_93 = vector.shape_cast %max3A_88 : vector<16xf32> to vector<1x16xf32>
        tpu.vector_store %arg10[%swap3A_89, %swap3A_90], %swap3A_93 {strides = array<i32>} : memref<80x128xf32, #tpu.memory_space<vmem>>, vector<1x16xf32>,
        %get3A_94 = arith.index_cast %scan3A_62 : i32 to index
        %get3A_95 = arith.constant 32 : index
        %get3A_96 = tpu.vector_load %arg10[%get3A_94, %get3A_95] {strides = array<i32>} : memref<80x128xf32, #tpu.memory_space<vmem>>, vector<1x16xf32>,
        %get3A_97 = vector.shape_cast %get3A_96 : vector<1x16xf32> to vector<16xf32>
        %get3A_98 = arith.index_cast %scan3A_62 : i32 to index
        %get3A_99 = arith.constant 32 : index
        %get3A_100 = tpu.vector_load %arg9[%get3A_98, %get3A_99] {strides = array<i32>} : memref<80x128xf32, #tpu.memory_space<vmem>>, vector<1x16xf32>,
        %get3A_101 = vector.shape_cast %get3A_100 : vector<1x16xf32> to vector<16xf32>
        %add3A_102 = arith.addf %get3A_97, %get3A_101 : vector<16xf32>
        %max3A_103 = arith.constant 0.000000e+00 : f32
        %max3A_104 = vector.broadcast %max3A_103 : f32 to vector<16xf32>
        %max3A_105 = arith.maximumf %add3A_102, %max3A_104 : vector<16xf32>
        %swap3A_106 = arith.index_cast %scan3A_62 : i32 to index
        %swap3A_107 = arith.constant 32 : index
        %swap3A_108 = tpu.vector_load %arg10[%swap3A_106, %swap3A_107] {strides = array<i32>} : memref<80x128xf32, #tpu.memory_space<vmem>>, vector<1x16xf32>,
        %swap3A_109 = vector.shape_cast %swap3A_108 : vector<1x16xf32> to vector<16xf32>
        %swap3A_110 = vector.shape_cast %max3A_105 : vector<16xf32> to vector<1x16xf32>
        tpu.vector_store %arg10[%swap3A_106, %swap3A_107], %swap3A_110 {strides = array<i32>} : memref<80x128xf32, #tpu.memory_space<vmem>>, vector<1x16xf32>,
        %get3A_111 = arith.index_cast %scan3A_62 : i32 to index
        %get3A_112 = arith.constant 48 : index
        %get3A_113 = tpu.vector_load %arg10[%get3A_111, %get3A_112] {strides = array<i32>} : memref<80x128xf32, #tpu.memory_space<vmem>>, vector<1x16xf32>,
        %get3A_114 = vector.shape_cast %get3A_113 : vector<1x16xf32> to vector<16xf32>
        %get3A_115 = arith.index_cast %scan3A_62 : i32 to index
        %get3A_116 = arith.constant 48 : index
        %get3A_117 = tpu.vector_load %arg9[%get3A_115, %get3A_116] {strides = array<i32>} : memref<80x128xf32, #tpu.memory_space<vmem>>, vector<1x16xf32>,
        %get3A_118 = vector.shape_cast %get3A_117 : vector<1x16xf32> to vector<16xf32>
        %add3A_119 = arith.addf %get3A_114, %get3A_118 : vector<16xf32>
        %max3A_120 = arith.constant 0.000000e+00 : f32
        %max3A_121 = vector.broadcast %max3A_120 : f32 to vector<16xf32>
        %max3A_122 = arith.maximumf %add3A_119, %max3A_121 : vector<16xf32>
        %swap3A_123 = arith.index_cast %scan3A_62 : i32 to index
        %swap3A_124 = arith.constant 48 : index
        %swap3A_125 = tpu.vector_load %arg10[%swap3A_123, %swap3A_124] {strides = array<i32>} : memref<80x128xf32, #tpu.memory_space<vmem>>, vector<1x16xf32>,
        %swap3A_126 = vector.shape_cast %swap3A_125 : vector<1x16xf32> to vector<16xf32>
        %swap3A_127 = vector.shape_cast %max3A_122 : vector<16xf32> to vector<1x16xf32>
        tpu.vector_store %arg10[%swap3A_123, %swap3A_124], %swap3A_127 {strides = array<i32>} : memref<80x128xf32, #tpu.memory_space<vmem>>, vector<1x16xf32>,
        %get3A_128 = arith.index_cast %scan3A_62 : i32 to index
        %get3A_129 = arith.constant 64 : index
        %get3A_130 = tpu.vector_load %arg10[%get3A_128, %get3A_129] {strides = array<i32>} : memref<80x128xf32, #tpu.memory_space<vmem>>, vector<1x16xf32>,
        %get3A_131 = vector.shape_cast %get3A_130 : vector<1x16xf32> to vector<16xf32>
        %get3A_132 = arith.index_cast %scan3A_62 : i32 to index
        %get3A_133 = arith.constant 64 : index
        %get3A_134 = tpu.vector_load %arg9[%get3A_132, %get3A_133] {strides = array<i32>} : memref<80x128xf32, #tpu.memory_space<vmem>>, vector<1x16xf32>,
        %get3A_135 = vector.shape_cast %get3A_134 : vector<1x16xf32> to vector<16xf32>
        %add3A_136 = arith.addf %get3A_131, %get3A_135 : vector<16xf32>
        %max3A_137 = arith.constant 0.000000e+00 : f32
        %max3A_138 = vector.broadcast %max3A_137 : f32 to vector<16xf32>
        %max3A_139 = arith.maximumf %add3A_136, %max3A_138 : vector<16xf32>
        %swap3A_140 = arith.index_cast %scan3A_62 : i32 to index
        %swap3A_141 = arith.constant 64 : index
        %swap3A_142 = tpu.vector_load %arg10[%swap3A_140, %swap3A_141] {strides = array<i32>} : memref<80x128xf32, #tpu.memory_space<vmem>>, vector<1x16xf32>,
        %swap3A_143 = vector.shape_cast %swap3A_142 : vector<1x16xf32> to vector<16xf32>
        %swap3A_144 = vector.shape_cast %max3A_139 : vector<16xf32> to vector<1x16xf32>
        tpu.vector_store %arg10[%swap3A_140, %swap3A_141], %swap3A_144 {strides = array<i32>} : memref<80x128xf32, #tpu.memory_space<vmem>>, vector<1x16xf32>,
        %get3A_145 = arith.index_cast %scan3A_62 : i32 to index
        %get3A_146 = arith.constant 80 : index
        %get3A_147 = tpu.vector_load %arg10[%get3A_145, %get3A_146] {strides = array<i32>} : memref<80x128xf32, #tpu.memory_space<vmem>>, vector<1x16xf32>,
        %get3A_148 = vector.shape_cast %get3A_147 : vector<1x16xf32> to vector<16xf32>
        %get3A_149 = arith.index_cast %scan3A_62 : i32 to index
        %get3A_150 = arith.constant 80 : index
        %get3A_151 = tpu.vector_load %arg9[%get3A_149, %get3A_150] {strides = array<i32>} : memref<80x128xf32, #tpu.memory_space<vmem>>, vector<1x16xf32>,
        %get3A_152 = vector.shape_cast %get3A_151 : vector<1x16xf32> to vector<16xf32>
        %add3A_153 = arith.addf %get3A_148, %get3A_152 : vector<16xf32>
        %max3A_154 = arith.constant 0.000000e+00 : f32
        %max3A_155 = vector.broadcast %max3A_154 : f32 to vector<16xf32>
        %max3A_156 = arith.maximumf %add3A_153, %max3A_155 : vector<16xf32>
        %swap3A_157 = arith.index_cast %scan3A_62 : i32 to index
        %swap3A_158 = arith.constant 80 : index
        %swap3A_159 = tpu.vector_load %arg10[%swap3A_157, %swap3A_158] {strides = array<i32>} : memref<80x128xf32, #tpu.memory_space<vmem>>, vector<1x16xf32>,
        %swap3A_160 = vector.shape_cast %swap3A_159 : vector<1x16xf32> to vector<16xf32>
        %swap3A_161 = vector.shape_cast %max3A_156 : vector<16xf32> to vector<1x16xf32>
        tpu.vector_store %arg10[%swap3A_157, %swap3A_158], %swap3A_161 {strides = array<i32>} : memref<80x128xf32, #tpu.memory_space<vmem>>, vector<1x16xf32>,
        %get3A_162 = arith.index_cast %scan3A_62 : i32 to index
        %get3A_163 = arith.constant 96 : index
        %get3A_164 = tpu.vector_load %arg10[%get3A_162, %get3A_163] {strides = array<i32>} : memref<80x128xf32, #tpu.memory_space<vmem>>, vector<1x16xf32>,
        %get3A_165 = vector.shape_cast %get3A_164 : vector<1x16xf32> to vector<16xf32>
        %get3A_166 = arith.index_cast %scan3A_62 : i32 to index
        %get3A_167 = arith.constant 96 : index
        %get3A_168 = tpu.vector_load %arg9[%get3A_166, %get3A_167] {strides = array<i32>} : memref<80x128xf32, #tpu.memory_space<vmem>>, vector<1x16xf32>,
        %get3A_169 = vector.shape_cast %get3A_168 : vector<1x16xf32> to vector<16xf32>
        %add3A_170 = arith.addf %get3A_165, %get3A_169 : vector<16xf32>
        %max3A_171 = arith.constant 0.000000e+00 : f32
        %max3A_172 = vector.broadcast %max3A_171 : f32 to vector<16xf32>
        %max3A_173 = arith.maximumf %add3A_170, %max3A_172 : vector<16xf32>
        %swap3A_174 = arith.index_cast %scan3A_62 : i32 to index
        %swap3A_175 = arith.constant 96 : index
        %swap3A_176 = tpu.vector_load %arg10[%swap3A_174, %swap3A_175] {strides = array<i32>} : memref<80x128xf32, #tpu.memory_space<vmem>>, vector<1x16xf32>,
        %swap3A_177 = vector.shape_cast %swap3A_176 : vector<1x16xf32> to vector<16xf32>
        %swap3A_178 = vector.shape_cast %max3A_173 : vector<16xf32> to vector<1x16xf32>
        tpu.vector_store %arg10[%swap3A_174, %swap3A_175], %swap3A_178 {strides = array<i32>} : memref<80x128xf32, #tpu.memory_space<vmem>>, vector<1x16xf32>,
        %get3A_179 = arith.index_cast %scan3A_62 : i32 to index
        %get3A_180 = arith.constant 112 : index
        %get3A_181 = tpu.vector_load %arg10[%get3A_179, %get3A_180] {strides = array<i32>} : memref<80x128xf32, #tpu.memory_space<vmem>>, vector<1x16xf32>,
        %get3A_182 = vector.shape_cast %get3A_181 : vector<1x16xf32> to vector<16xf32>
        %get3A_183 = arith.index_cast %scan3A_62 : i32 to index
        %get3A_184 = arith.constant 112 : index
        %get3A_185 = tpu.vector_load %arg9[%get3A_183, %get3A_184] {strides = array<i32>} : memref<80x128xf32, #tpu.memory_space<vmem>>, vector<1x16xf32>,
        %get3A_186 = vector.shape_cast %get3A_185 : vector<1x16xf32> to vector<16xf32>
        %add3A_187 = arith.addf %get3A_182, %get3A_186 : vector<16xf32>
        %max3A_188 = arith.constant 0.000000e+00 : f32
        %max3A_189 = vector.broadcast %max3A_188 : f32 to vector<16xf32>
        %max3A_190 = arith.maximumf %add3A_187, %max3A_189 : vector<16xf32>
        %swap3A_191 = arith.index_cast %scan3A_62 : i32 to index
        %swap3A_192 = arith.constant 112 : index
        %swap3A_193 = tpu.vector_load %arg10[%swap3A_191, %swap3A_192] {strides = array<i32>} : memref<80x128xf32, #tpu.memory_space<vmem>>, vector<1x16xf32>,
        %swap3A_194 = vector.shape_cast %swap3A_193 : vector<1x16xf32> to vector<16xf32>
        %swap3A_195 = vector.shape_cast %max3A_190 : vector<16xf32> to vector<1x16xf32>
        tpu.vector_store %arg10[%swap3A_191, %swap3A_192], %swap3A_195 {strides = array<i32>} : memref<80x128xf32, #tpu.memory_space<vmem>>, vector<1x16xf32>,
      }
      %scan3A_61 = arith.constant 80 : i32
      "tpu.region"() ({
        %run_scoped3A = tpu.sem_alloc : memref<!tpu.dma_semaphore, #tpu.memory_space<semaphore_mem>>
        %dma_start3A_62 = arith.constant 0 : i32
        %dma_start3A_63 = arith.constant 0 : i32
        %dma_start3A_64 = tpu.memref_slice %arg11[%dma_start3A_62, %dma_start3A_63] : memref<10000x128xf32, #tpu.memory_space<vmem_shared>> -> memref<10000x128xf32, #tpu.memory_space<vmem_shared>>
        tpu.enqueue_indirect_dma source(%arg10 : memref<80x128xf32, #tpu.memory_space<vmem>>) target(%dma_start3A_64 : memref<10000x128xf32, #tpu.memory_space<vmem_shared>>) offsets(%arg8 : memref<80xi32, #tpu.memory_space<vmem>>) semaphore(%run_scoped3A : memref<!tpu.dma_semaphore, #tpu.memory_space<semaphore_mem>>) {add = true}
        %dma_wait3A_65 = arith.constant 0 : i32
        %dma_wait3A_66 = arith.constant 0 : i32
        %dma_wait3A_67 = tpu.memref_slice %arg11[%dma_wait3A_65, %dma_wait3A_66] : memref<10000x128xf32, #tpu.memory_space<vmem_shared>> -> memref<10000x128xf32, #tpu.memory_space<vmem_shared>>
        tpu.wait_indirect_dma semaphore(%run_scoped3A : memref<!tpu.dma_semaphore, #tpu.memory_space<semaphore_mem>>) src(%arg10 : memref<80x128xf32, #tpu.memory_space<vmem>>) dst(%dma_wait3A_67 : memref<10000x128xf32, #tpu.memory_space<vmem_shared>>)
        tpu.yield
      }) : () -> ()
    }
    %scan3A_31 = arith.constant 125 : i32
    %barrier3A_32 = arith.constant 0 : index
    tpu.barrier barrier_id(%barrier3A_32)
    "tpu.region"() ({
      %run_scoped3A = tpu.sem_alloc : memref<!tpu.dma_semaphore, #tpu.memory_space<semaphore_mem>>
      %dma_start3A = arith.constant 0 : i32
      %dma_start3A_38 = tpu.memref_slice %arg6[%arg0, %mul3A_7, %dma_start3A] : memref<2x10000x128xf32, #tpu.memory_space<hbm>> -> memref<1x624x128xf32, #tpu.memory_space<hbm>>
      %dma_start3A_39 = tpu.memref_squeeze %dma_start3A_38 : memref<1x624x128xf32, #tpu.memory_space<hbm>> -> memref<624x128xf32, #tpu.memory_space<hbm>>
      %dma_start3A_40 = arith.constant 0 : i32
      %dma_start3A_41 = tpu.memref_slice %arg11[%mul3A_7, %dma_start3A_40] : memref<10000x128xf32, #tpu.memory_space<vmem_shared>> -> memref<624x128xf32, #tpu.memory_space<vmem_shared>>
      tpu.enqueue_dma source(%dma_start3A_41 : memref<624x128xf32, #tpu.memory_space<vmem_shared>>) target(%dma_start3A_39 : memref<624x128xf32, #tpu.memory_space<hbm>>) target_semaphore(%run_scoped3A : memref<!tpu.dma_semaphore, #tpu.memory_space<semaphore_mem>>)
      %dma_wait3A = arith.constant 0 : i32
      %dma_wait3A_42 = tpu.memref_slice %arg6[%arg0, %mul3A_7, %dma_wait3A] : memref<2x10000x128xf32, #tpu.memory_space<hbm>> -> memref<1x624x128xf32, #tpu.memory_space<hbm>>
      %dma_wait3A_43 = tpu.memref_squeeze %dma_wait3A_42 : memref<1x624x128xf32, #tpu.memory_space<hbm>> -> memref<624x128xf32, #tpu.memory_space<hbm>>
      %dma_wait3A_44 = arith.constant 0 : i32
      %dma_wait3A_45 = tpu.memref_slice %arg11[%mul3A_7, %dma_wait3A_44] : memref<10000x128xf32, #tpu.memory_space<vmem_shared>> -> memref<624x128xf32, #tpu.memory_space<vmem_shared>>
      tpu.wait_dma2 semaphore(%run_scoped3A : memref<!tpu.dma_semaphore, #tpu.memory_space<semaphore_mem>>) src(%dma_wait3A_45 : memref<624x128xf32, #tpu.memory_space<vmem_shared>>) dst(%dma_wait3A_43 : memref<624x128xf32, #tpu.memory_space<hbm>>)
      tpu.yield
    }) : () -> ()
    %eq3A_33 = arith.constant 15 : i32
    %eq3A_34 = arith.cmpi eq, %arg1, %eq3A_33 : i32
    %convert_element_type3A_35 = arith.extui %eq3A_34 : i1 to i32
    %cond3A_36 = arith.constant 0 : i32
    %cond3A_37 = arith.cmpi ne, %convert_element_type3A_35, %cond3A_36 : i32
    scf.if %cond3A_37 {
      "tpu.region"() ({
        %run_scoped3A = tpu.sem_alloc : memref<!tpu.dma_semaphore, #tpu.memory_space<semaphore_mem>>
        %dma_start3A = arith.constant 9984 : i32
        %dma_start3A_38 = arith.constant 0 : i32
        %dma_start3A_39 = tpu.memref_slice %arg6[%arg0, %dma_start3A, %dma_start3A_38] : memref<2x10000x128xf32, #tpu.memory_space<hbm>> -> memref<1x16x128xf32, #tpu.memory_space<hbm>>
        %dma_start3A_40 = tpu.memref_squeeze %dma_start3A_39 : memref<1x16x128xf32, #tpu.memory_space<hbm>> -> memref<16x128xf32, #tpu.memory_space<hbm>>
        %dma_start3A_41 = arith.constant 9984 : i32
        %dma_start3A_42 = arith.constant 0 : i32
        %dma_start3A_43 = tpu.memref_slice %arg11[%dma_start3A_41, %dma_start3A_42] : memref<10000x128xf32, #tpu.memory_space<vmem_shared>> -> memref<16x128xf32, #tpu.memory_space<vmem_shared>>
        tpu.enqueue_dma source(%dma_start3A_43 : memref<16x128xf32, #tpu.memory_space<vmem_shared>>) target(%dma_start3A_40 : memref<16x128xf32, #tpu.memory_space<hbm>>) target_semaphore(%run_scoped3A : memref<!tpu.dma_semaphore, #tpu.memory_space<semaphore_mem>>)
        %dma_wait3A = arith.constant 9984 : i32
        %dma_wait3A_44 = arith.constant 0 : i32
        %dma_wait3A_45 = tpu.memref_slice %arg6[%arg0, %dma_wait3A, %dma_wait3A_44] : memref<2x10000x128xf32, #tpu.memory_space<hbm>> -> memref<1x16x128xf32, #tpu.memory_space<hbm>>
        %dma_wait3A_46 = tpu.memref_squeeze %dma_wait3A_45 : memref<1x16x128xf32, #tpu.memory_space<hbm>> -> memref<16x128xf32, #tpu.memory_space<hbm>>
        %dma_wait3A_47 = arith.constant 9984 : i32
        %dma_wait3A_48 = arith.constant 0 : i32
        %dma_wait3A_49 = tpu.memref_slice %arg11[%dma_wait3A_47, %dma_wait3A_48] : memref<10000x128xf32, #tpu.memory_space<vmem_shared>> -> memref<16x128xf32, #tpu.memory_space<vmem_shared>>
        tpu.wait_dma2 semaphore(%run_scoped3A : memref<!tpu.dma_semaphore, #tpu.memory_space<semaphore_mem>>) src(%dma_wait3A_49 : memref<16x128xf32, #tpu.memory_space<vmem_shared>>) dst(%dma_wait3A_46 : memref<16x128xf32, #tpu.memory_space<hbm>>)
        tpu.yield
      }) : () -> ()
    } else {
    }
    return
  }
}

#map = affine_map<(d0, d1) -> (0, 0)>
#map1 = affine_map<(d0, d1) -> (0)>
#map2 = affine_map<(d0, d1) -> (0, 0, 0)>
module attributes {stable_mosaic.version = 14 : i64} {
  func.func @_sc_edge_body(%arg0: i32, %arg1: i32, %arg2: memref<10000x128xf32, #tpu.memory_space<hbm>>, %arg3: memref<320000x128xf32, #tpu.memory_space<hbm>>, %arg4: memref<320000xi32, #tpu.memory_space<hbm>>, %arg5: memref<320000xi32, #tpu.memory_space<hbm>>, %arg6: memref<2x10000x128xf32, #tpu.memory_space<hbm>>, %arg7: memref<80xi32, #tpu.memory_space<vmem>>, %arg8: memref<80xi32, #tpu.memory_space<vmem>>, %arg9: memref<80x128xf32, #tpu.memory_space<vmem>>, %arg10: memref<80x128xf32, #tpu.memory_space<vmem>>, %arg11: memref<10000x128xf32, #tpu.memory_space<vmem_shared>>, %arg12: memref<!tpu.dma_semaphore, #tpu.memory_space<semaphore_mem>>, %arg13: memref<!tpu.dma_semaphore, #tpu.memory_space<semaphore_mem>>) attributes {dimension_semantics = [#tpu.dimension_semantics<core_parallel>, #tpu.dimension_semantics<subcore_parallel>], iteration_bounds = array<i64: 2, 16>, scalar_prefetch = 0 : i64, scratch_operands = 7 : i64, tpu.core_type = #tpu.core_type<sc_vector_subcore>, window_params = [{transform_indices = #map}, {transform_indices = #map}, {transform_indices = #map1}, {transform_indices = #map1}, {transform_indices = #map2}]} {
    %mul3A = arith.constant 2 : i32
    %mul3A_0 = arith.muli %arg1, %mul3A : i32
    %add3A = arith.addi %mul3A_0, %arg0 : i32
    %scan3A = arith.constant 0 : i32
    %scan3A_1 = arith.constant 0 : i32
    %scan3A_2 = arith.constant 80 : i32
    %scan3A_3 = arith.addi %scan3A_1, %scan3A_2 : i32
    %scan3A_4 = arith.constant 1 : i32
    scf.for %scan3A_38 = %scan3A_1 to %scan3A_3 step %scan3A_4  : i32 {
      %broadcast_in_dim3A = arith.constant 0.000000e+00 : f32
      %broadcast_in_dim3A_39 = vector.broadcast %broadcast_in_dim3A : f32 to vector<16xf32>
      %swap3A = arith.index_cast %scan3A_38 : i32 to index
      %swap3A_40 = arith.constant 0 : index
      %swap3A_41 = tpu.vector_load %arg9[%swap3A, %swap3A_40] {strides = array<i32>} : memref<80x128xf32, #tpu.memory_space<vmem>>, vector<1x16xf32>,
      %swap3A_42 = vector.shape_cast %swap3A_41 : vector<1x16xf32> to vector<16xf32>
      %swap3A_43 = vector.shape_cast %broadcast_in_dim3A_39 : vector<16xf32> to vector<1x16xf32>
      tpu.vector_store %arg9[%swap3A, %swap3A_40], %swap3A_43 {strides = array<i32>} : memref<80x128xf32, #tpu.memory_space<vmem>>, vector<1x16xf32>,
      %broadcast_in_dim3A_44 = arith.constant 0.000000e+00 : f32
      %broadcast_in_dim3A_45 = vector.broadcast %broadcast_in_dim3A_44 : f32 to vector<16xf32>
      %swap3A_46 = arith.index_cast %scan3A_38 : i32 to index
      %swap3A_47 = arith.constant 16 : index
      %swap3A_48 = tpu.vector_load %arg9[%swap3A_46, %swap3A_47] {strides = array<i32>} : memref<80x128xf32, #tpu.memory_space<vmem>>, vector<1x16xf32>,
      %swap3A_49 = vector.shape_cast %swap3A_48 : vector<1x16xf32> to vector<16xf32>
      %swap3A_50 = vector.shape_cast %broadcast_in_dim3A_45 : vector<16xf32> to vector<1x16xf32>
      tpu.vector_store %arg9[%swap3A_46, %swap3A_47], %swap3A_50 {strides = array<i32>} : memref<80x128xf32, #tpu.memory_space<vmem>>, vector<1x16xf32>,
      %broadcast_in_dim3A_51 = arith.constant 0.000000e+00 : f32
      %broadcast_in_dim3A_52 = vector.broadcast %broadcast_in_dim3A_51 : f32 to vector<16xf32>
      %swap3A_53 = arith.index_cast %scan3A_38 : i32 to index
      %swap3A_54 = arith.constant 32 : index
      %swap3A_55 = tpu.vector_load %arg9[%swap3A_53, %swap3A_54] {strides = array<i32>} : memref<80x128xf32, #tpu.memory_space<vmem>>, vector<1x16xf32>,
      %swap3A_56 = vector.shape_cast %swap3A_55 : vector<1x16xf32> to vector<16xf32>
      %swap3A_57 = vector.shape_cast %broadcast_in_dim3A_52 : vector<16xf32> to vector<1x16xf32>
      tpu.vector_store %arg9[%swap3A_53, %swap3A_54], %swap3A_57 {strides = array<i32>} : memref<80x128xf32, #tpu.memory_space<vmem>>, vector<1x16xf32>,
      %broadcast_in_dim3A_58 = arith.constant 0.000000e+00 : f32
      %broadcast_in_dim3A_59 = vector.broadcast %broadcast_in_dim3A_58 : f32 to vector<16xf32>
      %swap3A_60 = arith.index_cast %scan3A_38 : i32 to index
      %swap3A_61 = arith.constant 48 : index
      %swap3A_62 = tpu.vector_load %arg9[%swap3A_60, %swap3A_61] {strides = array<i32>} : memref<80x128xf32, #tpu.memory_space<vmem>>, vector<1x16xf32>,
      %swap3A_63 = vector.shape_cast %swap3A_62 : vector<1x16xf32> to vector<16xf32>
      %swap3A_64 = vector.shape_cast %broadcast_in_dim3A_59 : vector<16xf32> to vector<1x16xf32>
      tpu.vector_store %arg9[%swap3A_60, %swap3A_61], %swap3A_64 {strides = array<i32>} : memref<80x128xf32, #tpu.memory_space<vmem>>, vector<1x16xf32>,
      %broadcast_in_dim3A_65 = arith.constant 0.000000e+00 : f32
      %broadcast_in_dim3A_66 = vector.broadcast %broadcast_in_dim3A_65 : f32 to vector<16xf32>
      %swap3A_67 = arith.index_cast %scan3A_38 : i32 to index
      %swap3A_68 = arith.constant 64 : index
      %swap3A_69 = tpu.vector_load %arg9[%swap3A_67, %swap3A_68] {strides = array<i32>} : memref<80x128xf32, #tpu.memory_space<vmem>>, vector<1x16xf32>,
      %swap3A_70 = vector.shape_cast %swap3A_69 : vector<1x16xf32> to vector<16xf32>
      %swap3A_71 = vector.shape_cast %broadcast_in_dim3A_66 : vector<16xf32> to vector<1x16xf32>
      tpu.vector_store %arg9[%swap3A_67, %swap3A_68], %swap3A_71 {strides = array<i32>} : memref<80x128xf32, #tpu.memory_space<vmem>>, vector<1x16xf32>,
      %broadcast_in_dim3A_72 = arith.constant 0.000000e+00 : f32
      %broadcast_in_dim3A_73 = vector.broadcast %broadcast_in_dim3A_72 : f32 to vector<16xf32>
      %swap3A_74 = arith.index_cast %scan3A_38 : i32 to index
      %swap3A_75 = arith.constant 80 : index
      %swap3A_76 = tpu.vector_load %arg9[%swap3A_74, %swap3A_75] {strides = array<i32>} : memref<80x128xf32, #tpu.memory_space<vmem>>, vector<1x16xf32>,
      %swap3A_77 = vector.shape_cast %swap3A_76 : vector<1x16xf32> to vector<16xf32>
      %swap3A_78 = vector.shape_cast %broadcast_in_dim3A_73 : vector<16xf32> to vector<1x16xf32>
      tpu.vector_store %arg9[%swap3A_74, %swap3A_75], %swap3A_78 {strides = array<i32>} : memref<80x128xf32, #tpu.memory_space<vmem>>, vector<1x16xf32>,
      %broadcast_in_dim3A_79 = arith.constant 0.000000e+00 : f32
      %broadcast_in_dim3A_80 = vector.broadcast %broadcast_in_dim3A_79 : f32 to vector<16xf32>
      %swap3A_81 = arith.index_cast %scan3A_38 : i32 to index
      %swap3A_82 = arith.constant 96 : index
      %swap3A_83 = tpu.vector_load %arg9[%swap3A_81, %swap3A_82] {strides = array<i32>} : memref<80x128xf32, #tpu.memory_space<vmem>>, vector<1x16xf32>,
      %swap3A_84 = vector.shape_cast %swap3A_83 : vector<1x16xf32> to vector<16xf32>
      %swap3A_85 = vector.shape_cast %broadcast_in_dim3A_80 : vector<16xf32> to vector<1x16xf32>
      tpu.vector_store %arg9[%swap3A_81, %swap3A_82], %swap3A_85 {strides = array<i32>} : memref<80x128xf32, #tpu.memory_space<vmem>>, vector<1x16xf32>,
      %broadcast_in_dim3A_86 = arith.constant 0.000000e+00 : f32
      %broadcast_in_dim3A_87 = vector.broadcast %broadcast_in_dim3A_86 : f32 to vector<16xf32>
      %swap3A_88 = arith.index_cast %scan3A_38 : i32 to index
      %swap3A_89 = arith.constant 112 : index
      %swap3A_90 = tpu.vector_load %arg9[%swap3A_88, %swap3A_89] {strides = array<i32>} : memref<80x128xf32, #tpu.memory_space<vmem>>, vector<1x16xf32>,
      %swap3A_91 = vector.shape_cast %swap3A_90 : vector<1x16xf32> to vector<16xf32>
      %swap3A_92 = vector.shape_cast %broadcast_in_dim3A_87 : vector<16xf32> to vector<1x16xf32>
      tpu.vector_store %arg9[%swap3A_88, %swap3A_89], %swap3A_92 {strides = array<i32>} : memref<80x128xf32, #tpu.memory_space<vmem>>, vector<1x16xf32>,
    }
    %scan3A_5 = arith.constant 80 : i32
    %mul3A_6 = arith.constant 624 : i32
    %mul3A_7 = arith.muli %arg1, %mul3A_6 : i32
    %add3A_8 = arith.constant 0 : i32
    %add3A_9 = arith.addi %mul3A_7, %add3A_8 : i32
    "tpu.region"() ({
      %run_scoped3A = tpu.sem_alloc : memref<!tpu.dma_semaphore, #tpu.memory_space<semaphore_mem>>
      %dma_start3A = arith.constant 0 : i32
      %dma_start3A_38 = tpu.memref_slice %arg11[%add3A_9, %dma_start3A] : memref<10000x128xf32, #tpu.memory_space<vmem_shared>> -> memref<80x128xf32, #tpu.memory_space<vmem_shared>>
      %dma_start3A_39 = arith.constant 0 : i32
      %dma_start3A_40 = tpu.memref_slice %arg11[%add3A_9, %dma_start3A_39] : memref<10000x128xf32, #tpu.memory_space<vmem_shared>> -> memref<80x128xf32, #tpu.memory_space<vmem_shared>>
      tpu.enqueue_dma source(%arg9 : memref<80x128xf32, #tpu.memory_space<vmem>>) target(%dma_start3A_40 : memref<80x128xf32, #tpu.memory_space<vmem_shared>>) target_semaphore(%run_scoped3A : memref<!tpu.dma_semaphore, #tpu.memory_space<semaphore_mem>>)
      %dma_wait3A = arith.constant 0 : i32
      %dma_wait3A_41 = tpu.memref_slice %arg11[%add3A_9, %dma_wait3A] : memref<10000x128xf32, #tpu.memory_space<vmem_shared>> -> memref<80x128xf32, #tpu.memory_space<vmem_shared>>
      %dma_wait3A_42 = arith.constant 0 : i32
      %dma_wait3A_43 = tpu.memref_slice %arg11[%add3A_9, %dma_wait3A_42] : memref<10000x128xf32, #tpu.memory_space<vmem_shared>> -> memref<80x128xf32, #tpu.memory_space<vmem_shared>>
      tpu.wait_dma2 semaphore(%run_scoped3A : memref<!tpu.dma_semaphore, #tpu.memory_space<semaphore_mem>>) src(%arg9 : memref<80x128xf32, #tpu.memory_space<vmem>>) dst(%dma_wait3A_43 : memref<80x128xf32, #tpu.memory_space<vmem_shared>>)
      tpu.yield
    }) : () -> ()
    %add3A_10 = arith.constant 80 : i32
    %add3A_11 = arith.addi %mul3A_7, %add3A_10 : i32
    "tpu.region"() ({
      %run_scoped3A = tpu.sem_alloc : memref<!tpu.dma_semaphore, #tpu.memory_space<semaphore_mem>>
      %dma_start3A = arith.constant 0 : i32
      %dma_start3A_38 = tpu.memref_slice %arg11[%add3A_11, %dma_start3A] : memref<10000x128xf32, #tpu.memory_space<vmem_shared>> -> memref<80x128xf32, #tpu.memory_space<vmem_shared>>
      %dma_start3A_39 = arith.constant 0 : i32
      %dma_start3A_40 = tpu.memref_slice %arg11[%add3A_11, %dma_start3A_39] : memref<10000x128xf32, #tpu.memory_space<vmem_shared>> -> memref<80x128xf32, #tpu.memory_space<vmem_shared>>
      tpu.enqueue_dma source(%arg9 : memref<80x128xf32, #tpu.memory_space<vmem>>) target(%dma_start3A_40 : memref<80x128xf32, #tpu.memory_space<vmem_shared>>) target_semaphore(%run_scoped3A : memref<!tpu.dma_semaphore, #tpu.memory_space<semaphore_mem>>)
      %dma_wait3A = arith.constant 0 : i32
      %dma_wait3A_41 = tpu.memref_slice %arg11[%add3A_11, %dma_wait3A] : memref<10000x128xf32, #tpu.memory_space<vmem_shared>> -> memref<80x128xf32, #tpu.memory_space<vmem_shared>>
      %dma_wait3A_42 = arith.constant 0 : i32
      %dma_wait3A_43 = tpu.memref_slice %arg11[%add3A_11, %dma_wait3A_42] : memref<10000x128xf32, #tpu.memory_space<vmem_shared>> -> memref<80x128xf32, #tpu.memory_space<vmem_shared>>
      tpu.wait_dma2 semaphore(%run_scoped3A : memref<!tpu.dma_semaphore, #tpu.memory_space<semaphore_mem>>) src(%arg9 : memref<80x128xf32, #tpu.memory_space<vmem>>) dst(%dma_wait3A_43 : memref<80x128xf32, #tpu.memory_space<vmem_shared>>)
      tpu.yield
    }) : () -> ()
    %add3A_12 = arith.constant 160 : i32
    %add3A_13 = arith.addi %mul3A_7, %add3A_12 : i32
    "tpu.region"() ({
      %run_scoped3A = tpu.sem_alloc : memref<!tpu.dma_semaphore, #tpu.memory_space<semaphore_mem>>
      %dma_start3A = arith.constant 0 : i32
      %dma_start3A_38 = tpu.memref_slice %arg11[%add3A_13, %dma_start3A] : memref<10000x128xf32, #tpu.memory_space<vmem_shared>> -> memref<80x128xf32, #tpu.memory_space<vmem_shared>>
      %dma_start3A_39 = arith.constant 0 : i32
      %dma_start3A_40 = tpu.memref_slice %arg11[%add3A_13, %dma_start3A_39] : memref<10000x128xf32, #tpu.memory_space<vmem_shared>> -> memref<80x128xf32, #tpu.memory_space<vmem_shared>>
      tpu.enqueue_dma source(%arg9 : memref<80x128xf32, #tpu.memory_space<vmem>>) target(%dma_start3A_40 : memref<80x128xf32, #tpu.memory_space<vmem_shared>>) target_semaphore(%run_scoped3A : memref<!tpu.dma_semaphore, #tpu.memory_space<semaphore_mem>>)
      %dma_wait3A = arith.constant 0 : i32
      %dma_wait3A_41 = tpu.memref_slice %arg11[%add3A_13, %dma_wait3A] : memref<10000x128xf32, #tpu.memory_space<vmem_shared>> -> memref<80x128xf32, #tpu.memory_space<vmem_shared>>
      %dma_wait3A_42 = arith.constant 0 : i32
      %dma_wait3A_43 = tpu.memref_slice %arg11[%add3A_13, %dma_wait3A_42] : memref<10000x128xf32, #tpu.memory_space<vmem_shared>> -> memref<80x128xf32, #tpu.memory_space<vmem_shared>>
      tpu.wait_dma2 semaphore(%run_scoped3A : memref<!tpu.dma_semaphore, #tpu.memory_space<semaphore_mem>>) src(%arg9 : memref<80x128xf32, #tpu.memory_space<vmem>>) dst(%dma_wait3A_43 : memref<80x128xf32, #tpu.memory_space<vmem_shared>>)
      tpu.yield
    }) : () -> ()
    %add3A_14 = arith.constant 240 : i32
    %add3A_15 = arith.addi %mul3A_7, %add3A_14 : i32
    "tpu.region"() ({
      %run_scoped3A = tpu.sem_alloc : memref<!tpu.dma_semaphore, #tpu.memory_space<semaphore_mem>>
      %dma_start3A = arith.constant 0 : i32
      %dma_start3A_38 = tpu.memref_slice %arg11[%add3A_15, %dma_start3A] : memref<10000x128xf32, #tpu.memory_space<vmem_shared>> -> memref<80x128xf32, #tpu.memory_space<vmem_shared>>
      %dma_start3A_39 = arith.constant 0 : i32
      %dma_start3A_40 = tpu.memref_slice %arg11[%add3A_15, %dma_start3A_39] : memref<10000x128xf32, #tpu.memory_space<vmem_shared>> -> memref<80x128xf32, #tpu.memory_space<vmem_shared>>
      tpu.enqueue_dma source(%arg9 : memref<80x128xf32, #tpu.memory_space<vmem>>) target(%dma_start3A_40 : memref<80x128xf32, #tpu.memory_space<vmem_shared>>) target_semaphore(%run_scoped3A : memref<!tpu.dma_semaphore, #tpu.memory_space<semaphore_mem>>)
      %dma_wait3A = arith.constant 0 : i32
      %dma_wait3A_41 = tpu.memref_slice %arg11[%add3A_15, %dma_wait3A] : memref<10000x128xf32, #tpu.memory_space<vmem_shared>> -> memref<80x128xf32, #tpu.memory_space<vmem_shared>>
      %dma_wait3A_42 = arith.constant 0 : i32
      %dma_wait3A_43 = tpu.memref_slice %arg11[%add3A_15, %dma_wait3A_42] : memref<10000x128xf32, #tpu.memory_space<vmem_shared>> -> memref<80x128xf32, #tpu.memory_space<vmem_shared>>
      tpu.wait_dma2 semaphore(%run_scoped3A : memref<!tpu.dma_semaphore, #tpu.memory_space<semaphore_mem>>) src(%arg9 : memref<80x128xf32, #tpu.memory_space<vmem>>) dst(%dma_wait3A_43 : memref<80x128xf32, #tpu.memory_space<vmem_shared>>)
      tpu.yield
    }) : () -> ()
    %add3A_16 = arith.constant 320 : i32
    %add3A_17 = arith.addi %mul3A_7, %add3A_16 : i32
    "tpu.region"() ({
      %run_scoped3A = tpu.sem_alloc : memref<!tpu.dma_semaphore, #tpu.memory_space<semaphore_mem>>
      %dma_start3A = arith.constant 0 : i32
      %dma_start3A_38 = tpu.memref_slice %arg11[%add3A_17, %dma_start3A] : memref<10000x128xf32, #tpu.memory_space<vmem_shared>> -> memref<80x128xf32, #tpu.memory_space<vmem_shared>>
      %dma_start3A_39 = arith.constant 0 : i32
      %dma_start3A_40 = tpu.memref_slice %arg11[%add3A_17, %dma_start3A_39] : memref<10000x128xf32, #tpu.memory_space<vmem_shared>> -> memref<80x128xf32, #tpu.memory_space<vmem_shared>>
      tpu.enqueue_dma source(%arg9 : memref<80x128xf32, #tpu.memory_space<vmem>>) target(%dma_start3A_40 : memref<80x128xf32, #tpu.memory_space<vmem_shared>>) target_semaphore(%run_scoped3A : memref<!tpu.dma_semaphore, #tpu.memory_space<semaphore_mem>>)
      %dma_wait3A = arith.constant 0 : i32
      %dma_wait3A_41 = tpu.memref_slice %arg11[%add3A_17, %dma_wait3A] : memref<10000x128xf32, #tpu.memory_space<vmem_shared>> -> memref<80x128xf32, #tpu.memory_space<vmem_shared>>
      %dma_wait3A_42 = arith.constant 0 : i32
      %dma_wait3A_43 = tpu.memref_slice %arg11[%add3A_17, %dma_wait3A_42] : memref<10000x128xf32, #tpu.memory_space<vmem_shared>> -> memref<80x128xf32, #tpu.memory_space<vmem_shared>>
      tpu.wait_dma2 semaphore(%run_scoped3A : memref<!tpu.dma_semaphore, #tpu.memory_space<semaphore_mem>>) src(%arg9 : memref<80x128xf32, #tpu.memory_space<vmem>>) dst(%dma_wait3A_43 : memref<80x128xf32, #tpu.memory_space<vmem_shared>>)
      tpu.yield
    }) : () -> ()
    %add3A_18 = arith.constant 400 : i32
    %add3A_19 = arith.addi %mul3A_7, %add3A_18 : i32
    "tpu.region"() ({
      %run_scoped3A = tpu.sem_alloc : memref<!tpu.dma_semaphore, #tpu.memory_space<semaphore_mem>>
      %dma_start3A = arith.constant 0 : i32
      %dma_start3A_38 = tpu.memref_slice %arg11[%add3A_19, %dma_start3A] : memref<10000x128xf32, #tpu.memory_space<vmem_shared>> -> memref<80x128xf32, #tpu.memory_space<vmem_shared>>
      %dma_start3A_39 = arith.constant 0 : i32
      %dma_start3A_40 = tpu.memref_slice %arg11[%add3A_19, %dma_start3A_39] : memref<10000x128xf32, #tpu.memory_space<vmem_shared>> -> memref<80x128xf32, #tpu.memory_space<vmem_shared>>
      tpu.enqueue_dma source(%arg9 : memref<80x128xf32, #tpu.memory_space<vmem>>) target(%dma_start3A_40 : memref<80x128xf32, #tpu.memory_space<vmem_shared>>) target_semaphore(%run_scoped3A : memref<!tpu.dma_semaphore, #tpu.memory_space<semaphore_mem>>)
      %dma_wait3A = arith.constant 0 : i32
      %dma_wait3A_41 = tpu.memref_slice %arg11[%add3A_19, %dma_wait3A] : memref<10000x128xf32, #tpu.memory_space<vmem_shared>> -> memref<80x128xf32, #tpu.memory_space<vmem_shared>>
      %dma_wait3A_42 = arith.constant 0 : i32
      %dma_wait3A_43 = tpu.memref_slice %arg11[%add3A_19, %dma_wait3A_42] : memref<10000x128xf32, #tpu.memory_space<vmem_shared>> -> memref<80x128xf32, #tpu.memory_space<vmem_shared>>
      tpu.wait_dma2 semaphore(%run_scoped3A : memref<!tpu.dma_semaphore, #tpu.memory_space<semaphore_mem>>) src(%arg9 : memref<80x128xf32, #tpu.memory_space<vmem>>) dst(%dma_wait3A_43 : memref<80x128xf32, #tpu.memory_space<vmem_shared>>)
      tpu.yield
    }) : () -> ()
    %add3A_20 = arith.constant 480 : i32
    %add3A_21 = arith.addi %mul3A_7, %add3A_20 : i32
    "tpu.region"() ({
      %run_scoped3A = tpu.sem_alloc : memref<!tpu.dma_semaphore, #tpu.memory_space<semaphore_mem>>
      %dma_start3A = arith.constant 0 : i32
      %dma_start3A_38 = tpu.memref_slice %arg11[%add3A_21, %dma_start3A] : memref<10000x128xf32, #tpu.memory_space<vmem_shared>> -> memref<80x128xf32, #tpu.memory_space<vmem_shared>>
      %dma_start3A_39 = arith.constant 0 : i32
      %dma_start3A_40 = tpu.memref_slice %arg11[%add3A_21, %dma_start3A_39] : memref<10000x128xf32, #tpu.memory_space<vmem_shared>> -> memref<80x128xf32, #tpu.memory_space<vmem_shared>>
      tpu.enqueue_dma source(%arg9 : memref<80x128xf32, #tpu.memory_space<vmem>>) target(%dma_start3A_40 : memref<80x128xf32, #tpu.memory_space<vmem_shared>>) target_semaphore(%run_scoped3A : memref<!tpu.dma_semaphore, #tpu.memory_space<semaphore_mem>>)
      %dma_wait3A = arith.constant 0 : i32
      %dma_wait3A_41 = tpu.memref_slice %arg11[%add3A_21, %dma_wait3A] : memref<10000x128xf32, #tpu.memory_space<vmem_shared>> -> memref<80x128xf32, #tpu.memory_space<vmem_shared>>
      %dma_wait3A_42 = arith.constant 0 : i32
      %dma_wait3A_43 = tpu.memref_slice %arg11[%add3A_21, %dma_wait3A_42] : memref<10000x128xf32, #tpu.memory_space<vmem_shared>> -> memref<80x128xf32, #tpu.memory_space<vmem_shared>>
      tpu.wait_dma2 semaphore(%run_scoped3A : memref<!tpu.dma_semaphore, #tpu.memory_space<semaphore_mem>>) src(%arg9 : memref<80x128xf32, #tpu.memory_space<vmem>>) dst(%dma_wait3A_43 : memref<80x128xf32, #tpu.memory_space<vmem_shared>>)
      tpu.yield
    }) : () -> ()
    %add3A_22 = arith.constant 560 : i32
    %add3A_23 = arith.addi %mul3A_7, %add3A_22 : i32
    "tpu.region"() ({
      %run_scoped3A = tpu.sem_alloc : memref<!tpu.dma_semaphore, #tpu.memory_space<semaphore_mem>>
      %dma_start3A = arith.constant 0 : i32
      %dma_start3A_38 = arith.constant 0 : i32
      %dma_start3A_39 = tpu.memref_slice %arg9[%dma_start3A, %dma_start3A_38] : memref<80x128xf32, #tpu.memory_space<vmem>> -> memref<64x128xf32, #tpu.memory_space<vmem>>
      %dma_start3A_40 = arith.constant 0 : i32
      %dma_start3A_41 = tpu.memref_slice %arg11[%add3A_23, %dma_start3A_40] : memref<10000x128xf32, #tpu.memory_space<vmem_shared>> -> memref<64x128xf32, #tpu.memory_space<vmem_shared>>
      %dma_start3A_42 = arith.constant 0 : i32
      %dma_start3A_43 = tpu.memref_slice %arg11[%add3A_23, %dma_start3A_42] : memref<10000x128xf32, #tpu.memory_space<vmem_shared>> -> memref<64x128xf32, #tpu.memory_space<vmem_shared>>
      %dma_start3A_44 = arith.constant 0 : i32
      %dma_start3A_45 = arith.constant 0 : i32
      %dma_start3A_46 = tpu.memref_slice %arg9[%dma_start3A_44, %dma_start3A_45] : memref<80x128xf32, #tpu.memory_space<vmem>> -> memref<64x128xf32, #tpu.memory_space<vmem>>
      tpu.enqueue_dma source(%dma_start3A_46 : memref<64x128xf32, #tpu.memory_space<vmem>>) target(%dma_start3A_43 : memref<64x128xf32, #tpu.memory_space<vmem_shared>>) target_semaphore(%run_scoped3A : memref<!tpu.dma_semaphore, #tpu.memory_space<semaphore_mem>>)
      %dma_wait3A = arith.constant 0 : i32
      %dma_wait3A_47 = arith.constant 0 : i32
      %dma_wait3A_48 = tpu.memref_slice %arg9[%dma_wait3A, %dma_wait3A_47] : memref<80x128xf32, #tpu.memory_space<vmem>> -> memref<64x128xf32, #tpu.memory_space<vmem>>
      %dma_wait3A_49 = arith.constant 0 : i32
      %dma_wait3A_50 = tpu.memref_slice %arg11[%add3A_23, %dma_wait3A_49] : memref<10000x128xf32, #tpu.memory_space<vmem_shared>> -> memref<64x128xf32, #tpu.memory_space<vmem_shared>>
      %dma_wait3A_51 = arith.constant 0 : i32
      %dma_wait3A_52 = tpu.memref_slice %arg11[%add3A_23, %dma_wait3A_51] : memref<10000x128xf32, #tpu.memory_space<vmem_shared>> -> memref<64x128xf32, #tpu.memory_space<vmem_shared>>
      %dma_wait3A_53 = arith.constant 0 : i32
      %dma_wait3A_54 = arith.constant 0 : i32
      %dma_wait3A_55 = tpu.memref_slice %arg9[%dma_wait3A_53, %dma_wait3A_54] : memref<80x128xf32, #tpu.memory_space<vmem>> -> memref<64x128xf32, #tpu.memory_space<vmem>>
      tpu.wait_dma2 semaphore(%run_scoped3A : memref<!tpu.dma_semaphore, #tpu.memory_space<semaphore_mem>>) src(%dma_wait3A_55 : memref<64x128xf32, #tpu.memory_space<vmem>>) dst(%dma_wait3A_52 : memref<64x128xf32, #tpu.memory_space<vmem_shared>>)
      tpu.yield
    }) : () -> ()
    %eq3A = arith.constant 15 : i32
    %eq3A_24 = arith.cmpi eq, %arg1, %eq3A : i32
    %convert_element_type3A = arith.extui %eq3A_24 : i1 to i32
    %cond3A = arith.constant 0 : i32
    %cond3A_25 = arith.cmpi ne, %convert_element_type3A, %cond3A : i32
    scf.if %cond3A_25 {
      "tpu.region"() ({
        %run_scoped3A = tpu.sem_alloc : memref<!tpu.dma_semaphore, #tpu.memory_space<semaphore_mem>>
        %dma_start3A = arith.constant 0 : i32
        %dma_start3A_38 = arith.constant 0 : i32
        %dma_start3A_39 = tpu.memref_slice %arg9[%dma_start3A, %dma_start3A_38] : memref<80x128xf32, #tpu.memory_space<vmem>> -> memref<16x128xf32, #tpu.memory_space<vmem>>
        %dma_start3A_40 = arith.constant 9984 : i32
        %dma_start3A_41 = arith.constant 0 : i32
        %dma_start3A_42 = tpu.memref_slice %arg11[%dma_start3A_40, %dma_start3A_41] : memref<10000x128xf32, #tpu.memory_space<vmem_shared>> -> memref<16x128xf32, #tpu.memory_space<vmem_shared>>
        %dma_start3A_43 = arith.constant 9984 : i32
        %dma_start3A_44 = arith.constant 0 : i32
        %dma_start3A_45 = tpu.memref_slice %arg11[%dma_start3A_43, %dma_start3A_44] : memref<10000x128xf32, #tpu.memory_space<vmem_shared>> -> memref<16x128xf32, #tpu.memory_space<vmem_shared>>
        %dma_start3A_46 = arith.constant 0 : i32
        %dma_start3A_47 = arith.constant 0 : i32
        %dma_start3A_48 = tpu.memref_slice %arg9[%dma_start3A_46, %dma_start3A_47] : memref<80x128xf32, #tpu.memory_space<vmem>> -> memref<16x128xf32, #tpu.memory_space<vmem>>
        tpu.enqueue_dma source(%dma_start3A_48 : memref<16x128xf32, #tpu.memory_space<vmem>>) target(%dma_start3A_45 : memref<16x128xf32, #tpu.memory_space<vmem_shared>>) target_semaphore(%run_scoped3A : memref<!tpu.dma_semaphore, #tpu.memory_space<semaphore_mem>>)
        %dma_wait3A = arith.constant 0 : i32
        %dma_wait3A_49 = arith.constant 0 : i32
        %dma_wait3A_50 = tpu.memref_slice %arg9[%dma_wait3A, %dma_wait3A_49] : memref<80x128xf32, #tpu.memory_space<vmem>> -> memref<16x128xf32, #tpu.memory_space<vmem>>
        %dma_wait3A_51 = arith.constant 9984 : i32
        %dma_wait3A_52 = arith.constant 0 : i32
        %dma_wait3A_53 = tpu.memref_slice %arg11[%dma_wait3A_51, %dma_wait3A_52] : memref<10000x128xf32, #tpu.memory_space<vmem_shared>> -> memref<16x128xf32, #tpu.memory_space<vmem_shared>>
        %dma_wait3A_54 = arith.constant 9984 : i32
        %dma_wait3A_55 = arith.constant 0 : i32
        %dma_wait3A_56 = tpu.memref_slice %arg11[%dma_wait3A_54, %dma_wait3A_55] : memref<10000x128xf32, #tpu.memory_space<vmem_shared>> -> memref<16x128xf32, #tpu.memory_space<vmem_shared>>
        %dma_wait3A_57 = arith.constant 0 : i32
        %dma_wait3A_58 = arith.constant 0 : i32
        %dma_wait3A_59 = tpu.memref_slice %arg9[%dma_wait3A_57, %dma_wait3A_58] : memref<80x128xf32, #tpu.memory_space<vmem>> -> memref<16x128xf32, #tpu.memory_space<vmem>>
        tpu.wait_dma2 semaphore(%run_scoped3A : memref<!tpu.dma_semaphore, #tpu.memory_space<semaphore_mem>>) src(%dma_wait3A_59 : memref<16x128xf32, #tpu.memory_space<vmem>>) dst(%dma_wait3A_56 : memref<16x128xf32, #tpu.memory_space<vmem_shared>>)
        tpu.yield
      }) : () -> ()
    } else {
    }
    %barrier3A = arith.constant 0 : index
    tpu.barrier barrier_id(%barrier3A)
    %scan3A_26 = arith.constant 0 : i32
    %scan3A_27 = arith.constant 0 : i32
    %scan3A_28 = arith.constant 125 : i32
    %scan3A_29 = arith.addi %scan3A_27, %scan3A_28 : i32
    %scan3A_30 = arith.constant 1 : i32
    scf.for %scan3A_38 = %scan3A_27 to %scan3A_29 step %scan3A_30  : i32 {
      %mul3A_39 = arith.constant 10000 : i32
      %mul3A_40 = arith.muli %add3A, %mul3A_39 : i32
      %mul3A_41 = arith.constant 80 : i32
      %mul3A_42 = arith.muli %scan3A_38, %mul3A_41 : i32
      %add3A_43 = arith.addi %mul3A_40, %mul3A_42 : i32
      "tpu.region"() ({
        %run_scoped3A = tpu.sem_alloc : memref<!tpu.dma_semaphore, #tpu.memory_space<semaphore_mem>>
        %dma_start3A_62 = tpu.memref_slice %arg4[%add3A_43] : memref<320000xi32, #tpu.memory_space<hbm>> -> memref<80xi32, #tpu.memory_space<hbm>>
        %dma_start3A_63 = tpu.memref_slice %arg4[%add3A_43] : memref<320000xi32, #tpu.memory_space<hbm>> -> memref<80xi32, #tpu.memory_space<hbm>>
        tpu.enqueue_dma source(%dma_start3A_63 : memref<80xi32, #tpu.memory_space<hbm>>) target(%arg7 : memref<80xi32, #tpu.memory_space<vmem>>) target_semaphore(%run_scoped3A : memref<!tpu.dma_semaphore, #tpu.memory_space<semaphore_mem>>)
        %dma_wait3A_64 = tpu.memref_slice %arg4[%add3A_43] : memref<320000xi32, #tpu.memory_space<hbm>> -> memref<80xi32, #tpu.memory_space<hbm>>
        %dma_wait3A_65 = tpu.memref_slice %arg4[%add3A_43] : memref<320000xi32, #tpu.memory_space<hbm>> -> memref<80xi32, #tpu.memory_space<hbm>>
        tpu.wait_dma2 semaphore(%run_scoped3A : memref<!tpu.dma_semaphore, #tpu.memory_space<semaphore_mem>>) src(%dma_wait3A_65 : memref<80xi32, #tpu.memory_space<hbm>>) dst(%arg7 : memref<80xi32, #tpu.memory_space<vmem>>)
        tpu.yield
      }) : () -> ()
      "tpu.region"() ({
        %run_scoped3A = tpu.sem_alloc : memref<!tpu.dma_semaphore, #tpu.memory_space<semaphore_mem>>
        %dma_start3A_62 = tpu.memref_slice %arg5[%add3A_43] : memref<320000xi32, #tpu.memory_space<hbm>> -> memref<80xi32, #tpu.memory_space<hbm>>
        %dma_start3A_63 = tpu.memref_slice %arg5[%add3A_43] : memref<320000xi32, #tpu.memory_space<hbm>> -> memref<80xi32, #tpu.memory_space<hbm>>
        tpu.enqueue_dma source(%dma_start3A_63 : memref<80xi32, #tpu.memory_space<hbm>>) target(%arg8 : memref<80xi32, #tpu.memory_space<vmem>>) target_semaphore(%run_scoped3A : memref<!tpu.dma_semaphore, #tpu.memory_space<semaphore_mem>>)
        %dma_wait3A_64 = tpu.memref_slice %arg5[%add3A_43] : memref<320000xi32, #tpu.memory_space<hbm>> -> memref<80xi32, #tpu.memory_space<hbm>>
        %dma_wait3A_65 = tpu.memref_slice %arg5[%add3A_43] : memref<320000xi32, #tpu.memory_space<hbm>> -> memref<80xi32, #tpu.memory_space<hbm>>
        tpu.wait_dma2 semaphore(%run_scoped3A : memref<!tpu.dma_semaphore, #tpu.memory_space<semaphore_mem>>) src(%dma_wait3A_65 : memref<80xi32, #tpu.memory_space<hbm>>) dst(%arg8 : memref<80xi32, #tpu.memory_space<vmem>>)
        tpu.yield
      }) : () -> ()
      %dma_start3A = arith.constant 0 : i32
      %dma_start3A_44 = tpu.memref_slice %arg3[%add3A_43, %dma_start3A] : memref<320000x128xf32, #tpu.memory_space<hbm>> -> memref<80x128xf32, #tpu.memory_space<hbm>>
      %dma_start3A_45 = arith.constant 0 : i32
      %dma_start3A_46 = tpu.memref_slice %arg3[%add3A_43, %dma_start3A_45] : memref<320000x128xf32, #tpu.memory_space<hbm>> -> memref<80x128xf32, #tpu.memory_space<hbm>>
      tpu.enqueue_dma source(%dma_start3A_46 : memref<80x128xf32, #tpu.memory_space<hbm>>) target(%arg9 : memref<80x128xf32, #tpu.memory_space<vmem>>) target_semaphore(%arg12 : memref<!tpu.dma_semaphore, #tpu.memory_space<semaphore_mem>>)
      %dma_start3A_47 = arith.constant 0 : i32
      %dma_start3A_48 = arith.constant 0 : i32
      %dma_start3A_49 = tpu.memref_slice %arg2[%dma_start3A_47, %dma_start3A_48] : memref<10000x128xf32, #tpu.memory_space<hbm>> -> memref<10000x128xf32, #tpu.memory_space<hbm>>
      tpu.enqueue_indirect_dma source(%dma_start3A_49 : memref<10000x128xf32, #tpu.memory_space<hbm>>) target(%arg10 : memref<80x128xf32, #tpu.memory_space<vmem>>) offsets(%arg7 : memref<80xi32, #tpu.memory_space<vmem>>) semaphore(%arg13 : memref<!tpu.dma_semaphore, #tpu.memory_space<semaphore_mem>>)
      %dma_wait3A = arith.constant 0 : i32
      %dma_wait3A_50 = tpu.memref_slice %arg3[%add3A_43, %dma_wait3A] : memref<320000x128xf32, #tpu.memory_space<hbm>> -> memref<80x128xf32, #tpu.memory_space<hbm>>
      %dma_wait3A_51 = arith.constant 0 : i32
      %dma_wait3A_52 = tpu.memref_slice %arg3[%add3A_43, %dma_wait3A_51] : memref<320000x128xf32, #tpu.memory_space<hbm>> -> memref<80x128xf32, #tpu.memory_space<hbm>>
      tpu.wait_dma2 semaphore(%arg12 : memref<!tpu.dma_semaphore, #tpu.memory_space<semaphore_mem>>) src(%dma_wait3A_52 : memref<80x128xf32, #tpu.memory_space<hbm>>) dst(%arg9 : memref<80x128xf32, #tpu.memory_space<vmem>>)
      %dma_wait3A_53 = arith.constant 0 : i32
      %dma_wait3A_54 = arith.constant 0 : i32
      %dma_wait3A_55 = tpu.memref_slice %arg2[%dma_wait3A_53, %dma_wait3A_54] : memref<10000x128xf32, #tpu.memory_space<hbm>> -> memref<10000x128xf32, #tpu.memory_space<hbm>>
      tpu.wait_indirect_dma semaphore(%arg13 : memref<!tpu.dma_semaphore, #tpu.memory_space<semaphore_mem>>) src(%dma_wait3A_55 : memref<10000x128xf32, #tpu.memory_space<hbm>>) dst(%arg10 : memref<80x128xf32, #tpu.memory_space<vmem>>)
      %scan3A_56 = arith.constant 0 : i32
      %scan3A_57 = arith.constant 0 : i32
      %scan3A_58 = arith.constant 80 : i32
      %scan3A_59 = arith.addi %scan3A_57, %scan3A_58 : i32
      %scan3A_60 = arith.constant 1 : i32
      scf.for %scan3A_62 = %scan3A_57 to %scan3A_59 step %scan3A_60  : i32 {
        %get3A = arith.index_cast %scan3A_62 : i32 to index
        %get3A_63 = arith.constant 0 : index
        %get3A_64 = tpu.vector_load %arg10[%get3A, %get3A_63] {strides = array<i32>} : memref<80x128xf32, #tpu.memory_space<vmem>>, vector<1x16xf32>,
        %get3A_65 = vector.shape_cast %get3A_64 : vector<1x16xf32> to vector<16xf32>
        %get3A_66 = arith.index_cast %scan3A_62 : i32 to index
        %get3A_67 = arith.constant 0 : index
        %get3A_68 = tpu.vector_load %arg9[%get3A_66, %get3A_67] {strides = array<i32>} : memref<80x128xf32, #tpu.memory_space<vmem>>, vector<1x16xf32>,
        %get3A_69 = vector.shape_cast %get3A_68 : vector<1x16xf32> to vector<16xf32>
        %add3A_70 = arith.addf %get3A_65, %get3A_69 : vector<16xf32>
        %max3A = arith.constant 0.000000e+00 : f32
        %max3A_71 = vector.broadcast %max3A : f32 to vector<16xf32>
        %max3A_72 = arith.maximumf %add3A_70, %max3A_71 : vector<16xf32>
        %swap3A = arith.index_cast %scan3A_62 : i32 to index
        %swap3A_73 = arith.constant 0 : index
        %swap3A_74 = tpu.vector_load %arg10[%swap3A, %swap3A_73] {strides = array<i32>} : memref<80x128xf32, #tpu.memory_space<vmem>>, vector<1x16xf32>,
        %swap3A_75 = vector.shape_cast %swap3A_74 : vector<1x16xf32> to vector<16xf32>
        %swap3A_76 = vector.shape_cast %max3A_72 : vector<16xf32> to vector<1x16xf32>
        tpu.vector_store %arg10[%swap3A, %swap3A_73], %swap3A_76 {strides = array<i32>} : memref<80x128xf32, #tpu.memory_space<vmem>>, vector<1x16xf32>,
        %get3A_77 = arith.index_cast %scan3A_62 : i32 to index
        %get3A_78 = arith.constant 16 : index
        %get3A_79 = tpu.vector_load %arg10[%get3A_77, %get3A_78] {strides = array<i32>} : memref<80x128xf32, #tpu.memory_space<vmem>>, vector<1x16xf32>,
        %get3A_80 = vector.shape_cast %get3A_79 : vector<1x16xf32> to vector<16xf32>
        %get3A_81 = arith.index_cast %scan3A_62 : i32 to index
        %get3A_82 = arith.constant 16 : index
        %get3A_83 = tpu.vector_load %arg9[%get3A_81, %get3A_82] {strides = array<i32>} : memref<80x128xf32, #tpu.memory_space<vmem>>, vector<1x16xf32>,
        %get3A_84 = vector.shape_cast %get3A_83 : vector<1x16xf32> to vector<16xf32>
        %add3A_85 = arith.addf %get3A_80, %get3A_84 : vector<16xf32>
        %max3A_86 = arith.constant 0.000000e+00 : f32
        %max3A_87 = vector.broadcast %max3A_86 : f32 to vector<16xf32>
        %max3A_88 = arith.maximumf %add3A_85, %max3A_87 : vector<16xf32>
        %swap3A_89 = arith.index_cast %scan3A_62 : i32 to index
        %swap3A_90 = arith.constant 16 : index
        %swap3A_91 = tpu.vector_load %arg10[%swap3A_89, %swap3A_90] {strides = array<i32>} : memref<80x128xf32, #tpu.memory_space<vmem>>, vector<1x16xf32>,
        %swap3A_92 = vector.shape_cast %swap3A_91 : vector<1x16xf32> to vector<16xf32>
        %swap3A_93 = vector.shape_cast %max3A_88 : vector<16xf32> to vector<1x16xf32>
        tpu.vector_store %arg10[%swap3A_89, %swap3A_90], %swap3A_93 {strides = array<i32>} : memref<80x128xf32, #tpu.memory_space<vmem>>, vector<1x16xf32>,
        %get3A_94 = arith.index_cast %scan3A_62 : i32 to index
        %get3A_95 = arith.constant 32 : index
        %get3A_96 = tpu.vector_load %arg10[%get3A_94, %get3A_95] {strides = array<i32>} : memref<80x128xf32, #tpu.memory_space<vmem>>, vector<1x16xf32>,
        %get3A_97 = vector.shape_cast %get3A_96 : vector<1x16xf32> to vector<16xf32>
        %get3A_98 = arith.index_cast %scan3A_62 : i32 to index
        %get3A_99 = arith.constant 32 : index
        %get3A_100 = tpu.vector_load %arg9[%get3A_98, %get3A_99] {strides = array<i32>} : memref<80x128xf32, #tpu.memory_space<vmem>>, vector<1x16xf32>,
        %get3A_101 = vector.shape_cast %get3A_100 : vector<1x16xf32> to vector<16xf32>
        %add3A_102 = arith.addf %get3A_97, %get3A_101 : vector<16xf32>
        %max3A_103 = arith.constant 0.000000e+00 : f32
        %max3A_104 = vector.broadcast %max3A_103 : f32 to vector<16xf32>
        %max3A_105 = arith.maximumf %add3A_102, %max3A_104 : vector<16xf32>
        %swap3A_106 = arith.index_cast %scan3A_62 : i32 to index
        %swap3A_107 = arith.constant 32 : index
        %swap3A_108 = tpu.vector_load %arg10[%swap3A_106, %swap3A_107] {strides = array<i32>} : memref<80x128xf32, #tpu.memory_space<vmem>>, vector<1x16xf32>,
        %swap3A_109 = vector.shape_cast %swap3A_108 : vector<1x16xf32> to vector<16xf32>
        %swap3A_110 = vector.shape_cast %max3A_105 : vector<16xf32> to vector<1x16xf32>
        tpu.vector_store %arg10[%swap3A_106, %swap3A_107], %swap3A_110 {strides = array<i32>} : memref<80x128xf32, #tpu.memory_space<vmem>>, vector<1x16xf32>,
        %get3A_111 = arith.index_cast %scan3A_62 : i32 to index
        %get3A_112 = arith.constant 48 : index
        %get3A_113 = tpu.vector_load %arg10[%get3A_111, %get3A_112] {strides = array<i32>} : memref<80x128xf32, #tpu.memory_space<vmem>>, vector<1x16xf32>,
        %get3A_114 = vector.shape_cast %get3A_113 : vector<1x16xf32> to vector<16xf32>
        %get3A_115 = arith.index_cast %scan3A_62 : i32 to index
        %get3A_116 = arith.constant 48 : index
        %get3A_117 = tpu.vector_load %arg9[%get3A_115, %get3A_116] {strides = array<i32>} : memref<80x128xf32, #tpu.memory_space<vmem>>, vector<1x16xf32>,
        %get3A_118 = vector.shape_cast %get3A_117 : vector<1x16xf32> to vector<16xf32>
        %add3A_119 = arith.addf %get3A_114, %get3A_118 : vector<16xf32>
        %max3A_120 = arith.constant 0.000000e+00 : f32
        %max3A_121 = vector.broadcast %max3A_120 : f32 to vector<16xf32>
        %max3A_122 = arith.maximumf %add3A_119, %max3A_121 : vector<16xf32>
        %swap3A_123 = arith.index_cast %scan3A_62 : i32 to index
        %swap3A_124 = arith.constant 48 : index
        %swap3A_125 = tpu.vector_load %arg10[%swap3A_123, %swap3A_124] {strides = array<i32>} : memref<80x128xf32, #tpu.memory_space<vmem>>, vector<1x16xf32>,
        %swap3A_126 = vector.shape_cast %swap3A_125 : vector<1x16xf32> to vector<16xf32>
        %swap3A_127 = vector.shape_cast %max3A_122 : vector<16xf32> to vector<1x16xf32>
        tpu.vector_store %arg10[%swap3A_123, %swap3A_124], %swap3A_127 {strides = array<i32>} : memref<80x128xf32, #tpu.memory_space<vmem>>, vector<1x16xf32>,
        %get3A_128 = arith.index_cast %scan3A_62 : i32 to index
        %get3A_129 = arith.constant 64 : index
        %get3A_130 = tpu.vector_load %arg10[%get3A_128, %get3A_129] {strides = array<i32>} : memref<80x128xf32, #tpu.memory_space<vmem>>, vector<1x16xf32>,
        %get3A_131 = vector.shape_cast %get3A_130 : vector<1x16xf32> to vector<16xf32>
        %get3A_132 = arith.index_cast %scan3A_62 : i32 to index
        %get3A_133 = arith.constant 64 : index
        %get3A_134 = tpu.vector_load %arg9[%get3A_132, %get3A_133] {strides = array<i32>} : memref<80x128xf32, #tpu.memory_space<vmem>>, vector<1x16xf32>,
        %get3A_135 = vector.shape_cast %get3A_134 : vector<1x16xf32> to vector<16xf32>
        %add3A_136 = arith.addf %get3A_131, %get3A_135 : vector<16xf32>
        %max3A_137 = arith.constant 0.000000e+00 : f32
        %max3A_138 = vector.broadcast %max3A_137 : f32 to vector<16xf32>
        %max3A_139 = arith.maximumf %add3A_136, %max3A_138 : vector<16xf32>
        %swap3A_140 = arith.index_cast %scan3A_62 : i32 to index
        %swap3A_141 = arith.constant 64 : index
        %swap3A_142 = tpu.vector_load %arg10[%swap3A_140, %swap3A_141] {strides = array<i32>} : memref<80x128xf32, #tpu.memory_space<vmem>>, vector<1x16xf32>,
        %swap3A_143 = vector.shape_cast %swap3A_142 : vector<1x16xf32> to vector<16xf32>
        %swap3A_144 = vector.shape_cast %max3A_139 : vector<16xf32> to vector<1x16xf32>
        tpu.vector_store %arg10[%swap3A_140, %swap3A_141], %swap3A_144 {strides = array<i32>} : memref<80x128xf32, #tpu.memory_space<vmem>>, vector<1x16xf32>,
        %get3A_145 = arith.index_cast %scan3A_62 : i32 to index
        %get3A_146 = arith.constant 80 : index
        %get3A_147 = tpu.vector_load %arg10[%get3A_145, %get3A_146] {strides = array<i32>} : memref<80x128xf32, #tpu.memory_space<vmem>>, vector<1x16xf32>,
        %get3A_148 = vector.shape_cast %get3A_147 : vector<1x16xf32> to vector<16xf32>
        %get3A_149 = arith.index_cast %scan3A_62 : i32 to index
        %get3A_150 = arith.constant 80 : index
        %get3A_151 = tpu.vector_load %arg9[%get3A_149, %get3A_150] {strides = array<i32>} : memref<80x128xf32, #tpu.memory_space<vmem>>, vector<1x16xf32>,
        %get3A_152 = vector.shape_cast %get3A_151 : vector<1x16xf32> to vector<16xf32>
        %add3A_153 = arith.addf %get3A_148, %get3A_152 : vector<16xf32>
        %max3A_154 = arith.constant 0.000000e+00 : f32
        %max3A_155 = vector.broadcast %max3A_154 : f32 to vector<16xf32>
        %max3A_156 = arith.maximumf %add3A_153, %max3A_155 : vector<16xf32>
        %swap3A_157 = arith.index_cast %scan3A_62 : i32 to index
        %swap3A_158 = arith.constant 80 : index
        %swap3A_159 = tpu.vector_load %arg10[%swap3A_157, %swap3A_158] {strides = array<i32>} : memref<80x128xf32, #tpu.memory_space<vmem>>, vector<1x16xf32>,
        %swap3A_160 = vector.shape_cast %swap3A_159 : vector<1x16xf32> to vector<16xf32>
        %swap3A_161 = vector.shape_cast %max3A_156 : vector<16xf32> to vector<1x16xf32>
        tpu.vector_store %arg10[%swap3A_157, %swap3A_158], %swap3A_161 {strides = array<i32>} : memref<80x128xf32, #tpu.memory_space<vmem>>, vector<1x16xf32>,
        %get3A_162 = arith.index_cast %scan3A_62 : i32 to index
        %get3A_163 = arith.constant 96 : index
        %get3A_164 = tpu.vector_load %arg10[%get3A_162, %get3A_163] {strides = array<i32>} : memref<80x128xf32, #tpu.memory_space<vmem>>, vector<1x16xf32>,
        %get3A_165 = vector.shape_cast %get3A_164 : vector<1x16xf32> to vector<16xf32>
        %get3A_166 = arith.index_cast %scan3A_62 : i32 to index
        %get3A_167 = arith.constant 96 : index
        %get3A_168 = tpu.vector_load %arg9[%get3A_166, %get3A_167] {strides = array<i32>} : memref<80x128xf32, #tpu.memory_space<vmem>>, vector<1x16xf32>,
        %get3A_169 = vector.shape_cast %get3A_168 : vector<1x16xf32> to vector<16xf32>
        %add3A_170 = arith.addf %get3A_165, %get3A_169 : vector<16xf32>
        %max3A_171 = arith.constant 0.000000e+00 : f32
        %max3A_172 = vector.broadcast %max3A_171 : f32 to vector<16xf32>
        %max3A_173 = arith.maximumf %add3A_170, %max3A_172 : vector<16xf32>
        %swap3A_174 = arith.index_cast %scan3A_62 : i32 to index
        %swap3A_175 = arith.constant 96 : index
        %swap3A_176 = tpu.vector_load %arg10[%swap3A_174, %swap3A_175] {strides = array<i32>} : memref<80x128xf32, #tpu.memory_space<vmem>>, vector<1x16xf32>,
        %swap3A_177 = vector.shape_cast %swap3A_176 : vector<1x16xf32> to vector<16xf32>
        %swap3A_178 = vector.shape_cast %max3A_173 : vector<16xf32> to vector<1x16xf32>
        tpu.vector_store %arg10[%swap3A_174, %swap3A_175], %swap3A_178 {strides = array<i32>} : memref<80x128xf32, #tpu.memory_space<vmem>>, vector<1x16xf32>,
        %get3A_179 = arith.index_cast %scan3A_62 : i32 to index
        %get3A_180 = arith.constant 112 : index
        %get3A_181 = tpu.vector_load %arg10[%get3A_179, %get3A_180] {strides = array<i32>} : memref<80x128xf32, #tpu.memory_space<vmem>>, vector<1x16xf32>,
        %get3A_182 = vector.shape_cast %get3A_181 : vector<1x16xf32> to vector<16xf32>
        %get3A_183 = arith.index_cast %scan3A_62 : i32 to index
        %get3A_184 = arith.constant 112 : index
        %get3A_185 = tpu.vector_load %arg9[%get3A_183, %get3A_184] {strides = array<i32>} : memref<80x128xf32, #tpu.memory_space<vmem>>, vector<1x16xf32>,
        %get3A_186 = vector.shape_cast %get3A_185 : vector<1x16xf32> to vector<16xf32>
        %add3A_187 = arith.addf %get3A_182, %get3A_186 : vector<16xf32>
        %max3A_188 = arith.constant 0.000000e+00 : f32
        %max3A_189 = vector.broadcast %max3A_188 : f32 to vector<16xf32>
        %max3A_190 = arith.maximumf %add3A_187, %max3A_189 : vector<16xf32>
        %swap3A_191 = arith.index_cast %scan3A_62 : i32 to index
        %swap3A_192 = arith.constant 112 : index
        %swap3A_193 = tpu.vector_load %arg10[%swap3A_191, %swap3A_192] {strides = array<i32>} : memref<80x128xf32, #tpu.memory_space<vmem>>, vector<1x16xf32>,
        %swap3A_194 = vector.shape_cast %swap3A_193 : vector<1x16xf32> to vector<16xf32>
        %swap3A_195 = vector.shape_cast %max3A_190 : vector<16xf32> to vector<1x16xf32>
        tpu.vector_store %arg10[%swap3A_191, %swap3A_192], %swap3A_195 {strides = array<i32>} : memref<80x128xf32, #tpu.memory_space<vmem>>, vector<1x16xf32>,
      }
      %scan3A_61 = arith.constant 80 : i32
      "tpu.region"() ({
        %run_scoped3A = tpu.sem_alloc : memref<!tpu.dma_semaphore, #tpu.memory_space<semaphore_mem>>
        %dma_start3A_62 = arith.constant 0 : i32
        %dma_start3A_63 = arith.constant 0 : i32
        %dma_start3A_64 = tpu.memref_slice %arg11[%dma_start3A_62, %dma_start3A_63] : memref<10000x128xf32, #tpu.memory_space<vmem_shared>> -> memref<10000x128xf32, #tpu.memory_space<vmem_shared>>
        tpu.enqueue_indirect_dma source(%arg10 : memref<80x128xf32, #tpu.memory_space<vmem>>) target(%dma_start3A_64 : memref<10000x128xf32, #tpu.memory_space<vmem_shared>>) offsets(%arg8 : memref<80xi32, #tpu.memory_space<vmem>>) semaphore(%run_scoped3A : memref<!tpu.dma_semaphore, #tpu.memory_space<semaphore_mem>>) {add = true}
        %dma_wait3A_65 = arith.constant 0 : i32
        %dma_wait3A_66 = arith.constant 0 : i32
        %dma_wait3A_67 = tpu.memref_slice %arg11[%dma_wait3A_65, %dma_wait3A_66] : memref<10000x128xf32, #tpu.memory_space<vmem_shared>> -> memref<10000x128xf32, #tpu.memory_space<vmem_shared>>
        tpu.wait_indirect_dma semaphore(%run_scoped3A : memref<!tpu.dma_semaphore, #tpu.memory_space<semaphore_mem>>) src(%arg10 : memref<80x128xf32, #tpu.memory_space<vmem>>) dst(%dma_wait3A_67 : memref<10000x128xf32, #tpu.memory_space<vmem_shared>>)
        tpu.yield
      }) : () -> ()
    }
    %scan3A_31 = arith.constant 125 : i32
    %barrier3A_32 = arith.constant 0 : index
    tpu.barrier barrier_id(%barrier3A_32)
    "tpu.region"() ({
      %run_scoped3A = tpu.sem_alloc : memref<!tpu.dma_semaphore, #tpu.memory_space<semaphore_mem>>
      %dma_start3A = arith.constant 0 : i32
      %dma_start3A_38 = tpu.memref_slice %arg6[%arg0, %mul3A_7, %dma_start3A] : memref<2x10000x128xf32, #tpu.memory_space<hbm>> -> memref<1x624x128xf32, #tpu.memory_space<hbm>>
      %dma_start3A_39 = tpu.memref_squeeze %dma_start3A_38 : memref<1x624x128xf32, #tpu.memory_space<hbm>> -> memref<624x128xf32, #tpu.memory_space<hbm>>
      %dma_start3A_40 = arith.constant 0 : i32
      %dma_start3A_41 = tpu.memref_slice %arg11[%mul3A_7, %dma_start3A_40] : memref<10000x128xf32, #tpu.memory_space<vmem_shared>> -> memref<624x128xf32, #tpu.memory_space<vmem_shared>>
      tpu.enqueue_dma source(%dma_start3A_41 : memref<624x128xf32, #tpu.memory_space<vmem_shared>>) target(%dma_start3A_39 : memref<624x128xf32, #tpu.memory_space<hbm>>) target_semaphore(%run_scoped3A : memref<!tpu.dma_semaphore, #tpu.memory_space<semaphore_mem>>)
      %dma_wait3A = arith.constant 0 : i32
      %dma_wait3A_42 = tpu.memref_slice %arg6[%arg0, %mul3A_7, %dma_wait3A] : memref<2x10000x128xf32, #tpu.memory_space<hbm>> -> memref<1x624x128xf32, #tpu.memory_space<hbm>>
      %dma_wait3A_43 = tpu.memref_squeeze %dma_wait3A_42 : memref<1x624x128xf32, #tpu.memory_space<hbm>> -> memref<624x128xf32, #tpu.memory_space<hbm>>
      %dma_wait3A_44 = arith.constant 0 : i32
      %dma_wait3A_45 = tpu.memref_slice %arg11[%mul3A_7, %dma_wait3A_44] : memref<10000x128xf32, #tpu.memory_space<vmem_shared>> -> memref<624x128xf32, #tpu.memory_space<vmem_shared>>
      tpu.wait_dma2 semaphore(%run_scoped3A : memref<!tpu.dma_semaphore, #tpu.memory_space<semaphore_mem>>) src(%dma_wait3A_45 : memref<624x128xf32, #tpu.memory_space<vmem_shared>>) dst(%dma_wait3A_43 : memref<624x128xf32, #tpu.memory_space<hbm>>)
      tpu.yield
    }) : () -> ()
    %eq3A_33 = arith.constant 15 : i32
    %eq3A_34 = arith.cmpi eq, %arg1, %eq3A_33 : i32
    %convert_element_type3A_35 = arith.extui %eq3A_34 : i1 to i32
    %cond3A_36 = arith.constant 0 : i32
    %cond3A_37 = arith.cmpi ne, %convert_element_type3A_35, %cond3A_36 : i32
    scf.if %cond3A_37 {
      "tpu.region"() ({
        %run_scoped3A = tpu.sem_alloc : memref<!tpu.dma_semaphore, #tpu.memory_space<semaphore_mem>>
        %dma_start3A = arith.constant 9984 : i32
        %dma_start3A_38 = arith.constant 0 : i32
        %dma_start3A_39 = tpu.memref_slice %arg6[%arg0, %dma_start3A, %dma_start3A_38] : memref<2x10000x128xf32, #tpu.memory_space<hbm>> -> memref<1x16x128xf32, #tpu.memory_space<hbm>>
        %dma_start3A_40 = tpu.memref_squeeze %dma_start3A_39 : memref<1x16x128xf32, #tpu.memory_space<hbm>> -> memref<16x128xf32, #tpu.memory_space<hbm>>
        %dma_start3A_41 = arith.constant 9984 : i32
        %dma_start3A_42 = arith.constant 0 : i32
        %dma_start3A_43 = tpu.memref_slice %arg11[%dma_start3A_41, %dma_start3A_42] : memref<10000x128xf32, #tpu.memory_space<vmem_shared>> -> memref<16x128xf32, #tpu.memory_space<vmem_shared>>
        tpu.enqueue_dma source(%dma_start3A_43 : memref<16x128xf32, #tpu.memory_space<vmem_shared>>) target(%dma_start3A_40 : memref<16x128xf32, #tpu.memory_space<hbm>>) target_semaphore(%run_scoped3A : memref<!tpu.dma_semaphore, #tpu.memory_space<semaphore_mem>>)
        %dma_wait3A = arith.constant 9984 : i32
        %dma_wait3A_44 = arith.constant 0 : i32
        %dma_wait3A_45 = tpu.memref_slice %arg6[%arg0, %dma_wait3A, %dma_wait3A_44] : memref<2x10000x128xf32, #tpu.memory_space<hbm>> -> memref<1x16x128xf32, #tpu.memory_space<hbm>>
        %dma_wait3A_46 = tpu.memref_squeeze %dma_wait3A_45 : memref<1x16x128xf32, #tpu.memory_space<hbm>> -> memref<16x128xf32, #tpu.memory_space<hbm>>
        %dma_wait3A_47 = arith.constant 9984 : i32
        %dma_wait3A_48 = arith.constant 0 : i32
        %dma_wait3A_49 = tpu.memref_slice %arg11[%dma_wait3A_47, %dma_wait3A_48] : memref<10000x128xf32, #tpu.memory_space<vmem_shared>> -> memref<16x128xf32, #tpu.memory_space<vmem_shared>>
        tpu.wait_dma2 semaphore(%run_scoped3A : memref<!tpu.dma_semaphore, #tpu.memory_space<semaphore_mem>>) src(%dma_wait3A_49 : memref<16x128xf32, #tpu.memory_space<vmem_shared>>) dst(%dma_wait3A_46 : memref<16x128xf32, #tpu.memory_space<hbm>>)
        tpu.yield
      }) : () -> ()
    } else {
    }
    return
  }
}

module attributes {stable_mosaic.version = 14 : i64} {
  func.func @_edgefeat_body(%arg0: i32, %arg1: memref<4000x16xf32, #tpu.memory_space<vmem>>, %arg2: memref<16x128xf32, #tpu.memory_space<vmem>>, %arg3: memref<1x128xf32, #tpu.memory_space<vmem>>, %arg4: memref<4000x128xf32, #tpu.memory_space<vmem>>) attributes {dimension_semantics = [#tpu.dimension_semantics<arbitrary>], iteration_bounds = array<i64: 80>, scalar_prefetch = 0 : i64, scratch_operands = 0 : i64, tpu.core_type = #tpu.core_type<tc>, window_params = [{transform_indices = @transform_0, window_bounds = array<i64: 4000, 16>}, {pipeline_mode = #tpu.pipeline_mode<synchronous>, transform_indices = @transform_1, window_bounds = array<i64: 16, 128>}, {pipeline_mode = #tpu.pipeline_mode<synchronous>, transform_indices = @transform_2, window_bounds = array<i64: 1, 128>}, {transform_indices = @transform_3, window_bounds = array<i64: 4000, 128>}]} {
    %get3A = arith.constant 0 : index
    %get3A_0 = arith.constant 0 : index
    %get3A_1 = vector.load %arg1[%get3A, %get3A_0] : memref<4000x16xf32, #tpu.memory_space<vmem>>, vector<4000x16xf32>
    %get3A_2 = arith.constant 0 : index
    %get3A_3 = arith.constant 0 : index
    %get3A_4 = vector.load %arg2[%get3A_2, %get3A_3] : memref<16x128xf32, #tpu.memory_space<vmem>>, vector<16x128xf32>
    %convert_element_type3A = arith.truncf %get3A_1 : vector<4000x16xf32> to vector<4000x16xbf16>
    %convert_element_type3A_5 = arith.truncf %get3A_4 : vector<16x128xf32> to vector<16x128xbf16>
    %dot_general3A = arith.constant dense<0.000000e+00> : vector<4000x128xf32>
    %dot_general3A_6 = tpu.matmul %convert_element_type3A, %convert_element_type3A_5, %dot_general3A {dimension_numbers = #tpu.dot_dimension_numbers<[1], [0], [0], [1], [0, 0, 1, 1], [], []>, transpose_lhs_hint = false} : vector<4000x16xbf16>, vector<16x128xbf16>, vector<4000x128xf32> -> vector<4000x128xf32>
    %get3A_7 = arith.constant 0 : index
    %get3A_8 = arith.constant 0 : index
    %get3A_9 = vector.load %arg3[%get3A_7, %get3A_8] : memref<1x128xf32, #tpu.memory_space<vmem>>, vector<1x128xf32>
    %add3A = vector.broadcast %get3A_9 : vector<1x128xf32> to vector<4000x128xf32>
    %add3A_10 = arith.addf %dot_general3A_6, %add3A : vector<4000x128xf32>
    %max3A = arith.constant 0.000000e+00 : f32
    %max3A_11 = vector.broadcast %max3A : f32 to vector<4000x128xf32>
    %max3A_12 = arith.maximumf %add3A_10, %max3A_11 : vector<4000x128xf32>
    %swap3A = arith.constant 0 : index
    %swap3A_13 = arith.constant 0 : index
    %swap3A_14 = vector.load %arg4[%swap3A, %swap3A_13] : memref<4000x128xf32, #tpu.memory_space<vmem>>, vector<4000x128xf32>
    tpu.vector_store %arg4[%swap3A, %swap3A_13], %max3A_12 {strides = array<i32>} : memref<4000x128xf32, #tpu.memory_space<vmem>>, vector<4000x128xf32>,
    return
  }
  func.func @transform_0(%arg0: i32) -> (i32, i32) {
    %c0_i32 = arith.constant 0 : i32
    %c0_i32_0 = arith.constant 0 : i32
    return %arg0, %c0_i32 : i32, i32
  }
  func.func @transform_1(%arg0: i32) -> (i32, i32) {
    %c0_i32 = arith.constant 0 : i32
    %c0_i32_0 = arith.constant 0 : i32
    %c0_i32_1 = arith.constant 0 : i32
    return %c0_i32, %c0_i32_0 : i32, i32
  }
  func.func @transform_2(%arg0: i32) -> (i32, i32) {
    %c0_i32 = arith.constant 0 : i32
    %c0_i32_0 = arith.constant 0 : i32
    %c0_i32_1 = arith.constant 0 : i32
    return %c0_i32, %c0_i32_0 : i32, i32
  }
  func.func @transform_3(%arg0: i32) -> (i32, i32) {
    %c0_i32 = arith.constant 0 : i32
    %c0_i32_0 = arith.constant 0 : i32
    return %arg0, %c0_i32 : i32, i32
  }
}

module attributes {stable_mosaic.version = 14 : i64} {
  func.func @_embed_body(%arg0: memref<10000x128xf32, #tpu.memory_space<vmem>>, %arg1: memref<128x256xf32, #tpu.memory_space<vmem>>, %arg2: memref<128x128xf32, #tpu.memory_space<vmem>>, %arg3: memref<256x128xf32, #tpu.memory_space<vmem>>, %arg4: memref<1x128xf32, #tpu.memory_space<vmem>>, %arg5: memref<10000x1xi32, #tpu.memory_space<vmem>>, %arg6: memref<10000x128xf32, #tpu.memory_space<vmem>>) attributes {dimension_semantics = [], scalar_prefetch = 0 : i64, scratch_operands = 0 : i64, tpu.core_type = #tpu.core_type<tc>} {
    %iota3A = tpu.iota {dimensions = array<i32: 1>} : vector<1x128xi32>
    %get3A = arith.constant 0 : index
    %get3A_0 = arith.constant 0 : index
    %get3A_1 = vector.load %arg5[%get3A, %get3A_0] : memref<10000x1xi32, #tpu.memory_space<vmem>>, vector<10000x1xi32>
    %eq3A = vector.broadcast %get3A_1 : vector<10000x1xi32> to vector<10000x128xi32>
    %eq3A_2 = vector.broadcast %iota3A : vector<1x128xi32> to vector<10000x128xi32>
    %eq3A_3 = arith.cmpi eq, %eq3A, %eq3A_2 : vector<10000x128xi32>
    %convert_element_type3A = arith.extui %eq3A_3 : vector<10000x128xi1> to vector<10000x128xi32>
    %convert_element_type3A_4 = arith.sitofp %convert_element_type3A : vector<10000x128xi32> to vector<10000x128xf32>
    %get3A_5 = arith.constant 0 : index
    %get3A_6 = arith.constant 0 : index
    %get3A_7 = vector.load %arg1[%get3A_5, %get3A_6] : memref<128x256xf32, #tpu.memory_space<vmem>>, vector<128x256xf32>
    %dot_general3A = arith.constant dense<0.000000e+00> : vector<10000x256xf32>
    %dot_general3A_8 = tpu.matmul %convert_element_type3A_4, %get3A_7, %dot_general3A {dimension_numbers = #tpu.dot_dimension_numbers<[1], [0], [0], [1], [0, 0, 1, 1], [], []>, precision = #tpu.contract_precision<fp32>, transpose_lhs_hint = false} : vector<10000x128xf32>, vector<128x256xf32>, vector<10000x256xf32> -> vector<10000x256xf32>
    %get3A_9 = arith.constant 0 : index
    %get3A_10 = arith.constant 0 : index
    %get3A_11 = vector.load %arg0[%get3A_9, %get3A_10] : memref<10000x128xf32, #tpu.memory_space<vmem>>, vector<10000x128xf32>
    %get3A_12 = arith.constant 0 : index
    %get3A_13 = arith.constant 0 : index
    %get3A_14 = vector.load %arg2[%get3A_12, %get3A_13] : memref<128x128xf32, #tpu.memory_space<vmem>>, vector<128x128xf32>
    %convert_element_type3A_15 = arith.truncf %get3A_11 : vector<10000x128xf32> to vector<10000x128xbf16>
    %convert_element_type3A_16 = arith.truncf %get3A_14 : vector<128x128xf32> to vector<128x128xbf16>
    %dot_general3A_17 = arith.constant dense<0.000000e+00> : vector<10000x128xf32>
    %dot_general3A_18 = tpu.matmul %convert_element_type3A_15, %convert_element_type3A_16, %dot_general3A_17 {dimension_numbers = #tpu.dot_dimension_numbers<[1], [0], [0], [1], [0, 0, 1, 1], [], []>, transpose_lhs_hint = false} : vector<10000x128xbf16>, vector<128x128xbf16>, vector<10000x128xf32> -> vector<10000x128xf32>
    %get3A_19 = arith.constant 0 : index
    %get3A_20 = arith.constant 0 : index
    %get3A_21 = vector.load %arg3[%get3A_19, %get3A_20] : memref<256x128xf32, #tpu.memory_space<vmem>>, vector<256x128xf32>
    %convert_element_type3A_22 = arith.truncf %dot_general3A_8 : vector<10000x256xf32> to vector<10000x256xbf16>
    %convert_element_type3A_23 = arith.truncf %get3A_21 : vector<256x128xf32> to vector<256x128xbf16>
    %dot_general3A_24 = arith.constant dense<0.000000e+00> : vector<10000x128xf32>
    %dot_general3A_25 = tpu.matmul %convert_element_type3A_22, %convert_element_type3A_23, %dot_general3A_24 {dimension_numbers = #tpu.dot_dimension_numbers<[1], [0], [0], [1], [0, 0, 1, 1], [], []>, transpose_lhs_hint = false} : vector<10000x256xbf16>, vector<256x128xbf16>, vector<10000x128xf32> -> vector<10000x128xf32>
    %add3A = arith.addf %dot_general3A_18, %dot_general3A_25 : vector<10000x128xf32>
    %get3A_26 = arith.constant 0 : index
    %get3A_27 = arith.constant 0 : index
    %get3A_28 = vector.load %arg4[%get3A_26, %get3A_27] : memref<1x128xf32, #tpu.memory_space<vmem>>, vector<1x128xf32>
    %add3A_29 = vector.broadcast %get3A_28 : vector<1x128xf32> to vector<10000x128xf32>
    %add3A_30 = arith.addf %add3A, %add3A_29 : vector<10000x128xf32>
    %max3A = arith.constant 0.000000e+00 : f32
    %max3A_31 = vector.broadcast %max3A : f32 to vector<10000x128xf32>
    %max3A_32 = arith.maximumf %add3A_30, %max3A_31 : vector<10000x128xf32>
    %swap3A = arith.constant 0 : index
    %swap3A_33 = arith.constant 0 : index
    %swap3A_34 = vector.load %arg6[%swap3A, %swap3A_33] : memref<10000x128xf32, #tpu.memory_space<vmem>>, vector<10000x128xf32>
    tpu.vector_store %arg6[%swap3A, %swap3A_33], %max3A_32 {strides = array<i32>} : memref<10000x128xf32, #tpu.memory_space<vmem>>, vector<10000x128xf32>,
    return
  }
}

module attributes {stable_mosaic.version = 14 : i64} {
  func.func @_update_body(%arg0: memref<10000x128xf32, #tpu.memory_space<vmem>>, %arg1: memref<2x10000x128xf32, #tpu.memory_space<vmem>>, %arg2: memref<128x128xf32, #tpu.memory_space<vmem>>, %arg3: memref<128x128xf32, #tpu.memory_space<vmem>>, %arg4: memref<1x128xf32, #tpu.memory_space<vmem>>, %arg5: memref<10000x128xf32, #tpu.memory_space<vmem>>) attributes {dimension_semantics = [], scalar_prefetch = 0 : i64, scratch_operands = 0 : i64, tpu.core_type = #tpu.core_type<tc>} {
    %get3A = arith.constant 0 : index
    %get3A_0 = arith.constant 0 : index
    %get3A_1 = arith.constant 0 : index
    %get3A_2 = vector.load %arg1[%get3A, %get3A_0, %get3A_1] : memref<2x10000x128xf32, #tpu.memory_space<vmem>>, vector<1x10000x128xf32>
    %get3A_3 = vector.shape_cast %get3A_2 : vector<1x10000x128xf32> to vector<10000x128xf32>
    %get3A_4 = arith.constant 1 : index
    %get3A_5 = arith.constant 0 : index
    %get3A_6 = arith.constant 0 : index
    %get3A_7 = vector.load %arg1[%get3A_4, %get3A_5, %get3A_6] : memref<2x10000x128xf32, #tpu.memory_space<vmem>>, vector<1x10000x128xf32>
    %get3A_8 = vector.shape_cast %get3A_7 : vector<1x10000x128xf32> to vector<10000x128xf32>
    %add3A = arith.addf %get3A_3, %get3A_8 : vector<10000x128xf32>
    %get3A_9 = arith.constant 0 : index
    %get3A_10 = arith.constant 0 : index
    %get3A_11 = vector.load %arg0[%get3A_9, %get3A_10] : memref<10000x128xf32, #tpu.memory_space<vmem>>, vector<10000x128xf32>
    %get3A_12 = arith.constant 0 : index
    %get3A_13 = arith.constant 0 : index
    %get3A_14 = vector.load %arg2[%get3A_12, %get3A_13] : memref<128x128xf32, #tpu.memory_space<vmem>>, vector<128x128xf32>
    %convert_element_type3A = arith.truncf %get3A_11 : vector<10000x128xf32> to vector<10000x128xbf16>
    %convert_element_type3A_15 = arith.truncf %get3A_14 : vector<128x128xf32> to vector<128x128xbf16>
    %dot_general3A = arith.constant dense<0.000000e+00> : vector<10000x128xf32>
    %dot_general3A_16 = tpu.matmul %convert_element_type3A, %convert_element_type3A_15, %dot_general3A {dimension_numbers = #tpu.dot_dimension_numbers<[1], [0], [0], [1], [0, 0, 1, 1], [], []>, transpose_lhs_hint = false} : vector<10000x128xbf16>, vector<128x128xbf16>, vector<10000x128xf32> -> vector<10000x128xf32>
    %get3A_17 = arith.constant 0 : index
    %get3A_18 = arith.constant 0 : index
    %get3A_19 = vector.load %arg3[%get3A_17, %get3A_18] : memref<128x128xf32, #tpu.memory_space<vmem>>, vector<128x128xf32>
    %convert_element_type3A_20 = arith.truncf %add3A : vector<10000x128xf32> to vector<10000x128xbf16>
    %convert_element_type3A_21 = arith.truncf %get3A_19 : vector<128x128xf32> to vector<128x128xbf16>
    %dot_general3A_22 = arith.constant dense<0.000000e+00> : vector<10000x128xf32>
    %dot_general3A_23 = tpu.matmul %convert_element_type3A_20, %convert_element_type3A_21, %dot_general3A_22 {dimension_numbers = #tpu.dot_dimension_numbers<[1], [0], [0], [1], [0, 0, 1, 1], [], []>, transpose_lhs_hint = false} : vector<10000x128xbf16>, vector<128x128xbf16>, vector<10000x128xf32> -> vector<10000x128xf32>
    %add3A_24 = arith.addf %dot_general3A_16, %dot_general3A_23 : vector<10000x128xf32>
    %get3A_25 = arith.constant 0 : index
    %get3A_26 = arith.constant 0 : index
    %get3A_27 = vector.load %arg4[%get3A_25, %get3A_26] : memref<1x128xf32, #tpu.memory_space<vmem>>, vector<1x128xf32>
    %add3A_28 = vector.broadcast %get3A_27 : vector<1x128xf32> to vector<10000x128xf32>
    %add3A_29 = arith.addf %add3A_24, %add3A_28 : vector<10000x128xf32>
    %get3A_30 = arith.constant 0 : index
    %get3A_31 = arith.constant 0 : index
    %get3A_32 = vector.load %arg0[%get3A_30, %get3A_31] : memref<10000x128xf32, #tpu.memory_space<vmem>>, vector<10000x128xf32>
    %max3A = arith.constant 0.000000e+00 : f32
    %max3A_33 = vector.broadcast %max3A : f32 to vector<10000x128xf32>
    %max3A_34 = arith.maximumf %add3A_29, %max3A_33 : vector<10000x128xf32>
    %add3A_35 = arith.addf %get3A_32, %max3A_34 : vector<10000x128xf32>
    %swap3A = arith.constant 0 : index
    %swap3A_36 = arith.constant 0 : index
    %swap3A_37 = vector.load %arg5[%swap3A, %swap3A_36] : memref<10000x128xf32, #tpu.memory_space<vmem>>, vector<10000x128xf32>
    tpu.vector_store %arg5[%swap3A, %swap3A_36], %add3A_35 {strides = array<i32>} : memref<10000x128xf32, #tpu.memory_space<vmem>>, vector<10000x128xf32>,
    return
  }
}

module attributes {stable_mosaic.version = 14 : i64} {
  func.func @_head_body(%arg0: memref<10000x128xf32, #tpu.memory_space<vmem>>, %arg1: memref<10000x128xf32, #tpu.memory_space<vmem>>, %arg2: memref<128x128xf32, #tpu.memory_space<vmem>>, %arg3: memref<128x128xf32, #tpu.memory_space<vmem>>, %arg4: memref<1x128xf32, #tpu.memory_space<vmem>>, %arg5: memref<128x1xf32, #tpu.memory_space<vmem>>, %arg6: memref<1x1xf32, #tpu.memory_space<vmem>>, %arg7: memref<10000x1xi32, #tpu.memory_space<vmem>>, %arg8: memref<10000x1xf32, #tpu.memory_space<vmem>>) attributes {dimension_semantics = [], scalar_prefetch = 0 : i64, scratch_operands = 0 : i64, tpu.core_type = #tpu.core_type<tc>} {
    %get3A = arith.constant 0 : index
    %get3A_0 = arith.constant 0 : index
    %get3A_1 = vector.load %arg0[%get3A, %get3A_0] : memref<10000x128xf32, #tpu.memory_space<vmem>>, vector<10000x128xf32>
    %get3A_2 = arith.constant 0 : index
    %get3A_3 = arith.constant 0 : index
    %get3A_4 = vector.load %arg2[%get3A_2, %get3A_3] : memref<128x128xf32, #tpu.memory_space<vmem>>, vector<128x128xf32>
    %convert_element_type3A = arith.truncf %get3A_1 : vector<10000x128xf32> to vector<10000x128xbf16>
    %convert_element_type3A_5 = arith.truncf %get3A_4 : vector<128x128xf32> to vector<128x128xbf16>
    %dot_general3A = arith.constant dense<0.000000e+00> : vector<10000x128xf32>
    %dot_general3A_6 = tpu.matmul %convert_element_type3A, %convert_element_type3A_5, %dot_general3A {dimension_numbers = #tpu.dot_dimension_numbers<[1], [0], [0], [1], [0, 0, 1, 1], [], []>, transpose_lhs_hint = false} : vector<10000x128xbf16>, vector<128x128xbf16>, vector<10000x128xf32> -> vector<10000x128xf32>
    %get3A_7 = arith.constant 0 : index
    %get3A_8 = arith.constant 0 : index
    %get3A_9 = vector.load %arg1[%get3A_7, %get3A_8] : memref<10000x128xf32, #tpu.memory_space<vmem>>, vector<10000x128xf32>
    %get3A_10 = arith.constant 0 : index
    %get3A_11 = arith.constant 0 : index
    %get3A_12 = vector.load %arg3[%get3A_10, %get3A_11] : memref<128x128xf32, #tpu.memory_space<vmem>>, vector<128x128xf32>
    %convert_element_type3A_13 = arith.truncf %get3A_9 : vector<10000x128xf32> to vector<10000x128xbf16>
    %convert_element_type3A_14 = arith.truncf %get3A_12 : vector<128x128xf32> to vector<128x128xbf16>
    %dot_general3A_15 = arith.constant dense<0.000000e+00> : vector<10000x128xf32>
    %dot_general3A_16 = tpu.matmul %convert_element_type3A_13, %convert_element_type3A_14, %dot_general3A_15 {dimension_numbers = #tpu.dot_dimension_numbers<[1], [0], [0], [1], [0, 0, 1, 1], [], []>, transpose_lhs_hint = false} : vector<10000x128xbf16>, vector<128x128xbf16>, vector<10000x128xf32> -> vector<10000x128xf32>
    %add3A = arith.addf %dot_general3A_6, %dot_general3A_16 : vector<10000x128xf32>
    %get3A_17 = arith.constant 0 : index
    %get3A_18 = arith.constant 0 : index
    %get3A_19 = vector.load %arg4[%get3A_17, %get3A_18] : memref<1x128xf32, #tpu.memory_space<vmem>>, vector<1x128xf32>
    %add3A_20 = vector.broadcast %get3A_19 : vector<1x128xf32> to vector<10000x128xf32>
    %add3A_21 = arith.addf %add3A, %add3A_20 : vector<10000x128xf32>
    %max3A = arith.constant 0.000000e+00 : f32
    %max3A_22 = vector.broadcast %max3A : f32 to vector<10000x128xf32>
    %max3A_23 = arith.maximumf %add3A_21, %max3A_22 : vector<10000x128xf32>
    %get3A_24 = arith.constant 0 : index
    %get3A_25 = arith.constant 0 : index
    %get3A_26 = vector.load %arg5[%get3A_24, %get3A_25] : memref<128x1xf32, #tpu.memory_space<vmem>>, vector<128x1xf32>
    %convert_element_type3A_27 = arith.truncf %max3A_23 : vector<10000x128xf32> to vector<10000x128xbf16>
    %convert_element_type3A_28 = arith.truncf %get3A_26 : vector<128x1xf32> to vector<128x1xbf16>
    %dot_general3A_29 = arith.constant dense<0.000000e+00> : vector<10000x1xf32>
    %dot_general3A_30 = tpu.matmul %convert_element_type3A_27, %convert_element_type3A_28, %dot_general3A_29 {dimension_numbers = #tpu.dot_dimension_numbers<[1], [0], [0], [1], [0, 0, 1, 1], [], []>, transpose_lhs_hint = false} : vector<10000x128xbf16>, vector<128x1xbf16>, vector<10000x1xf32> -> vector<10000x1xf32>
    %get3A_31 = arith.constant 0 : index
    %get3A_32 = arith.constant 0 : index
    %get3A_33 = vector.load %arg6[%get3A_31, %get3A_32] : memref<1x1xf32, #tpu.memory_space<vmem>>, vector<1x1xf32>
    %add3A_34 = vector.broadcast %get3A_33 : vector<1x1xf32> to vector<10000x1xf32>
    %add3A_35 = arith.addf %dot_general3A_30, %add3A_34 : vector<10000x1xf32>
    %iota3A = tpu.iota {dimensions = array<i32: 1>} : vector<1x128xi32>
    %get3A_36 = arith.constant 0 : index
    %get3A_37 = arith.constant 0 : index
    %get3A_38 = vector.load %arg7[%get3A_36, %get3A_37] : memref<10000x1xi32, #tpu.memory_space<vmem>>, vector<10000x1xi32>
    %eq3A = vector.broadcast %get3A_38 : vector<10000x1xi32> to vector<10000x128xi32>
    %eq3A_39 = vector.broadcast %iota3A : vector<1x128xi32> to vector<10000x128xi32>
    %eq3A_40 = arith.cmpi eq, %eq3A, %eq3A_39 : vector<10000x128xi32>
    %convert_element_type3A_41 = arith.extui %eq3A_40 : vector<10000x128xi1> to vector<10000x128xi32>
    %convert_element_type3A_42 = arith.sitofp %convert_element_type3A_41 : vector<10000x128xi32> to vector<10000x128xf32>
    %gt3A = arith.constant 0.000000e+00 : f32
    %gt3A_43 = vector.broadcast %gt3A : f32 to vector<10000x128xf32>
    %gt3A_44 = arith.cmpf ogt, %convert_element_type3A_42, %gt3A_43 : vector<10000x128xf32>
    %jit3A = arith.constant -1.000000e+30 : f32
    %broadcast_in_dim3A = vector.shape_cast %add3A_35 : vector<10000x1xf32> to vector<10000x1xf32>
    %broadcast_in_dim3A_45 = vector.broadcast %broadcast_in_dim3A : vector<10000x1xf32> to vector<10000x128xf32>
    %broadcast_in_dim3A_46 = vector.broadcast %jit3A : f32 to vector<10000x128xf32>
    %select_n3A = arith.select %gt3A_44, %broadcast_in_dim3A_45, %broadcast_in_dim3A_46 : vector<10000x128xi1>, vector<10000x128xf32>
    %reduce_max3A = arith.constant dense<0xFF800000> : vector<128xf32>
    %reduce_max3A_47 = vector.multi_reduction <maximumf>, %select_n3A, %reduce_max3A [0] : vector<10000x128xf32> to vector<128xf32>
    %broadcast_in_dim3A_48 = vector.shape_cast %reduce_max3A_47 : vector<128xf32> to vector<1x128xf32>
    %mul3A = vector.broadcast %broadcast_in_dim3A_48 : vector<1x128xf32> to vector<10000x128xf32>
    %mul3A_49 = arith.mulf %convert_element_type3A_42, %mul3A : vector<10000x128xf32>
    %reduce_sum3A = arith.constant dense<0.000000e+00> : vector<10000xf32>
    %reduce_sum3A_50 = vector.multi_reduction <add>, %mul3A_49, %reduce_sum3A [1] : vector<10000x128xf32> to vector<10000xf32>
    %broadcast_in_dim3A_51 = vector.shape_cast %reduce_sum3A_50 : vector<10000xf32> to vector<10000x1xf32>
    %sub3A = arith.subf %add3A_35, %broadcast_in_dim3A_51 : vector<10000x1xf32>
    %exp3A = math.exp %sub3A : vector<10000x1xf32>
    %mul3A_52 = vector.broadcast %exp3A : vector<10000x1xf32> to vector<10000x128xf32>
    %mul3A_53 = arith.mulf %convert_element_type3A_42, %mul3A_52 : vector<10000x128xf32>
    %reduce_sum3A_54 = arith.constant dense<0.000000e+00> : vector<128xf32>
    %reduce_sum3A_55 = vector.multi_reduction <add>, %mul3A_53, %reduce_sum3A_54 [0] : vector<10000x128xf32> to vector<128xf32>
    %broadcast_in_dim3A_56 = vector.shape_cast %reduce_sum3A_55 : vector<128xf32> to vector<1x128xf32>
    %mul3A_57 = vector.broadcast %broadcast_in_dim3A_56 : vector<1x128xf32> to vector<10000x128xf32>
    %mul3A_58 = arith.mulf %convert_element_type3A_42, %mul3A_57 : vector<10000x128xf32>
    %reduce_sum3A_59 = arith.constant dense<0.000000e+00> : vector<10000xf32>
    %reduce_sum3A_60 = vector.multi_reduction <add>, %mul3A_58, %reduce_sum3A_59 [1] : vector<10000x128xf32> to vector<10000xf32>
    %broadcast_in_dim3A_61 = vector.shape_cast %reduce_sum3A_60 : vector<10000xf32> to vector<10000x1xf32>
    %div3A = arith.divf %exp3A, %broadcast_in_dim3A_61 : vector<10000x1xf32>
    %swap3A = arith.constant 0 : index
    %swap3A_62 = arith.constant 0 : index
    %swap3A_63 = vector.load %arg8[%swap3A, %swap3A_62] : memref<10000x1xf32, #tpu.memory_space<vmem>>, vector<10000x1xf32>
    tpu.vector_store %arg8[%swap3A, %swap3A_62], %div3A {strides = array<i32>} : memref<10000x1xf32, #tpu.memory_space<vmem>>, vector<10000x1xf32>,
    return
  }
}

</mosaic_0001>

<sc_bundles>
// kernel: kernel.13.cloned.1.call-start
scs
__scs_entry_jumppad:
0x0: {  	(pc) =	sbr.rel $0x88, $3  }
0x1: {  	(tag) =	ssettag $0x0;
	lr =	simm.s32 $0x1  }
0x2: {  	[smem:$0x3F90] =	sst lr;
	_ =	strace $0xD0000000  }
0x3: {  	_ = 	snop  }
0x4: {  	_ = 	snop  }
0x5: {  	_ = 	snop  }
0x6: {  	_ = 	snop  }
0x7: {  	_ = 	snop  }
__scs_overlays_trampoline_lowered:
0x8: {  	[smem:$0x3F9F] =	sst s0  }
0x9: {  	[smem:$0x3FA0] =	sst s1  }
0xa: {  	[smem:$0x3FA1] =	sst s2  }
0xb: {  	[smem:$0x3FA2] =	sst s3  }
0xc: {  	[smem:$0x3FA3] =	sst s4  }
0xd: {  	[smem:$0x3FA4] =	sst s5  }
0xe: {  	[smem:$0x3FA5] =	sst s6  }
0xf: {  	[smem:$0x3FA6] =	sst s7  }
0x10: {  	[smem:$0x3FA7] =	sst s8  }
0x11: {  	[smem:$0x3FA8] =	sst s9;
	s0 =	simm.s32 @!p0 $0x0  }
0x12: {  	s1 =	sld [smem:$0x3F8E];
	s0 =	simm.s32 @p0 $0x1  }
0x13: {  	[smem:$0x3FA9] =	sst s0;
	s0 =	simm.s32 @!p1 $0x0  }
0x14: {  	s2 =	sld [smem:$0x3F8D];
	s0 =	simm.s32 @p1 $0x1  }
0x15: {  	[smem:$0x3FAA] =	sst s0;
	s0 =	simm.s32 @!p2 $0x0  }
0x16: {  	s3 =	sld [smem:$0x3FDB];
	s0 =	simm.s32 @p2 $0x1  }
0x17: {  	s4 =	simm.s32 $0x1BF5;
	[smem:$0x3FAC] =	sst s0  }
0x18: {  	s0 =	sld [smem:$0x3F8F];
	_ =	swait.ge [sflag:s4], $0x0  }
0x19: {  	s7 =	sld [smem:$0x3F90]  }
0x1a: {  	s8 =	sadd.s32 $0xFFFFE003, lr  }
0x1b: {  	s9 =	sadd.s32 $0xFFFFFEF7, lr;
	s5 =	simm.s32 $0xFFFFFFFF;
	p2 =	slt.u32 s8, $0xFFFFF086  }
0x1c: {  	p1 =	slt.u32 s9, $0xF7A;
	s5 =	simm.s32 @!p2 $0x0  }
0x1d: {  	s5 =	simm.s32 @p1 $0x1;
	p0 =	seq.s32 s7, s2  }
0x1e: {  	s7 =	smul.u32 @!p0 $0xF7A, s2;
	p2 =	seq.s32 @!p0 s5, $0x0  }
0x1f: {  	s9 =	smul.u32 $0xF7A, s1;
	s8 =	simm.s32 @!p0 $0x1BF5;
	p2 =	por !p2, p0  }
0x20: {  	[sflag:s8] =	ssyncset.s32 @!p0 $0xFFFFF086;
	s6 =	sadd.s32 @!p0 s3, s7;
	s7 =	simm.s32 @!p0 $0x108  }
0x21: {  	s3 =	sadd.s32 s3, s9;
	s6 =	sadd.s32 @!p0 $0x88, s6;
	s7 =	simm.s32 @p2 $0x1082  }
0x22: {  	[simem:s7], [sflag:s8] =	dma.local @!p0 [hbm:s6], $0xF7A  }
0x23: {  	s9 =	sor.u32 $0xD0000000, s2;
	s6 =	simm.s32 $0x108;
	_ =	swait.ge @!p0 [sflag:s8], $0x0  }
0x24: {  	s3 =	sadd.s32 $0x88, s3;
	s6 =	simm.s32 @!p1 $0x1082;
	[sflag:s4] =	ssyncset.s32 $0xFFFFF086  }
0x25: {  	[simem:s6], [sflag:s4] =	dma.local [hbm:s3], $0xF7A  }
0x26: {  	[smem:$0x3F90] =	sst s1;
	(tag) =	ssettag s2;
	_ =	strace s9  }
0x27: {  	s1 =	sld [smem:$0x3FA0]  }
0x28: {  	s2 =	sld [smem:$0x3FA1]  }
0x29: {  	s4 =	sld [smem:$0x3FA3]  }
0x2a: {  	p0 =	seq.s32 s5, $0x0;
	s5 =	sld [smem:$0x3FA4]  }
0x2b: {  	s6 =	sld [smem:$0x3FA5]  }
0x2c: {  	s7 =	sld [smem:$0x3FA6]  }
0x2d: {  	s3 =	simm.s32 $0x108;
	s8 =	sld [smem:$0x3FA7]  }
0x2e: {  	s3 =	simm.s32 @!p0 $0x1082;
	s9 =	sld [smem:$0x3FA8]  }
0x2f: {  	lr =	sadd.s32 s0, s3;
	s0 =	sld [smem:$0x3F9F]  }
0x30: {  	s3 =	sld [smem:$0x3FA2]  }
0x31: {  	[smem:$0x3FAB] =	sst s10  }
0x32: {  	s10 =	sld [smem:$0x3FA9];
	_ =	sdelay $0x3  }
0x33: {  	p0 =	seq.s32 s10, $0x1;
	s10 =	sld [smem:$0x3FAB];
	_ =	sdelay $0x3  }
0x34: {  	[smem:$0x3FAB] =	sst s10  }
0x35: {  	s10 =	sld [smem:$0x3FAA];
	_ =	sdelay $0x3  }
0x36: {  	p1 =	seq.s32 s10, $0x1;
	s10 =	sld [smem:$0x3FAB];
	_ =	sdelay $0x3  }
0x37: {  	[smem:$0x3FAB] =	sst s10  }
0x38: {  	s10 =	sld [smem:$0x3FAC]  }
0x39: {  	_ = 	snop;
	(pc) =	sbr.ind lr, $3  }
0x3a: {  	_ = 	snop  }
0x3b: {  	_ = 	snop  }
0x3c: {  	p2 =	seq.s32 s10, $0x1;
	s10 =	sld [smem:$0x3FAB]  }
0x3d: {  	_ =	shalt  }
0x3e: {  	_ =	shalt  }
0x3f: {  	_ =	shalt  }
0x40: {  	_ =	shalt  }
0x41: {  	_ =	shalt  }
0x42: {  	_ =	shalt  }
0x43: {  	_ =	shalt  }
0x44: {  	_ =	shalt  }
0x45: {  	_ =	shalt  }
0x46: {  	_ =	shalt  }
0x47: {  	_ =	shalt  }
0x48: {  	_ =	shalt  }
0x49: {  	_ =	shalt  }
0x4a: {  	_ =	shalt  }
0x4b: {  	_ =	shalt  }
0x4c: {  	_ =	shalt  }
0x4d: {  	_ =	shalt  }
0x4e: {  	_ =	shalt  }
0x4f: {  	_ =	shalt  }
0x50: {  	_ =	shalt  }
0x51: {  	_ =	shalt  }
0x52: {  	_ =	shalt  }
0x53: {  	_ =	shalt  }
0x54: {  	_ =	shalt  }
0x55: {  	_ =	shalt  }
0x56: {  	_ =	shalt  }
0x57: {  	_ =	shalt  }
0x58: {  	_ =	shalt  }
0x59: {  	_ =	shalt  }
0x5a: {  	_ =	shalt  }
0x5b: {  	_ =	shalt  }
0x5c: {  	_ =	shalt  }
0x5d: {  	_ =	shalt  }
0x5e: {  	_ =	shalt  }
0x5f: {  	_ =	shalt  }
0x60: {  	_ =	shalt  }
0x61: {  	_ =	shalt  }
0x62: {  	_ =	shalt  }
0x63: {  	_ =	shalt  }
0x64: {  	_ =	shalt  }
0x65: {  	_ =	shalt  }
0x66: {  	_ =	shalt  }
0x67: {  	_ =	shalt  }
0x68: {  	_ =	shalt  }
0x69: {  	_ =	shalt  }
0x6a: {  	_ =	shalt  }
0x6b: {  	_ =	shalt  }
0x6c: {  	_ =	shalt  }
0x6d: {  	_ =	shalt  }
0x6e: {  	_ =	shalt  }
0x6f: {  	_ =	shalt  }
0x70: {  	_ =	shalt  }
0x71: {  	_ =	shalt  }
0x72: {  	_ =	shalt  }
0x73: {  	_ =	shalt  }
0x74: {  	_ =	shalt  }
0x75: {  	_ =	shalt  }
0x76: {  	_ =	shalt  }
0x77: {  	_ =	shalt  }
0x78: {  	_ =	shalt  }
0x79: {  	_ =	shalt  }
0x7a: {  	_ =	shalt  }
0x7b: {  	_ =	shalt  }
0x7c: {  	_ =	shalt  }
0x7d: {  	_ =	shalt  }
0x7e: {  	_ =	shalt  }
0x7f: {  	_ =	shalt  }
0x80: {  	_ =	shalt  }
0x81: {  	_ =	shalt  }
0x82: {  	_ =	shalt  }
0x83: {  	_ =	shalt  }
0x84: {  	_ =	shalt  }
0x85: {  	_ =	shalt  }
0x86: {  	_ =	shalt  }
0x87: {  	_ =	shalt  }
.Lfunc_end0:
.L_simem_size_0:
called_computation_lowered:
.L_overlay_start_0:
0x88: {  	s2 =	sld [smem:$0x3FD9]  }
0x89: {  	s3 =	sld [smem:$0x3FFE];
	_ =	sdelay $0x1  }
0x8a: {  	s1 =	srdreg.scid  }
0x8b: {  	s0 =	sand.u32 $0x1, s1  }
0x8c: {  	s16 =	sshll.u32 s0, $0xA;
	s2 =	sadd.s32 s3, s2  }
0x8d: {  	s2 =	sadd.s32 s2, s16  }
0x8e: {  	[smem:$0x3FB7] =	sst s2  }
0x8f: {  	_ = 	snop  }
0x90: {  	(tm) =	ssettm $0x1  }
0x91: {  	s17 =	sld [smem:$0x3FFB];
	_ =	sdelay $0x3  }
0x92: {  	_ =	strace s17  }
0x93: {  	s2 =	sld [smem:$0x3FFC];
	_ =	sdelay $0x3  }
0x94: {  	_ =	strace s2  }
0x95: {  	s2 =	sld [smem:$0x3FFD];
	_ =	sdelay $0x3  }
0x96: {  	_ =	strace s2  }
0x97: {  	_ =	strace $0x8FFFFFFF  }
0x98: {  	s18 =	sld [smem:$0x3FDB];
	_ =	sdelay $0x1  }
0x99: {  	s19 =	simm.s32 $_scs_section_size  }
0x9a: {  	s4 =	simm.s32 $_size__tile_overlayer_lowered;
	s5 =	simm.s32 $_tile_overlayer_lowered  }
0x9b: {  	s22 =	simm.s32 $0x1BFF;
	s21 =	sshll.u32 s5, $0x1;
	s2 =	sadd.s32 s19, s18  }
0x9c: {  	s6 =	simm.s32 $0x0;
	s20 =	sshll.u32 s4, $0x1;
	s4 =	sadd.s32 s21, s2  }
0x9d: {  	[timem:s6], [sflag:s22] =	dma.local [hbm:s4], s20  }
0x9e: {  	_ =	swait.ge [sflag:s22], s20  }
0x9f: {  	s3 =	ssub.s32 $0x0, s20;
	[sflag:s22] =	ssyncset.done $0x0  }
0xa0: {  	[sflag:s22] =	ssyncadd.s32 s3;
	_ =	sdelay $0x1  }
0xa1: {  	s23 =	simm.s32 $0x1B8B  }
0xa2: {  	_ =	swait.ge [sflag:s23], $0x1  }
0xa3: {  	[sflag:s23] =	ssyncset.done $0x0  }
0xa4: {  	s25 =	simm.s32 $0x1B8E;
	s24 =	sld [smem:$0x3FFE];
	[sflag:s23] =	ssyncadd.s32 $0xFFFFFFFF  }
0xa5: {  	s26 =	simm.s32 $execute0_lowered;
	[smem:$0x3FD2] =	sst s25  }
0xa6: {  	s4 =	sshll.u32 s26, $0x1;
	_ =	strace $0x80000046;
	[dreg:$0x1] =	wrdreg $0xFFFFFFFF  }
0xa7: {  	s28 =	simm.s32 $_size_execute0_lowered;
	s2 =	sadd.s32 s2, s4;
	[dreg:$0x0] =	wrdreg $0x0  }
0xa8: {  	s4 =	sshll.u32 s28, $0x1;
	[dreg:$0x2] =	wrdreg s2  }
0xa9: {  	[dreg:$0x3] =	wrdreg s4  }
0xaa: {  	[dreg:$0x4] =	wrdreg $0xC0  }
0xab: {  	_ =	task [dreg:s6], $0x5FFFF  }
0xac: {  	[dreg:$0x1] =	wrdreg $0xFFFFFFFF  }
0xad: {  	[dreg:$0x0] =	wrdreg $0x60  }
0xae: {  	[dreg:$0x2] =	wrdreg s24  }
0xaf: {  	[dreg:$0x3] =	wrdreg $0x51000  }
0xb0: {  	[dreg:$0x4] =	wrdreg $0x9  }
0xb1: {  	_ =	task.clear_ibuf [dreg:s6], $0x5FFFF;
	_ =	strace $0x90000046  }
0xb2: {  	s29 =	simm.s32 $0x9;
	_ =	strace $0x80000048  }
0xb3: {  	_ =	swait.ge [sflag:s29], $0x1  }
0xb4: {  	[sflag:s29] =	ssyncadd.s32 $0xFFFFFFFF  }
0xb5: {  	_ =	strace $0x90000048  }
0xb6: {  	_ =	sfence  }
0xb7: {  	s30 =	sld [smem:$0x0];
	_ =	sdelay $0x2  }
0xb8: {  	s31 =	sshll.u32 s1, $0xD;
	s1 =	sshrl.u32 s1, $0x2  }
0xb9: {  	s3 =	sand.u32 $0x4000, s31;
	s1 =	sadd.s32 s1, s30  }
0xba: {  	s0 =	sor.u32 s3, s0;
	s1 =	sshll.u32 s1, $0x11  }
0xbb: {  	s0 =	sor.u32 s1, s0  }
0xbc: {  	s0 =	sadd.s32 $0x8F2B, s0  }
0xbd: {  	[sflag:s0] =	ssyncadd.remote.s32 $0x1  }
0xbe: {  	_ =	sfence.sel $0xFFFF  }
0xbf: {  	[dreg:$0x0] =	wrdreg $0xFFFFFFFF;
	(pc) =	sbr.abs _section_cstart, $3  }
0xc0: {  	[dreg:$0x1] =	wrdreg $0xFFFFFFFF  }
0xc1: {  	_ =	task.clear_ibuf [dreg:s6], $0x2FFFF;
	_ =	strace $0x9FFFFFFF  }
0xc2: {  	(tm) =	ssettm $0x7FFFFFFF  }
0xc3: {  	_ =	shalt  }
tec
execute0_lowered:
.L_overlay_start_1:
0x0: {  	(tag) =	ssettag $0x1  }
0x1: {  	s0 =	rddreg [dreg:$0x0]  }
0x2: {  	s1 =	rddreg [dreg:$0x1]  }
0x3: {  	s2 =	simm.s32 $0x0;
	s6 =	srdreg.scid;
	s3 =	stileid.u32  }
0x4: {  	s21 =	simm.s32 $0x100;
	s22 =	simm.s32 $0x3;
	s23 =	simm.s32 $0x80  }
0x5: {  	s24 =	simm.s32 $0x50;
	s25 =	simm.s32 $0x2900;
	s26 =	simm.s32 $0x1  }
0x6: {  	s28 =	simm.s32 $0x2;
	[smem:$0x7FF] =	sst s2;
	s4 =	sadd.s32 $0x19800, s0  }
0x7: {  	s5 =	sadd.s32 $0x522A00, s0;
	s10 =	sand.u32 $0x1, s6;
	s8 =	smul.u32 $0x4E000, s3  }
0x8: {  	s6 =	sadd.s32 $0xFA00, s0;
	s7 =	sadd.s32 $0x5C00, s0;
	s0 =	sadd.s32 $0x40A00, s0  }
0x9: {  	s31 =	sshll.u32 s3, $0x1;
	s18 =	smul.u32 $0x13800, s3;
	p0 =	sne.s32 s3, $0xF  }
0xa: {  	_ =	strace $0x80000047;
	s9 =	ssub.s32 $0x2, s10;
	s17 =	sor.u32 s10, s31  }
0xb: {  	s16 =	smul.u32 $0x138800, s10;
	s11 =	sshrl.u32 s9, $0x1;
	s8 =	sshrl.u32 s8, $0x2  }
0xc: {  	s17 =	smul.u32 $0x2710, s17;
	s20 =	ssub.s32 s9, s11;
	s8 =	sadd.s32 s8, s1  }
0xd: {  	s18 =	sadd.s32 s18, s16;
	s19 =	sshrl.u32 s16, $0x3;
	s16 =	sadd.s32 $0x138000, s1  }
0xe: {  	s9 =	sadd.s32 $0x2800, s8;
	s10 =	sadd.s32 $0x5000, s8;
	s11 =	sadd.s32 $0x7800, s8  }
0xf: {  	s12 =	sadd.s32 $0xA000, s8;
	s13 =	sadd.s32 $0xC800, s8;
	s14 =	sadd.s32 $0xF000, s8  }
0x10: {  	s15 =	sadd.s32 $0x11800, s8;
	s18 =	sshrl.u32 s18, $0x3;
	s19 =	sadd.s32 s0, s19  }
0x11: {  	v0 =	vimm.f32 $0.0e+00;
	s20 =	smax.u32 s20, $0x1;
	s18 =	sadd.s32 s0, s18;
	s19 =	sadd.s32 $0x27000, s19  }
.LBB2_1:
0x12: {  	s0 =	simm.s32 $0x0;
	s29 =	simm.s32 $0x200  }
.LBB2_2:
0x13: {  	p1 =	sne.s32 s29, $0x9E00;
	[tilespmem:s0+$0x170] =	vst v0  }
0x14: {  	[tilespmem:s0+$0x100] =	vst v0  }
0x15: {  	[tilespmem:s0+$0x110] =	vst v0  }
.Ltmp0:
0x16: {  	[tilespmem:s0+$0x120] =	vst v0;
	(pc) =	sbr.rel @p1 .LBB2_2-.Ltmp0, $4  }
0x17: {  	[tilespmem:s0+$0x130] =	vst v0  }
0x18: {  	[tilespmem:s0+$0x140] =	vst v0  }
0x19: {  	[tilespmem:s0+$0x150] =	vst v0  }
0x1a: {  	[tilespmem:s0+$0x160] =	vst v0;
	s0 =	sshra.s32 s29, $0x2;
	s29 =	sadd.s32 $0x200, s29  }
0x1b: {  	[tilespmem:s0+$0x170] =	vst v0  }
0x1c: {  	[tilespmem:s0+$0x100] =	vst v0  }
0x1d: {  	[tilespmem:s0+$0x110] =	vst v0  }
0x1e: {  	[tilespmem:s0+$0x120] =	vst v0  }
0x1f: {  	[tilespmem:s0+$0x130] =	vst v0  }
0x20: {  	[tilespmem:s0+$0x140] =	vst v0  }
0x21: {  	[tilespmem:s0+$0x150] =	vst v0  }
0x22: {  	[tilespmem:s0+$0x160] =	vst v0  }
0x23: {  	[spmem:s8] =	stream.linear.scatter [tilespmem:s21], [sflag:$0x3], $0x2800, $0x38;
	[tilespmem:$0x18980] =	vst v63  }
0x24: {  	_ =	swait.ge [sflag:s22], $0x2800  }
0x25: {  	[sflag:s22] =	ssyncset.done $0x0  }
0x26: {  	[sflag:s22] =	ssyncadd.s32 $0xFFFFD800  }
0x27: {  	[spmem:s9] =	stream.linear.scatter [tilespmem:s21], [sflag:$0x3], $0x2800, $0x38;
	[tilespmem:$0x18980] =	vst v63  }
0x28: {  	_ =	swait.ge [sflag:s22], $0x2800  }
0x29: {  	[sflag:s22] =	ssyncset.done $0x0  }
0x2a: {  	[sflag:s22] =	ssyncadd.s32 $0xFFFFD800  }
0x2b: {  	[spmem:s10] =	stream.linear.scatter [tilespmem:s21], [sflag:$0x3], $0x2800, $0x38;
	[tilespmem:$0x18980] =	vst v63  }
0x2c: {  	_ =	swait.ge [sflag:s22], $0x2800  }
0x2d: {  	[sflag:s22] =	ssyncset.done $0x0  }
0x2e: {  	[sflag:s22] =	ssyncadd.s32 $0xFFFFD800  }
0x2f: {  	[spmem:s11] =	stream.linear.scatter [tilespmem:s21], [sflag:$0x3], $0x2800, $0x38;
	[tilespmem:$0x18980] =	vst v63  }
0x30: {  	_ =	swait.ge [sflag:s22], $0x2800  }
0x31: {  	[sflag:s22] =	ssyncset.done $0x0  }
0x32: {  	[sflag:s22] =	ssyncadd.s32 $0xFFFFD800  }
0x33: {  	[spmem:s12] =	stream.linear.scatter [tilespmem:s21], [sflag:$0x3], $0x2800, $0x38;
	[tilespmem:$0x18980] =	vst v63  }
0x34: {  	_ =	swait.ge [sflag:s22], $0x2800  }
0x35: {  	[sflag:s22] =	ssyncset.done $0x0  }
0x36: {  	[sflag:s22] =	ssyncadd.s32 $0xFFFFD800  }
0x37: {  	[spmem:s13] =	stream.linear.scatter [tilespmem:s21], [sflag:$0x3], $0x2800, $0x38;
	[tilespmem:$0x18980] =	vst v63  }
0x38: {  	_ =	swait.ge [sflag:s22], $0x2800  }
0x39: {  	[sflag:s22] =	ssyncset.done $0x0  }
0x3a: {  	[sflag:s22] =	ssyncadd.s32 $0xFFFFD800  }
0x3b: {  	[spmem:s14] =	stream.linear.scatter [tilespmem:s21], [sflag:$0x3], $0x2800, $0x38;
	[tilespmem:$0x18980] =	vst v63  }
0x3c: {  	_ =	swait.ge [sflag:s22], $0x2800  }
0x3d: {  	[sflag:s22] =	ssyncset.done $0x0  }
0x3e: {  	[sflag:s22] =	ssyncadd.s32 $0xFFFFD800  }
0x3f: {  	[spmem:s15] =	stream.linear.scatter [tilespmem:s21], [sflag:$0x3], $0x2000, $0x38;
	[tilespmem:$0x18980] =	vst v63  }
0x40: {  	_ =	swait.ge [sflag:s22], $0x2000  }
0x41: {  	[sflag:s22] =	ssyncset.done $0x0  }
0x42: {  	s0 =	simm.s32 @!p0 $0x100;
	[sflag:s22] =	ssyncadd.s32 $0xFFFFE000  }
0x43: {  	[spmem:s16] =	stream.linear.scatter @!p0 [tilespmem:s0], [sflag:$0x3], $0x800, $0x38;
	[tilespmem:$0x18980] =	vst v63  }
0x44: {  	s0 =	simm.s32 @!p0 $0x3  }
0x45: {  	_ =	swait.ge @!p0 [sflag:s0], $0x800  }
0x46: {  	[sflag:s0] =	ssyncset.done @!p0 $0x0  }
0x47: {  	[sflag:s0] =	ssyncadd.s32 @!p0 $0xFFFFF800  }
0x48: {  	s29 =	simm.s32 $0x0;
	s30 =	simm.s32 $0x0;
	[bflag:$0x0] =	sbarrier.arrive $0xFFFF  }
.LBB2_4:
0x49: {  	s0 =	smul.u32 $0x50, s30;
	_ =	sdelay $0x1  }
0x4a: {  	s0 =	sadd.s32 s17, s0  }
0x4b: {  	s31 =	sshrl.u32 s0, $0x3  }
0x4c: {  	s3 =	sadd.s32 s6, s31  }
0x4d: {  	[tilespmem:s29], [sflag:$0x3] =	stream.linear.gather [hbm4b:s3+s29], $0x50, $0x38;
	[tilespmem:$0x18980] =	vst v63  }
0x4e: {  	_ =	swait.ge [sflag:s22], $0x50  }
0x4f: {  	[sflag:s22] =	ssyncset.done $0x0  }
0x50: {  	s3 =	sadd.s32 s7, s31;
	[sflag:s22] =	ssyncadd.s32 $0xFFFFFFB0  }
0x51: {  	[tilespmem:s23], [sflag:$0x3] =	stream.linear.gather [hbm4b:s3+s29], $0x50, $0x38;
	[tilespmem:$0x18980] =	vst v63  }
0x52: {  	_ =	swait.ge [sflag:s22], $0x50  }
0x53: {  	s0 =	sshll.u32 s0, $0x4;
	[sflag:s22] =	ssyncset.done $0x0  }
0x54: {  	s0 =	sadd.s32 s5, s0;
	[sflag:s22] =	ssyncadd.s32 $0xFFFFFFB0  }
0x55: {  	[tilespmem:s21], [sflag:$0x1] =	stream.linear.gather [hbm4b:s0+s29], $0x2800, $0x38;
	[tilespmem:$0x18980] =	vst v63  }
0x56: {  	_ = 	snop  }
0x57: {  	[tilespmem:s25], [sflag:$0x2] =	stream.indirect.gather [hbm4b:s4+s24], $0x80, s29, s24, $0xb8;
	[tilespmem:$0x18980] =	vst v63  }
0x58: {  	_ =	swait.ge [sflag:s26], $0x2800  }
0x59: {  	[sflag:s26] =	ssyncset.done $0x0  }
0x5a: {  	[sflag:s26] =	ssyncadd.s32 $0xFFFFD800  }
0x5b: {  	_ =	swait.ge [sflag:s28], $0x2800  }
0x5c: {  	[sflag:s28] =	ssyncset.done $0x0  }
0x5d: {  	s31 =	simm.s32 $0x0;
	[sflag:s28] =	ssyncadd.s32 $0xFFFFD800  }
0x5e: {  	v7 =	vld [tilespmem:s31+$0x100]  }
0x5f: {  	v12 =	vld [tilespmem:s31+$0x110]  }
0x60: {  	v6 =	vld [tilespmem:s31+$0x120]  }
0x61: {  	v5 =	vld [tilespmem:s31+$0x130]  }
0x62: {  	v4 =	vld [tilespmem:s31+$0x140]  }
0x63: {  	v3 =	vld [tilespmem:s31+$0x150]  }
0x64: {  	v2 =	vld [tilespmem:s31+$0x160]  }
0x65: {  	v1 =	vld [tilespmem:s31+$0x170]  }
0x66: {  	v13 =	vld [tilespmem:s31+$0x2900]  }
0x67: {  	v14 =	vld [tilespmem:s31+$0x2910]  }
0x68: {  	v11 =	vld [tilespmem:s31+$0x2920]  }
0x69: {  	v10 =	vld [tilespmem:s31+$0x2930]  }
0x6a: {  	v9 =	vld [tilespmem:s31+$0x2940]  }
0x6b: {  	v8 =	vld [tilespmem:s31+$0x2950];
	v13 =	vadd.f32 v7, v13  }
0x6c: {  	s0 =	simm.s32 $0x200;
	v12 =	vadd.f32 v12, v14;
	v7 =	vld [tilespmem:s31+$0x2960]  }
.LBB2_5:
0x6d: {  	s3 =	sshra.s32 s0, $0x2;
	p1 =	sne.s32 s0, $0x9E00;
	v13 =	vmax.f32 v13, $0.0e+00;
	v6 =	vadd.f32 v6, v11;
	v11 =	vld [tilespmem:s31+$0x2970]  }
0x6e: {  	v14 =	vld [tilespmem:s3+$0x100];
	[tilespmem:s31+$0x2900] =	vst v13;
	v12 =	vmax.f32 v12, $0.0e+00;
	v5 =	vadd.f32 v5, v10  }
0x6f: {  	v15 =	vld [tilespmem:s3+$0x110];
	[tilespmem:s31+$0x2910] =	vst v12;
	v10 =	vmax.f32 v6, $0.0e+00;
	v4 =	vadd.f32 v4, v9  }
0x70: {  	v6 =	vld [tilespmem:s3+$0x120];
	[tilespmem:s31+$0x2920] =	vst v10;
	v9 =	vmax.f32 v5, $0.0e+00;
	v3 =	vadd.f32 v3, v8  }
0x71: {  	v5 =	vld [tilespmem:s3+$0x130];
	[tilespmem:s31+$0x2930] =	vst v9;
	v8 =	vmax.f32 v4, $0.0e+00;
	v2 =	vadd.f32 v2, v7  }
0x72: {  	v4 =	vld [tilespmem:s3+$0x140];
	[tilespmem:s31+$0x2940] =	vst v8;
	v7 =	vmax.f32 v3, $0.0e+00;
	v1 =	vadd.f32 v1, v11  }
0x73: {  	v3 =	vld [tilespmem:s3+$0x150];
	[tilespmem:s31+$0x2950] =	vst v7;
	v7 =	vmax.f32 v2, $0.0e+00  }
0x74: {  	v2 =	vld [tilespmem:s3+$0x160];
	[tilespmem:s31+$0x2960] =	vst v7;
	v7 =	vmax.f32 v1, $0.0e+00  }
0x75: {  	v1 =	vld [tilespmem:s3+$0x170];
	[tilespmem:s31+$0x2970] =	vst v7;
	s31 =	smov.u32 s3  }
0x76: {  	v7 =	vld [tilespmem:s31+$0x2900]  }
0x77: {  	v12 =	vld [tilespmem:s31+$0x2910]  }
.Ltmp1:
0x78: {  	v11 =	vld [tilespmem:s31+$0x2920];
	(pc) =	sbr.rel @p1 .LBB2_5-.Ltmp1, $4  }
0x79: {  	v10 =	vld [tilespmem:s31+$0x2930]  }
0x7a: {  	v9 =	vld [tilespmem:s31+$0x2940]  }
0x7b: {  	v13 =	vadd.f32 v14, v7;
	v8 =	vld [tilespmem:s31+$0x2950]  }
0x7c: {  	s0 =	sadd.s32 $0x200, s0;
	v12 =	vadd.f32 v15, v12;
	v7 =	vld [tilespmem:s31+$0x2960]  }
0x7d: {  	v13 =	vmax.f32 v13, $0.0e+00;
	v6 =	vadd.f32 v6, v11;
	v63 =	vld [tilespmem:s31+$0x2970]  }
0x7e: {  	[tilespmem:s31+$0x2900] =	vst v13;
	v12 =	vmax.f32 v12, $0.0e+00;
	v5 =	vadd.f32 v5, v10  }
0x7f: {  	[tilespmem:s31+$0x2910] =	vst v12;
	v6 =	vmax.f32 v6, $0.0e+00;
	v4 =	vadd.f32 v4, v9  }
0x80: {  	[tilespmem:s31+$0x2920] =	vst v6;
	v5 =	vmax.f32 v5, $0.0e+00;
	v3 =	vadd.f32 v3, v8  }
0x81: {  	[tilespmem:s31+$0x2930] =	vst v5;
	v4 =	vmax.f32 v4, $0.0e+00;
	v2 =	vadd.f32 v2, v7  }
0x82: {  	[tilespmem:s31+$0x2940] =	vst v4;
	v3 =	vmax.f32 v3, $0.0e+00;
	v1 =	vadd.f32 v1, v63  }
0x83: {  	s30 =	sadd.s32 $0x1, s30;
	[tilespmem:s31+$0x2950] =	vst v3;
	v2 =	vmax.f32 v2, $0.0e+00  }
0x84: {  	p1 =	sne.s32 s30, $0x7D;
	[tilespmem:s31+$0x2960] =	vst v2;
	v1 =	vmax.f32 v1, $0.0e+00  }
.Ltmp2:
0x85: {  	[tilespmem:s31+$0x2970] =	vst v1;
	(pc) =	sbr.rel @p1 .LBB2_4-.Ltmp2, $4  }
0x86: {  	[spmem:s1] =	stream.indirect.scatter.add.f32 [tilespmem:s25], [sflag:$0x3], $0x80, s23, s24, $0xb8;
	[tilespmem:$0x18980] =	vst v63  }
0x87: {  	_ =	swait.ge [sflag:s22], $0x2800  }
0x88: {  	[sflag:s22] =	ssyncset.done $0x0  }
0x89: {  	[sflag:s22] =	ssyncadd.s32 $0xFFFFD800  }
0x8a: {  	s0 =	stileid.u32  }
0x8b: {  	s0 =	sshll.u32 s0, $0x6  }
0x8c: {  	[bflag:$0x0] =	sbarrier.arrive $0xFFFF;
	s3 =	sshrl.u32 s8, $0x3;
	s0 =	sor.u32 $0x1C03, s0  }
0x8d: {  	[hbm:s18], [sflag:s0] =	dma.local [spmem:s3], $0x2700  }
0x8e: {  	_ =	swait.ge [sflag:s22], $0x2700  }
0x8f: {  	s2 =	sadd.s32 $0x1, s2;
	[sflag:s22] =	ssyncset.done $0x0  }
0x90: {  	p1 =	sne.s32 s2, s20;
	s3 =	sshrl.u32 @!p0 s16, $0x3;
	[sflag:s22] =	ssyncadd.s32 $0xFFFFD900  }
0x91: {  	[hbm:s19], [sflag:s0] =	dma.local @!p0 [spmem:s3], $0x100  }
.Ltmp3:
0x92: {  	_ = 	snop;
	(pc) =	sbr.rel @p1 .LBB2_1-.Ltmp3, $4  }
0x93: {  	s0 =	simm.s32 @!p0 $0x3  }
0x94: {  	_ =	swait.ge @!p0 [sflag:s0], $0x100  }
0x95: {  	[sflag:s0] =	ssyncset.done @!p0 $0x0  }
0x96: {  	[sflag:s0] =	ssyncadd.s32 @!p0 $0xFFFFFF00  }
0x97: {  	_ =	sfence.sel $0x180000  }
0x98: {  	[bflag:$0x0] =	sbarrier.arrive $0xFFFF  }
0x99: {  	_ =	strace $0x90000047  }
0x9a: {  	s0 =	stileid.u32;
	[bflag:$0x2] =	sbarrier.arrive $0xFFFF  }
0x9b: {  	p0 =	sne.s32 s0, $0x0;
	s0 =	rddreg [dreg:$0x2]  }
0x9c: {  	s0 =	sadd.s32 @!p0 $0x100000, s0  }
0x9d: {  	[sflag:s0] =	ssyncadd.tile.s32 @!p0 $0x1;
	_ =	shalt  }
.Lfunc_end2:
_tile_overlayer_lowered:
.L_overlay_start_2:
0x9e: {  	(tag) =	ssettag $0x2  }
0x9f: {  	s0 =	rddreg [dreg:$0x0];
	s2 =	stileid.u32  }
0xa0: {  	s1 =	rddreg [dreg:$0x1];
	p0 =	sne.s32 s2, $0x0  }
0xa1: {  	s3 =	rddreg [dreg:$0x2];
	[bflag:$0x3] =	sbarrier.arrive $0xFFFF;
	s2 =	simm.s32 @!p0 $0x1C03  }
0xa2: {  	[timem:s3], [sflag:s2] =	dma.local @!p0 [hbm:s0], s1  }
0xa3: {  	s0 =	simm.s32 @!p0 $0x3  }
0xa4: {  	_ =	swait.ge @!p0 [sflag:s0], s1  }
0xa5: {  	s1 =	ssub.s32 @!p0 $0x0, s1;
	[sflag:s0] =	ssyncset.done @!p0 $0x0  }
0xa6: {  	[sflag:s0] =	ssyncadd.s32 @!p0 s1  }
0xa7: {  	[bflag:$0x3] =	sbarrier.arrive $0xFFFF  }
0xa8: {  	_ =	shalt  }

// kernel: kernel.16.cloned.1.call-start
scs
__scs_entry_jumppad:
0x0: {  	(pc) =	sbr.rel $0x88, $3  }
0x1: {  	(tag) =	ssettag $0x0;
	lr =	simm.s32 $0x1  }
0x2: {  	[smem:$0x3F90] =	sst lr;
	_ =	strace $0xD0000000  }
0x3: {  	_ = 	snop  }
0x4: {  	_ = 	snop  }
0x5: {  	_ = 	snop  }
0x6: {  	_ = 	snop  }
0x7: {  	_ = 	snop  }
__scs_overlays_trampoline_lowered:
0x8: {  	[smem:$0x3F9F] =	sst s0  }
0x9: {  	[smem:$0x3FA0] =	sst s1  }
0xa: {  	[smem:$0x3FA1] =	sst s2  }
0xb: {  	[smem:$0x3FA2] =	sst s3  }
0xc: {  	[smem:$0x3FA3] =	sst s4  }
0xd: {  	[smem:$0x3FA4] =	sst s5  }
0xe: {  	[smem:$0x3FA5] =	sst s6  }
0xf: {  	[smem:$0x3FA6] =	sst s7  }
0x10: {  	[smem:$0x3FA7] =	sst s8  }
0x11: {  	[smem:$0x3FA8] =	sst s9;
	s0 =	simm.s32 @!p0 $0x0  }
0x12: {  	s1 =	sld [smem:$0x3F8E];
	s0 =	simm.s32 @p0 $0x1  }
0x13: {  	[smem:$0x3FA9] =	sst s0;
	s0 =	simm.s32 @!p1 $0x0  }
0x14: {  	s2 =	sld [smem:$0x3F8D];
	s0 =	simm.s32 @p1 $0x1  }
0x15: {  	[smem:$0x3FAA] =	sst s0;
	s0 =	simm.s32 @!p2 $0x0  }
0x16: {  	s3 =	sld [smem:$0x3FDB];
	s0 =	simm.s32 @p2 $0x1  }
0x17: {  	s4 =	simm.s32 $0x1BF5;
	[smem:$0x3FAC] =	sst s0  }
0x18: {  	s0 =	sld [smem:$0x3F8F];
	_ =	swait.ge [sflag:s4], $0x0  }
0x19: {  	s7 =	sld [smem:$0x3F90]  }
0x1a: {  	s8 =	sadd.s32 $0xFFFFE003, lr  }
0x1b: {  	s9 =	sadd.s32 $0xFFFFFEF7, lr;
	s5 =	simm.s32 $0xFFFFFFFF;
	p2 =	slt.u32 s8, $0xFFFFF086  }
0x1c: {  	p1 =	slt.u32 s9, $0xF7A;
	s5 =	simm.s32 @!p2 $0x0  }
0x1d: {  	s5 =	simm.s32 @p1 $0x1;
	p0 =	seq.s32 s7, s2  }
0x1e: {  	s7 =	smul.u32 @!p0 $0xF7A, s2;
	p2 =	seq.s32 @!p0 s5, $0x0  }
0x1f: {  	s9 =	smul.u32 $0xF7A, s1;
	s8 =	simm.s32 @!p0 $0x1BF5;
	p2 =	por !p2, p0  }
0x20: {  	[sflag:s8] =	ssyncset.s32 @!p0 $0xFFFFF086;
	s6 =	sadd.s32 @!p0 s3, s7;
	s7 =	simm.s32 @!p0 $0x108  }
0x21: {  	s3 =	sadd.s32 s3, s9;
	s6 =	sadd.s32 @!p0 $0x88, s6;
	s7 =	simm.s32 @p2 $0x1082  }
0x22: {  	[simem:s7], [sflag:s8] =	dma.local @!p0 [hbm:s6], $0xF7A  }
0x23: {  	s9 =	sor.u32 $0xD0000000, s2;
	s6 =	simm.s32 $0x108;
	_ =	swait.ge @!p0 [sflag:s8], $0x0  }
0x24: {  	s3 =	sadd.s32 $0x88, s3;
	s6 =	simm.s32 @!p1 $0x1082;
	[sflag:s4] =	ssyncset.s32 $0xFFFFF086  }
0x25: {  	[simem:s6], [sflag:s4] =	dma.local [hbm:s3], $0xF7A  }
0x26: {  	[smem:$0x3F90] =	sst s1;
	(tag) =	ssettag s2;
	_ =	strace s9  }
0x27: {  	s1 =	sld [smem:$0x3FA0]  }
0x28: {  	s2 =	sld [smem:$0x3FA1]  }
0x29: {  	s4 =	sld [smem:$0x3FA3]  }
0x2a: {  	p0 =	seq.s32 s5, $0x0;
	s5 =	sld [smem:$0x3FA4]  }
0x2b: {  	s6 =	sld [smem:$0x3FA5]  }
0x2c: {  	s7 =	sld [smem:$0x3FA6]  }
0x2d: {  	s3 =	simm.s32 $0x108;
	s8 =	sld [smem:$0x3FA7]  }
0x2e: {  	s3 =	simm.s32 @!p0 $0x1082;
	s9 =	sld [smem:$0x3FA8]  }
0x2f: {  	lr =	sadd.s32 s0, s3;
	s0 =	sld [smem:$0x3F9F]  }
0x30: {  	s3 =	sld [smem:$0x3FA2]  }
0x31: {  	[smem:$0x3FAB] =	sst s10  }
0x32: {  	s10 =	sld [smem:$0x3FA9];
	_ =	sdelay $0x3  }
0x33: {  	p0 =	seq.s32 s10, $0x1;
	s10 =	sld [smem:$0x3FAB];
	_ =	sdelay $0x3  }
0x34: {  	[smem:$0x3FAB] =	sst s10  }
0x35: {  	s10 =	sld [smem:$0x3FAA];
	_ =	sdelay $0x3  }
0x36: {  	p1 =	seq.s32 s10, $0x1;
	s10 =	sld [smem:$0x3FAB];
	_ =	sdelay $0x3  }
0x37: {  	[smem:$0x3FAB] =	sst s10  }
0x38: {  	s10 =	sld [smem:$0x3FAC]  }
0x39: {  	_ = 	snop;
	(pc) =	sbr.ind lr, $3  }
0x3a: {  	_ = 	snop  }
0x3b: {  	_ = 	snop  }
0x3c: {  	p2 =	seq.s32 s10, $0x1;
	s10 =	sld [smem:$0x3FAB]  }
0x3d: {  	_ =	shalt  }
0x3e: {  	_ =	shalt  }
0x3f: {  	_ =	shalt  }
0x40: {  	_ =	shalt  }
0x41: {  	_ =	shalt  }
0x42: {  	_ =	shalt  }
0x43: {  	_ =	shalt  }
0x44: {  	_ =	shalt  }
0x45: {  	_ =	shalt  }
0x46: {  	_ =	shalt  }
0x47: {  	_ =	shalt  }
0x48: {  	_ =	shalt  }
0x49: {  	_ =	shalt  }
0x4a: {  	_ =	shalt  }
0x4b: {  	_ =	shalt  }
0x4c: {  	_ =	shalt  }
0x4d: {  	_ =	shalt  }
0x4e: {  	_ =	shalt  }
0x4f: {  	_ =	shalt  }
0x50: {  	_ =	shalt  }
0x51: {  	_ =	shalt  }
0x52: {  	_ =	shalt  }
0x53: {  	_ =	shalt  }
0x54: {  	_ =	shalt  }
0x55: {  	_ =	shalt  }
0x56: {  	_ =	shalt  }
0x57: {  	_ =	shalt  }
0x58: {  	_ =	shalt  }
0x59: {  	_ =	shalt  }
0x5a: {  	_ =	shalt  }
0x5b: {  	_ =	shalt  }
0x5c: {  	_ =	shalt  }
0x5d: {  	_ =	shalt  }
0x5e: {  	_ =	shalt  }
0x5f: {  	_ =	shalt  }
0x60: {  	_ =	shalt  }
0x61: {  	_ =	shalt  }
0x62: {  	_ =	shalt  }
0x63: {  	_ =	shalt  }
0x64: {  	_ =	shalt  }
0x65: {  	_ =	shalt  }
0x66: {  	_ =	shalt  }
0x67: {  	_ =	shalt  }
0x68: {  	_ =	shalt  }
0x69: {  	_ =	shalt  }
0x6a: {  	_ =	shalt  }
0x6b: {  	_ =	shalt  }
0x6c: {  	_ =	shalt  }
0x6d: {  	_ =	shalt  }
0x6e: {  	_ =	shalt  }
0x6f: {  	_ =	shalt  }
0x70: {  	_ =	shalt  }
0x71: {  	_ =	shalt  }
0x72: {  	_ =	shalt  }
0x73: {  	_ =	shalt  }
0x74: {  	_ =	shalt  }
0x75: {  	_ =	shalt  }
0x76: {  	_ =	shalt  }
0x77: {  	_ =	shalt  }
0x78: {  	_ =	shalt  }
0x79: {  	_ =	shalt  }
0x7a: {  	_ =	shalt  }
0x7b: {  	_ =	shalt  }
0x7c: {  	_ =	shalt  }
0x7d: {  	_ =	shalt  }
0x7e: {  	_ =	shalt  }
0x7f: {  	_ =	shalt  }
0x80: {  	_ =	shalt  }
0x81: {  	_ =	shalt  }
0x82: {  	_ =	shalt  }
0x83: {  	_ =	shalt  }
0x84: {  	_ =	shalt  }
0x85: {  	_ =	shalt  }
0x86: {  	_ =	shalt  }
0x87: {  	_ =	shalt  }
.Lfunc_end0:
.L_simem_size_0:
called_computation.1_lowered:
.L_overlay_start_0:
0x88: {  	s2 =	sld [smem:$0x3FD9]  }
0x89: {  	s3 =	sld [smem:$0x3FFE];
	_ =	sdelay $0x1  }
0x8a: {  	s1 =	srdreg.scid  }
0x8b: {  	s0 =	sand.u32 $0x1, s1  }
0x8c: {  	s16 =	sshll.u32 s0, $0xA;
	s2 =	sadd.s32 s3, s2  }
0x8d: {  	s2 =	sadd.s32 s2, s16  }
0x8e: {  	[smem:$0x3FB7] =	sst s2  }
0x8f: {  	_ = 	snop  }
0x90: {  	(tm) =	ssettm $0x1  }
0x91: {  	s17 =	sld [smem:$0x3FFB];
	_ =	sdelay $0x3  }
0x92: {  	_ =	strace s17  }
0x93: {  	s2 =	sld [smem:$0x3FFC];
	_ =	sdelay $0x3  }
0x94: {  	_ =	strace s2  }
0x95: {  	s2 =	sld [smem:$0x3FFD];
	_ =	sdelay $0x3  }
0x96: {  	_ =	strace s2  }
0x97: {  	_ =	strace $0x8FFFFFFF  }
0x98: {  	s18 =	sld [smem:$0x3FDB];
	_ =	sdelay $0x1  }
0x99: {  	s19 =	simm.s32 $_scs_section_size  }
0x9a: {  	s4 =	simm.s32 $_size__tile_overlayer_lowered;
	s5 =	simm.s32 $_tile_overlayer_lowered  }
0x9b: {  	s22 =	simm.s32 $0x1BFF;
	s21 =	sshll.u32 s5, $0x1;
	s2 =	sadd.s32 s19, s18  }
0x9c: {  	s6 =	simm.s32 $0x0;
	s20 =	sshll.u32 s4, $0x1;
	s4 =	sadd.s32 s21, s2  }
0x9d: {  	[timem:s6], [sflag:s22] =	dma.local [hbm:s4], s20  }
0x9e: {  	_ =	swait.ge [sflag:s22], s20  }
0x9f: {  	s3 =	ssub.s32 $0x0, s20;
	[sflag:s22] =	ssyncset.done $0x0  }
0xa0: {  	[sflag:s22] =	ssyncadd.s32 s3;
	_ =	sdelay $0x1  }
0xa1: {  	s23 =	simm.s32 $0x1B8B  }
0xa2: {  	_ =	swait.ge [sflag:s23], $0x1  }
0xa3: {  	[sflag:s23] =	ssyncset.done $0x0  }
0xa4: {  	s25 =	simm.s32 $0x1B8E;
	s24 =	sld [smem:$0x3FFE];
	[sflag:s23] =	ssyncadd.s32 $0xFFFFFFFF  }
0xa5: {  	s26 =	simm.s32 $execute0_lowered;
	[smem:$0x3FD2] =	sst s25  }
0xa6: {  	s4 =	sshll.u32 s26, $0x1;
	_ =	strace $0x80000049;
	[dreg:$0x1] =	wrdreg $0xFFFFFFFF  }
0xa7: {  	s28 =	simm.s32 $_size_execute0_lowered;
	s2 =	sadd.s32 s2, s4;
	[dreg:$0x0] =	wrdreg $0x0  }
0xa8: {  	s4 =	sshll.u32 s28, $0x1;
	[dreg:$0x2] =	wrdreg s2  }
0xa9: {  	[dreg:$0x3] =	wrdreg s4  }
0xaa: {  	[dreg:$0x4] =	wrdreg $0xC0  }
0xab: {  	_ =	task [dreg:s6], $0x5FFFF  }
0xac: {  	[dreg:$0x1] =	wrdreg $0xFFFFFFFF  }
0xad: {  	[dreg:$0x0] =	wrdreg $0x60  }
0xae: {  	[dreg:$0x2] =	wrdreg s24  }
0xaf: {  	[dreg:$0x3] =	wrdreg $0x51000  }
0xb0: {  	[dreg:$0x4] =	wrdreg $0x9  }
0xb1: {  	_ =	task.clear_ibuf [dreg:s6], $0x5FFFF;
	_ =	strace $0x90000049  }
0xb2: {  	s29 =	simm.s32 $0x9;
	_ =	strace $0x8000004B  }
0xb3: {  	_ =	swait.ge [sflag:s29], $0x1  }
0xb4: {  	[sflag:s29] =	ssyncadd.s32 $0xFFFFFFFF  }
0xb5: {  	_ =	strace $0x9000004B  }
0xb6: {  	_ =	sfence  }
0xb7: {  	s30 =	sld [smem:$0x0];
	_ =	sdelay $0x2  }
0xb8: {  	s31 =	sshll.u32 s1, $0xD;
	s1 =	sshrl.u32 s1, $0x2  }
0xb9: {  	s3 =	sand.u32 $0x4000, s31;
	s1 =	sadd.s32 s1, s30  }
0xba: {  	s0 =	sor.u32 s3, s0;
	s1 =	sshll.u32 s1, $0x11  }
0xbb: {  	s0 =	sor.u32 s1, s0  }
0xbc: {  	s0 =	sadd.s32 $0x8F2B, s0  }
0xbd: {  	[sflag:s0] =	ssyncadd.remote.s32 $0x1  }
0xbe: {  	_ =	sfence.sel $0xFFFF  }
0xbf: {  	[dreg:$0x0] =	wrdreg $0xFFFFFFFF;
	(pc) =	sbr.abs _section_cstart, $3  }
0xc0: {  	[dreg:$0x1] =	wrdreg $0xFFFFFFFF  }
0xc1: {  	_ =	task.clear_ibuf [dreg:s6], $0x2FFFF;
	_ =	strace $0x9FFFFFFF  }
0xc2: {  	(tm) =	ssettm $0x7FFFFFFF  }
0xc3: {  	_ =	shalt  }
tec
execute0_lowered:
.L_overlay_start_1:
0x0: {  	(tag) =	ssettag $0x1  }
0x1: {  	s0 =	rddreg [dreg:$0x0]  }
0x2: {  	s1 =	rddreg [dreg:$0x1]  }
0x3: {  	s2 =	simm.s32 $0x0;
	s6 =	srdreg.scid;
	s3 =	stileid.u32  }
0x4: {  	s21 =	simm.s32 $0x100;
	s22 =	simm.s32 $0x3;
	s23 =	simm.s32 $0x80  }
0x5: {  	s24 =	simm.s32 $0x50;
	s25 =	simm.s32 $0x2900;
	s26 =	simm.s32 $0x1  }
0x6: {  	s28 =	simm.s32 $0x2;
	[smem:$0x7FF] =	sst s2;
	s4 =	sadd.s32 $0x19800, s0  }
0x7: {  	s5 =	sadd.s32 $0x522A00, s0;
	s10 =	sand.u32 $0x1, s6;
	s8 =	smul.u32 $0x4E000, s3  }
0x8: {  	s6 =	sadd.s32 $0xFA00, s0;
	s7 =	sadd.s32 $0x5C00, s0;
	s0 =	sadd.s32 $0x40A00, s0  }
0x9: {  	s31 =	sshll.u32 s3, $0x1;
	s18 =	smul.u32 $0x13800, s3;
	p0 =	sne.s32 s3, $0xF  }
0xa: {  	_ =	strace $0x8000004A;
	s9 =	ssub.s32 $0x2, s10;
	s17 =	sor.u32 s10, s31  }
0xb: {  	s16 =	smul.u32 $0x138800, s10;
	s11 =	sshrl.u32 s9, $0x1;
	s8 =	sshrl.u32 s8, $0x2  }
0xc: {  	s17 =	smul.u32 $0x2710, s17;
	s20 =	ssub.s32 s9, s11;
	s8 =	sadd.s32 s8, s1  }
0xd: {  	s18 =	sadd.s32 s18, s16;
	s19 =	sshrl.u32 s16, $0x3;
	s16 =	sadd.s32 $0x138000, s1  }
0xe: {  	s9 =	sadd.s32 $0x2800, s8;
	s10 =	sadd.s32 $0x5000, s8;
	s11 =	sadd.s32 $0x7800, s8  }
0xf: {  	s12 =	sadd.s32 $0xA000, s8;
	s13 =	sadd.s32 $0xC800, s8;
	s14 =	sadd.s32 $0xF000, s8  }
0x10: {  	s15 =	sadd.s32 $0x11800, s8;
	s18 =	sshrl.u32 s18, $0x3;
	s19 =	sadd.s32 s0, s19  }
0x11: {  	v0 =	vimm.f32 $0.0e+00;
	s20 =	smax.u32 s20, $0x1;
	s18 =	sadd.s32 s0, s18;
	s19 =	sadd.s32 $0x27000, s19  }
.LBB2_1:
0x12: {  	s0 =	simm.s32 $0x0;
	s29 =	simm.s32 $0x200  }
.LBB2_2:
0x13: {  	p1 =	sne.s32 s29, $0x9E00;
	[tilespmem:s0+$0x170] =	vst v0  }
0x14: {  	[tilespmem:s0+$0x100] =	vst v0  }
0x15: {  	[tilespmem:s0+$0x110] =	vst v0  }
.Ltmp0:
0x16: {  	[tilespmem:s0+$0x120] =	vst v0;
	(pc) =	sbr.rel @p1 .LBB2_2-.Ltmp0, $4  }
0x17: {  	[tilespmem:s0+$0x130] =	vst v0  }
0x18: {  	[tilespmem:s0+$0x140] =	vst v0  }
0x19: {  	[tilespmem:s0+$0x150] =	vst v0  }
0x1a: {  	[tilespmem:s0+$0x160] =	vst v0;
	s0 =	sshra.s32 s29, $0x2;
	s29 =	sadd.s32 $0x200, s29  }
0x1b: {  	[tilespmem:s0+$0x170] =	vst v0  }
0x1c: {  	[tilespmem:s0+$0x100] =	vst v0  }
0x1d: {  	[tilespmem:s0+$0x110] =	vst v0  }
0x1e: {  	[tilespmem:s0+$0x120] =	vst v0  }
0x1f: {  	[tilespmem:s0+$0x130] =	vst v0  }
0x20: {  	[tilespmem:s0+$0x140] =	vst v0  }
0x21: {  	[tilespmem:s0+$0x150] =	vst v0  }
0x22: {  	[tilespmem:s0+$0x160] =	vst v0  }
0x23: {  	[spmem:s8] =	stream.linear.scatter [tilespmem:s21], [sflag:$0x3], $0x2800, $0x38;
	[tilespmem:$0x18980] =	vst v63  }
0x24: {  	_ =	swait.ge [sflag:s22], $0x2800  }
0x25: {  	[sflag:s22] =	ssyncset.done $0x0  }
0x26: {  	[sflag:s22] =	ssyncadd.s32 $0xFFFFD800  }
0x27: {  	[spmem:s9] =	stream.linear.scatter [tilespmem:s21], [sflag:$0x3], $0x2800, $0x38;
	[tilespmem:$0x18980] =	vst v63  }
0x28: {  	_ =	swait.ge [sflag:s22], $0x2800  }
0x29: {  	[sflag:s22] =	ssyncset.done $0x0  }
0x2a: {  	[sflag:s22] =	ssyncadd.s32 $0xFFFFD800  }
0x2b: {  	[spmem:s10] =	stream.linear.scatter [tilespmem:s21], [sflag:$0x3], $0x2800, $0x38;
	[tilespmem:$0x18980] =	vst v63  }
0x2c: {  	_ =	swait.ge [sflag:s22], $0x2800  }
0x2d: {  	[sflag:s22] =	ssyncset.done $0x0  }
0x2e: {  	[sflag:s22] =	ssyncadd.s32 $0xFFFFD800  }
0x2f: {  	[spmem:s11] =	stream.linear.scatter [tilespmem:s21], [sflag:$0x3], $0x2800, $0x38;
	[tilespmem:$0x18980] =	vst v63  }
0x30: {  	_ =	swait.ge [sflag:s22], $0x2800  }
0x31: {  	[sflag:s22] =	ssyncset.done $0x0  }
0x32: {  	[sflag:s22] =	ssyncadd.s32 $0xFFFFD800  }
0x33: {  	[spmem:s12] =	stream.linear.scatter [tilespmem:s21], [sflag:$0x3], $0x2800, $0x38;
	[tilespmem:$0x18980] =	vst v63  }
0x34: {  	_ =	swait.ge [sflag:s22], $0x2800  }
0x35: {  	[sflag:s22] =	ssyncset.done $0x0  }
0x36: {  	[sflag:s22] =	ssyncadd.s32 $0xFFFFD800  }
0x37: {  	[spmem:s13] =	stream.linear.scatter [tilespmem:s21], [sflag:$0x3], $0x2800, $0x38;
	[tilespmem:$0x18980] =	vst v63  }
0x38: {  	_ =	swait.ge [sflag:s22], $0x2800  }
0x39: {  	[sflag:s22] =	ssyncset.done $0x0  }
0x3a: {  	[sflag:s22] =	ssyncadd.s32 $0xFFFFD800  }
0x3b: {  	[spmem:s14] =	stream.linear.scatter [tilespmem:s21], [sflag:$0x3], $0x2800, $0x38;
	[tilespmem:$0x18980] =	vst v63  }
0x3c: {  	_ =	swait.ge [sflag:s22], $0x2800  }
0x3d: {  	[sflag:s22] =	ssyncset.done $0x0  }
0x3e: {  	[sflag:s22] =	ssyncadd.s32 $0xFFFFD800  }
0x3f: {  	[spmem:s15] =	stream.linear.scatter [tilespmem:s21], [sflag:$0x3], $0x2000, $0x38;
	[tilespmem:$0x18980] =	vst v63  }
0x40: {  	_ =	swait.ge [sflag:s22], $0x2000  }
0x41: {  	[sflag:s22] =	ssyncset.done $0x0  }
0x42: {  	s0 =	simm.s32 @!p0 $0x100;
	[sflag:s22] =	ssyncadd.s32 $0xFFFFE000  }
0x43: {  	[spmem:s16] =	stream.linear.scatter @!p0 [tilespmem:s0], [sflag:$0x3], $0x800, $0x38;
	[tilespmem:$0x18980] =	vst v63  }
0x44: {  	s0 =	simm.s32 @!p0 $0x3  }
0x45: {  	_ =	swait.ge @!p0 [sflag:s0], $0x800  }
0x46: {  	[sflag:s0] =	ssyncset.done @!p0 $0x0  }
0x47: {  	[sflag:s0] =	ssyncadd.s32 @!p0 $0xFFFFF800  }
0x48: {  	s29 =	simm.s32 $0x0;
	s30 =	simm.s32 $0x0;
	[bflag:$0x0] =	sbarrier.arrive $0xFFFF  }
.LBB2_4:
0x49: {  	s0 =	smul.u32 $0x50, s30;
	_ =	sdelay $0x1  }
0x4a: {  	s0 =	sadd.s32 s17, s0  }
0x4b: {  	s31 =	sshrl.u32 s0, $0x3  }
0x4c: {  	s3 =	sadd.s32 s6, s31  }
0x4d: {  	[tilespmem:s29], [sflag:$0x3] =	stream.linear.gather [hbm4b:s3+s29], $0x50, $0x38;
	[tilespmem:$0x18980] =	vst v63  }
0x4e: {  	_ =	swait.ge [sflag:s22], $0x50  }
0x4f: {  	[sflag:s22] =	ssyncset.done $0x0  }
0x50: {  	s3 =	sadd.s32 s7, s31;
	[sflag:s22] =	ssyncadd.s32 $0xFFFFFFB0  }
0x51: {  	[tilespmem:s23], [sflag:$0x3] =	stream.linear.gather [hbm4b:s3+s29], $0x50, $0x38;
	[tilespmem:$0x18980] =	vst v63  }
0x52: {  	_ =	swait.ge [sflag:s22], $0x50  }
0x53: {  	s0 =	sshll.u32 s0, $0x4;
	[sflag:s22] =	ssyncset.done $0x0  }
0x54: {  	s0 =	sadd.s32 s5, s0;
	[sflag:s22] =	ssyncadd.s32 $0xFFFFFFB0  }
0x55: {  	[tilespmem:s21], [sflag:$0x1] =	stream.linear.gather [hbm4b:s0+s29], $0x2800, $0x38;
	[tilespmem:$0x18980] =	vst v63  }
0x56: {  	_ = 	snop  }
0x57: {  	[tilespmem:s25], [sflag:$0x2] =	stream.indirect.gather [hbm4b:s4+s24], $0x80, s29, s24, $0xb8;
	[tilespmem:$0x18980] =	vst v63  }
0x58: {  	_ =	swait.ge [sflag:s26], $0x2800  }
0x59: {  	[sflag:s26] =	ssyncset.done $0x0  }
0x5a: {  	[sflag:s26] =	ssyncadd.s32 $0xFFFFD800  }
0x5b: {  	_ =	swait.ge [sflag:s28], $0x2800  }
0x5c: {  	[sflag:s28] =	ssyncset.done $0x0  }
0x5d: {  	s31 =	simm.s32 $0x0;
	[sflag:s28] =	ssyncadd.s32 $0xFFFFD800  }
0x5e: {  	v7 =	vld [tilespmem:s31+$0x100]  }
0x5f: {  	v12 =	vld [tilespmem:s31+$0x110]  }
0x60: {  	v6 =	vld [tilespmem:s31+$0x120]  }
0x61: {  	v5 =	vld [tilespmem:s31+$0x130]  }
0x62: {  	v4 =	vld [tilespmem:s31+$0x140]  }
0x63: {  	v3 =	vld [tilespmem:s31+$0x150]  }
0x64: {  	v2 =	vld [tilespmem:s31+$0x160]  }
0x65: {  	v1 =	vld [tilespmem:s31+$0x170]  }
0x66: {  	v13 =	vld [tilespmem:s31+$0x2900]  }
0x67: {  	v14 =	vld [tilespmem:s31+$0x2910]  }
0x68: {  	v11 =	vld [tilespmem:s31+$0x2920]  }
0x69: {  	v10 =	vld [tilespmem:s31+$0x2930]  }
0x6a: {  	v9 =	vld [tilespmem:s31+$0x2940]  }
0x6b: {  	v8 =	vld [tilespmem:s31+$0x2950];
	v13 =	vadd.f32 v7, v13  }
0x6c: {  	s0 =	simm.s32 $0x200;
	v12 =	vadd.f32 v12, v14;
	v7 =	vld [tilespmem:s31+$0x2960]  }
.LBB2_5:
0x6d: {  	s3 =	sshra.s32 s0, $0x2;
	p1 =	sne.s32 s0, $0x9E00;
	v13 =	vmax.f32 v13, $0.0e+00;
	v6 =	vadd.f32 v6, v11;
	v11 =	vld [tilespmem:s31+$0x2970]  }
0x6e: {  	v14 =	vld [tilespmem:s3+$0x100];
	[tilespmem:s31+$0x2900] =	vst v13;
	v12 =	vmax.f32 v12, $0.0e+00;
	v5 =	vadd.f32 v5, v10  }
0x6f: {  	v15 =	vld [tilespmem:s3+$0x110];
	[tilespmem:s31+$0x2910] =	vst v12;
	v10 =	vmax.f32 v6, $0.0e+00;
	v4 =	vadd.f32 v4, v9  }
0x70: {  	v6 =	vld [tilespmem:s3+$0x120];
	[tilespmem:s31+$0x2920] =	vst v10;
	v9 =	vmax.f32 v5, $0.0e+00;
	v3 =	vadd.f32 v3, v8  }
0x71: {  	v5 =	vld [tilespmem:s3+$0x130];
	[tilespmem:s31+$0x2930] =	vst v9;
	v8 =	vmax.f32 v4, $0.0e+00;
	v2 =	vadd.f32 v2, v7  }
0x72: {  	v4 =	vld [tilespmem:s3+$0x140];
	[tilespmem:s31+$0x2940] =	vst v8;
	v7 =	vmax.f32 v3, $0.0e+00;
	v1 =	vadd.f32 v1, v11  }
0x73: {  	v3 =	vld [tilespmem:s3+$0x150];
	[tilespmem:s31+$0x2950] =	vst v7;
	v7 =	vmax.f32 v2, $0.0e+00  }
0x74: {  	v2 =	vld [tilespmem:s3+$0x160];
	[tilespmem:s31+$0x2960] =	vst v7;
	v7 =	vmax.f32 v1, $0.0e+00  }
0x75: {  	v1 =	vld [tilespmem:s3+$0x170];
	[tilespmem:s31+$0x2970] =	vst v7;
	s31 =	smov.u32 s3  }
0x76: {  	v7 =	vld [tilespmem:s31+$0x2900]  }
0x77: {  	v12 =	vld [tilespmem:s31+$0x2910]  }
.Ltmp1:
0x78: {  	v11 =	vld [tilespmem:s31+$0x2920];
	(pc) =	sbr.rel @p1 .LBB2_5-.Ltmp1, $4  }
0x79: {  	v10 =	vld [tilespmem:s31+$0x2930]  }
0x7a: {  	v9 =	vld [tilespmem:s31+$0x2940]  }
0x7b: {  	v13 =	vadd.f32 v14, v7;
	v8 =	vld [tilespmem:s31+$0x2950]  }
0x7c: {  	s0 =	sadd.s32 $0x200, s0;
	v12 =	vadd.f32 v15, v12;
	v7 =	vld [tilespmem:s31+$0x2960]  }
0x7d: {  	v13 =	vmax.f32 v13, $0.0e+00;
	v6 =	vadd.f32 v6, v11;
	v63 =	vld [tilespmem:s31+$0x2970]  }
0x7e: {  	[tilespmem:s31+$0x2900] =	vst v13;
	v12 =	vmax.f32 v12, $0.0e+00;
	v5 =	vadd.f32 v5, v10  }
0x7f: {  	[tilespmem:s31+$0x2910] =	vst v12;
	v6 =	vmax.f32 v6, $0.0e+00;
	v4 =	vadd.f32 v4, v9  }
0x80: {  	[tilespmem:s31+$0x2920] =	vst v6;
	v5 =	vmax.f32 v5, $0.0e+00;
	v3 =	vadd.f32 v3, v8  }
0x81: {  	[tilespmem:s31+$0x2930] =	vst v5;
	v4 =	vmax.f32 v4, $0.0e+00;
	v2 =	vadd.f32 v2, v7  }
0x82: {  	[tilespmem:s31+$0x2940] =	vst v4;
	v3 =	vmax.f32 v3, $0.0e+00;
	v1 =	vadd.f32 v1, v63  }
0x83: {  	s30 =	sadd.s32 $0x1, s30;
	[tilespmem:s31+$0x2950] =	vst v3;
	v2 =	vmax.f32 v2, $0.0e+00  }
0x84: {  	p1 =	sne.s32 s30, $0x7D;
	[tilespmem:s31+$0x2960] =	vst v2;
	v1 =	vmax.f32 v1, $0.0e+00  }
.Ltmp2:
0x85: {  	[tilespmem:s31+$0x2970] =	vst v1;
	(pc) =	sbr.rel @p1 .LBB2_4-.Ltmp2, $4  }
0x86: {  	[spmem:s1] =	stream.indirect.scatter.add.f32 [tilespmem:s25], [sflag:$0x3], $0x80, s23, s24, $0xb8;
	[tilespmem:$0x18980] =	vst v63  }
0x87: {  	_ =	swait.ge [sflag:s22], $0x2800  }
0x88: {  	[sflag:s22] =	ssyncset.done $0x0  }
0x89: {  	[sflag:s22] =	ssyncadd.s32 $0xFFFFD800  }
0x8a: {  	s0 =	stileid.u32  }
0x8b: {  	s0 =	sshll.u32 s0, $0x6  }
0x8c: {  	[bflag:$0x0] =	sbarrier.arrive $0xFFFF;
	s3 =	sshrl.u32 s8, $0x3;
	s0 =	sor.u32 $0x1C03, s0  }
0x8d: {  	[hbm:s18], [sflag:s0] =	dma.local [spmem:s3], $0x2700  }
0x8e: {  	_ =	swait.ge [sflag:s22], $0x2700  }
0x8f: {  	s2 =	sadd.s32 $0x1, s2;
	[sflag:s22] =	ssyncset.done $0x0  }
0x90: {  	p1 =	sne.s32 s2, s20;
	s3 =	sshrl.u32 @!p0 s16, $0x3;
	[sflag:s22] =	ssyncadd.s32 $0xFFFFD900  }
0x91: {  	[hbm:s19], [sflag:s0] =	dma.local @!p0 [spmem:s3], $0x100  }
.Ltmp3:
0x92: {  	_ = 	snop;
	(pc) =	sbr.rel @p1 .LBB2_1-.Ltmp3, $4  }
0x93: {  	s0 =	simm.s32 @!p0 $0x3  }
0x94: {  	_ =	swait.ge @!p0 [sflag:s0], $0x100  }
0x95: {  	[sflag:s0] =	ssyncset.done @!p0 $0x0  }
0x96: {  	[sflag:s0] =	ssyncadd.s32 @!p0 $0xFFFFFF00  }
0x97: {  	_ =	sfence.sel $0x180000  }
0x98: {  	[bflag:$0x0] =	sbarrier.arrive $0xFFFF  }
0x99: {  	_ =	strace $0x9000004A  }
0x9a: {  	s0 =	stileid.u32;
	[bflag:$0x2] =	sbarrier.arrive $0xFFFF  }
0x9b: {  	p0 =	sne.s32 s0, $0x0;
	s0 =	rddreg [dreg:$0x2]  }
0x9c: {  	s0 =	sadd.s32 @!p0 $0x100000, s0  }
0x9d: {  	[sflag:s0] =	ssyncadd.tile.s32 @!p0 $0x1;
	_ =	shalt  }
.Lfunc_end2:
_tile_overlayer_lowered:
.L_overlay_start_2:
0x9e: {  	(tag) =	ssettag $0x2  }
0x9f: {  	s0 =	rddreg [dreg:$0x0];
	s2 =	stileid.u32  }
0xa0: {  	s1 =	rddreg [dreg:$0x1];
	p0 =	sne.s32 s2, $0x0  }
0xa1: {  	s3 =	rddreg [dreg:$0x2];
	[bflag:$0x3] =	sbarrier.arrive $0xFFFF;
	s2 =	simm.s32 @!p0 $0x1C03  }
0xa2: {  	[timem:s3], [sflag:s2] =	dma.local @!p0 [hbm:s0], s1  }
0xa3: {  	s0 =	simm.s32 @!p0 $0x3  }
0xa4: {  	_ =	swait.ge @!p0 [sflag:s0], s1  }
0xa5: {  	s1 =	ssub.s32 @!p0 $0x0, s1;
	[sflag:s0] =	ssyncset.done @!p0 $0x0  }
0xa6: {  	[sflag:s0] =	ssyncadd.s32 @!p0 s1  }
0xa7: {  	[bflag:$0x3] =	sbarrier.arrive $0xFFFF  }
0xa8: {  	_ =	shalt  }

// kernel: kernel.19.cloned.1.call-start
scs
__scs_entry_jumppad:
0x0: {  	(pc) =	sbr.rel $0x88, $3  }
0x1: {  	(tag) =	ssettag $0x0;
	lr =	simm.s32 $0x1  }
0x2: {  	[smem:$0x3F90] =	sst lr;
	_ =	strace $0xD0000000  }
0x3: {  	_ = 	snop  }
0x4: {  	_ = 	snop  }
0x5: {  	_ = 	snop  }
0x6: {  	_ = 	snop  }
0x7: {  	_ = 	snop  }
__scs_overlays_trampoline_lowered:
0x8: {  	[smem:$0x3F9F] =	sst s0  }
0x9: {  	[smem:$0x3FA0] =	sst s1  }
0xa: {  	[smem:$0x3FA1] =	sst s2  }
0xb: {  	[smem:$0x3FA2] =	sst s3  }
0xc: {  	[smem:$0x3FA3] =	sst s4  }
0xd: {  	[smem:$0x3FA4] =	sst s5  }
0xe: {  	[smem:$0x3FA5] =	sst s6  }
0xf: {  	[smem:$0x3FA6] =	sst s7  }
0x10: {  	[smem:$0x3FA7] =	sst s8  }
0x11: {  	[smem:$0x3FA8] =	sst s9;
	s0 =	simm.s32 @!p0 $0x0  }
0x12: {  	s1 =	sld [smem:$0x3F8E];
	s0 =	simm.s32 @p0 $0x1  }
0x13: {  	[smem:$0x3FA9] =	sst s0;
	s0 =	simm.s32 @!p1 $0x0  }
0x14: {  	s2 =	sld [smem:$0x3F8D];
	s0 =	simm.s32 @p1 $0x1  }
0x15: {  	[smem:$0x3FAA] =	sst s0;
	s0 =	simm.s32 @!p2 $0x0  }
0x16: {  	s3 =	sld [smem:$0x3FDB];
	s0 =	simm.s32 @p2 $0x1  }
0x17: {  	s4 =	simm.s32 $0x1BF5;
	[smem:$0x3FAC] =	sst s0  }
0x18: {  	s0 =	sld [smem:$0x3F8F];
	_ =	swait.ge [sflag:s4], $0x0  }
0x19: {  	s7 =	sld [smem:$0x3F90]  }
0x1a: {  	s8 =	sadd.s32 $0xFFFFE003, lr  }
0x1b: {  	s9 =	sadd.s32 $0xFFFFFEF7, lr;
	s5 =	simm.s32 $0xFFFFFFFF;
	p2 =	slt.u32 s8, $0xFFFFF086  }
0x1c: {  	p1 =	slt.u32 s9, $0xF7A;
	s5 =	simm.s32 @!p2 $0x0  }
0x1d: {  	s5 =	simm.s32 @p1 $0x1;
	p0 =	seq.s32 s7, s2  }
0x1e: {  	s7 =	smul.u32 @!p0 $0xF7A, s2;
	p2 =	seq.s32 @!p0 s5, $0x0  }
0x1f: {  	s9 =	smul.u32 $0xF7A, s1;
	s8 =	simm.s32 @!p0 $0x1BF5;
	p2 =	por !p2, p0  }
0x20: {  	[sflag:s8] =	ssyncset.s32 @!p0 $0xFFFFF086;
	s6 =	sadd.s32 @!p0 s3, s7;
	s7 =	simm.s32 @!p0 $0x108  }
0x21: {  	s3 =	sadd.s32 s3, s9;
	s6 =	sadd.s32 @!p0 $0x88, s6;
	s7 =	simm.s32 @p2 $0x1082  }
0x22: {  	[simem:s7], [sflag:s8] =	dma.local @!p0 [hbm:s6], $0xF7A  }
0x23: {  	s9 =	sor.u32 $0xD0000000, s2;
	s6 =	simm.s32 $0x108;
	_ =	swait.ge @!p0 [sflag:s8], $0x0  }
0x24: {  	s3 =	sadd.s32 $0x88, s3;
	s6 =	simm.s32 @!p1 $0x1082;
	[sflag:s4] =	ssyncset.s32 $0xFFFFF086  }
0x25: {  	[simem:s6], [sflag:s4] =	dma.local [hbm:s3], $0xF7A  }
0x26: {  	[smem:$0x3F90] =	sst s1;
	(tag) =	ssettag s2;
	_ =	strace s9  }
0x27: {  	s1 =	sld [smem:$0x3FA0]  }
0x28: {  	s2 =	sld [smem:$0x3FA1]  }
0x29: {  	s4 =	sld [smem:$0x3FA3]  }
0x2a: {  	p0 =	seq.s32 s5, $0x0;
	s5 =	sld [smem:$0x3FA4]  }
0x2b: {  	s6 =	sld [smem:$0x3FA5]  }
0x2c: {  	s7 =	sld [smem:$0x3FA6]  }
0x2d: {  	s3 =	simm.s32 $0x108;
	s8 =	sld [smem:$0x3FA7]  }
0x2e: {  	s3 =	simm.s32 @!p0 $0x1082;
	s9 =	sld [smem:$0x3FA8]  }
0x2f: {  	lr =	sadd.s32 s0, s3;
	s0 =	sld [smem:$0x3F9F]  }
0x30: {  	s3 =	sld [smem:$0x3FA2]  }
0x31: {  	[smem:$0x3FAB] =	sst s10  }
0x32: {  	s10 =	sld [smem:$0x3FA9];
	_ =	sdelay $0x3  }
0x33: {  	p0 =	seq.s32 s10, $0x1;
	s10 =	sld [smem:$0x3FAB];
	_ =	sdelay $0x3  }
0x34: {  	[smem:$0x3FAB] =	sst s10  }
0x35: {  	s10 =	sld [smem:$0x3FAA];
	_ =	sdelay $0x3  }
0x36: {  	p1 =	seq.s32 s10, $0x1;
	s10 =	sld [smem:$0x3FAB];
	_ =	sdelay $0x3  }
0x37: {  	[smem:$0x3FAB] =	sst s10  }
0x38: {  	s10 =	sld [smem:$0x3FAC]  }
0x39: {  	_ = 	snop;
	(pc) =	sbr.ind lr, $3  }
0x3a: {  	_ = 	snop  }
0x3b: {  	_ = 	snop  }
0x3c: {  	p2 =	seq.s32 s10, $0x1;
	s10 =	sld [smem:$0x3FAB]  }
0x3d: {  	_ =	shalt  }
0x3e: {  	_ =	shalt  }
0x3f: {  	_ =	shalt  }
0x40: {  	_ =	shalt  }
0x41: {  	_ =	shalt  }
0x42: {  	_ =	shalt  }
0x43: {  	_ =	shalt  }
0x44: {  	_ =	shalt  }
0x45: {  	_ =	shalt  }
0x46: {  	_ =	shalt  }
0x47: {  	_ =	shalt  }
0x48: {  	_ =	shalt  }
0x49: {  	_ =	shalt  }
0x4a: {  	_ =	shalt  }
0x4b: {  	_ =	shalt  }
0x4c: {  	_ =	shalt  }
0x4d: {  	_ =	shalt  }
0x4e: {  	_ =	shalt  }
0x4f: {  	_ =	shalt  }
0x50: {  	_ =	shalt  }
0x51: {  	_ =	shalt  }
0x52: {  	_ =	shalt  }
0x53: {  	_ =	shalt  }
0x54: {  	_ =	shalt  }
0x55: {  	_ =	shalt  }
0x56: {  	_ =	shalt  }
0x57: {  	_ =	shalt  }
0x58: {  	_ =	shalt  }
0x59: {  	_ =	shalt  }
0x5a: {  	_ =	shalt  }
0x5b: {  	_ =	shalt  }
0x5c: {  	_ =	shalt  }
0x5d: {  	_ =	shalt  }
0x5e: {  	_ =	shalt  }
0x5f: {  	_ =	shalt  }
0x60: {  	_ =	shalt  }
0x61: {  	_ =	shalt  }
0x62: {  	_ =	shalt  }
0x63: {  	_ =	shalt  }
0x64: {  	_ =	shalt  }
0x65: {  	_ =	shalt  }
0x66: {  	_ =	shalt  }
0x67: {  	_ =	shalt  }
0x68: {  	_ =	shalt  }
0x69: {  	_ =	shalt  }
0x6a: {  	_ =	shalt  }
0x6b: {  	_ =	shalt  }
0x6c: {  	_ =	shalt  }
0x6d: {  	_ =	shalt  }
0x6e: {  	_ =	shalt  }
0x6f: {  	_ =	shalt  }
0x70: {  	_ =	shalt  }
0x71: {  	_ =	shalt  }
0x72: {  	_ =	shalt  }
0x73: {  	_ =	shalt  }
0x74: {  	_ =	shalt  }
0x75: {  	_ =	shalt  }
0x76: {  	_ =	shalt  }
0x77: {  	_ =	shalt  }
0x78: {  	_ =	shalt  }
0x79: {  	_ =	shalt  }
0x7a: {  	_ =	shalt  }
0x7b: {  	_ =	shalt  }
0x7c: {  	_ =	shalt  }
0x7d: {  	_ =	shalt  }
0x7e: {  	_ =	shalt  }
0x7f: {  	_ =	shalt  }
0x80: {  	_ =	shalt  }
0x81: {  	_ =	shalt  }
0x82: {  	_ =	shalt  }
0x83: {  	_ =	shalt  }
0x84: {  	_ =	shalt  }
0x85: {  	_ =	shalt  }
0x86: {  	_ =	shalt  }
0x87: {  	_ =	shalt  }
.Lfunc_end0:
.L_simem_size_0:
called_computation.2_lowered:
.L_overlay_start_0:
0x88: {  	s2 =	sld [smem:$0x3FD9]  }
0x89: {  	s3 =	sld [smem:$0x3FFE];
	_ =	sdelay $0x1  }
0x8a: {  	s1 =	srdreg.scid  }
0x8b: {  	s0 =	sand.u32 $0x1, s1  }
0x8c: {  	s16 =	sshll.u32 s0, $0xA;
	s2 =	sadd.s32 s3, s2  }
0x8d: {  	s2 =	sadd.s32 s2, s16  }
0x8e: {  	[smem:$0x3FB7] =	sst s2  }
0x8f: {  	_ = 	snop  }
0x90: {  	(tm) =	ssettm $0x1  }
0x91: {  	s17 =	sld [smem:$0x3FFB];
	_ =	sdelay $0x3  }
0x92: {  	_ =	strace s17  }
0x93: {  	s2 =	sld [smem:$0x3FFC];
	_ =	sdelay $0x3  }
0x94: {  	_ =	strace s2  }
0x95: {  	s2 =	sld [smem:$0x3FFD];
	_ =	sdelay $0x3  }
0x96: {  	_ =	strace s2  }
0x97: {  	_ =	strace $0x8FFFFFFF  }
0x98: {  	s18 =	sld [smem:$0x3FDB];
	_ =	sdelay $0x1  }
0x99: {  	s19 =	simm.s32 $_scs_section_size  }
0x9a: {  	s4 =	simm.s32 $_size__tile_overlayer_lowered;
	s5 =	simm.s32 $_tile_overlayer_lowered  }
0x9b: {  	s22 =	simm.s32 $0x1BFF;
	s21 =	sshll.u32 s5, $0x1;
	s2 =	sadd.s32 s19, s18  }
0x9c: {  	s6 =	simm.s32 $0x0;
	s20 =	sshll.u32 s4, $0x1;
	s4 =	sadd.s32 s21, s2  }
0x9d: {  	[timem:s6], [sflag:s22] =	dma.local [hbm:s4], s20  }
0x9e: {  	_ =	swait.ge [sflag:s22], s20  }
0x9f: {  	s3 =	ssub.s32 $0x0, s20;
	[sflag:s22] =	ssyncset.done $0x0  }
0xa0: {  	[sflag:s22] =	ssyncadd.s32 s3;
	_ =	sdelay $0x1  }
0xa1: {  	s23 =	simm.s32 $0x1B8B  }
0xa2: {  	_ =	swait.ge [sflag:s23], $0x1  }
0xa3: {  	[sflag:s23] =	ssyncset.done $0x0  }
0xa4: {  	s25 =	simm.s32 $0x1B8E;
	s24 =	sld [smem:$0x3FFE];
	[sflag:s23] =	ssyncadd.s32 $0xFFFFFFFF  }
0xa5: {  	s26 =	simm.s32 $execute0_lowered;
	[smem:$0x3FD2] =	sst s25  }
0xa6: {  	s4 =	sshll.u32 s26, $0x1;
	_ =	strace $0x8000004C;
	[dreg:$0x1] =	wrdreg $0xFFFFFFFF  }
0xa7: {  	s28 =	simm.s32 $_size_execute0_lowered;
	s2 =	sadd.s32 s2, s4;
	[dreg:$0x0] =	wrdreg $0x0  }
0xa8: {  	s4 =	sshll.u32 s28, $0x1;
	[dreg:$0x2] =	wrdreg s2  }
0xa9: {  	[dreg:$0x3] =	wrdreg s4  }
0xaa: {  	[dreg:$0x4] =	wrdreg $0xC0  }
0xab: {  	_ =	task [dreg:s6], $0x5FFFF  }
0xac: {  	[dreg:$0x1] =	wrdreg $0xFFFFFFFF  }
0xad: {  	[dreg:$0x0] =	wrdreg $0x60  }
0xae: {  	[dreg:$0x2] =	wrdreg s24  }
0xaf: {  	[dreg:$0x3] =	wrdreg $0x51000  }
0xb0: {  	[dreg:$0x4] =	wrdreg $0x9  }
0xb1: {  	_ =	task.clear_ibuf [dreg:s6], $0x5FFFF;
	_ =	strace $0x9000004C  }
0xb2: {  	s29 =	simm.s32 $0x9;
	_ =	strace $0x8000004E  }
0xb3: {  	_ =	swait.ge [sflag:s29], $0x1  }
0xb4: {  	[sflag:s29] =	ssyncadd.s32 $0xFFFFFFFF  }
0xb5: {  	_ =	strace $0x9000004E  }
0xb6: {  	_ =	sfence  }
0xb7: {  	s30 =	sld [smem:$0x0];
	_ =	sdelay $0x2  }
0xb8: {  	s31 =	sshll.u32 s1, $0xD;
	s1 =	sshrl.u32 s1, $0x2  }
0xb9: {  	s3 =	sand.u32 $0x4000, s31;
	s1 =	sadd.s32 s1, s30  }
0xba: {  	s0 =	sor.u32 s3, s0;
	s1 =	sshll.u32 s1, $0x11  }
0xbb: {  	s0 =	sor.u32 s1, s0  }
0xbc: {  	s0 =	sadd.s32 $0x8F2B, s0  }
0xbd: {  	[sflag:s0] =	ssyncadd.remote.s32 $0x1  }
0xbe: {  	_ =	sfence.sel $0xFFFF  }
0xbf: {  	[dreg:$0x0] =	wrdreg $0xFFFFFFFF;
	(pc) =	sbr.abs _section_cstart, $3  }
0xc0: {  	[dreg:$0x1] =	wrdreg $0xFFFFFFFF  }
0xc1: {  	_ =	task.clear_ibuf [dreg:s6], $0x2FFFF;
	_ =	strace $0x9FFFFFFF  }
0xc2: {  	(tm) =	ssettm $0x7FFFFFFF  }
0xc3: {  	_ =	shalt  }
tec
execute0_lowered:
.L_overlay_start_1:
0x0: {  	(tag) =	ssettag $0x1  }
0x1: {  	s0 =	rddreg [dreg:$0x0]  }
0x2: {  	s1 =	rddreg [dreg:$0x1]  }
0x3: {  	s2 =	simm.s32 $0x0;
	s6 =	srdreg.scid;
	s3 =	stileid.u32  }
0x4: {  	s21 =	simm.s32 $0x100;
	s22 =	simm.s32 $0x3;
	s23 =	simm.s32 $0x80  }
0x5: {  	s24 =	simm.s32 $0x50;
	s25 =	simm.s32 $0x2900;
	s26 =	simm.s32 $0x1  }
0x6: {  	s28 =	simm.s32 $0x2;
	[smem:$0x7FF] =	sst s2;
	s4 =	sadd.s32 $0x19800, s0  }
0x7: {  	s5 =	sadd.s32 $0x522A00, s0;
	s10 =	sand.u32 $0x1, s6;
	s8 =	smul.u32 $0x4E000, s3  }
0x8: {  	s6 =	sadd.s32 $0xFA00, s0;
	s7 =	sadd.s32 $0x5C00, s0;
	s0 =	sadd.s32 $0x40A00, s0  }
0x9: {  	s31 =	sshll.u32 s3, $0x1;
	s18 =	smul.u32 $0x13800, s3;
	p0 =	sne.s32 s3, $0xF  }
0xa: {  	_ =	strace $0x8000004D;
	s9 =	ssub.s32 $0x2, s10;
	s17 =	sor.u32 s10, s31  }
0xb: {  	s16 =	smul.u32 $0x138800, s10;
	s11 =	sshrl.u32 s9, $0x1;
	s8 =	sshrl.u32 s8, $0x2  }
0xc: {  	s17 =	smul.u32 $0x2710, s17;
	s20 =	ssub.s32 s9, s11;
	s8 =	sadd.s32 s8, s1  }
0xd: {  	s18 =	sadd.s32 s18, s16;
	s19 =	sshrl.u32 s16, $0x3;
	s16 =	sadd.s32 $0x138000, s1  }
0xe: {  	s9 =	sadd.s32 $0x2800, s8;
	s10 =	sadd.s32 $0x5000, s8;
	s11 =	sadd.s32 $0x7800, s8  }
0xf: {  	s12 =	sadd.s32 $0xA000, s8;
	s13 =	sadd.s32 $0xC800, s8;
	s14 =	sadd.s32 $0xF000, s8  }
0x10: {  	s15 =	sadd.s32 $0x11800, s8;
	s18 =	sshrl.u32 s18, $0x3;
	s19 =	sadd.s32 s0, s19  }
0x11: {  	v0 =	vimm.f32 $0.0e+00;
	s20 =	smax.u32 s20, $0x1;
	s18 =	sadd.s32 s0, s18;
	s19 =	sadd.s32 $0x27000, s19  }
.LBB2_1:
0x12: {  	s0 =	simm.s32 $0x0;
	s29 =	simm.s32 $0x200  }
.LBB2_2:
0x13: {  	p1 =	sne.s32 s29, $0x9E00;
	[tilespmem:s0+$0x170] =	vst v0  }
0x14: {  	[tilespmem:s0+$0x100] =	vst v0  }
0x15: {  	[tilespmem:s0+$0x110] =	vst v0  }
.Ltmp0:
0x16: {  	[tilespmem:s0+$0x120] =	vst v0;
	(pc) =	sbr.rel @p1 .LBB2_2-.Ltmp0, $4  }
0x17: {  	[tilespmem:s0+$0x130] =	vst v0  }
0x18: {  	[tilespmem:s0+$0x140] =	vst v0  }
0x19: {  	[tilespmem:s0+$0x150] =	vst v0  }
0x1a: {  	[tilespmem:s0+$0x160] =	vst v0;
	s0 =	sshra.s32 s29, $0x2;
	s29 =	sadd.s32 $0x200, s29  }
0x1b: {  	[tilespmem:s0+$0x170] =	vst v0  }
0x1c: {  	[tilespmem:s0+$0x100] =	vst v0  }
0x1d: {  	[tilespmem:s0+$0x110] =	vst v0  }
0x1e: {  	[tilespmem:s0+$0x120] =	vst v0  }
0x1f: {  	[tilespmem:s0+$0x130] =	vst v0  }
0x20: {  	[tilespmem:s0+$0x140] =	vst v0  }
0x21: {  	[tilespmem:s0+$0x150] =	vst v0  }
0x22: {  	[tilespmem:s0+$0x160] =	vst v0  }
0x23: {  	[spmem:s8] =	stream.linear.scatter [tilespmem:s21], [sflag:$0x3], $0x2800, $0x38;
	[tilespmem:$0x18980] =	vst v63  }
0x24: {  	_ =	swait.ge [sflag:s22], $0x2800  }
0x25: {  	[sflag:s22] =	ssyncset.done $0x0  }
0x26: {  	[sflag:s22] =	ssyncadd.s32 $0xFFFFD800  }
0x27: {  	[spmem:s9] =	stream.linear.scatter [tilespmem:s21], [sflag:$0x3], $0x2800, $0x38;
	[tilespmem:$0x18980] =	vst v63  }
0x28: {  	_ =	swait.ge [sflag:s22], $0x2800  }
0x29: {  	[sflag:s22] =	ssyncset.done $0x0  }
0x2a: {  	[sflag:s22] =	ssyncadd.s32 $0xFFFFD800  }
0x2b: {  	[spmem:s10] =	stream.linear.scatter [tilespmem:s21], [sflag:$0x3], $0x2800, $0x38;
	[tilespmem:$0x18980] =	vst v63  }
0x2c: {  	_ =	swait.ge [sflag:s22], $0x2800  }
0x2d: {  	[sflag:s22] =	ssyncset.done $0x0  }
0x2e: {  	[sflag:s22] =	ssyncadd.s32 $0xFFFFD800  }
0x2f: {  	[spmem:s11] =	stream.linear.scatter [tilespmem:s21], [sflag:$0x3], $0x2800, $0x38;
	[tilespmem:$0x18980] =	vst v63  }
0x30: {  	_ =	swait.ge [sflag:s22], $0x2800  }
0x31: {  	[sflag:s22] =	ssyncset.done $0x0  }
0x32: {  	[sflag:s22] =	ssyncadd.s32 $0xFFFFD800  }
0x33: {  	[spmem:s12] =	stream.linear.scatter [tilespmem:s21], [sflag:$0x3], $0x2800, $0x38;
	[tilespmem:$0x18980] =	vst v63  }
0x34: {  	_ =	swait.ge [sflag:s22], $0x2800  }
0x35: {  	[sflag:s22] =	ssyncset.done $0x0  }
0x36: {  	[sflag:s22] =	ssyncadd.s32 $0xFFFFD800  }
0x37: {  	[spmem:s13] =	stream.linear.scatter [tilespmem:s21], [sflag:$0x3], $0x2800, $0x38;
	[tilespmem:$0x18980] =	vst v63  }
0x38: {  	_ =	swait.ge [sflag:s22], $0x2800  }
0x39: {  	[sflag:s22] =	ssyncset.done $0x0  }
0x3a: {  	[sflag:s22] =	ssyncadd.s32 $0xFFFFD800  }
0x3b: {  	[spmem:s14] =	stream.linear.scatter [tilespmem:s21], [sflag:$0x3], $0x2800, $0x38;
	[tilespmem:$0x18980] =	vst v63  }
0x3c: {  	_ =	swait.ge [sflag:s22], $0x2800  }
0x3d: {  	[sflag:s22] =	ssyncset.done $0x0  }
0x3e: {  	[sflag:s22] =	ssyncadd.s32 $0xFFFFD800  }
0x3f: {  	[spmem:s15] =	stream.linear.scatter [tilespmem:s21], [sflag:$0x3], $0x2000, $0x38;
	[tilespmem:$0x18980] =	vst v63  }
0x40: {  	_ =	swait.ge [sflag:s22], $0x2000  }
0x41: {  	[sflag:s22] =	ssyncset.done $0x0  }
0x42: {  	s0 =	simm.s32 @!p0 $0x100;
	[sflag:s22] =	ssyncadd.s32 $0xFFFFE000  }
0x43: {  	[spmem:s16] =	stream.linear.scatter @!p0 [tilespmem:s0], [sflag:$0x3], $0x800, $0x38;
	[tilespmem:$0x18980] =	vst v63  }
0x44: {  	s0 =	simm.s32 @!p0 $0x3  }
0x45: {  	_ =	swait.ge @!p0 [sflag:s0], $0x800  }
0x46: {  	[sflag:s0] =	ssyncset.done @!p0 $0x0  }
0x47: {  	[sflag:s0] =	ssyncadd.s32 @!p0 $0xFFFFF800  }
0x48: {  	s29 =	simm.s32 $0x0;
	s30 =	simm.s32 $0x0;
	[bflag:$0x0] =	sbarrier.arrive $0xFFFF  }
.LBB2_4:
0x49: {  	s0 =	smul.u32 $0x50, s30;
	_ =	sdelay $0x1  }
0x4a: {  	s0 =	sadd.s32 s17, s0  }
0x4b: {  	s31 =	sshrl.u32 s0, $0x3  }
0x4c: {  	s3 =	sadd.s32 s6, s31  }
0x4d: {  	[tilespmem:s29], [sflag:$0x3] =	stream.linear.gather [hbm4b:s3+s29], $0x50, $0x38;
	[tilespmem:$0x18980] =	vst v63  }
0x4e: {  	_ =	swait.ge [sflag:s22], $0x50  }
0x4f: {  	[sflag:s22] =	ssyncset.done $0x0  }
0x50: {  	s3 =	sadd.s32 s7, s31;
	[sflag:s22] =	ssyncadd.s32 $0xFFFFFFB0  }
0x51: {  	[tilespmem:s23], [sflag:$0x3] =	stream.linear.gather [hbm4b:s3+s29], $0x50, $0x38;
	[tilespmem:$0x18980] =	vst v63  }
0x52: {  	_ =	swait.ge [sflag:s22], $0x50  }
0x53: {  	s0 =	sshll.u32 s0, $0x4;
	[sflag:s22] =	ssyncset.done $0x0  }
0x54: {  	s0 =	sadd.s32 s5, s0;
	[sflag:s22] =	ssyncadd.s32 $0xFFFFFFB0  }
0x55: {  	[tilespmem:s21], [sflag:$0x1] =	stream.linear.gather [hbm4b:s0+s29], $0x2800, $0x38;
	[tilespmem:$0x18980] =	vst v63  }
0x56: {  	_ = 	snop  }
0x57: {  	[tilespmem:s25], [sflag:$0x2] =	stream.indirect.gather [hbm4b:s4+s24], $0x80, s29, s24, $0xb8;
	[tilespmem:$0x18980] =	vst v63  }
0x58: {  	_ =	swait.ge [sflag:s26], $0x2800  }
0x59: {  	[sflag:s26] =	ssyncset.done $0x0  }
0x5a: {  	[sflag:s26] =	ssyncadd.s32 $0xFFFFD800  }
0x5b: {  	_ =	swait.ge [sflag:s28], $0x2800  }
0x5c: {  	[sflag:s28] =	ssyncset.done $0x0  }
0x5d: {  	s31 =	simm.s32 $0x0;
	[sflag:s28] =	ssyncadd.s32 $0xFFFFD800  }
0x5e: {  	v7 =	vld [tilespmem:s31+$0x100]  }
0x5f: {  	v12 =	vld [tilespmem:s31+$0x110]  }
0x60: {  	v6 =	vld [tilespmem:s31+$0x120]  }
0x61: {  	v5 =	vld [tilespmem:s31+$0x130]  }
0x62: {  	v4 =	vld [tilespmem:s31+$0x140]  }
0x63: {  	v3 =	vld [tilespmem:s31+$0x150]  }
0x64: {  	v2 =	vld [tilespmem:s31+$0x160]  }
0x65: {  	v1 =	vld [tilespmem:s31+$0x170]  }
0x66: {  	v13 =	vld [tilespmem:s31+$0x2900]  }
0x67: {  	v14 =	vld [tilespmem:s31+$0x2910]  }
0x68: {  	v11 =	vld [tilespmem:s31+$0x2920]  }
0x69: {  	v10 =	vld [tilespmem:s31+$0x2930]  }
0x6a: {  	v9 =	vld [tilespmem:s31+$0x2940]  }
0x6b: {  	v8 =	vld [tilespmem:s31+$0x2950];
	v13 =	vadd.f32 v7, v13  }
0x6c: {  	s0 =	simm.s32 $0x200;
	v12 =	vadd.f32 v12, v14;
	v7 =	vld [tilespmem:s31+$0x2960]  }
.LBB2_5:
0x6d: {  	s3 =	sshra.s32 s0, $0x2;
	p1 =	sne.s32 s0, $0x9E00;
	v13 =	vmax.f32 v13, $0.0e+00;
	v6 =	vadd.f32 v6, v11;
	v11 =	vld [tilespmem:s31+$0x2970]  }
0x6e: {  	v14 =	vld [tilespmem:s3+$0x100];
	[tilespmem:s31+$0x2900] =	vst v13;
	v12 =	vmax.f32 v12, $0.0e+00;
	v5 =	vadd.f32 v5, v10  }
0x6f: {  	v15 =	vld [tilespmem:s3+$0x110];
	[tilespmem:s31+$0x2910] =	vst v12;
	v10 =	vmax.f32 v6, $0.0e+00;
	v4 =	vadd.f32 v4, v9  }
0x70: {  	v6 =	vld [tilespmem:s3+$0x120];
	[tilespmem:s31+$0x2920] =	vst v10;
	v9 =	vmax.f32 v5, $0.0e+00;
	v3 =	vadd.f32 v3, v8  }
0x71: {  	v5 =	vld [tilespmem:s3+$0x130];
	[tilespmem:s31+$0x2930] =	vst v9;
	v8 =	vmax.f32 v4, $0.0e+00;
	v2 =	vadd.f32 v2, v7  }
0x72: {  	v4 =	vld [tilespmem:s3+$0x140];
	[tilespmem:s31+$0x2940] =	vst v8;
	v7 =	vmax.f32 v3, $0.0e+00;
	v1 =	vadd.f32 v1, v11  }
0x73: {  	v3 =	vld [tilespmem:s3+$0x150];
	[tilespmem:s31+$0x2950] =	vst v7;
	v7 =	vmax.f32 v2, $0.0e+00  }
0x74: {  	v2 =	vld [tilespmem:s3+$0x160];
	[tilespmem:s31+$0x2960] =	vst v7;
	v7 =	vmax.f32 v1, $0.0e+00  }
0x75: {  	v1 =	vld [tilespmem:s3+$0x170];
	[tilespmem:s31+$0x2970] =	vst v7;
	s31 =	smov.u32 s3  }
0x76: {  	v7 =	vld [tilespmem:s31+$0x2900]  }
0x77: {  	v12 =	vld [tilespmem:s31+$0x2910]  }
.Ltmp1:
0x78: {  	v11 =	vld [tilespmem:s31+$0x2920];
	(pc) =	sbr.rel @p1 .LBB2_5-.Ltmp1, $4  }
0x79: {  	v10 =	vld [tilespmem:s31+$0x2930]  }
0x7a: {  	v9 =	vld [tilespmem:s31+$0x2940]  }
0x7b: {  	v13 =	vadd.f32 v14, v7;
	v8 =	vld [tilespmem:s31+$0x2950]  }
0x7c: {  	s0 =	sadd.s32 $0x200, s0;
	v12 =	vadd.f32 v15, v12;
	v7 =	vld [tilespmem:s31+$0x2960]  }
0x7d: {  	v13 =	vmax.f32 v13, $0.0e+00;
	v6 =	vadd.f32 v6, v11;
	v63 =	vld [tilespmem:s31+$0x2970]  }
0x7e: {  	[tilespmem:s31+$0x2900] =	vst v13;
	v12 =	vmax.f32 v12, $0.0e+00;
	v5 =	vadd.f32 v5, v10  }
0x7f: {  	[tilespmem:s31+$0x2910] =	vst v12;
	v6 =	vmax.f32 v6, $0.0e+00;
	v4 =	vadd.f32 v4, v9  }
0x80: {  	[tilespmem:s31+$0x2920] =	vst v6;
	v5 =	vmax.f32 v5, $0.0e+00;
	v3 =	vadd.f32 v3, v8  }
0x81: {  	[tilespmem:s31+$0x2930] =	vst v5;
	v4 =	vmax.f32 v4, $0.0e+00;
	v2 =	vadd.f32 v2, v7  }
0x82: {  	[tilespmem:s31+$0x2940] =	vst v4;
	v3 =	vmax.f32 v3, $0.0e+00;
	v1 =	vadd.f32 v1, v63  }
0x83: {  	s30 =	sadd.s32 $0x1, s30;
	[tilespmem:s31+$0x2950] =	vst v3;
	v2 =	vmax.f32 v2, $0.0e+00  }
0x84: {  	p1 =	sne.s32 s30, $0x7D;
	[tilespmem:s31+$0x2960] =	vst v2;
	v1 =	vmax.f32 v1, $0.0e+00  }
.Ltmp2:
0x85: {  	[tilespmem:s31+$0x2970] =	vst v1;
	(pc) =	sbr.rel @p1 .LBB2_4-.Ltmp2, $4  }
0x86: {  	[spmem:s1] =	stream.indirect.scatter.add.f32 [tilespmem:s25], [sflag:$0x3], $0x80, s23, s24, $0xb8;
	[tilespmem:$0x18980] =	vst v63  }
0x87: {  	_ =	swait.ge [sflag:s22], $0x2800  }
0x88: {  	[sflag:s22] =	ssyncset.done $0x0  }
0x89: {  	[sflag:s22] =	ssyncadd.s32 $0xFFFFD800  }
0x8a: {  	s0 =	stileid.u32  }
0x8b: {  	s0 =	sshll.u32 s0, $0x6  }
0x8c: {  	[bflag:$0x0] =	sbarrier.arrive $0xFFFF;
	s3 =	sshrl.u32 s8, $0x3;
	s0 =	sor.u32 $0x1C03, s0  }
0x8d: {  	[hbm:s18], [sflag:s0] =	dma.local [spmem:s3], $0x2700  }
0x8e: {  	_ =	swait.ge [sflag:s22], $0x2700  }
0x8f: {  	s2 =	sadd.s32 $0x1, s2;
	[sflag:s22] =	ssyncset.done $0x0  }
0x90: {  	p1 =	sne.s32 s2, s20;
	s3 =	sshrl.u32 @!p0 s16, $0x3;
	[sflag:s22] =	ssyncadd.s32 $0xFFFFD900  }
0x91: {  	[hbm:s19], [sflag:s0] =	dma.local @!p0 [spmem:s3], $0x100  }
.Ltmp3:
0x92: {  	_ = 	snop;
	(pc) =	sbr.rel @p1 .LBB2_1-.Ltmp3, $4  }
0x93: {  	s0 =	simm.s32 @!p0 $0x3  }
0x94: {  	_ =	swait.ge @!p0 [sflag:s0], $0x100  }
0x95: {  	[sflag:s0] =	ssyncset.done @!p0 $0x0  }
0x96: {  	[sflag:s0] =	ssyncadd.s32 @!p0 $0xFFFFFF00  }
0x97: {  	_ =	sfence.sel $0x180000  }
0x98: {  	[bflag:$0x0] =	sbarrier.arrive $0xFFFF  }
0x99: {  	_ =	strace $0x9000004D  }
0x9a: {  	s0 =	stileid.u32;
	[bflag:$0x2] =	sbarrier.arrive $0xFFFF  }
0x9b: {  	p0 =	sne.s32 s0, $0x0;
	s0 =	rddreg [dreg:$0x2]  }
0x9c: {  	s0 =	sadd.s32 @!p0 $0x100000, s0  }
0x9d: {  	[sflag:s0] =	ssyncadd.tile.s32 @!p0 $0x1;
	_ =	shalt  }
.Lfunc_end2:
_tile_overlayer_lowered:
.L_overlay_start_2:
0x9e: {  	(tag) =	ssettag $0x2  }
0x9f: {  	s0 =	rddreg [dreg:$0x0];
	s2 =	stileid.u32  }
0xa0: {  	s1 =	rddreg [dreg:$0x1];
	p0 =	sne.s32 s2, $0x0  }
0xa1: {  	s3 =	rddreg [dreg:$0x2];
	[bflag:$0x3] =	sbarrier.arrive $0xFFFF;
	s2 =	simm.s32 @!p0 $0x1C03  }
0xa2: {  	[timem:s3], [sflag:s2] =	dma.local @!p0 [hbm:s0], s1  }
0xa3: {  	s0 =	simm.s32 @!p0 $0x3  }
0xa4: {  	_ =	swait.ge @!p0 [sflag:s0], s1  }
0xa5: {  	s1 =	ssub.s32 @!p0 $0x0, s1;
	[sflag:s0] =	ssyncset.done @!p0 $0x0  }
0xa6: {  	[sflag:s0] =	ssyncadd.s32 @!p0 s1  }
0xa7: {  	[bflag:$0x3] =	sbarrier.arrive $0xFFFF  }
0xa8: {  	_ =	shalt  }

// kernel: kernel.22.cloned.1.call-start
scs
__scs_entry_jumppad:
0x0: {  	(pc) =	sbr.rel $0x88, $3  }
0x1: {  	(tag) =	ssettag $0x0;
	lr =	simm.s32 $0x1  }
0x2: {  	[smem:$0x3F90] =	sst lr;
	_ =	strace $0xD0000000  }
0x3: {  	_ = 	snop  }
0x4: {  	_ = 	snop  }
0x5: {  	_ = 	snop  }
0x6: {  	_ = 	snop  }
0x7: {  	_ = 	snop  }
__scs_overlays_trampoline_lowered:
0x8: {  	[smem:$0x3F9F] =	sst s0  }
0x9: {  	[smem:$0x3FA0] =	sst s1  }
0xa: {  	[smem:$0x3FA1] =	sst s2  }
0xb: {  	[smem:$0x3FA2] =	sst s3  }
0xc: {  	[smem:$0x3FA3] =	sst s4  }
0xd: {  	[smem:$0x3FA4] =	sst s5  }
0xe: {  	[smem:$0x3FA5] =	sst s6  }
0xf: {  	[smem:$0x3FA6] =	sst s7  }
0x10: {  	[smem:$0x3FA7] =	sst s8  }
0x11: {  	[smem:$0x3FA8] =	sst s9;
	s0 =	simm.s32 @!p0 $0x0  }
0x12: {  	s1 =	sld [smem:$0x3F8E];
	s0 =	simm.s32 @p0 $0x1  }
0x13: {  	[smem:$0x3FA9] =	sst s0;
	s0 =	simm.s32 @!p1 $0x0  }
0x14: {  	s2 =	sld [smem:$0x3F8D];
	s0 =	simm.s32 @p1 $0x1  }
0x15: {  	[smem:$0x3FAA] =	sst s0;
	s0 =	simm.s32 @!p2 $0x0  }
0x16: {  	s3 =	sld [smem:$0x3FDB];
	s0 =	simm.s32 @p2 $0x1  }
0x17: {  	s4 =	simm.s32 $0x1BF5;
	[smem:$0x3FAC] =	sst s0  }
0x18: {  	s0 =	sld [smem:$0x3F8F];
	_ =	swait.ge [sflag:s4], $0x0  }
0x19: {  	s7 =	sld [smem:$0x3F90]  }
0x1a: {  	s8 =	sadd.s32 $0xFFFFE003, lr  }
0x1b: {  	s9 =	sadd.s32 $0xFFFFFEF7, lr;
	s5 =	simm.s32 $0xFFFFFFFF;
	p2 =	slt.u32 s8, $0xFFFFF086  }
0x1c: {  	p1 =	slt.u32 s9, $0xF7A;
	s5 =	simm.s32 @!p2 $0x0  }
0x1d: {  	s5 =	simm.s32 @p1 $0x1;
	p0 =	seq.s32 s7, s2  }
0x1e: {  	s7 =	smul.u32 @!p0 $0xF7A, s2;
	p2 =	seq.s32 @!p0 s5, $0x0  }
0x1f: {  	s9 =	smul.u32 $0xF7A, s1;
	s8 =	simm.s32 @!p0 $0x1BF5;
	p2 =	por !p2, p0  }
0x20: {  	[sflag:s8] =	ssyncset.s32 @!p0 $0xFFFFF086;
	s6 =	sadd.s32 @!p0 s3, s7;
	s7 =	simm.s32 @!p0 $0x108  }
0x21: {  	s3 =	sadd.s32 s3, s9;
	s6 =	sadd.s32 @!p0 $0x88, s6;
	s7 =	simm.s32 @p2 $0x1082  }
0x22: {  	[simem:s7], [sflag:s8] =	dma.local @!p0 [hbm:s6], $0xF7A  }
0x23: {  	s9 =	sor.u32 $0xD0000000, s2;
	s6 =	simm.s32 $0x108;
	_ =	swait.ge @!p0 [sflag:s8], $0x0  }
0x24: {  	s3 =	sadd.s32 $0x88, s3;
	s6 =	simm.s32 @!p1 $0x1082;
	[sflag:s4] =	ssyncset.s32 $0xFFFFF086  }
0x25: {  	[simem:s6], [sflag:s4] =	dma.local [hbm:s3], $0xF7A  }
0x26: {  	[smem:$0x3F90] =	sst s1;
	(tag) =	ssettag s2;
	_ =	strace s9  }
0x27: {  	s1 =	sld [smem:$0x3FA0]  }
0x28: {  	s2 =	sld [smem:$0x3FA1]  }
0x29: {  	s4 =	sld [smem:$0x3FA3]  }
0x2a: {  	p0 =	seq.s32 s5, $0x0;
	s5 =	sld [smem:$0x3FA4]  }
0x2b: {  	s6 =	sld [smem:$0x3FA5]  }
0x2c: {  	s7 =	sld [smem:$0x3FA6]  }
0x2d: {  	s3 =	simm.s32 $0x108;
	s8 =	sld [smem:$0x3FA7]  }
0x2e: {  	s3 =	simm.s32 @!p0 $0x1082;
	s9 =	sld [smem:$0x3FA8]  }
0x2f: {  	lr =	sadd.s32 s0, s3;
	s0 =	sld [smem:$0x3F9F]  }
0x30: {  	s3 =	sld [smem:$0x3FA2]  }
0x31: {  	[smem:$0x3FAB] =	sst s10  }
0x32: {  	s10 =	sld [smem:$0x3FA9];
	_ =	sdelay $0x3  }
0x33: {  	p0 =	seq.s32 s10, $0x1;
	s10 =	sld [smem:$0x3FAB];
	_ =	sdelay $0x3  }
0x34: {  	[smem:$0x3FAB] =	sst s10  }
0x35: {  	s10 =	sld [smem:$0x3FAA];
	_ =	sdelay $0x3  }
0x36: {  	p1 =	seq.s32 s10, $0x1;
	s10 =	sld [smem:$0x3FAB];
	_ =	sdelay $0x3  }
0x37: {  	[smem:$0x3FAB] =	sst s10  }
0x38: {  	s10 =	sld [smem:$0x3FAC]  }
0x39: {  	_ = 	snop;
	(pc) =	sbr.ind lr, $3  }
0x3a: {  	_ = 	snop  }
0x3b: {  	_ = 	snop  }
0x3c: {  	p2 =	seq.s32 s10, $0x1;
	s10 =	sld [smem:$0x3FAB]  }
0x3d: {  	_ =	shalt  }
0x3e: {  	_ =	shalt  }
0x3f: {  	_ =	shalt  }
0x40: {  	_ =	shalt  }
0x41: {  	_ =	shalt  }
0x42: {  	_ =	shalt  }
0x43: {  	_ =	shalt  }
0x44: {  	_ =	shalt  }
0x45: {  	_ =	shalt  }
0x46: {  	_ =	shalt  }
0x47: {  	_ =	shalt  }
0x48: {  	_ =	shalt  }
0x49: {  	_ =	shalt  }
0x4a: {  	_ =	shalt  }
0x4b: {  	_ =	shalt  }
0x4c: {  	_ =	shalt  }
0x4d: {  	_ =	shalt  }
0x4e: {  	_ =	shalt  }
0x4f: {  	_ =	shalt  }
0x50: {  	_ =	shalt  }
0x51: {  	_ =	shalt  }
0x52: {  	_ =	shalt  }
0x53: {  	_ =	shalt  }
0x54: {  	_ =	shalt  }
0x55: {  	_ =	shalt  }
0x56: {  	_ =	shalt  }
0x57: {  	_ =	shalt  }
0x58: {  	_ =	shalt  }
0x59: {  	_ =	shalt  }
0x5a: {  	_ =	shalt  }
0x5b: {  	_ =	shalt  }
0x5c: {  	_ =	shalt  }
0x5d: {  	_ =	shalt  }
0x5e: {  	_ =	shalt  }
0x5f: {  	_ =	shalt  }
0x60: {  	_ =	shalt  }
0x61: {  	_ =	shalt  }
0x62: {  	_ =	shalt  }
0x63: {  	_ =	shalt  }
0x64: {  	_ =	shalt  }
0x65: {  	_ =	shalt  }
0x66: {  	_ =	shalt  }
0x67: {  	_ =	shalt  }
0x68: {  	_ =	shalt  }
0x69: {  	_ =	shalt  }
0x6a: {  	_ =	shalt  }
0x6b: {  	_ =	shalt  }
0x6c: {  	_ =	shalt  }
0x6d: {  	_ =	shalt  }
0x6e: {  	_ =	shalt  }
0x6f: {  	_ =	shalt  }
0x70: {  	_ =	shalt  }
0x71: {  	_ =	shalt  }
0x72: {  	_ =	shalt  }
0x73: {  	_ =	shalt  }
0x74: {  	_ =	shalt  }
0x75: {  	_ =	shalt  }
0x76: {  	_ =	shalt  }
0x77: {  	_ =	shalt  }
0x78: {  	_ =	shalt  }
0x79: {  	_ =	shalt  }
0x7a: {  	_ =	shalt  }
0x7b: {  	_ =	shalt  }
0x7c: {  	_ =	shalt  }
0x7d: {  	_ =	shalt  }
0x7e: {  	_ =	shalt  }
0x7f: {  	_ =	shalt  }
0x80: {  	_ =	shalt  }
0x81: {  	_ =	shalt  }
0x82: {  	_ =	shalt  }
0x83: {  	_ =	shalt  }
0x84: {  	_ =	shalt  }
0x85: {  	_ =	shalt  }
0x86: {  	_ =	shalt  }
0x87: {  	_ =	shalt  }
.Lfunc_end0:
.L_simem_size_0:
called_computation.3_lowered:
.L_overlay_start_0:
0x88: {  	s2 =	sld [smem:$0x3FD9]  }
0x89: {  	s3 =	sld [smem:$0x3FFE];
	_ =	sdelay $0x1  }
0x8a: {  	s1 =	srdreg.scid  }
0x8b: {  	s0 =	sand.u32 $0x1, s1  }
0x8c: {  	s16 =	sshll.u32 s0, $0xA;
	s2 =	sadd.s32 s3, s2  }
0x8d: {  	s2 =	sadd.s32 s2, s16  }
0x8e: {  	[smem:$0x3FB7] =	sst s2  }
0x8f: {  	_ = 	snop  }
0x90: {  	(tm) =	ssettm $0x1  }
0x91: {  	s17 =	sld [smem:$0x3FFB];
	_ =	sdelay $0x3  }
0x92: {  	_ =	strace s17  }
0x93: {  	s2 =	sld [smem:$0x3FFC];
	_ =	sdelay $0x3  }
0x94: {  	_ =	strace s2  }
0x95: {  	s2 =	sld [smem:$0x3FFD];
	_ =	sdelay $0x3  }
0x96: {  	_ =	strace s2  }
0x97: {  	_ =	strace $0x8FFFFFFF  }
0x98: {  	s18 =	sld [smem:$0x3FDB];
	_ =	sdelay $0x1  }
0x99: {  	s19 =	simm.s32 $_scs_section_size  }
0x9a: {  	s4 =	simm.s32 $_size__tile_overlayer_lowered;
	s5 =	simm.s32 $_tile_overlayer_lowered  }
0x9b: {  	s22 =	simm.s32 $0x1BFF;
	s21 =	sshll.u32 s5, $0x1;
	s2 =	sadd.s32 s19, s18  }
0x9c: {  	s6 =	simm.s32 $0x0;
	s20 =	sshll.u32 s4, $0x1;
	s4 =	sadd.s32 s21, s2  }
0x9d: {  	[timem:s6], [sflag:s22] =	dma.local [hbm:s4], s20  }
0x9e: {  	_ =	swait.ge [sflag:s22], s20  }
0x9f: {  	s3 =	ssub.s32 $0x0, s20;
	[sflag:s22] =	ssyncset.done $0x0  }
0xa0: {  	[sflag:s22] =	ssyncadd.s32 s3;
	_ =	sdelay $0x1  }
0xa1: {  	s23 =	simm.s32 $0x1B8B  }
0xa2: {  	_ =	swait.ge [sflag:s23], $0x1  }
0xa3: {  	[sflag:s23] =	ssyncset.done $0x0  }
0xa4: {  	s25 =	simm.s32 $0x1B8E;
	s24 =	sld [smem:$0x3FFE];
	[sflag:s23] =	ssyncadd.s32 $0xFFFFFFFF  }
0xa5: {  	s26 =	simm.s32 $execute0_lowered;
	[smem:$0x3FD2] =	sst s25  }
0xa6: {  	s4 =	sshll.u32 s26, $0x1;
	_ =	strace $0x8000004F;
	[dreg:$0x1] =	wrdreg $0xFFFFFFFF  }
0xa7: {  	s28 =	simm.s32 $_size_execute0_lowered;
	s2 =	sadd.s32 s2, s4;
	[dreg:$0x0] =	wrdreg $0x0  }
0xa8: {  	s4 =	sshll.u32 s28, $0x1;
	[dreg:$0x2] =	wrdreg s2  }
0xa9: {  	[dreg:$0x3] =	wrdreg s4  }
0xaa: {  	[dreg:$0x4] =	wrdreg $0xC0  }
0xab: {  	_ =	task [dreg:s6], $0x5FFFF  }
0xac: {  	[dreg:$0x1] =	wrdreg $0xFFFFFFFF  }
0xad: {  	[dreg:$0x0] =	wrdreg $0x60  }
0xae: {  	[dreg:$0x2] =	wrdreg s24  }
0xaf: {  	[dreg:$0x3] =	wrdreg $0x51000  }
0xb0: {  	[dreg:$0x4] =	wrdreg $0x9  }
0xb1: {  	_ =	task.clear_ibuf [dreg:s6], $0x5FFFF;
	_ =	strace $0x9000004F  }
0xb2: {  	s29 =	simm.s32 $0x9;
	_ =	strace $0x80000051  }
0xb3: {  	_ =	swait.ge [sflag:s29], $0x1  }
0xb4: {  	[sflag:s29] =	ssyncadd.s32 $0xFFFFFFFF  }
0xb5: {  	_ =	strace $0x90000051  }
0xb6: {  	_ =	sfence  }
0xb7: {  	s30 =	sld [smem:$0x0];
	_ =	sdelay $0x2  }
0xb8: {  	s31 =	sshll.u32 s1, $0xD;
	s1 =	sshrl.u32 s1, $0x2  }
0xb9: {  	s3 =	sand.u32 $0x4000, s31;
	s1 =	sadd.s32 s1, s30  }
0xba: {  	s0 =	sor.u32 s3, s0;
	s1 =	sshll.u32 s1, $0x11  }
0xbb: {  	s0 =	sor.u32 s1, s0  }
0xbc: {  	s0 =	sadd.s32 $0x8F2B, s0  }
0xbd: {  	[sflag:s0] =	ssyncadd.remote.s32 $0x1  }
0xbe: {  	_ =	sfence.sel $0xFFFF  }
0xbf: {  	[dreg:$0x0] =	wrdreg $0xFFFFFFFF;
	(pc) =	sbr.abs _section_cstart, $3  }
0xc0: {  	[dreg:$0x1] =	wrdreg $0xFFFFFFFF  }
0xc1: {  	_ =	task.clear_ibuf [dreg:s6], $0x2FFFF;
	_ =	strace $0x9FFFFFFF  }
0xc2: {  	(tm) =	ssettm $0x7FFFFFFF  }
0xc3: {  	_ =	shalt  }
tec
execute0_lowered:
.L_overlay_start_1:
0x0: {  	(tag) =	ssettag $0x1  }
0x1: {  	s0 =	rddreg [dreg:$0x0]  }
0x2: {  	s1 =	rddreg [dreg:$0x1]  }
0x3: {  	s2 =	simm.s32 $0x0;
	s6 =	srdreg.scid;
	s3 =	stileid.u32  }
0x4: {  	s21 =	simm.s32 $0x100;
	s22 =	simm.s32 $0x3;
	s23 =	simm.s32 $0x80  }
0x5: {  	s24 =	simm.s32 $0x50;
	s25 =	simm.s32 $0x2900;
	s26 =	simm.s32 $0x1  }
0x6: {  	s28 =	simm.s32 $0x2;
	[smem:$0x7FF] =	sst s2;
	s4 =	sadd.s32 $0x19800, s0  }
0x7: {  	s5 =	sadd.s32 $0x522A00, s0;
	s10 =	sand.u32 $0x1, s6;
	s8 =	smul.u32 $0x4E000, s3  }
0x8: {  	s6 =	sadd.s32 $0xFA00, s0;
	s7 =	sadd.s32 $0x5C00, s0;
	s0 =	sadd.s32 $0x40A00, s0  }
0x9: {  	s31 =	sshll.u32 s3, $0x1;
	s18 =	smul.u32 $0x13800, s3;
	p0 =	sne.s32 s3, $0xF  }
0xa: {  	_ =	strace $0x80000050;
	s9 =	ssub.s32 $0x2, s10;
	s17 =	sor.u32 s10, s31  }
0xb: {  	s16 =	smul.u32 $0x138800, s10;
	s11 =	sshrl.u32 s9, $0x1;
	s8 =	sshrl.u32 s8, $0x2  }
0xc: {  	s17 =	smul.u32 $0x2710, s17;
	s20 =	ssub.s32 s9, s11;
	s8 =	sadd.s32 s8, s1  }
0xd: {  	s18 =	sadd.s32 s18, s16;
	s19 =	sshrl.u32 s16, $0x3;
	s16 =	sadd.s32 $0x138000, s1  }
0xe: {  	s9 =	sadd.s32 $0x2800, s8;
	s10 =	sadd.s32 $0x5000, s8;
	s11 =	sadd.s32 $0x7800, s8  }
0xf: {  	s12 =	sadd.s32 $0xA000, s8;
	s13 =	sadd.s32 $0xC800, s8;
	s14 =	sadd.s32 $0xF000, s8  }
0x10: {  	s15 =	sadd.s32 $0x11800, s8;
	s18 =	sshrl.u32 s18, $0x3;
	s19 =	sadd.s32 s0, s19  }
0x11: {  	v0 =	vimm.f32 $0.0e+00;
	s20 =	smax.u32 s20, $0x1;
	s18 =	sadd.s32 s0, s18;
	s19 =	sadd.s32 $0x27000, s19  }
.LBB2_1:
0x12: {  	s0 =	simm.s32 $0x0;
	s29 =	simm.s32 $0x200  }
.LBB2_2:
0x13: {  	p1 =	sne.s32 s29, $0x9E00;
	[tilespmem:s0+$0x170] =	vst v0  }
0x14: {  	[tilespmem:s0+$0x100] =	vst v0  }
0x15: {  	[tilespmem:s0+$0x110] =	vst v0  }
.Ltmp0:
0x16: {  	[tilespmem:s0+$0x120] =	vst v0;
	(pc) =	sbr.rel @p1 .LBB2_2-.Ltmp0, $4  }
0x17: {  	[tilespmem:s0+$0x130] =	vst v0  }
0x18: {  	[tilespmem:s0+$0x140] =	vst v0  }
0x19: {  	[tilespmem:s0+$0x150] =	vst v0  }
0x1a: {  	[tilespmem:s0+$0x160] =	vst v0;
	s0 =	sshra.s32 s29, $0x2;
	s29 =	sadd.s32 $0x200, s29  }
0x1b: {  	[tilespmem:s0+$0x170] =	vst v0  }
0x1c: {  	[tilespmem:s0+$0x100] =	vst v0  }
0x1d: {  	[tilespmem:s0+$0x110] =	vst v0  }
0x1e: {  	[tilespmem:s0+$0x120] =	vst v0  }
0x1f: {  	[tilespmem:s0+$0x130] =	vst v0  }
0x20: {  	[tilespmem:s0+$0x140] =	vst v0  }
0x21: {  	[tilespmem:s0+$0x150] =	vst v0  }
0x22: {  	[tilespmem:s0+$0x160] =	vst v0  }
0x23: {  	[spmem:s8] =	stream.linear.scatter [tilespmem:s21], [sflag:$0x3], $0x2800, $0x38;
	[tilespmem:$0x18980] =	vst v63  }
0x24: {  	_ =	swait.ge [sflag:s22], $0x2800  }
0x25: {  	[sflag:s22] =	ssyncset.done $0x0  }
0x26: {  	[sflag:s22] =	ssyncadd.s32 $0xFFFFD800  }
0x27: {  	[spmem:s9] =	stream.linear.scatter [tilespmem:s21], [sflag:$0x3], $0x2800, $0x38;
	[tilespmem:$0x18980] =	vst v63  }
0x28: {  	_ =	swait.ge [sflag:s22], $0x2800  }
0x29: {  	[sflag:s22] =	ssyncset.done $0x0  }
0x2a: {  	[sflag:s22] =	ssyncadd.s32 $0xFFFFD800  }
0x2b: {  	[spmem:s10] =	stream.linear.scatter [tilespmem:s21], [sflag:$0x3], $0x2800, $0x38;
	[tilespmem:$0x18980] =	vst v63  }
0x2c: {  	_ =	swait.ge [sflag:s22], $0x2800  }
0x2d: {  	[sflag:s22] =	ssyncset.done $0x0  }
0x2e: {  	[sflag:s22] =	ssyncadd.s32 $0xFFFFD800  }
0x2f: {  	[spmem:s11] =	stream.linear.scatter [tilespmem:s21], [sflag:$0x3], $0x2800, $0x38;
	[tilespmem:$0x18980] =	vst v63  }
0x30: {  	_ =	swait.ge [sflag:s22], $0x2800  }
0x31: {  	[sflag:s22] =	ssyncset.done $0x0  }
0x32: {  	[sflag:s22] =	ssyncadd.s32 $0xFFFFD800  }
0x33: {  	[spmem:s12] =	stream.linear.scatter [tilespmem:s21], [sflag:$0x3], $0x2800, $0x38;
	[tilespmem:$0x18980] =	vst v63  }
0x34: {  	_ =	swait.ge [sflag:s22], $0x2800  }
0x35: {  	[sflag:s22] =	ssyncset.done $0x0  }
0x36: {  	[sflag:s22] =	ssyncadd.s32 $0xFFFFD800  }
0x37: {  	[spmem:s13] =	stream.linear.scatter [tilespmem:s21], [sflag:$0x3], $0x2800, $0x38;
	[tilespmem:$0x18980] =	vst v63  }
0x38: {  	_ =	swait.ge [sflag:s22], $0x2800  }
0x39: {  	[sflag:s22] =	ssyncset.done $0x0  }
0x3a: {  	[sflag:s22] =	ssyncadd.s32 $0xFFFFD800  }
0x3b: {  	[spmem:s14] =	stream.linear.scatter [tilespmem:s21], [sflag:$0x3], $0x2800, $0x38;
	[tilespmem:$0x18980] =	vst v63  }
0x3c: {  	_ =	swait.ge [sflag:s22], $0x2800  }
0x3d: {  	[sflag:s22] =	ssyncset.done $0x0  }
0x3e: {  	[sflag:s22] =	ssyncadd.s32 $0xFFFFD800  }
0x3f: {  	[spmem:s15] =	stream.linear.scatter [tilespmem:s21], [sflag:$0x3], $0x2000, $0x38;
	[tilespmem:$0x18980] =	vst v63  }
0x40: {  	_ =	swait.ge [sflag:s22], $0x2000  }
0x41: {  	[sflag:s22] =	ssyncset.done $0x0  }
0x42: {  	s0 =	simm.s32 @!p0 $0x100;
	[sflag:s22] =	ssyncadd.s32 $0xFFFFE000  }
0x43: {  	[spmem:s16] =	stream.linear.scatter @!p0 [tilespmem:s0], [sflag:$0x3], $0x800, $0x38;
	[tilespmem:$0x18980] =	vst v63  }
0x44: {  	s0 =	simm.s32 @!p0 $0x3  }
0x45: {  	_ =	swait.ge @!p0 [sflag:s0], $0x800  }
0x46: {  	[sflag:s0] =	ssyncset.done @!p0 $0x0  }
0x47: {  	[sflag:s0] =	ssyncadd.s32 @!p0 $0xFFFFF800  }
0x48: {  	s29 =	simm.s32 $0x0;
	s30 =	simm.s32 $0x0;
	[bflag:$0x0] =	sbarrier.arrive $0xFFFF  }
.LBB2_4:
0x49: {  	s0 =	smul.u32 $0x50, s30;
	_ =	sdelay $0x1  }
0x4a: {  	s0 =	sadd.s32 s17, s0  }
0x4b: {  	s31 =	sshrl.u32 s0, $0x3  }
0x4c: {  	s3 =	sadd.s32 s6, s31  }
0x4d: {  	[tilespmem:s29], [sflag:$0x3] =	stream.linear.gather [hbm4b:s3+s29], $0x50, $0x38;
	[tilespmem:$0x18980] =	vst v63  }
0x4e: {  	_ =	swait.ge [sflag:s22], $0x50  }
0x4f: {  	[sflag:s22] =	ssyncset.done $0x0  }
0x50: {  	s3 =	sadd.s32 s7, s31;
	[sflag:s22] =	ssyncadd.s32 $0xFFFFFFB0  }
0x51: {  	[tilespmem:s23], [sflag:$0x3] =	stream.linear.gather [hbm4b:s3+s29], $0x50, $0x38;
	[tilespmem:$0x18980] =	vst v63  }
0x52: {  	_ =	swait.ge [sflag:s22], $0x50  }
0x53: {  	s0 =	sshll.u32 s0, $0x4;
	[sflag:s22] =	ssyncset.done $0x0  }
0x54: {  	s0 =	sadd.s32 s5, s0;
	[sflag:s22] =	ssyncadd.s32 $0xFFFFFFB0  }
0x55: {  	[tilespmem:s21], [sflag:$0x1] =	stream.linear.gather [hbm4b:s0+s29], $0x2800, $0x38;
	[tilespmem:$0x18980] =	vst v63  }
0x56: {  	_ = 	snop  }
0x57: {  	[tilespmem:s25], [sflag:$0x2] =	stream.indirect.gather [hbm4b:s4+s24], $0x80, s29, s24, $0xb8;
	[tilespmem:$0x18980] =	vst v63  }
0x58: {  	_ =	swait.ge [sflag:s26], $0x2800  }
0x59: {  	[sflag:s26] =	ssyncset.done $0x0  }
0x5a: {  	[sflag:s26] =	ssyncadd.s32 $0xFFFFD800  }
0x5b: {  	_ =	swait.ge [sflag:s28], $0x2800  }
0x5c: {  	[sflag:s28] =	ssyncset.done $0x0  }
0x5d: {  	s31 =	simm.s32 $0x0;
	[sflag:s28] =	ssyncadd.s32 $0xFFFFD800  }
0x5e: {  	v7 =	vld [tilespmem:s31+$0x100]  }
0x5f: {  	v12 =	vld [tilespmem:s31+$0x110]  }
0x60: {  	v6 =	vld [tilespmem:s31+$0x120]  }
0x61: {  	v5 =	vld [tilespmem:s31+$0x130]  }
0x62: {  	v4 =	vld [tilespmem:s31+$0x140]  }
0x63: {  	v3 =	vld [tilespmem:s31+$0x150]  }
0x64: {  	v2 =	vld [tilespmem:s31+$0x160]  }
0x65: {  	v1 =	vld [tilespmem:s31+$0x170]  }
0x66: {  	v13 =	vld [tilespmem:s31+$0x2900]  }
0x67: {  	v14 =	vld [tilespmem:s31+$0x2910]  }
0x68: {  	v11 =	vld [tilespmem:s31+$0x2920]  }
0x69: {  	v10 =	vld [tilespmem:s31+$0x2930]  }
0x6a: {  	v9 =	vld [tilespmem:s31+$0x2940]  }
0x6b: {  	v8 =	vld [tilespmem:s31+$0x2950];
	v13 =	vadd.f32 v7, v13  }
0x6c: {  	s0 =	simm.s32 $0x200;
	v12 =	vadd.f32 v12, v14;
	v7 =	vld [tilespmem:s31+$0x2960]  }
.LBB2_5:
0x6d: {  	s3 =	sshra.s32 s0, $0x2;
	p1 =	sne.s32 s0, $0x9E00;
	v13 =	vmax.f32 v13, $0.0e+00;
	v6 =	vadd.f32 v6, v11;
	v11 =	vld [tilespmem:s31+$0x2970]  }
0x6e: {  	v14 =	vld [tilespmem:s3+$0x100];
	[tilespmem:s31+$0x2900] =	vst v13;
	v12 =	vmax.f32 v12, $0.0e+00;
	v5 =	vadd.f32 v5, v10  }
0x6f: {  	v15 =	vld [tilespmem:s3+$0x110];
	[tilespmem:s31+$0x2910] =	vst v12;
	v10 =	vmax.f32 v6, $0.0e+00;
	v4 =	vadd.f32 v4, v9  }
0x70: {  	v6 =	vld [tilespmem:s3+$0x120];
	[tilespmem:s31+$0x2920] =	vst v10;
	v9 =	vmax.f32 v5, $0.0e+00;
	v3 =	vadd.f32 v3, v8  }
0x71: {  	v5 =	vld [tilespmem:s3+$0x130];
	[tilespmem:s31+$0x2930] =	vst v9;
	v8 =	vmax.f32 v4, $0.0e+00;
	v2 =	vadd.f32 v2, v7  }
0x72: {  	v4 =	vld [tilespmem:s3+$0x140];
	[tilespmem:s31+$0x2940] =	vst v8;
	v7 =	vmax.f32 v3, $0.0e+00;
	v1 =	vadd.f32 v1, v11  }
0x73: {  	v3 =	vld [tilespmem:s3+$0x150];
	[tilespmem:s31+$0x2950] =	vst v7;
	v7 =	vmax.f32 v2, $0.0e+00  }
0x74: {  	v2 =	vld [tilespmem:s3+$0x160];
	[tilespmem:s31+$0x2960] =	vst v7;
	v7 =	vmax.f32 v1, $0.0e+00  }
0x75: {  	v1 =	vld [tilespmem:s3+$0x170];
	[tilespmem:s31+$0x2970] =	vst v7;
	s31 =	smov.u32 s3  }
0x76: {  	v7 =	vld [tilespmem:s31+$0x2900]  }
0x77: {  	v12 =	vld [tilespmem:s31+$0x2910]  }
.Ltmp1:
0x78: {  	v11 =	vld [tilespmem:s31+$0x2920];
	(pc) =	sbr.rel @p1 .LBB2_5-.Ltmp1, $4  }
0x79: {  	v10 =	vld [tilespmem:s31+$0x2930]  }
0x7a: {  	v9 =	vld [tilespmem:s31+$0x2940]  }
0x7b: {  	v13 =	vadd.f32 v14, v7;
	v8 =	vld [tilespmem:s31+$0x2950]  }
0x7c: {  	s0 =	sadd.s32 $0x200, s0;
	v12 =	vadd.f32 v15, v12;
	v7 =	vld [tilespmem:s31+$0x2960]  }
0x7d: {  	v13 =	vmax.f32 v13, $0.0e+00;
	v6 =	vadd.f32 v6, v11;
	v63 =	vld [tilespmem:s31+$0x2970]  }
0x7e: {  	[tilespmem:s31+$0x2900] =	vst v13;
	v12 =	vmax.f32 v12, $0.0e+00;
	v5 =	vadd.f32 v5, v10  }
0x7f: {  	[tilespmem:s31+$0x2910] =	vst v12;
	v6 =	vmax.f32 v6, $0.0e+00;
	v4 =	vadd.f32 v4, v9  }
0x80: {  	[tilespmem:s31+$0x2920] =	vst v6;
	v5 =	vmax.f32 v5, $0.0e+00;
	v3 =	vadd.f32 v3, v8  }
0x81: {  	[tilespmem:s31+$0x2930] =	vst v5;
	v4 =	vmax.f32 v4, $0.0e+00;
	v2 =	vadd.f32 v2, v7  }
0x82: {  	[tilespmem:s31+$0x2940] =	vst v4;
	v3 =	vmax.f32 v3, $0.0e+00;
	v1 =	vadd.f32 v1, v63  }
0x83: {  	s30 =	sadd.s32 $0x1, s30;
	[tilespmem:s31+$0x2950] =	vst v3;
	v2 =	vmax.f32 v2, $0.0e+00  }
0x84: {  	p1 =	sne.s32 s30, $0x7D;
	[tilespmem:s31+$0x2960] =	vst v2;
	v1 =	vmax.f32 v1, $0.0e+00  }
.Ltmp2:
0x85: {  	[tilespmem:s31+$0x2970] =	vst v1;
	(pc) =	sbr.rel @p1 .LBB2_4-.Ltmp2, $4  }
0x86: {  	[spmem:s1] =	stream.indirect.scatter.add.f32 [tilespmem:s25], [sflag:$0x3], $0x80, s23, s24, $0xb8;
	[tilespmem:$0x18980] =	vst v63  }
0x87: {  	_ =	swait.ge [sflag:s22], $0x2800  }
0x88: {  	[sflag:s22] =	ssyncset.done $0x0  }
0x89: {  	[sflag:s22] =	ssyncadd.s32 $0xFFFFD800  }
0x8a: {  	s0 =	stileid.u32  }
0x8b: {  	s0 =	sshll.u32 s0, $0x6  }
0x8c: {  	[bflag:$0x0] =	sbarrier.arrive $0xFFFF;
	s3 =	sshrl.u32 s8, $0x3;
	s0 =	sor.u32 $0x1C03, s0  }
0x8d: {  	[hbm:s18], [sflag:s0] =	dma.local [spmem:s3], $0x2700  }
0x8e: {  	_ =	swait.ge [sflag:s22], $0x2700  }
0x8f: {  	s2 =	sadd.s32 $0x1, s2;
	[sflag:s22] =	ssyncset.done $0x0  }
0x90: {  	p1 =	sne.s32 s2, s20;
	s3 =	sshrl.u32 @!p0 s16, $0x3;
	[sflag:s22] =	ssyncadd.s32 $0xFFFFD900  }
0x91: {  	[hbm:s19], [sflag:s0] =	dma.local @!p0 [spmem:s3], $0x100  }
.Ltmp3:
0x92: {  	_ = 	snop;
	(pc) =	sbr.rel @p1 .LBB2_1-.Ltmp3, $4  }
0x93: {  	s0 =	simm.s32 @!p0 $0x3  }
0x94: {  	_ =	swait.ge @!p0 [sflag:s0], $0x100  }
0x95: {  	[sflag:s0] =	ssyncset.done @!p0 $0x0  }
0x96: {  	[sflag:s0] =	ssyncadd.s32 @!p0 $0xFFFFFF00  }
0x97: {  	_ =	sfence.sel $0x180000  }
0x98: {  	[bflag:$0x0] =	sbarrier.arrive $0xFFFF  }
0x99: {  	_ =	strace $0x90000050  }
0x9a: {  	s0 =	stileid.u32;
	[bflag:$0x2] =	sbarrier.arrive $0xFFFF  }
0x9b: {  	p0 =	sne.s32 s0, $0x0;
	s0 =	rddreg [dreg:$0x2]  }
0x9c: {  	s0 =	sadd.s32 @!p0 $0x100000, s0  }
0x9d: {  	[sflag:s0] =	ssyncadd.tile.s32 @!p0 $0x1;
	_ =	shalt  }
.Lfunc_end2:
_tile_overlayer_lowered:
.L_overlay_start_2:
0x9e: {  	(tag) =	ssettag $0x2  }
0x9f: {  	s0 =	rddreg [dreg:$0x0];
	s2 =	stileid.u32  }
0xa0: {  	s1 =	rddreg [dreg:$0x1];
	p0 =	sne.s32 s2, $0x0  }
0xa1: {  	s3 =	rddreg [dreg:$0x2];
	[bflag:$0x3] =	sbarrier.arrive $0xFFFF;
	s2 =	simm.s32 @!p0 $0x1C03  }
0xa2: {  	[timem:s3], [sflag:s2] =	dma.local @!p0 [hbm:s0], s1  }
0xa3: {  	s0 =	simm.s32 @!p0 $0x3  }
0xa4: {  	_ =	swait.ge @!p0 [sflag:s0], s1  }
0xa5: {  	s1 =	ssub.s32 @!p0 $0x0, s1;
	[sflag:s0] =	ssyncset.done @!p0 $0x0  }
0xa6: {  	[sflag:s0] =	ssyncadd.s32 @!p0 s1  }
0xa7: {  	[bflag:$0x3] =	sbarrier.arrive $0xFFFF  }
0xa8: {  	_ =	shalt  }

</sc_bundles>
